<compile_context>
chip_gen: v7x
topology: tpu7x:2x2x1
jax: 0.10.2.dev20260603
libtpu: 0.0.44.dev20260713+nightly
codegen_flags: <defaults>
</compile_context>

<pallas_src>
import functools

import jax
import jax.numpy as jnp
from jax import lax
from jax.experimental import pallas as pl
from jax.experimental.pallas import tpu as pltpu
from jax.experimental.pallas import tpu_sc as plsc

N = 10000
E = 320000
D = 128

NC = 2
NS = 16
NW = NC * NS

CH = 128
NROWS_E = E // CH
MAIN_CH = NROWS_E // NW
TAIL_CH = NROWS_E - MAIN_CH * NW

ROWS_PER_SUB = 624
TAIL_ROW0 = NS * ROWS_PER_SUB
TAIL_ROWS = N - TAIL_ROW0
ZROWS = 48

_MESH = plsc.VectorSubcoreMesh(core_axis_name="c", subcore_axis_name="s",
                               num_cores=NC, num_subcores=NS)
_SC_PARAMS = pltpu.CompilerParams(use_tc_tiling_on_sc=False)


def _zero_fill(ref, nrows, ncols):
    def row(i, _):
        def col(j, _):
            ref[i, pl.ds(j * 16, 16)] = jnp.zeros((16,), jnp.float32)
            return 0
        lax.fori_loop(0, ncols // 16, col, 0)
        return 0
    lax.fori_loop(0, nrows, row, 0)


def _sc_degrees_body(src_hbm, dst_hbm, din_hbm, dout_hbm,
                     acc_in, acc_out, src_v, dst_v, ones_v, zeros_v, sem):
    c = lax.axis_index("c")
    s = lax.axis_index("s")
    w = c * NS + s

    pltpu.sync_copy(src_hbm.at[pl.ds(w * MAIN_CH, MAIN_CH)],
                    src_v.at[pl.ds(0, MAIN_CH)])
    pltpu.sync_copy(dst_hbm.at[pl.ds(w * MAIN_CH, MAIN_CH)],
                    dst_v.at[pl.ds(0, MAIN_CH)])

    @pl.when(w < TAIL_CH)
    def _():
        pltpu.sync_copy(src_hbm.at[pl.ds(NW * MAIN_CH + w, 1)],
                        src_v.at[pl.ds(MAIN_CH, 1)])
        pltpu.sync_copy(dst_hbm.at[pl.ds(NW * MAIN_CH + w, 1)],
                        dst_v.at[pl.ds(MAIN_CH, 1)])

    def fill_ones(i, _):
        ones_v[i, :] = jnp.full((16,), 1.0, jnp.float32)
        return 0
    lax.fori_loop(0, CH, fill_ones, 0)
    _zero_fill(zeros_v, ZROWS, 16)

    row0 = s * ROWS_PER_SUB
    for j in range(ROWS_PER_SUB // ZROWS):
        pltpu.sync_copy(zeros_v, acc_in.at[pl.ds(row0 + j * ZROWS, ZROWS)])
        pltpu.sync_copy(zeros_v, acc_out.at[pl.ds(row0 + j * ZROWS, ZROWS)])

    @pl.when(s == NS - 1)
    def _():
        pltpu.sync_copy(zeros_v.at[pl.ds(0, TAIL_ROWS)],
                        acc_in.at[pl.ds(TAIL_ROW0, TAIL_ROWS)])
        pltpu.sync_copy(zeros_v.at[pl.ds(0, TAIL_ROWS)],
                        acc_out.at[pl.ds(TAIL_ROW0, TAIL_ROWS)])
    plsc.subcore_barrier()

    def group(g, _):
        for j in range(6):
            k = g * 6 + j
            pltpu.async_copy(ones_v, acc_out.at[src_v.at[k]], sem, add=True)
            pltpu.async_copy(ones_v, acc_in.at[dst_v.at[k]], sem, add=True)
        for j in range(6):
            k = g * 6 + j
            pltpu.make_async_copy(ones_v, acc_out.at[src_v.at[k]], sem).wait()
            pltpu.make_async_copy(ones_v, acc_in.at[dst_v.at[k]], sem).wait()
        return 0
    lax.fori_loop(0, MAIN_CH // 6, group, 0)

    @pl.when(w < TAIL_CH)
    def _():
        pltpu.sync_copy(ones_v, acc_out.at[src_v.at[MAIN_CH]], add=True)
        pltpu.sync_copy(ones_v, acc_in.at[dst_v.at[MAIN_CH]], add=True)
    plsc.subcore_barrier()

    out0 = c * N + row0
    pltpu.sync_copy(acc_in.at[pl.ds(row0, ROWS_PER_SUB)],
                    din_hbm.at[pl.ds(out0, ROWS_PER_SUB)])
    pltpu.sync_copy(acc_out.at[pl.ds(row0, ROWS_PER_SUB)],
                    dout_hbm.at[pl.ds(out0, ROWS_PER_SUB)])

    @pl.when(s == NS - 1)
    def _():
        pltpu.sync_copy(acc_in.at[pl.ds(TAIL_ROW0, TAIL_ROWS)],
                        din_hbm.at[pl.ds(c * N + TAIL_ROW0, TAIL_ROWS)])
        pltpu.sync_copy(acc_out.at[pl.ds(TAIL_ROW0, TAIL_ROWS)],
                        dout_hbm.at[pl.ds(c * N + TAIL_ROW0, TAIL_ROWS)])


def _sc_scatter_body(y_hbm, src_hbm, dst_hbm, out_hbm,
                     acc, is0, is1, id0, id1, rows0, rows1, zeros_v,
                     semg0, semg1, semi0, semi1, semz):
    c = lax.axis_index("c")
    s = lax.axis_index("s")
    w = c * NS + s
    row0 = s * ROWS_PER_SUB

    def idx_start(k, sv, dv, sem):
        pltpu.make_async_copy(src_hbm.at[k], sv, sem).start()
        pltpu.make_async_copy(dst_hbm.at[k], dv, sem).start()

    def idx_wait(k, sv, dv, sem):
        pltpu.make_async_copy(src_hbm.at[k], sv, sem).wait()
        pltpu.make_async_copy(dst_hbm.at[k], dv, sem).wait()

    base = w * MAIN_CH
    idx_start(base, is0, id0, semi0)
    idx_start(base + 1, is1, id1, semi1)

    _zero_fill(zeros_v, ZROWS, D)
    nz = ROWS_PER_SUB // ZROWS
    for j in range(nz):
        pltpu.async_copy(zeros_v, acc.at[pl.ds(row0 + j * ZROWS, ZROWS)],
                         semz)

    @pl.when(s == NS - 1)
    def _():
        pltpu.async_copy(zeros_v.at[pl.ds(0, TAIL_ROWS)],
                         acc.at[pl.ds(TAIL_ROW0, TAIL_ROWS)], semz)
    for j in range(nz):
        pltpu.make_async_copy(
            zeros_v, acc.at[pl.ds(row0 + j * ZROWS, ZROWS)], semz).wait()

    @pl.when(s == NS - 1)
    def _():
        pltpu.make_async_copy(
            zeros_v.at[pl.ds(0, TAIL_ROWS)],
            acc.at[pl.ds(TAIL_ROW0, TAIL_ROWS)], semz).wait()

    idx_wait(base, is0, id0, semi0)
    pltpu.make_async_copy(y_hbm.at[is0], rows0, semg0).start()
    plsc.subcore_barrier()

    def step(k2, _):
        a = 2 * k2
        b = a + 1
        idx_wait(base + b, is1, id1, semi1)
        pltpu.make_async_copy(y_hbm.at[is1], rows1, semg1).start()
        pltpu.make_async_copy(y_hbm.at[is0], rows0, semg0).wait()
        pltpu.sync_copy(rows0, acc.at[id0], add=True)

        @pl.when(a + 2 < MAIN_CH)
        def _():
            idx_start(base + a + 2, is0, id0, semi0)
            idx_wait(base + a + 2, is0, id0, semi0)
            pltpu.make_async_copy(y_hbm.at[is0], rows0, semg0).start()
        pltpu.make_async_copy(y_hbm.at[is1], rows1, semg1).wait()
        pltpu.sync_copy(rows1, acc.at[id1], add=True)

        @pl.when(b + 2 < MAIN_CH)
        def _():
            idx_start(base + b + 2, is1, id1, semi1)
        return 0
    lax.fori_loop(0, MAIN_CH // 2, step, 0)

    @pl.when(w < TAIL_CH)
    def _():
        t = NW * MAIN_CH + w
        idx_start(t, is0, id0, semi0)
        idx_wait(t, is0, id0, semi0)
        pltpu.async_copy(y_hbm.at[is0], rows0, semg0).wait()
        pltpu.sync_copy(rows0, acc.at[id0], add=True)
    plsc.subcore_barrier()

    pltpu.sync_copy(acc.at[pl.ds(row0, ROWS_PER_SUB)],
                    out_hbm.at[pl.ds(c * N + row0, ROWS_PER_SUB)])

    @pl.when(s == NS - 1)
    def _():
        pltpu.sync_copy(acc.at[pl.ds(TAIL_ROW0, TAIL_ROWS)],
                        out_hbm.at[pl.ds(c * N + TAIL_ROW0, TAIL_ROWS)])


def _make_sc_kernels(interpret=False):
    deg = pl.kernel(
        _sc_degrees_body,
        out_type=(jax.ShapeDtypeStruct((NC * N, 16), jnp.float32),
                  jax.ShapeDtypeStruct((NC * N, 16), jnp.float32)),
        mesh=_MESH,
        scratch_types=[
            pltpu.VMEM_SHARED((N, 16), jnp.float32),
            pltpu.VMEM_SHARED((N, 16), jnp.float32),
            pltpu.VMEM((MAIN_CH + 1, CH), jnp.int32),
            pltpu.VMEM((MAIN_CH + 1, CH), jnp.int32),
            pltpu.VMEM((CH, 16), jnp.float32),
            pltpu.VMEM((ZROWS, 16), jnp.float32),
            pltpu.SemaphoreType.DMA,
        ],
        compiler_params=_SC_PARAMS,
        interpret=interpret,
    )
    sca = pl.kernel(
        _sc_scatter_body,
        out_type=jax.ShapeDtypeStruct((NC * N, D), jnp.float32),
        mesh=_MESH,
        scratch_types=[
            pltpu.VMEM_SHARED((N, D), jnp.float32),
            pltpu.VMEM((CH,), jnp.int32),
            pltpu.VMEM((CH,), jnp.int32),
            pltpu.VMEM((CH,), jnp.int32),
            pltpu.VMEM((CH,), jnp.int32),
            pltpu.VMEM((CH, D), jnp.float32),
            pltpu.VMEM((CH, D), jnp.float32),
            pltpu.VMEM((ZROWS, D), jnp.float32),
            pltpu.SemaphoreType.DMA,
            pltpu.SemaphoreType.DMA,
            pltpu.SemaphoreType.DMA,
            pltpu.SemaphoreType.DMA,
            pltpu.SemaphoreType.DMA,
        ],
        compiler_params=_SC_PARAMS,
        interpret=interpret,
    )
    return deg, sca


_sc_degrees, _sc_scatter = _make_sc_kernels()


TB = 1000
TGRID = N // TB


def _norm(d0_ref, d1_ref):
    deg = d0_ref[:, 0:1] + d1_ref[:, 0:1]
    return jnp.where(deg > 0, 1.0 / jnp.sqrt(deg), 0.0)


def _half_specs(width):
    return (pl.BlockSpec((TB, width), lambda i: (i, 0)),
            pl.BlockSpec((TB, width), lambda i: (TGRID + i, 0)))


def _tc_prescale_body(x_ref, do0_ref, do1_ref, o_ref):
    o_ref[:, :] = x_ref[:, :] * _norm(do0_ref, do1_ref)


def _tc_layer_body(p0_ref, p1_ref, di0_ref, di1_ref, do0_ref, do1_ref,
                   w_ref, b_ref, o_ref, *, relu, scale_src):
    agg = (p0_ref[:, :] + p1_ref[:, :]) * _norm(di0_ref, di1_ref)
    out = jnp.dot(agg, w_ref[:, :], preferred_element_type=jnp.float32)
    out = out + b_ref[:, :]
    if relu:
        out = jnp.maximum(out, 0.0)
    if scale_src:
        out = out * _norm(do0_ref, do1_ref)
    o_ref[:, :] = out


def _tc_prescale(x, dout_p):
    do0, do1 = _half_specs(16)
    return pl.pallas_call(
        _tc_prescale_body,
        grid=(TGRID,),
        in_specs=[pl.BlockSpec((TB, D), lambda i: (i, 0)), do0, do1],
        out_specs=pl.BlockSpec((TB, D), lambda i: (i, 0)),
        out_shape=jax.ShapeDtypeStruct((N, D), jnp.float32),
    )(x, dout_p, dout_p)


def _tc_layer(part, din_p, dout_p, W, b, relu, scale_src):
    body = functools.partial(_tc_layer_body, relu=relu, scale_src=scale_src)
    p0, p1 = _half_specs(D)
    di0, di1 = _half_specs(16)
    do0, do1 = _half_specs(16)
    return pl.pallas_call(
        body,
        grid=(TGRID,),
        in_specs=[p0, p1, di0, di1, do0, do1,
                  pl.BlockSpec((D, D), lambda i: (0, 0)),
                  pl.BlockSpec((1, D), lambda i: (0, 0))],
        out_specs=pl.BlockSpec((TB, D), lambda i: (i, 0)),
        out_shape=jax.ShapeDtypeStruct((N, D), jnp.float32),
    )(part, part, din_p, din_p, dout_p, dout_p, W, b.reshape(1, D))


def kernel(x, edge_index, W1, b1, W2, b2, W3, b3):
    src = edge_index[0].astype(jnp.int32).reshape(NROWS_E, CH)
    dst = edge_index[1].astype(jnp.int32).reshape(NROWS_E, CH)

    din_p, dout_p = _sc_degrees(src, dst)
    y = _tc_prescale(x, dout_p)
    for W, b, last in ((W1, b1, False), (W2, b2, False), (W3, b3, True)):
        part = _sc_scatter(y, src, dst)
        y = _tc_layer(part, din_p, dout_p, W, b,
                      relu=not last, scale_src=not last)
    return y

# --- scband reference (transcript-rebuilt; emitter-appended) ---
"""Pipeline reference for scband-gcn-78091095375968 (READ-ONLY COPY).

The authoritative reference and input builder live on the scoring server;
editing this copy changes nothing except your own understanding.
"""

import jax, jax.numpy as jnp
import numpy as np

N_NODES = 10000
N_EDGES = 320000
D_IN = 128
D_HID = 128
D_OUT = 128


def setup_inputs(seed: int = 0) -> dict:
    key = jax.random.key(seed)
    k1, k2, k3, k4, k5 = jax.random.split(key, 5)
    x = jax.random.normal(k1, (N_NODES, D_IN), dtype=jnp.float32)
    edge_index = jax.random.randint(k2, (2, N_EDGES), 0, N_NODES, dtype=jnp.int64)
    # Glorot-style init for the 3 GraphConv layers (in->hid, hid->hid, hid->out)
    s1 = (6.0 / (D_IN + D_HID)) ** 0.5
    s2 = (6.0 / (D_HID + D_HID)) ** 0.5
    s3 = (6.0 / (D_HID + D_OUT)) ** 0.5
    W1 = jax.random.uniform(k3, (D_IN, D_HID), dtype=jnp.float32, minval=-s1, maxval=s1)
    W2 = jax.random.uniform(k4, (D_HID, D_HID), dtype=jnp.float32, minval=-s2, maxval=s2)
    W3 = jax.random.uniform(k5, (D_HID, D_OUT), dtype=jnp.float32, minval=-s3, maxval=s3)
    b1 = jnp.zeros((D_HID,), dtype=jnp.float32)
    b2 = jnp.zeros((D_HID,), dtype=jnp.float32)
    b3 = jnp.zeros((D_OUT,), dtype=jnp.float32)
    return {"x": x, "edge_index": edge_index, "W1": W1, "b1": b1, "W2": W2, "b2": b2, "W3": W3, "b3": b3}


def _graph_conv(x, edge_index, W, b, activate):
    # DGL-style GraphConv with norm='both':
    # h = D_dst^{-1/2} * A * (D_src^{-1/2} * x) @ W + b
    src = edge_index[0]
    dst = edge_index[1]
    n = x.shape[0]
    ones = jnp.ones((edge_index.shape[1],), dtype=x.dtype)
    deg_out = jnp.zeros((n,), dtype=x.dtype).at[src].add(ones)
    deg_in = jnp.zeros((n,), dtype=x.dtype).at[dst].add(ones)
    norm_src = jnp.where(deg_out > 0, deg_out ** -0.5, 0.0)
    norm_dst = jnp.where(deg_in > 0, deg_in ** -0.5, 0.0)
    h = x * norm_src[:, None]
    msg = jnp.take(h, src, axis=0)               # gather over edges
    agg = jax.ops.segment_sum(msg, dst, num_segments=n)  # scatter-add
    agg = agg * norm_dst[:, None]
    out = agg @ W + b
    if activate:
        out = jax.nn.relu(out)
    return out


def reference(x, edge_index, W1, b1, W2, b2, W3, b3):
    # GCN forward: use_bn=False, dropout=0.0 (eval-equivalent), 3 layers
    h = _graph_conv(x, edge_index, W1, b1, True)
    h = _graph_conv(h, edge_index, W2, b2, True)
    h = _graph_conv(h, edge_index, W3, b3, False)  # last layer: no activation
    return h

if __name__ == "__main__":
    import jax
    _d = setup_inputs()
    print(jax.jit(kernel)(*tuple(_d.values())))

</pallas_src>

<mosaic_0001>
#map = affine_map<(d0, d1) -> (0, 0)>
module attributes {stable_mosaic.version = 14 : i64} {
  func.func @_sc_scatter_body(%arg0: i32, %arg1: i32, %arg2: memref<10000x128xf32, #tpu.memory_space<hbm>>, %arg3: memref<2500x128xi32, #tpu.memory_space<hbm>>, %arg4: memref<2500x128xi32, #tpu.memory_space<hbm>>, %arg5: memref<20000x128xf32, #tpu.memory_space<hbm>>, %arg6: memref<10000x128xf32, #tpu.memory_space<vmem_shared>>, %arg7: memref<128xi32, #tpu.memory_space<vmem>>, %arg8: memref<128xi32, #tpu.memory_space<vmem>>, %arg9: memref<128xi32, #tpu.memory_space<vmem>>, %arg10: memref<128xi32, #tpu.memory_space<vmem>>, %arg11: memref<128x128xf32, #tpu.memory_space<vmem>>, %arg12: memref<128x128xf32, #tpu.memory_space<vmem>>, %arg13: memref<48x128xf32, #tpu.memory_space<vmem>>, %arg14: memref<!tpu.dma_semaphore, #tpu.memory_space<semaphore_mem>>, %arg15: memref<!tpu.dma_semaphore, #tpu.memory_space<semaphore_mem>>, %arg16: memref<!tpu.dma_semaphore, #tpu.memory_space<semaphore_mem>>, %arg17: memref<!tpu.dma_semaphore, #tpu.memory_space<semaphore_mem>>, %arg18: memref<!tpu.dma_semaphore, #tpu.memory_space<semaphore_mem>>) attributes {dimension_semantics = [#tpu.dimension_semantics<core_parallel>, #tpu.dimension_semantics<subcore_parallel>], iteration_bounds = array<i64: 2, 16>, scalar_prefetch = 0 : i64, scratch_operands = 13 : i64, tpu.core_type = #tpu.core_type<sc_vector_subcore>, window_params = [{transform_indices = #map}, {transform_indices = #map}, {transform_indices = #map}, {transform_indices = #map}]} {
    %mul3A = arith.constant 16 : i32
    %mul3A_0 = arith.muli %arg0, %mul3A : i32
    %add3A = arith.addi %mul3A_0, %arg1 : i32
    %mul3A_1 = arith.constant 624 : i32
    %mul3A_2 = arith.muli %arg1, %mul3A_1 : i32
    %mul3A_3 = arith.constant 78 : i32
    %mul3A_4 = arith.muli %add3A, %mul3A_3 : i32
    %dma_start3A = arith.constant 0 : i32
    %dma_start3A_5 = tpu.memref_slice %arg3[%mul3A_4, %dma_start3A] : memref<2500x128xi32, #tpu.memory_space<hbm>> -> memref<1x128xi32, #tpu.memory_space<hbm>>
    %dma_start3A_6 = tpu.memref_squeeze %dma_start3A_5 : memref<1x128xi32, #tpu.memory_space<hbm>> -> memref<128xi32, #tpu.memory_space<hbm>>
    %dma_start3A_7 = arith.constant 0 : i32
    %dma_start3A_8 = tpu.memref_slice %arg3[%mul3A_4, %dma_start3A_7] : memref<2500x128xi32, #tpu.memory_space<hbm>> -> memref<1x128xi32, #tpu.memory_space<hbm>>
    %dma_start3A_9 = tpu.memref_squeeze %dma_start3A_8 : memref<1x128xi32, #tpu.memory_space<hbm>> -> memref<128xi32, #tpu.memory_space<hbm>>
    tpu.enqueue_dma source(%dma_start3A_9 : memref<128xi32, #tpu.memory_space<hbm>>) target(%arg7 : memref<128xi32, #tpu.memory_space<vmem>>) target_semaphore(%arg16 : memref<!tpu.dma_semaphore, #tpu.memory_space<semaphore_mem>>)
    %dma_start3A_10 = arith.constant 0 : i32
    %dma_start3A_11 = tpu.memref_slice %arg4[%mul3A_4, %dma_start3A_10] : memref<2500x128xi32, #tpu.memory_space<hbm>> -> memref<1x128xi32, #tpu.memory_space<hbm>>
    %dma_start3A_12 = tpu.memref_squeeze %dma_start3A_11 : memref<1x128xi32, #tpu.memory_space<hbm>> -> memref<128xi32, #tpu.memory_space<hbm>>
    %dma_start3A_13 = arith.constant 0 : i32
    %dma_start3A_14 = tpu.memref_slice %arg4[%mul3A_4, %dma_start3A_13] : memref<2500x128xi32, #tpu.memory_space<hbm>> -> memref<1x128xi32, #tpu.memory_space<hbm>>
    %dma_start3A_15 = tpu.memref_squeeze %dma_start3A_14 : memref<1x128xi32, #tpu.memory_space<hbm>> -> memref<128xi32, #tpu.memory_space<hbm>>
    tpu.enqueue_dma source(%dma_start3A_15 : memref<128xi32, #tpu.memory_space<hbm>>) target(%arg9 : memref<128xi32, #tpu.memory_space<vmem>>) target_semaphore(%arg16 : memref<!tpu.dma_semaphore, #tpu.memory_space<semaphore_mem>>)
    %add3A_16 = arith.constant 1 : i32
    %add3A_17 = arith.addi %mul3A_4, %add3A_16 : i32
    %dma_start3A_18 = arith.constant 0 : i32
    %dma_start3A_19 = tpu.memref_slice %arg3[%add3A_17, %dma_start3A_18] : memref<2500x128xi32, #tpu.memory_space<hbm>> -> memref<1x128xi32, #tpu.memory_space<hbm>>
    %dma_start3A_20 = tpu.memref_squeeze %dma_start3A_19 : memref<1x128xi32, #tpu.memory_space<hbm>> -> memref<128xi32, #tpu.memory_space<hbm>>
    %dma_start3A_21 = arith.constant 0 : i32
    %dma_start3A_22 = tpu.memref_slice %arg3[%add3A_17, %dma_start3A_21] : memref<2500x128xi32, #tpu.memory_space<hbm>> -> memref<1x128xi32, #tpu.memory_space<hbm>>
    %dma_start3A_23 = tpu.memref_squeeze %dma_start3A_22 : memref<1x128xi32, #tpu.memory_space<hbm>> -> memref<128xi32, #tpu.memory_space<hbm>>
    tpu.enqueue_dma source(%dma_start3A_23 : memref<128xi32, #tpu.memory_space<hbm>>) target(%arg8 : memref<128xi32, #tpu.memory_space<vmem>>) target_semaphore(%arg17 : memref<!tpu.dma_semaphore, #tpu.memory_space<semaphore_mem>>)
    %dma_start3A_24 = arith.constant 0 : i32
    %dma_start3A_25 = tpu.memref_slice %arg4[%add3A_17, %dma_start3A_24] : memref<2500x128xi32, #tpu.memory_space<hbm>> -> memref<1x128xi32, #tpu.memory_space<hbm>>
    %dma_start3A_26 = tpu.memref_squeeze %dma_start3A_25 : memref<1x128xi32, #tpu.memory_space<hbm>> -> memref<128xi32, #tpu.memory_space<hbm>>
    %dma_start3A_27 = arith.constant 0 : i32
    %dma_start3A_28 = tpu.memref_slice %arg4[%add3A_17, %dma_start3A_27] : memref<2500x128xi32, #tpu.memory_space<hbm>> -> memref<1x128xi32, #tpu.memory_space<hbm>>
    %dma_start3A_29 = tpu.memref_squeeze %dma_start3A_28 : memref<1x128xi32, #tpu.memory_space<hbm>> -> memref<128xi32, #tpu.memory_space<hbm>>
    tpu.enqueue_dma source(%dma_start3A_29 : memref<128xi32, #tpu.memory_space<hbm>>) target(%arg10 : memref<128xi32, #tpu.memory_space<vmem>>) target_semaphore(%arg17 : memref<!tpu.dma_semaphore, #tpu.memory_space<semaphore_mem>>)
    %scan3A = arith.constant 0 : i32
    %scan3A_30 = arith.constant 0 : i32
    %scan3A_31 = arith.constant 48 : i32
    %scan3A_32 = arith.addi %scan3A_30, %scan3A_31 : i32
    %scan3A_33 = arith.constant 1 : i32
    %scan3A_34 = scf.for %scan3A_233 = %scan3A_30 to %scan3A_32 step %scan3A_33 iter_args(%scan3A_234 = %scan3A) -> (i32)  : i32 {
      %scan3A_235 = arith.constant 0 : i32
      %scan3A_236 = arith.constant 0 : i32
      %scan3A_237 = arith.constant 8 : i32
      %scan3A_238 = arith.addi %scan3A_236, %scan3A_237 : i32
      %scan3A_239 = arith.constant 1 : i32
      %scan3A_240 = scf.for %scan3A_243 = %scan3A_236 to %scan3A_238 step %scan3A_239 iter_args(%scan3A_244 = %scan3A_235) -> (i32)  : i32 {
        %broadcast_in_dim3A = arith.constant 0.000000e+00 : f32
        %broadcast_in_dim3A_245 = vector.broadcast %broadcast_in_dim3A : f32 to vector<16xf32>
        %mul3A_246 = arith.constant 16 : i32
        %mul3A_247 = arith.muli %scan3A_243, %mul3A_246 : i32
        %swap3A = arith.index_cast %scan3A_233 : i32 to index
        %swap3A_248 = arith.index_cast %mul3A_247 : i32 to index
        %swap3A_249 = tpu.vector_load %arg13[%swap3A, %swap3A_248] {strides = array<i32>} : memref<48x128xf32, #tpu.memory_space<vmem>>, vector<1x16xf32>,
        %swap3A_250 = vector.shape_cast %swap3A_249 : vector<1x16xf32> to vector<16xf32>
        %swap3A_251 = vector.shape_cast %broadcast_in_dim3A_245 : vector<16xf32> to vector<1x16xf32>
        tpu.vector_store %arg13[%swap3A, %swap3A_248], %swap3A_251 {strides = array<i32>} : memref<48x128xf32, #tpu.memory_space<vmem>>, vector<1x16xf32>,
        %scan3A_252 = arith.constant 0 : i32
        scf.yield %scan3A_252 : i32
      }
      %scan3A_241 = arith.constant 8 : i32
      %scan3A_242 = arith.constant 0 : i32
      scf.yield %scan3A_242 : i32
    }
    %scan3A_35 = arith.constant 48 : i32
    %add3A_36 = arith.constant 0 : i32
    %add3A_37 = arith.addi %mul3A_2, %add3A_36 : i32
    %dma_start3A_38 = arith.constant 0 : i32
    %dma_start3A_39 = tpu.memref_slice %arg6[%add3A_37, %dma_start3A_38] : memref<10000x128xf32, #tpu.memory_space<vmem_shared>> -> memref<48x128xf32, #tpu.memory_space<vmem_shared>>
    %dma_start3A_40 = arith.constant 0 : i32
    %dma_start3A_41 = tpu.memref_slice %arg6[%add3A_37, %dma_start3A_40] : memref<10000x128xf32, #tpu.memory_space<vmem_shared>> -> memref<48x128xf32, #tpu.memory_space<vmem_shared>>
    tpu.enqueue_dma source(%arg13 : memref<48x128xf32, #tpu.memory_space<vmem>>) target(%dma_start3A_41 : memref<48x128xf32, #tpu.memory_space<vmem_shared>>) target_semaphore(%arg18 : memref<!tpu.dma_semaphore, #tpu.memory_space<semaphore_mem>>)
    %add3A_42 = arith.constant 48 : i32
    %add3A_43 = arith.addi %mul3A_2, %add3A_42 : i32
    %dma_start3A_44 = arith.constant 0 : i32
    %dma_start3A_45 = tpu.memref_slice %arg6[%add3A_43, %dma_start3A_44] : memref<10000x128xf32, #tpu.memory_space<vmem_shared>> -> memref<48x128xf32, #tpu.memory_space<vmem_shared>>
    %dma_start3A_46 = arith.constant 0 : i32
    %dma_start3A_47 = tpu.memref_slice %arg6[%add3A_43, %dma_start3A_46] : memref<10000x128xf32, #tpu.memory_space<vmem_shared>> -> memref<48x128xf32, #tpu.memory_space<vmem_shared>>
    tpu.enqueue_dma source(%arg13 : memref<48x128xf32, #tpu.memory_space<vmem>>) target(%dma_start3A_47 : memref<48x128xf32, #tpu.memory_space<vmem_shared>>) target_semaphore(%arg18 : memref<!tpu.dma_semaphore, #tpu.memory_space<semaphore_mem>>)
    %add3A_48 = arith.constant 96 : i32
    %add3A_49 = arith.addi %mul3A_2, %add3A_48 : i32
    %dma_start3A_50 = arith.constant 0 : i32
    %dma_start3A_51 = tpu.memref_slice %arg6[%add3A_49, %dma_start3A_50] : memref<10000x128xf32, #tpu.memory_space<vmem_shared>> -> memref<48x128xf32, #tpu.memory_space<vmem_shared>>
    %dma_start3A_52 = arith.constant 0 : i32
    %dma_start3A_53 = tpu.memref_slice %arg6[%add3A_49, %dma_start3A_52] : memref<10000x128xf32, #tpu.memory_space<vmem_shared>> -> memref<48x128xf32, #tpu.memory_space<vmem_shared>>
    tpu.enqueue_dma source(%arg13 : memref<48x128xf32, #tpu.memory_space<vmem>>) target(%dma_start3A_53 : memref<48x128xf32, #tpu.memory_space<vmem_shared>>) target_semaphore(%arg18 : memref<!tpu.dma_semaphore, #tpu.memory_space<semaphore_mem>>)
    %add3A_54 = arith.constant 144 : i32
    %add3A_55 = arith.addi %mul3A_2, %add3A_54 : i32
    %dma_start3A_56 = arith.constant 0 : i32
    %dma_start3A_57 = tpu.memref_slice %arg6[%add3A_55, %dma_start3A_56] : memref<10000x128xf32, #tpu.memory_space<vmem_shared>> -> memref<48x128xf32, #tpu.memory_space<vmem_shared>>
    %dma_start3A_58 = arith.constant 0 : i32
    %dma_start3A_59 = tpu.memref_slice %arg6[%add3A_55, %dma_start3A_58] : memref<10000x128xf32, #tpu.memory_space<vmem_shared>> -> memref<48x128xf32, #tpu.memory_space<vmem_shared>>
    tpu.enqueue_dma source(%arg13 : memref<48x128xf32, #tpu.memory_space<vmem>>) target(%dma_start3A_59 : memref<48x128xf32, #tpu.memory_space<vmem_shared>>) target_semaphore(%arg18 : memref<!tpu.dma_semaphore, #tpu.memory_space<semaphore_mem>>)
    %add3A_60 = arith.constant 192 : i32
    %add3A_61 = arith.addi %mul3A_2, %add3A_60 : i32
    %dma_start3A_62 = arith.constant 0 : i32
    %dma_start3A_63 = tpu.memref_slice %arg6[%add3A_61, %dma_start3A_62] : memref<10000x128xf32, #tpu.memory_space<vmem_shared>> -> memref<48x128xf32, #tpu.memory_space<vmem_shared>>
    %dma_start3A_64 = arith.constant 0 : i32
    %dma_start3A_65 = tpu.memref_slice %arg6[%add3A_61, %dma_start3A_64] : memref<10000x128xf32, #tpu.memory_space<vmem_shared>> -> memref<48x128xf32, #tpu.memory_space<vmem_shared>>
    tpu.enqueue_dma source(%arg13 : memref<48x128xf32, #tpu.memory_space<vmem>>) target(%dma_start3A_65 : memref<48x128xf32, #tpu.memory_space<vmem_shared>>) target_semaphore(%arg18 : memref<!tpu.dma_semaphore, #tpu.memory_space<semaphore_mem>>)
    %add3A_66 = arith.constant 240 : i32
    %add3A_67 = arith.addi %mul3A_2, %add3A_66 : i32
    %dma_start3A_68 = arith.constant 0 : i32
    %dma_start3A_69 = tpu.memref_slice %arg6[%add3A_67, %dma_start3A_68] : memref<10000x128xf32, #tpu.memory_space<vmem_shared>> -> memref<48x128xf32, #tpu.memory_space<vmem_shared>>
    %dma_start3A_70 = arith.constant 0 : i32
    %dma_start3A_71 = tpu.memref_slice %arg6[%add3A_67, %dma_start3A_70] : memref<10000x128xf32, #tpu.memory_space<vmem_shared>> -> memref<48x128xf32, #tpu.memory_space<vmem_shared>>
    tpu.enqueue_dma source(%arg13 : memref<48x128xf32, #tpu.memory_space<vmem>>) target(%dma_start3A_71 : memref<48x128xf32, #tpu.memory_space<vmem_shared>>) target_semaphore(%arg18 : memref<!tpu.dma_semaphore, #tpu.memory_space<semaphore_mem>>)
    %add3A_72 = arith.constant 288 : i32
    %add3A_73 = arith.addi %mul3A_2, %add3A_72 : i32
    %dma_start3A_74 = arith.constant 0 : i32
    %dma_start3A_75 = tpu.memref_slice %arg6[%add3A_73, %dma_start3A_74] : memref<10000x128xf32, #tpu.memory_space<vmem_shared>> -> memref<48x128xf32, #tpu.memory_space<vmem_shared>>
    %dma_start3A_76 = arith.constant 0 : i32
    %dma_start3A_77 = tpu.memref_slice %arg6[%add3A_73, %dma_start3A_76] : memref<10000x128xf32, #tpu.memory_space<vmem_shared>> -> memref<48x128xf32, #tpu.memory_space<vmem_shared>>
    tpu.enqueue_dma source(%arg13 : memref<48x128xf32, #tpu.memory_space<vmem>>) target(%dma_start3A_77 : memref<48x128xf32, #tpu.memory_space<vmem_shared>>) target_semaphore(%arg18 : memref<!tpu.dma_semaphore, #tpu.memory_space<semaphore_mem>>)
    %add3A_78 = arith.constant 336 : i32
    %add3A_79 = arith.addi %mul3A_2, %add3A_78 : i32
    %dma_start3A_80 = arith.constant 0 : i32
    %dma_start3A_81 = tpu.memref_slice %arg6[%add3A_79, %dma_start3A_80] : memref<10000x128xf32, #tpu.memory_space<vmem_shared>> -> memref<48x128xf32, #tpu.memory_space<vmem_shared>>
    %dma_start3A_82 = arith.constant 0 : i32
    %dma_start3A_83 = tpu.memref_slice %arg6[%add3A_79, %dma_start3A_82] : memref<10000x128xf32, #tpu.memory_space<vmem_shared>> -> memref<48x128xf32, #tpu.memory_space<vmem_shared>>
    tpu.enqueue_dma source(%arg13 : memref<48x128xf32, #tpu.memory_space<vmem>>) target(%dma_start3A_83 : memref<48x128xf32, #tpu.memory_space<vmem_shared>>) target_semaphore(%arg18 : memref<!tpu.dma_semaphore, #tpu.memory_space<semaphore_mem>>)
    %add3A_84 = arith.constant 384 : i32
    %add3A_85 = arith.addi %mul3A_2, %add3A_84 : i32
    %dma_start3A_86 = arith.constant 0 : i32
    %dma_start3A_87 = tpu.memref_slice %arg6[%add3A_85, %dma_start3A_86] : memref<10000x128xf32, #tpu.memory_space<vmem_shared>> -> memref<48x128xf32, #tpu.memory_space<vmem_shared>>
    %dma_start3A_88 = arith.constant 0 : i32
    %dma_start3A_89 = tpu.memref_slice %arg6[%add3A_85, %dma_start3A_88] : memref<10000x128xf32, #tpu.memory_space<vmem_shared>> -> memref<48x128xf32, #tpu.memory_space<vmem_shared>>
    tpu.enqueue_dma source(%arg13 : memref<48x128xf32, #tpu.memory_space<vmem>>) target(%dma_start3A_89 : memref<48x128xf32, #tpu.memory_space<vmem_shared>>) target_semaphore(%arg18 : memref<!tpu.dma_semaphore, #tpu.memory_space<semaphore_mem>>)
    %add3A_90 = arith.constant 432 : i32
    %add3A_91 = arith.addi %mul3A_2, %add3A_90 : i32
    %dma_start3A_92 = arith.constant 0 : i32
    %dma_start3A_93 = tpu.memref_slice %arg6[%add3A_91, %dma_start3A_92] : memref<10000x128xf32, #tpu.memory_space<vmem_shared>> -> memref<48x128xf32, #tpu.memory_space<vmem_shared>>
    %dma_start3A_94 = arith.constant 0 : i32
    %dma_start3A_95 = tpu.memref_slice %arg6[%add3A_91, %dma_start3A_94] : memref<10000x128xf32, #tpu.memory_space<vmem_shared>> -> memref<48x128xf32, #tpu.memory_space<vmem_shared>>
    tpu.enqueue_dma source(%arg13 : memref<48x128xf32, #tpu.memory_space<vmem>>) target(%dma_start3A_95 : memref<48x128xf32, #tpu.memory_space<vmem_shared>>) target_semaphore(%arg18 : memref<!tpu.dma_semaphore, #tpu.memory_space<semaphore_mem>>)
    %add3A_96 = arith.constant 480 : i32
    %add3A_97 = arith.addi %mul3A_2, %add3A_96 : i32
    %dma_start3A_98 = arith.constant 0 : i32
    %dma_start3A_99 = tpu.memref_slice %arg6[%add3A_97, %dma_start3A_98] : memref<10000x128xf32, #tpu.memory_space<vmem_shared>> -> memref<48x128xf32, #tpu.memory_space<vmem_shared>>
    %dma_start3A_100 = arith.constant 0 : i32
    %dma_start3A_101 = tpu.memref_slice %arg6[%add3A_97, %dma_start3A_100] : memref<10000x128xf32, #tpu.memory_space<vmem_shared>> -> memref<48x128xf32, #tpu.memory_space<vmem_shared>>
    tpu.enqueue_dma source(%arg13 : memref<48x128xf32, #tpu.memory_space<vmem>>) target(%dma_start3A_101 : memref<48x128xf32, #tpu.memory_space<vmem_shared>>) target_semaphore(%arg18 : memref<!tpu.dma_semaphore, #tpu.memory_space<semaphore_mem>>)
    %add3A_102 = arith.constant 528 : i32
    %add3A_103 = arith.addi %mul3A_2, %add3A_102 : i32
    %dma_start3A_104 = arith.constant 0 : i32
    %dma_start3A_105 = tpu.memref_slice %arg6[%add3A_103, %dma_start3A_104] : memref<10000x128xf32, #tpu.memory_space<vmem_shared>> -> memref<48x128xf32, #tpu.memory_space<vmem_shared>>
    %dma_start3A_106 = arith.constant 0 : i32
    %dma_start3A_107 = tpu.memref_slice %arg6[%add3A_103, %dma_start3A_106] : memref<10000x128xf32, #tpu.memory_space<vmem_shared>> -> memref<48x128xf32, #tpu.memory_space<vmem_shared>>
    tpu.enqueue_dma source(%arg13 : memref<48x128xf32, #tpu.memory_space<vmem>>) target(%dma_start3A_107 : memref<48x128xf32, #tpu.memory_space<vmem_shared>>) target_semaphore(%arg18 : memref<!tpu.dma_semaphore, #tpu.memory_space<semaphore_mem>>)
    %add3A_108 = arith.constant 576 : i32
    %add3A_109 = arith.addi %mul3A_2, %add3A_108 : i32
    %dma_start3A_110 = arith.constant 0 : i32
    %dma_start3A_111 = tpu.memref_slice %arg6[%add3A_109, %dma_start3A_110] : memref<10000x128xf32, #tpu.memory_space<vmem_shared>> -> memref<48x128xf32, #tpu.memory_space<vmem_shared>>
    %dma_start3A_112 = arith.constant 0 : i32
    %dma_start3A_113 = tpu.memref_slice %arg6[%add3A_109, %dma_start3A_112] : memref<10000x128xf32, #tpu.memory_space<vmem_shared>> -> memref<48x128xf32, #tpu.memory_space<vmem_shared>>
    tpu.enqueue_dma source(%arg13 : memref<48x128xf32, #tpu.memory_space<vmem>>) target(%dma_start3A_113 : memref<48x128xf32, #tpu.memory_space<vmem_shared>>) target_semaphore(%arg18 : memref<!tpu.dma_semaphore, #tpu.memory_space<semaphore_mem>>)
    %eq3A = arith.constant 15 : i32
    %eq3A_114 = arith.cmpi eq, %arg1, %eq3A : i32
    %convert_element_type3A = arith.extui %eq3A_114 : i1 to i32
    %cond3A = arith.constant 0 : i32
    %cond3A_115 = arith.cmpi ne, %convert_element_type3A, %cond3A : i32
    scf.if %cond3A_115 {
      %dma_start3A_233 = arith.constant 0 : i32
      %dma_start3A_234 = arith.constant 0 : i32
      %dma_start3A_235 = tpu.memref_slice %arg13[%dma_start3A_233, %dma_start3A_234] : memref<48x128xf32, #tpu.memory_space<vmem>> -> memref<16x128xf32, #tpu.memory_space<vmem>>
      %dma_start3A_236 = arith.constant 9984 : i32
      %dma_start3A_237 = arith.constant 0 : i32
      %dma_start3A_238 = tpu.memref_slice %arg6[%dma_start3A_236, %dma_start3A_237] : memref<10000x128xf32, #tpu.memory_space<vmem_shared>> -> memref<16x128xf32, #tpu.memory_space<vmem_shared>>
      %dma_start3A_239 = arith.constant 9984 : i32
      %dma_start3A_240 = arith.constant 0 : i32
      %dma_start3A_241 = tpu.memref_slice %arg6[%dma_start3A_239, %dma_start3A_240] : memref<10000x128xf32, #tpu.memory_space<vmem_shared>> -> memref<16x128xf32, #tpu.memory_space<vmem_shared>>
      %dma_start3A_242 = arith.constant 0 : i32
      %dma_start3A_243 = arith.constant 0 : i32
      %dma_start3A_244 = tpu.memref_slice %arg13[%dma_start3A_242, %dma_start3A_243] : memref<48x128xf32, #tpu.memory_space<vmem>> -> memref<16x128xf32, #tpu.memory_space<vmem>>
      tpu.enqueue_dma source(%dma_start3A_244 : memref<16x128xf32, #tpu.memory_space<vmem>>) target(%dma_start3A_241 : memref<16x128xf32, #tpu.memory_space<vmem_shared>>) target_semaphore(%arg18 : memref<!tpu.dma_semaphore, #tpu.memory_space<semaphore_mem>>)
    } else {
    }
    %add3A_116 = arith.constant 0 : i32
    %add3A_117 = arith.addi %mul3A_2, %add3A_116 : i32
    %dma_wait3A = arith.constant 0 : i32
    %dma_wait3A_118 = tpu.memref_slice %arg6[%add3A_117, %dma_wait3A] : memref<10000x128xf32, #tpu.memory_space<vmem_shared>> -> memref<48x128xf32, #tpu.memory_space<vmem_shared>>
    %dma_wait3A_119 = arith.constant 0 : i32
    %dma_wait3A_120 = tpu.memref_slice %arg6[%add3A_117, %dma_wait3A_119] : memref<10000x128xf32, #tpu.memory_space<vmem_shared>> -> memref<48x128xf32, #tpu.memory_space<vmem_shared>>
    tpu.wait_dma2 semaphore(%arg18 : memref<!tpu.dma_semaphore, #tpu.memory_space<semaphore_mem>>) src(%arg13 : memref<48x128xf32, #tpu.memory_space<vmem>>) dst(%dma_wait3A_120 : memref<48x128xf32, #tpu.memory_space<vmem_shared>>)
    %add3A_121 = arith.constant 48 : i32
    %add3A_122 = arith.addi %mul3A_2, %add3A_121 : i32
    %dma_wait3A_123 = arith.constant 0 : i32
    %dma_wait3A_124 = tpu.memref_slice %arg6[%add3A_122, %dma_wait3A_123] : memref<10000x128xf32, #tpu.memory_space<vmem_shared>> -> memref<48x128xf32, #tpu.memory_space<vmem_shared>>
    %dma_wait3A_125 = arith.constant 0 : i32
    %dma_wait3A_126 = tpu.memref_slice %arg6[%add3A_122, %dma_wait3A_125] : memref<10000x128xf32, #tpu.memory_space<vmem_shared>> -> memref<48x128xf32, #tpu.memory_space<vmem_shared>>
    tpu.wait_dma2 semaphore(%arg18 : memref<!tpu.dma_semaphore, #tpu.memory_space<semaphore_mem>>) src(%arg13 : memref<48x128xf32, #tpu.memory_space<vmem>>) dst(%dma_wait3A_126 : memref<48x128xf32, #tpu.memory_space<vmem_shared>>)
    %add3A_127 = arith.constant 96 : i32
    %add3A_128 = arith.addi %mul3A_2, %add3A_127 : i32
    %dma_wait3A_129 = arith.constant 0 : i32
    %dma_wait3A_130 = tpu.memref_slice %arg6[%add3A_128, %dma_wait3A_129] : memref<10000x128xf32, #tpu.memory_space<vmem_shared>> -> memref<48x128xf32, #tpu.memory_space<vmem_shared>>
    %dma_wait3A_131 = arith.constant 0 : i32
    %dma_wait3A_132 = tpu.memref_slice %arg6[%add3A_128, %dma_wait3A_131] : memref<10000x128xf32, #tpu.memory_space<vmem_shared>> -> memref<48x128xf32, #tpu.memory_space<vmem_shared>>
    tpu.wait_dma2 semaphore(%arg18 : memref<!tpu.dma_semaphore, #tpu.memory_space<semaphore_mem>>) src(%arg13 : memref<48x128xf32, #tpu.memory_space<vmem>>) dst(%dma_wait3A_132 : memref<48x128xf32, #tpu.memory_space<vmem_shared>>)
    %add3A_133 = arith.constant 144 : i32
    %add3A_134 = arith.addi %mul3A_2, %add3A_133 : i32
    %dma_wait3A_135 = arith.constant 0 : i32
    %dma_wait3A_136 = tpu.memref_slice %arg6[%add3A_134, %dma_wait3A_135] : memref<10000x128xf32, #tpu.memory_space<vmem_shared>> -> memref<48x128xf32, #tpu.memory_space<vmem_shared>>
    %dma_wait3A_137 = arith.constant 0 : i32
    %dma_wait3A_138 = tpu.memref_slice %arg6[%add3A_134, %dma_wait3A_137] : memref<10000x128xf32, #tpu.memory_space<vmem_shared>> -> memref<48x128xf32, #tpu.memory_space<vmem_shared>>
    tpu.wait_dma2 semaphore(%arg18 : memref<!tpu.dma_semaphore, #tpu.memory_space<semaphore_mem>>) src(%arg13 : memref<48x128xf32, #tpu.memory_space<vmem>>) dst(%dma_wait3A_138 : memref<48x128xf32, #tpu.memory_space<vmem_shared>>)
    %add3A_139 = arith.constant 192 : i32
    %add3A_140 = arith.addi %mul3A_2, %add3A_139 : i32
    %dma_wait3A_141 = arith.constant 0 : i32
    %dma_wait3A_142 = tpu.memref_slice %arg6[%add3A_140, %dma_wait3A_141] : memref<10000x128xf32, #tpu.memory_space<vmem_shared>> -> memref<48x128xf32, #tpu.memory_space<vmem_shared>>
    %dma_wait3A_143 = arith.constant 0 : i32
    %dma_wait3A_144 = tpu.memref_slice %arg6[%add3A_140, %dma_wait3A_143] : memref<10000x128xf32, #tpu.memory_space<vmem_shared>> -> memref<48x128xf32, #tpu.memory_space<vmem_shared>>
    tpu.wait_dma2 semaphore(%arg18 : memref<!tpu.dma_semaphore, #tpu.memory_space<semaphore_mem>>) src(%arg13 : memref<48x128xf32, #tpu.memory_space<vmem>>) dst(%dma_wait3A_144 : memref<48x128xf32, #tpu.memory_space<vmem_shared>>)
    %add3A_145 = arith.constant 240 : i32
    %add3A_146 = arith.addi %mul3A_2, %add3A_145 : i32
    %dma_wait3A_147 = arith.constant 0 : i32
    %dma_wait3A_148 = tpu.memref_slice %arg6[%add3A_146, %dma_wait3A_147] : memref<10000x128xf32, #tpu.memory_space<vmem_shared>> -> memref<48x128xf32, #tpu.memory_space<vmem_shared>>
    %dma_wait3A_149 = arith.constant 0 : i32
    %dma_wait3A_150 = tpu.memref_slice %arg6[%add3A_146, %dma_wait3A_149] : memref<10000x128xf32, #tpu.memory_space<vmem_shared>> -> memref<48x128xf32, #tpu.memory_space<vmem_shared>>
    tpu.wait_dma2 semaphore(%arg18 : memref<!tpu.dma_semaphore, #tpu.memory_space<semaphore_mem>>) src(%arg13 : memref<48x128xf32, #tpu.memory_space<vmem>>) dst(%dma_wait3A_150 : memref<48x128xf32, #tpu.memory_space<vmem_shared>>)
    %add3A_151 = arith.constant 288 : i32
    %add3A_152 = arith.addi %mul3A_2, %add3A_151 : i32
    %dma_wait3A_153 = arith.constant 0 : i32
    %dma_wait3A_154 = tpu.memref_slice %arg6[%add3A_152, %dma_wait3A_153] : memref<10000x128xf32, #tpu.memory_space<vmem_shared>> -> memref<48x128xf32, #tpu.memory_space<vmem_shared>>
    %dma_wait3A_155 = arith.constant 0 : i32
    %dma_wait3A_156 = tpu.memref_slice %arg6[%add3A_152, %dma_wait3A_155] : memref<10000x128xf32, #tpu.memory_space<vmem_shared>> -> memref<48x128xf32, #tpu.memory_space<vmem_shared>>
    tpu.wait_dma2 semaphore(%arg18 : memref<!tpu.dma_semaphore, #tpu.memory_space<semaphore_mem>>) src(%arg13 : memref<48x128xf32, #tpu.memory_space<vmem>>) dst(%dma_wait3A_156 : memref<48x128xf32, #tpu.memory_space<vmem_shared>>)
    %add3A_157 = arith.constant 336 : i32
    %add3A_158 = arith.addi %mul3A_2, %add3A_157 : i32
    %dma_wait3A_159 = arith.constant 0 : i32
    %dma_wait3A_160 = tpu.memref_slice %arg6[%add3A_158, %dma_wait3A_159] : memref<10000x128xf32, #tpu.memory_space<vmem_shared>> -> memref<48x128xf32, #tpu.memory_space<vmem_shared>>
    %dma_wait3A_161 = arith.constant 0 : i32
    %dma_wait3A_162 = tpu.memref_slice %arg6[%add3A_158, %dma_wait3A_161] : memref<10000x128xf32, #tpu.memory_space<vmem_shared>> -> memref<48x128xf32, #tpu.memory_space<vmem_shared>>
    tpu.wait_dma2 semaphore(%arg18 : memref<!tpu.dma_semaphore, #tpu.memory_space<semaphore_mem>>) src(%arg13 : memref<48x128xf32, #tpu.memory_space<vmem>>) dst(%dma_wait3A_162 : memref<48x128xf32, #tpu.memory_space<vmem_shared>>)
    %add3A_163 = arith.constant 384 : i32
    %add3A_164 = arith.addi %mul3A_2, %add3A_163 : i32
    %dma_wait3A_165 = arith.constant 0 : i32
    %dma_wait3A_166 = tpu.memref_slice %arg6[%add3A_164, %dma_wait3A_165] : memref<10000x128xf32, #tpu.memory_space<vmem_shared>> -> memref<48x128xf32, #tpu.memory_space<vmem_shared>>
    %dma_wait3A_167 = arith.constant 0 : i32
    %dma_wait3A_168 = tpu.memref_slice %arg6[%add3A_164, %dma_wait3A_167] : memref<10000x128xf32, #tpu.memory_space<vmem_shared>> -> memref<48x128xf32, #tpu.memory_space<vmem_shared>>
    tpu.wait_dma2 semaphore(%arg18 : memref<!tpu.dma_semaphore, #tpu.memory_space<semaphore_mem>>) src(%arg13 : memref<48x128xf32, #tpu.memory_space<vmem>>) dst(%dma_wait3A_168 : memref<48x128xf32, #tpu.memory_space<vmem_shared>>)
    %add3A_169 = arith.constant 432 : i32
    %add3A_170 = arith.addi %mul3A_2, %add3A_169 : i32
    %dma_wait3A_171 = arith.constant 0 : i32
    %dma_wait3A_172 = tpu.memref_slice %arg6[%add3A_170, %dma_wait3A_171] : memref<10000x128xf32, #tpu.memory_space<vmem_shared>> -> memref<48x128xf32, #tpu.memory_space<vmem_shared>>
    %dma_wait3A_173 = arith.constant 0 : i32
    %dma_wait3A_174 = tpu.memref_slice %arg6[%add3A_170, %dma_wait3A_173] : memref<10000x128xf32, #tpu.memory_space<vmem_shared>> -> memref<48x128xf32, #tpu.memory_space<vmem_shared>>
    tpu.wait_dma2 semaphore(%arg18 : memref<!tpu.dma_semaphore, #tpu.memory_space<semaphore_mem>>) src(%arg13 : memref<48x128xf32, #tpu.memory_space<vmem>>) dst(%dma_wait3A_174 : memref<48x128xf32, #tpu.memory_space<vmem_shared>>)
    %add3A_175 = arith.constant 480 : i32
    %add3A_176 = arith.addi %mul3A_2, %add3A_175 : i32
    %dma_wait3A_177 = arith.constant 0 : i32
    %dma_wait3A_178 = tpu.memref_slice %arg6[%add3A_176, %dma_wait3A_177] : memref<10000x128xf32, #tpu.memory_space<vmem_shared>> -> memref<48x128xf32, #tpu.memory_space<vmem_shared>>
    %dma_wait3A_179 = arith.constant 0 : i32
    %dma_wait3A_180 = tpu.memref_slice %arg6[%add3A_176, %dma_wait3A_179] : memref<10000x128xf32, #tpu.memory_space<vmem_shared>> -> memref<48x128xf32, #tpu.memory_space<vmem_shared>>
    tpu.wait_dma2 semaphore(%arg18 : memref<!tpu.dma_semaphore, #tpu.memory_space<semaphore_mem>>) src(%arg13 : memref<48x128xf32, #tpu.memory_space<vmem>>) dst(%dma_wait3A_180 : memref<48x128xf32, #tpu.memory_space<vmem_shared>>)
    %add3A_181 = arith.constant 528 : i32
    %add3A_182 = arith.addi %mul3A_2, %add3A_181 : i32
    %dma_wait3A_183 = arith.constant 0 : i32
    %dma_wait3A_184 = tpu.memref_slice %arg6[%add3A_182, %dma_wait3A_183] : memref<10000x128xf32, #tpu.memory_space<vmem_shared>> -> memref<48x128xf32, #tpu.memory_space<vmem_shared>>
    %dma_wait3A_185 = arith.constant 0 : i32
    %dma_wait3A_186 = tpu.memref_slice %arg6[%add3A_182, %dma_wait3A_185] : memref<10000x128xf32, #tpu.memory_space<vmem_shared>> -> memref<48x128xf32, #tpu.memory_space<vmem_shared>>
    tpu.wait_dma2 semaphore(%arg18 : memref<!tpu.dma_semaphore, #tpu.memory_space<semaphore_mem>>) src(%arg13 : memref<48x128xf32, #tpu.memory_space<vmem>>) dst(%dma_wait3A_186 : memref<48x128xf32, #tpu.memory_space<vmem_shared>>)
    %add3A_187 = arith.constant 576 : i32
    %add3A_188 = arith.addi %mul3A_2, %add3A_187 : i32
    %dma_wait3A_189 = arith.constant 0 : i32
    %dma_wait3A_190 = tpu.memref_slice %arg6[%add3A_188, %dma_wait3A_189] : memref<10000x128xf32, #tpu.memory_space<vmem_shared>> -> memref<48x128xf32, #tpu.memory_space<vmem_shared>>
    %dma_wait3A_191 = arith.constant 0 : i32
    %dma_wait3A_192 = tpu.memref_slice %arg6[%add3A_188, %dma_wait3A_191] : memref<10000x128xf32, #tpu.memory_space<vmem_shared>> -> memref<48x128xf32, #tpu.memory_space<vmem_shared>>
    tpu.wait_dma2 semaphore(%arg18 : memref<!tpu.dma_semaphore, #tpu.memory_space<semaphore_mem>>) src(%arg13 : memref<48x128xf32, #tpu.memory_space<vmem>>) dst(%dma_wait3A_192 : memref<48x128xf32, #tpu.memory_space<vmem_shared>>)
    %eq3A_193 = arith.constant 15 : i32
    %eq3A_194 = arith.cmpi eq, %arg1, %eq3A_193 : i32
    %convert_element_type3A_195 = arith.extui %eq3A_194 : i1 to i32
    %cond3A_196 = arith.constant 0 : i32
    %cond3A_197 = arith.cmpi ne, %convert_element_type3A_195, %cond3A_196 : i32
    scf.if %cond3A_197 {
      %dma_wait3A_233 = arith.constant 0 : i32
      %dma_wait3A_234 = arith.constant 0 : i32
      %dma_wait3A_235 = tpu.memref_slice %arg13[%dma_wait3A_233, %dma_wait3A_234] : memref<48x128xf32, #tpu.memory_space<vmem>> -> memref<16x128xf32, #tpu.memory_space<vmem>>
      %dma_wait3A_236 = arith.constant 9984 : i32
      %dma_wait3A_237 = arith.constant 0 : i32
      %dma_wait3A_238 = tpu.memref_slice %arg6[%dma_wait3A_236, %dma_wait3A_237] : memref<10000x128xf32, #tpu.memory_space<vmem_shared>> -> memref<16x128xf32, #tpu.memory_space<vmem_shared>>
      %dma_wait3A_239 = arith.constant 9984 : i32
      %dma_wait3A_240 = arith.constant 0 : i32
      %dma_wait3A_241 = tpu.memref_slice %arg6[%dma_wait3A_239, %dma_wait3A_240] : memref<10000x128xf32, #tpu.memory_space<vmem_shared>> -> memref<16x128xf32, #tpu.memory_space<vmem_shared>>
      %dma_wait3A_242 = arith.constant 0 : i32
      %dma_wait3A_243 = arith.constant 0 : i32
      %dma_wait3A_244 = tpu.memref_slice %arg13[%dma_wait3A_242, %dma_wait3A_243] : memref<48x128xf32, #tpu.memory_space<vmem>> -> memref<16x128xf32, #tpu.memory_space<vmem>>
      tpu.wait_dma2 semaphore(%arg18 : memref<!tpu.dma_semaphore, #tpu.memory_space<semaphore_mem>>) src(%dma_wait3A_244 : memref<16x128xf32, #tpu.memory_space<vmem>>) dst(%dma_wait3A_241 : memref<16x128xf32, #tpu.memory_space<vmem_shared>>)
    } else {
    }
    %dma_wait3A_198 = arith.constant 0 : i32
    %dma_wait3A_199 = tpu.memref_slice %arg3[%mul3A_4, %dma_wait3A_198] : memref<2500x128xi32, #tpu.memory_space<hbm>> -> memref<1x128xi32, #tpu.memory_space<hbm>>
    %dma_wait3A_200 = tpu.memref_squeeze %dma_wait3A_199 : memref<1x128xi32, #tpu.memory_space<hbm>> -> memref<128xi32, #tpu.memory_space<hbm>>
    %dma_wait3A_201 = arith.constant 0 : i32
    %dma_wait3A_202 = tpu.memref_slice %arg3[%mul3A_4, %dma_wait3A_201] : memref<2500x128xi32, #tpu.memory_space<hbm>> -> memref<1x128xi32, #tpu.memory_space<hbm>>
    %dma_wait3A_203 = tpu.memref_squeeze %dma_wait3A_202 : memref<1x128xi32, #tpu.memory_space<hbm>> -> memref<128xi32, #tpu.memory_space<hbm>>
    tpu.wait_dma2 semaphore(%arg16 : memref<!tpu.dma_semaphore, #tpu.memory_space<semaphore_mem>>) src(%dma_wait3A_203 : memref<128xi32, #tpu.memory_space<hbm>>) dst(%arg7 : memref<128xi32, #tpu.memory_space<vmem>>)
    %dma_wait3A_204 = arith.constant 0 : i32
    %dma_wait3A_205 = tpu.memref_slice %arg4[%mul3A_4, %dma_wait3A_204] : memref<2500x128xi32, #tpu.memory_space<hbm>> -> memref<1x128xi32, #tpu.memory_space<hbm>>
    %dma_wait3A_206 = tpu.memref_squeeze %dma_wait3A_205 : memref<1x128xi32, #tpu.memory_space<hbm>> -> memref<128xi32, #tpu.memory_space<hbm>>
    %dma_wait3A_207 = arith.constant 0 : i32
    %dma_wait3A_208 = tpu.memref_slice %arg4[%mul3A_4, %dma_wait3A_207] : memref<2500x128xi32, #tpu.memory_space<hbm>> -> memref<1x128xi32, #tpu.memory_space<hbm>>
    %dma_wait3A_209 = tpu.memref_squeeze %dma_wait3A_208 : memref<1x128xi32, #tpu.memory_space<hbm>> -> memref<128xi32, #tpu.memory_space<hbm>>
    tpu.wait_dma2 semaphore(%arg16 : memref<!tpu.dma_semaphore, #tpu.memory_space<semaphore_mem>>) src(%dma_wait3A_209 : memref<128xi32, #tpu.memory_space<hbm>>) dst(%arg9 : memref<128xi32, #tpu.memory_space<vmem>>)
    %dma_start3A_210 = arith.constant 0 : i32
    %dma_start3A_211 = arith.constant 0 : i32
    %dma_start3A_212 = tpu.memref_slice %arg2[%dma_start3A_210, %dma_start3A_211] : memref<10000x128xf32, #tpu.memory_space<hbm>> -> memref<10000x128xf32, #tpu.memory_space<hbm>>
    tpu.enqueue_indirect_dma source(%dma_start3A_212 : memref<10000x128xf32, #tpu.memory_space<hbm>>) target(%arg11 : memref<128x128xf32, #tpu.memory_space<vmem>>) offsets(%arg7 : memref<128xi32, #tpu.memory_space<vmem>>) semaphore(%arg14 : memref<!tpu.dma_semaphore, #tpu.memory_space<semaphore_mem>>)
    %barrier3A = arith.constant 0 : index
    tpu.barrier barrier_id(%barrier3A)
    %scan3A_213 = arith.constant 0 : i32
    %scan3A_214 = arith.constant 0 : i32
    %scan3A_215 = arith.constant 39 : i32
    %scan3A_216 = arith.addi %scan3A_214, %scan3A_215 : i32
    %scan3A_217 = arith.constant 1 : i32
    %scan3A_218 = scf.for %scan3A_233 = %scan3A_214 to %scan3A_216 step %scan3A_217 iter_args(%scan3A_234 = %scan3A_213) -> (i32)  : i32 {
      %mul3A_235 = arith.constant 2 : i32
      %mul3A_236 = arith.muli %mul3A_235, %scan3A_233 : i32
      %add3A_237 = arith.constant 1 : i32
      %add3A_238 = arith.addi %mul3A_236, %add3A_237 : i32
      %add3A_239 = arith.addi %mul3A_4, %add3A_238 : i32
      %dma_wait3A_240 = arith.constant 0 : i32
      %dma_wait3A_241 = tpu.memref_slice %arg3[%add3A_239, %dma_wait3A_240] : memref<2500x128xi32, #tpu.memory_space<hbm>> -> memref<1x128xi32, #tpu.memory_space<hbm>>
      %dma_wait3A_242 = tpu.memref_squeeze %dma_wait3A_241 : memref<1x128xi32, #tpu.memory_space<hbm>> -> memref<128xi32, #tpu.memory_space<hbm>>
      %dma_wait3A_243 = arith.constant 0 : i32
      %dma_wait3A_244 = tpu.memref_slice %arg3[%add3A_239, %dma_wait3A_243] : memref<2500x128xi32, #tpu.memory_space<hbm>> -> memref<1x128xi32, #tpu.memory_space<hbm>>
      %dma_wait3A_245 = tpu.memref_squeeze %dma_wait3A_244 : memref<1x128xi32, #tpu.memory_space<hbm>> -> memref<128xi32, #tpu.memory_space<hbm>>
      tpu.wait_dma2 semaphore(%arg17 : memref<!tpu.dma_semaphore, #tpu.memory_space<semaphore_mem>>) src(%dma_wait3A_245 : memref<128xi32, #tpu.memory_space<hbm>>) dst(%arg8 : memref<128xi32, #tpu.memory_space<vmem>>)
      %dma_wait3A_246 = arith.constant 0 : i32
      %dma_wait3A_247 = tpu.memref_slice %arg4[%add3A_239, %dma_wait3A_246] : memref<2500x128xi32, #tpu.memory_space<hbm>> -> memref<1x128xi32, #tpu.memory_space<hbm>>
      %dma_wait3A_248 = tpu.memref_squeeze %dma_wait3A_247 : memref<1x128xi32, #tpu.memory_space<hbm>> -> memref<128xi32, #tpu.memory_space<hbm>>
      %dma_wait3A_249 = arith.constant 0 : i32
      %dma_wait3A_250 = tpu.memref_slice %arg4[%add3A_239, %dma_wait3A_249] : memref<2500x128xi32, #tpu.memory_space<hbm>> -> memref<1x128xi32, #tpu.memory_space<hbm>>
      %dma_wait3A_251 = tpu.memref_squeeze %dma_wait3A_250 : memref<1x128xi32, #tpu.memory_space<hbm>> -> memref<128xi32, #tpu.memory_space<hbm>>
      tpu.wait_dma2 semaphore(%arg17 : memref<!tpu.dma_semaphore, #tpu.memory_space<semaphore_mem>>) src(%dma_wait3A_251 : memref<128xi32, #tpu.memory_space<hbm>>) dst(%arg10 : memref<128xi32, #tpu.memory_space<vmem>>)
      %dma_start3A_252 = arith.constant 0 : i32
      %dma_start3A_253 = arith.constant 0 : i32
      %dma_start3A_254 = tpu.memref_slice %arg2[%dma_start3A_252, %dma_start3A_253] : memref<10000x128xf32, #tpu.memory_space<hbm>> -> memref<10000x128xf32, #tpu.memory_space<hbm>>
      tpu.enqueue_indirect_dma source(%dma_start3A_254 : memref<10000x128xf32, #tpu.memory_space<hbm>>) target(%arg12 : memref<128x128xf32, #tpu.memory_space<vmem>>) offsets(%arg8 : memref<128xi32, #tpu.memory_space<vmem>>) semaphore(%arg15 : memref<!tpu.dma_semaphore, #tpu.memory_space<semaphore_mem>>)
      %dma_wait3A_255 = arith.constant 0 : i32
      %dma_wait3A_256 = arith.constant 0 : i32
      %dma_wait3A_257 = tpu.memref_slice %arg2[%dma_wait3A_255, %dma_wait3A_256] : memref<10000x128xf32, #tpu.memory_space<hbm>> -> memref<10000x128xf32, #tpu.memory_space<hbm>>
      tpu.wait_indirect_dma semaphore(%arg14 : memref<!tpu.dma_semaphore, #tpu.memory_space<semaphore_mem>>) src(%dma_wait3A_257 : memref<10000x128xf32, #tpu.memory_space<hbm>>) dst(%arg11 : memref<128x128xf32, #tpu.memory_space<vmem>>)
      "tpu.region"() ({
        %run_scoped3A = tpu.sem_alloc : memref<!tpu.dma_semaphore, #tpu.memory_space<semaphore_mem>>
        %dma_start3A_276 = arith.constant 0 : i32
        %dma_start3A_277 = arith.constant 0 : i32
        %dma_start3A_278 = tpu.memref_slice %arg6[%dma_start3A_276, %dma_start3A_277] : memref<10000x128xf32, #tpu.memory_space<vmem_shared>> -> memref<10000x128xf32, #tpu.memory_space<vmem_shared>>
        tpu.enqueue_indirect_dma source(%arg11 : memref<128x128xf32, #tpu.memory_space<vmem>>) target(%dma_start3A_278 : memref<10000x128xf32, #tpu.memory_space<vmem_shared>>) offsets(%arg9 : memref<128xi32, #tpu.memory_space<vmem>>) semaphore(%run_scoped3A : memref<!tpu.dma_semaphore, #tpu.memory_space<semaphore_mem>>) {add = true}
        %dma_wait3A_279 = arith.constant 0 : i32
        %dma_wait3A_280 = arith.constant 0 : i32
        %dma_wait3A_281 = tpu.memref_slice %arg6[%dma_wait3A_279, %dma_wait3A_280] : memref<10000x128xf32, #tpu.memory_space<vmem_shared>> -> memref<10000x128xf32, #tpu.memory_space<vmem_shared>>
        tpu.wait_indirect_dma semaphore(%run_scoped3A : memref<!tpu.dma_semaphore, #tpu.memory_space<semaphore_mem>>) src(%arg11 : memref<128x128xf32, #tpu.memory_space<vmem>>) dst(%dma_wait3A_281 : memref<10000x128xf32, #tpu.memory_space<vmem_shared>>)
        tpu.yield
      }) : () -> ()
      %add3A_258 = arith.constant 2 : i32
      %add3A_259 = arith.addi %mul3A_236, %add3A_258 : i32
      %lt3A_260 = arith.constant 78 : i32
      %lt3A_261 = arith.cmpi slt, %add3A_259, %lt3A_260 : i32
      %convert_element_type3A_262 = arith.extui %lt3A_261 : i1 to i32
      %cond3A_263 = arith.constant 0 : i32
      %cond3A_264 = arith.cmpi ne, %convert_element_type3A_262, %cond3A_263 : i32
      scf.if %cond3A_264 {
        %add3A_276 = arith.addi %mul3A_4, %mul3A_236 : i32
        %add3A_277 = arith.constant 2 : i32
        %add3A_278 = arith.addi %add3A_276, %add3A_277 : i32
        %dma_start3A_279 = arith.constant 0 : i32
        %dma_start3A_280 = tpu.memref_slice %arg3[%add3A_278, %dma_start3A_279] : memref<2500x128xi32, #tpu.memory_space<hbm>> -> memref<1x128xi32, #tpu.memory_space<hbm>>
        %dma_start3A_281 = tpu.memref_squeeze %dma_start3A_280 : memref<1x128xi32, #tpu.memory_space<hbm>> -> memref<128xi32, #tpu.memory_space<hbm>>
        %dma_start3A_282 = arith.constant 0 : i32
        %dma_start3A_283 = tpu.memref_slice %arg3[%add3A_278, %dma_start3A_282] : memref<2500x128xi32, #tpu.memory_space<hbm>> -> memref<1x128xi32, #tpu.memory_space<hbm>>
        %dma_start3A_284 = tpu.memref_squeeze %dma_start3A_283 : memref<1x128xi32, #tpu.memory_space<hbm>> -> memref<128xi32, #tpu.memory_space<hbm>>
        tpu.enqueue_dma source(%dma_start3A_284 : memref<128xi32, #tpu.memory_space<hbm>>) target(%arg7 : memref<128xi32, #tpu.memory_space<vmem>>) target_semaphore(%arg16 : memref<!tpu.dma_semaphore, #tpu.memory_space<semaphore_mem>>)
        %dma_start3A_285 = arith.constant 0 : i32
        %dma_start3A_286 = tpu.memref_slice %arg4[%add3A_278, %dma_start3A_285] : memref<2500x128xi32, #tpu.memory_space<hbm>> -> memref<1x128xi32, #tpu.memory_space<hbm>>
        %dma_start3A_287 = tpu.memref_squeeze %dma_start3A_286 : memref<1x128xi32, #tpu.memory_space<hbm>> -> memref<128xi32, #tpu.memory_space<hbm>>
        %dma_start3A_288 = arith.constant 0 : i32
        %dma_start3A_289 = tpu.memref_slice %arg4[%add3A_278, %dma_start3A_288] : memref<2500x128xi32, #tpu.memory_space<hbm>> -> memref<1x128xi32, #tpu.memory_space<hbm>>
        %dma_start3A_290 = tpu.memref_squeeze %dma_start3A_289 : memref<1x128xi32, #tpu.memory_space<hbm>> -> memref<128xi32, #tpu.memory_space<hbm>>
        tpu.enqueue_dma source(%dma_start3A_290 : memref<128xi32, #tpu.memory_space<hbm>>) target(%arg9 : memref<128xi32, #tpu.memory_space<vmem>>) target_semaphore(%arg16 : memref<!tpu.dma_semaphore, #tpu.memory_space<semaphore_mem>>)
        %add3A_291 = arith.addi %mul3A_4, %mul3A_236 : i32
        %add3A_292 = arith.constant 2 : i32
        %add3A_293 = arith.addi %add3A_291, %add3A_292 : i32
        %dma_wait3A_294 = arith.constant 0 : i32
        %dma_wait3A_295 = tpu.memref_slice %arg3[%add3A_293, %dma_wait3A_294] : memref<2500x128xi32, #tpu.memory_space<hbm>> -> memref<1x128xi32, #tpu.memory_space<hbm>>
        %dma_wait3A_296 = tpu.memref_squeeze %dma_wait3A_295 : memref<1x128xi32, #tpu.memory_space<hbm>> -> memref<128xi32, #tpu.memory_space<hbm>>
        %dma_wait3A_297 = arith.constant 0 : i32
        %dma_wait3A_298 = tpu.memref_slice %arg3[%add3A_293, %dma_wait3A_297] : memref<2500x128xi32, #tpu.memory_space<hbm>> -> memref<1x128xi32, #tpu.memory_space<hbm>>
        %dma_wait3A_299 = tpu.memref_squeeze %dma_wait3A_298 : memref<1x128xi32, #tpu.memory_space<hbm>> -> memref<128xi32, #tpu.memory_space<hbm>>
        tpu.wait_dma2 semaphore(%arg16 : memref<!tpu.dma_semaphore, #tpu.memory_space<semaphore_mem>>) src(%dma_wait3A_299 : memref<128xi32, #tpu.memory_space<hbm>>) dst(%arg7 : memref<128xi32, #tpu.memory_space<vmem>>)
        %dma_wait3A_300 = arith.constant 0 : i32
        %dma_wait3A_301 = tpu.memref_slice %arg4[%add3A_293, %dma_wait3A_300] : memref<2500x128xi32, #tpu.memory_space<hbm>> -> memref<1x128xi32, #tpu.memory_space<hbm>>
        %dma_wait3A_302 = tpu.memref_squeeze %dma_wait3A_301 : memref<1x128xi32, #tpu.memory_space<hbm>> -> memref<128xi32, #tpu.memory_space<hbm>>
        %dma_wait3A_303 = arith.constant 0 : i32
        %dma_wait3A_304 = tpu.memref_slice %arg4[%add3A_293, %dma_wait3A_303] : memref<2500x128xi32, #tpu.memory_space<hbm>> -> memref<1x128xi32, #tpu.memory_space<hbm>>
        %dma_wait3A_305 = tpu.memref_squeeze %dma_wait3A_304 : memref<1x128xi32, #tpu.memory_space<hbm>> -> memref<128xi32, #tpu.memory_space<hbm>>
        tpu.wait_dma2 semaphore(%arg16 : memref<!tpu.dma_semaphore, #tpu.memory_space<semaphore_mem>>) src(%dma_wait3A_305 : memref<128xi32, #tpu.memory_space<hbm>>) dst(%arg9 : memref<128xi32, #tpu.memory_space<vmem>>)
        %dma_start3A_306 = arith.constant 0 : i32
        %dma_start3A_307 = arith.constant 0 : i32
        %dma_start3A_308 = tpu.memref_slice %arg2[%dma_start3A_306, %dma_start3A_307] : memref<10000x128xf32, #tpu.memory_space<hbm>> -> memref<10000x128xf32, #tpu.memory_space<hbm>>
        tpu.enqueue_indirect_dma source(%dma_start3A_308 : memref<10000x128xf32, #tpu.memory_space<hbm>>) target(%arg11 : memref<128x128xf32, #tpu.memory_space<vmem>>) offsets(%arg7 : memref<128xi32, #tpu.memory_space<vmem>>) semaphore(%arg14 : memref<!tpu.dma_semaphore, #tpu.memory_space<semaphore_mem>>)
      } else {
      }
      %dma_wait3A_265 = arith.constant 0 : i32
      %dma_wait3A_266 = arith.constant 0 : i32
      %dma_wait3A_267 = tpu.memref_slice %arg2[%dma_wait3A_265, %dma_wait3A_266] : memref<10000x128xf32, #tpu.memory_space<hbm>> -> memref<10000x128xf32, #tpu.memory_space<hbm>>
      tpu.wait_indirect_dma semaphore(%arg15 : memref<!tpu.dma_semaphore, #tpu.memory_space<semaphore_mem>>) src(%dma_wait3A_267 : memref<10000x128xf32, #tpu.memory_space<hbm>>) dst(%arg12 : memref<128x128xf32, #tpu.memory_space<vmem>>)
      "tpu.region"() ({
        %run_scoped3A = tpu.sem_alloc : memref<!tpu.dma_semaphore, #tpu.memory_space<semaphore_mem>>
        %dma_start3A_276 = arith.constant 0 : i32
        %dma_start3A_277 = arith.constant 0 : i32
        %dma_start3A_278 = tpu.memref_slice %arg6[%dma_start3A_276, %dma_start3A_277] : memref<10000x128xf32, #tpu.memory_space<vmem_shared>> -> memref<10000x128xf32, #tpu.memory_space<vmem_shared>>
        tpu.enqueue_indirect_dma source(%arg12 : memref<128x128xf32, #tpu.memory_space<vmem>>) target(%dma_start3A_278 : memref<10000x128xf32, #tpu.memory_space<vmem_shared>>) offsets(%arg10 : memref<128xi32, #tpu.memory_space<vmem>>) semaphore(%run_scoped3A : memref<!tpu.dma_semaphore, #tpu.memory_space<semaphore_mem>>) {add = true}
        %dma_wait3A_279 = arith.constant 0 : i32
        %dma_wait3A_280 = arith.constant 0 : i32
        %dma_wait3A_281 = tpu.memref_slice %arg6[%dma_wait3A_279, %dma_wait3A_280] : memref<10000x128xf32, #tpu.memory_space<vmem_shared>> -> memref<10000x128xf32, #tpu.memory_space<vmem_shared>>
        tpu.wait_indirect_dma semaphore(%run_scoped3A : memref<!tpu.dma_semaphore, #tpu.memory_space<semaphore_mem>>) src(%arg12 : memref<128x128xf32, #tpu.memory_space<vmem>>) dst(%dma_wait3A_281 : memref<10000x128xf32, #tpu.memory_space<vmem_shared>>)
        tpu.yield
      }) : () -> ()
      %add3A_268 = arith.constant 2 : i32
      %add3A_269 = arith.addi %add3A_238, %add3A_268 : i32
      %lt3A_270 = arith.constant 78 : i32
      %lt3A_271 = arith.cmpi slt, %add3A_269, %lt3A_270 : i32
      %convert_element_type3A_272 = arith.extui %lt3A_271 : i1 to i32
      %cond3A_273 = arith.constant 0 : i32
      %cond3A_274 = arith.cmpi ne, %convert_element_type3A_272, %cond3A_273 : i32
      scf.if %cond3A_274 {
        %add3A_276 = arith.addi %mul3A_4, %add3A_238 : i32
        %add3A_277 = arith.constant 2 : i32
        %add3A_278 = arith.addi %add3A_276, %add3A_277 : i32
        %dma_start3A_279 = arith.constant 0 : i32
        %dma_start3A_280 = tpu.memref_slice %arg3[%add3A_278, %dma_start3A_279] : memref<2500x128xi32, #tpu.memory_space<hbm>> -> memref<1x128xi32, #tpu.memory_space<hbm>>
        %dma_start3A_281 = tpu.memref_squeeze %dma_start3A_280 : memref<1x128xi32, #tpu.memory_space<hbm>> -> memref<128xi32, #tpu.memory_space<hbm>>
        %dma_start3A_282 = arith.constant 0 : i32
        %dma_start3A_283 = tpu.memref_slice %arg3[%add3A_278, %dma_start3A_282] : memref<2500x128xi32, #tpu.memory_space<hbm>> -> memref<1x128xi32, #tpu.memory_space<hbm>>
        %dma_start3A_284 = tpu.memref_squeeze %dma_start3A_283 : memref<1x128xi32, #tpu.memory_space<hbm>> -> memref<128xi32, #tpu.memory_space<hbm>>
        tpu.enqueue_dma source(%dma_start3A_284 : memref<128xi32, #tpu.memory_space<hbm>>) target(%arg8 : memref<128xi32, #tpu.memory_space<vmem>>) target_semaphore(%arg17 : memref<!tpu.dma_semaphore, #tpu.memory_space<semaphore_mem>>)
        %dma_start3A_285 = arith.constant 0 : i32
        %dma_start3A_286 = tpu.memref_slice %arg4[%add3A_278, %dma_start3A_285] : memref<2500x128xi32, #tpu.memory_space<hbm>> -> memref<1x128xi32, #tpu.memory_space<hbm>>
        %dma_start3A_287 = tpu.memref_squeeze %dma_start3A_286 : memref<1x128xi32, #tpu.memory_space<hbm>> -> memref<128xi32, #tpu.memory_space<hbm>>
        %dma_start3A_288 = arith.constant 0 : i32
        %dma_start3A_289 = tpu.memref_slice %arg4[%add3A_278, %dma_start3A_288] : memref<2500x128xi32, #tpu.memory_space<hbm>> -> memref<1x128xi32, #tpu.memory_space<hbm>>
        %dma_start3A_290 = tpu.memref_squeeze %dma_start3A_289 : memref<1x128xi32, #tpu.memory_space<hbm>> -> memref<128xi32, #tpu.memory_space<hbm>>
        tpu.enqueue_dma source(%dma_start3A_290 : memref<128xi32, #tpu.memory_space<hbm>>) target(%arg10 : memref<128xi32, #tpu.memory_space<vmem>>) target_semaphore(%arg17 : memref<!tpu.dma_semaphore, #tpu.memory_space<semaphore_mem>>)
      } else {
      }
      %scan3A_275 = arith.constant 0 : i32
      scf.yield %scan3A_275 : i32
    }
    %scan3A_219 = arith.constant 39 : i32
    %lt3A = arith.constant 4 : i32
    %lt3A_220 = arith.cmpi slt, %add3A, %lt3A : i32
    %convert_element_type3A_221 = arith.extui %lt3A_220 : i1 to i32
    %cond3A_222 = arith.constant 0 : i32
    %cond3A_223 = arith.cmpi ne, %convert_element_type3A_221, %cond3A_222 : i32
    scf.if %cond3A_223 {
      %add3A_233 = arith.constant 2496 : i32
      %add3A_234 = arith.addi %add3A_233, %add3A : i32
      %dma_start3A_235 = arith.constant 0 : i32
      %dma_start3A_236 = tpu.memref_slice %arg3[%add3A_234, %dma_start3A_235] : memref<2500x128xi32, #tpu.memory_space<hbm>> -> memref<1x128xi32, #tpu.memory_space<hbm>>
      %dma_start3A_237 = tpu.memref_squeeze %dma_start3A_236 : memref<1x128xi32, #tpu.memory_space<hbm>> -> memref<128xi32, #tpu.memory_space<hbm>>
      %dma_start3A_238 = arith.constant 0 : i32
      %dma_start3A_239 = tpu.memref_slice %arg3[%add3A_234, %dma_start3A_238] : memref<2500x128xi32, #tpu.memory_space<hbm>> -> memref<1x128xi32, #tpu.memory_space<hbm>>
      %dma_start3A_240 = tpu.memref_squeeze %dma_start3A_239 : memref<1x128xi32, #tpu.memory_space<hbm>> -> memref<128xi32, #tpu.memory_space<hbm>>
      tpu.enqueue_dma source(%dma_start3A_240 : memref<128xi32, #tpu.memory_space<hbm>>) target(%arg7 : memref<128xi32, #tpu.memory_space<vmem>>) target_semaphore(%arg16 : memref<!tpu.dma_semaphore, #tpu.memory_space<semaphore_mem>>)
      %dma_start3A_241 = arith.constant 0 : i32
      %dma_start3A_242 = tpu.memref_slice %arg4[%add3A_234, %dma_start3A_241] : memref<2500x128xi32, #tpu.memory_space<hbm>> -> memref<1x128xi32, #tpu.memory_space<hbm>>
      %dma_start3A_243 = tpu.memref_squeeze %dma_start3A_242 : memref<1x128xi32, #tpu.memory_space<hbm>> -> memref<128xi32, #tpu.memory_space<hbm>>
      %dma_start3A_244 = arith.constant 0 : i32
      %dma_start3A_245 = tpu.memref_slice %arg4[%add3A_234, %dma_start3A_244] : memref<2500x128xi32, #tpu.memory_space<hbm>> -> memref<1x128xi32, #tpu.memory_space<hbm>>
      %dma_start3A_246 = tpu.memref_squeeze %dma_start3A_245 : memref<1x128xi32, #tpu.memory_space<hbm>> -> memref<128xi32, #tpu.memory_space<hbm>>
      tpu.enqueue_dma source(%dma_start3A_246 : memref<128xi32, #tpu.memory_space<hbm>>) target(%arg9 : memref<128xi32, #tpu.memory_space<vmem>>) target_semaphore(%arg16 : memref<!tpu.dma_semaphore, #tpu.memory_space<semaphore_mem>>)
      %dma_wait3A_247 = arith.constant 0 : i32
      %dma_wait3A_248 = tpu.memref_slice %arg3[%add3A_234, %dma_wait3A_247] : memref<2500x128xi32, #tpu.memory_space<hbm>> -> memref<1x128xi32, #tpu.memory_space<hbm>>
      %dma_wait3A_249 = tpu.memref_squeeze %dma_wait3A_248 : memref<1x128xi32, #tpu.memory_space<hbm>> -> memref<128xi32, #tpu.memory_space<hbm>>
      %dma_wait3A_250 = arith.constant 0 : i32
      %dma_wait3A_251 = tpu.memref_slice %arg3[%add3A_234, %dma_wait3A_250] : memref<2500x128xi32, #tpu.memory_space<hbm>> -> memref<1x128xi32, #tpu.memory_space<hbm>>
      %dma_wait3A_252 = tpu.memref_squeeze %dma_wait3A_251 : memref<1x128xi32, #tpu.memory_space<hbm>> -> memref<128xi32, #tpu.memory_space<hbm>>
      tpu.wait_dma2 semaphore(%arg16 : memref<!tpu.dma_semaphore, #tpu.memory_space<semaphore_mem>>) src(%dma_wait3A_252 : memref<128xi32, #tpu.memory_space<hbm>>) dst(%arg7 : memref<128xi32, #tpu.memory_space<vmem>>)
      %dma_wait3A_253 = arith.constant 0 : i32
      %dma_wait3A_254 = tpu.memref_slice %arg4[%add3A_234, %dma_wait3A_253] : memref<2500x128xi32, #tpu.memory_space<hbm>> -> memref<1x128xi32, #tpu.memory_space<hbm>>
      %dma_wait3A_255 = tpu.memref_squeeze %dma_wait3A_254 : memref<1x128xi32, #tpu.memory_space<hbm>> -> memref<128xi32, #tpu.memory_space<hbm>>
      %dma_wait3A_256 = arith.constant 0 : i32
      %dma_wait3A_257 = tpu.memref_slice %arg4[%add3A_234, %dma_wait3A_256] : memref<2500x128xi32, #tpu.memory_space<hbm>> -> memref<1x128xi32, #tpu.memory_space<hbm>>
      %dma_wait3A_258 = tpu.memref_squeeze %dma_wait3A_257 : memref<1x128xi32, #tpu.memory_space<hbm>> -> memref<128xi32, #tpu.memory_space<hbm>>
      tpu.wait_dma2 semaphore(%arg16 : memref<!tpu.dma_semaphore, #tpu.memory_space<semaphore_mem>>) src(%dma_wait3A_258 : memref<128xi32, #tpu.memory_space<hbm>>) dst(%arg9 : memref<128xi32, #tpu.memory_space<vmem>>)
      %dma_start3A_259 = arith.constant 0 : i32
      %dma_start3A_260 = arith.constant 0 : i32
      %dma_start3A_261 = tpu.memref_slice %arg2[%dma_start3A_259, %dma_start3A_260] : memref<10000x128xf32, #tpu.memory_space<hbm>> -> memref<10000x128xf32, #tpu.memory_space<hbm>>
      tpu.enqueue_indirect_dma source(%dma_start3A_261 : memref<10000x128xf32, #tpu.memory_space<hbm>>) target(%arg11 : memref<128x128xf32, #tpu.memory_space<vmem>>) offsets(%arg7 : memref<128xi32, #tpu.memory_space<vmem>>) semaphore(%arg14 : memref<!tpu.dma_semaphore, #tpu.memory_space<semaphore_mem>>)
      %dma_wait3A_262 = arith.constant 0 : i32
      %dma_wait3A_263 = arith.constant 0 : i32
      %dma_wait3A_264 = tpu.memref_slice %arg2[%dma_wait3A_262, %dma_wait3A_263] : memref<10000x128xf32, #tpu.memory_space<hbm>> -> memref<10000x128xf32, #tpu.memory_space<hbm>>
      tpu.wait_indirect_dma semaphore(%arg14 : memref<!tpu.dma_semaphore, #tpu.memory_space<semaphore_mem>>) src(%dma_wait3A_264 : memref<10000x128xf32, #tpu.memory_space<hbm>>) dst(%arg11 : memref<128x128xf32, #tpu.memory_space<vmem>>)
      "tpu.region"() ({
        %run_scoped3A = tpu.sem_alloc : memref<!tpu.dma_semaphore, #tpu.memory_space<semaphore_mem>>
        %dma_start3A_265 = arith.constant 0 : i32
        %dma_start3A_266 = arith.constant 0 : i32
        %dma_start3A_267 = tpu.memref_slice %arg6[%dma_start3A_265, %dma_start3A_266] : memref<10000x128xf32, #tpu.memory_space<vmem_shared>> -> memref<10000x128xf32, #tpu.memory_space<vmem_shared>>
        tpu.enqueue_indirect_dma source(%arg11 : memref<128x128xf32, #tpu.memory_space<vmem>>) target(%dma_start3A_267 : memref<10000x128xf32, #tpu.memory_space<vmem_shared>>) offsets(%arg9 : memref<128xi32, #tpu.memory_space<vmem>>) semaphore(%run_scoped3A : memref<!tpu.dma_semaphore, #tpu.memory_space<semaphore_mem>>) {add = true}
        %dma_wait3A_268 = arith.constant 0 : i32
        %dma_wait3A_269 = arith.constant 0 : i32
        %dma_wait3A_270 = tpu.memref_slice %arg6[%dma_wait3A_268, %dma_wait3A_269] : memref<10000x128xf32, #tpu.memory_space<vmem_shared>> -> memref<10000x128xf32, #tpu.memory_space<vmem_shared>>
        tpu.wait_indirect_dma semaphore(%run_scoped3A : memref<!tpu.dma_semaphore, #tpu.memory_space<semaphore_mem>>) src(%arg11 : memref<128x128xf32, #tpu.memory_space<vmem>>) dst(%dma_wait3A_270 : memref<10000x128xf32, #tpu.memory_space<vmem_shared>>)
        tpu.yield
      }) : () -> ()
    } else {
    }
    %barrier3A_224 = arith.constant 0 : index
    tpu.barrier barrier_id(%barrier3A_224)
    %mul3A_225 = arith.constant 10000 : i32
    %mul3A_226 = arith.muli %arg0, %mul3A_225 : i32
    %add3A_227 = arith.addi %mul3A_226, %mul3A_2 : i32
    "tpu.region"() ({
      %run_scoped3A = tpu.sem_alloc : memref<!tpu.dma_semaphore, #tpu.memory_space<semaphore_mem>>
      %dma_start3A_233 = arith.constant 0 : i32
      %dma_start3A_234 = tpu.memref_slice %arg5[%add3A_227, %dma_start3A_233] : memref<20000x128xf32, #tpu.memory_space<hbm>> -> memref<624x128xf32, #tpu.memory_space<hbm>>
      %dma_start3A_235 = arith.constant 0 : i32
      %dma_start3A_236 = tpu.memref_slice %arg6[%mul3A_2, %dma_start3A_235] : memref<10000x128xf32, #tpu.memory_space<vmem_shared>> -> memref<624x128xf32, #tpu.memory_space<vmem_shared>>
      tpu.enqueue_dma source(%dma_start3A_236 : memref<624x128xf32, #tpu.memory_space<vmem_shared>>) target(%dma_start3A_234 : memref<624x128xf32, #tpu.memory_space<hbm>>) target_semaphore(%run_scoped3A : memref<!tpu.dma_semaphore, #tpu.memory_space<semaphore_mem>>)
      %dma_wait3A_237 = arith.constant 0 : i32
      %dma_wait3A_238 = tpu.memref_slice %arg5[%add3A_227, %dma_wait3A_237] : memref<20000x128xf32, #tpu.memory_space<hbm>> -> memref<624x128xf32, #tpu.memory_space<hbm>>
      %dma_wait3A_239 = arith.constant 0 : i32
      %dma_wait3A_240 = tpu.memref_slice %arg6[%mul3A_2, %dma_wait3A_239] : memref<10000x128xf32, #tpu.memory_space<vmem_shared>> -> memref<624x128xf32, #tpu.memory_space<vmem_shared>>
      tpu.wait_dma2 semaphore(%run_scoped3A : memref<!tpu.dma_semaphore, #tpu.memory_space<semaphore_mem>>) src(%dma_wait3A_240 : memref<624x128xf32, #tpu.memory_space<vmem_shared>>) dst(%dma_wait3A_238 : memref<624x128xf32, #tpu.memory_space<hbm>>)
      tpu.yield
    }) : () -> ()
    %eq3A_228 = arith.constant 15 : i32
    %eq3A_229 = arith.cmpi eq, %arg1, %eq3A_228 : i32
    %convert_element_type3A_230 = arith.extui %eq3A_229 : i1 to i32
    %cond3A_231 = arith.constant 0 : i32
    %cond3A_232 = arith.cmpi ne, %convert_element_type3A_230, %cond3A_231 : i32
    scf.if %cond3A_232 {
      %mul3A_233 = arith.constant 10000 : i32
      %mul3A_234 = arith.muli %arg0, %mul3A_233 : i32
      %add3A_235 = arith.constant 9984 : i32
      %add3A_236 = arith.addi %mul3A_234, %add3A_235 : i32
      "tpu.region"() ({
        %run_scoped3A = tpu.sem_alloc : memref<!tpu.dma_semaphore, #tpu.memory_space<semaphore_mem>>
        %dma_start3A_237 = arith.constant 0 : i32
        %dma_start3A_238 = tpu.memref_slice %arg5[%add3A_236, %dma_start3A_237] : memref<20000x128xf32, #tpu.memory_space<hbm>> -> memref<16x128xf32, #tpu.memory_space<hbm>>
        %dma_start3A_239 = arith.constant 9984 : i32
        %dma_start3A_240 = arith.constant 0 : i32
        %dma_start3A_241 = tpu.memref_slice %arg6[%dma_start3A_239, %dma_start3A_240] : memref<10000x128xf32, #tpu.memory_space<vmem_shared>> -> memref<16x128xf32, #tpu.memory_space<vmem_shared>>
        tpu.enqueue_dma source(%dma_start3A_241 : memref<16x128xf32, #tpu.memory_space<vmem_shared>>) target(%dma_start3A_238 : memref<16x128xf32, #tpu.memory_space<hbm>>) target_semaphore(%run_scoped3A : memref<!tpu.dma_semaphore, #tpu.memory_space<semaphore_mem>>)
        %dma_wait3A_242 = arith.constant 0 : i32
        %dma_wait3A_243 = tpu.memref_slice %arg5[%add3A_236, %dma_wait3A_242] : memref<20000x128xf32, #tpu.memory_space<hbm>> -> memref<16x128xf32, #tpu.memory_space<hbm>>
        %dma_wait3A_244 = arith.constant 9984 : i32
        %dma_wait3A_245 = arith.constant 0 : i32
        %dma_wait3A_246 = tpu.memref_slice %arg6[%dma_wait3A_244, %dma_wait3A_245] : memref<10000x128xf32, #tpu.memory_space<vmem_shared>> -> memref<16x128xf32, #tpu.memory_space<vmem_shared>>
        tpu.wait_dma2 semaphore(%run_scoped3A : memref<!tpu.dma_semaphore, #tpu.memory_space<semaphore_mem>>) src(%dma_wait3A_246 : memref<16x128xf32, #tpu.memory_space<vmem_shared>>) dst(%dma_wait3A_243 : memref<16x128xf32, #tpu.memory_space<hbm>>)
        tpu.yield
      }) : () -> ()
    } else {
    }
    return
  }
}

#map = affine_map<(d0, d1) -> (0, 0)>
module attributes {stable_mosaic.version = 14 : i64} {
  func.func @_sc_degrees_body(%arg0: i32, %arg1: i32, %arg2: memref<2500x128xi32, #tpu.memory_space<hbm>>, %arg3: memref<2500x128xi32, #tpu.memory_space<hbm>>, %arg4: memref<20000x16xf32, #tpu.memory_space<hbm>>, %arg5: memref<20000x16xf32, #tpu.memory_space<hbm>>, %arg6: memref<10000x16xf32, #tpu.memory_space<vmem_shared>>, %arg7: memref<10000x16xf32, #tpu.memory_space<vmem_shared>>, %arg8: memref<79x128xi32, #tpu.memory_space<vmem>>, %arg9: memref<79x128xi32, #tpu.memory_space<vmem>>, %arg10: memref<128x16xf32, #tpu.memory_space<vmem>>, %arg11: memref<48x16xf32, #tpu.memory_space<vmem>>, %arg12: memref<!tpu.dma_semaphore, #tpu.memory_space<semaphore_mem>>) attributes {dimension_semantics = [#tpu.dimension_semantics<core_parallel>, #tpu.dimension_semantics<subcore_parallel>], iteration_bounds = array<i64: 2, 16>, scalar_prefetch = 0 : i64, scratch_operands = 7 : i64, tpu.core_type = #tpu.core_type<sc_vector_subcore>, window_params = [{transform_indices = #map}, {transform_indices = #map}, {transform_indices = #map}, {transform_indices = #map}]} {
    %mul3A = arith.constant 16 : i32
    %mul3A_0 = arith.muli %arg0, %mul3A : i32
    %add3A = arith.addi %mul3A_0, %arg1 : i32
    %mul3A_1 = arith.constant 78 : i32
    %mul3A_2 = arith.muli %add3A, %mul3A_1 : i32
    "tpu.region"() ({
      %run_scoped3A = tpu.sem_alloc : memref<!tpu.dma_semaphore, #tpu.memory_space<semaphore_mem>>
      %dma_start3A = arith.constant 0 : i32
      %dma_start3A_99 = arith.constant 0 : i32
      %dma_start3A_100 = tpu.memref_slice %arg8[%dma_start3A, %dma_start3A_99] : memref<79x128xi32, #tpu.memory_space<vmem>> -> memref<78x128xi32, #tpu.memory_space<vmem>>
      %dma_start3A_101 = arith.constant 0 : i32
      %dma_start3A_102 = tpu.memref_slice %arg2[%mul3A_2, %dma_start3A_101] : memref<2500x128xi32, #tpu.memory_space<hbm>> -> memref<78x128xi32, #tpu.memory_space<hbm>>
      %dma_start3A_103 = arith.constant 0 : i32
      %dma_start3A_104 = arith.constant 0 : i32
      %dma_start3A_105 = tpu.memref_slice %arg8[%dma_start3A_103, %dma_start3A_104] : memref<79x128xi32, #tpu.memory_space<vmem>> -> memref<78x128xi32, #tpu.memory_space<vmem>>
      %dma_start3A_106 = arith.constant 0 : i32
      %dma_start3A_107 = tpu.memref_slice %arg2[%mul3A_2, %dma_start3A_106] : memref<2500x128xi32, #tpu.memory_space<hbm>> -> memref<78x128xi32, #tpu.memory_space<hbm>>
      tpu.enqueue_dma source(%dma_start3A_107 : memref<78x128xi32, #tpu.memory_space<hbm>>) target(%dma_start3A_105 : memref<78x128xi32, #tpu.memory_space<vmem>>) target_semaphore(%run_scoped3A : memref<!tpu.dma_semaphore, #tpu.memory_space<semaphore_mem>>)
      %dma_wait3A = arith.constant 0 : i32
      %dma_wait3A_108 = arith.constant 0 : i32
      %dma_wait3A_109 = tpu.memref_slice %arg8[%dma_wait3A, %dma_wait3A_108] : memref<79x128xi32, #tpu.memory_space<vmem>> -> memref<78x128xi32, #tpu.memory_space<vmem>>
      %dma_wait3A_110 = arith.constant 0 : i32
      %dma_wait3A_111 = tpu.memref_slice %arg2[%mul3A_2, %dma_wait3A_110] : memref<2500x128xi32, #tpu.memory_space<hbm>> -> memref<78x128xi32, #tpu.memory_space<hbm>>
      %dma_wait3A_112 = arith.constant 0 : i32
      %dma_wait3A_113 = arith.constant 0 : i32
      %dma_wait3A_114 = tpu.memref_slice %arg8[%dma_wait3A_112, %dma_wait3A_113] : memref<79x128xi32, #tpu.memory_space<vmem>> -> memref<78x128xi32, #tpu.memory_space<vmem>>
      %dma_wait3A_115 = arith.constant 0 : i32
      %dma_wait3A_116 = tpu.memref_slice %arg2[%mul3A_2, %dma_wait3A_115] : memref<2500x128xi32, #tpu.memory_space<hbm>> -> memref<78x128xi32, #tpu.memory_space<hbm>>
      tpu.wait_dma2 semaphore(%run_scoped3A : memref<!tpu.dma_semaphore, #tpu.memory_space<semaphore_mem>>) src(%dma_wait3A_116 : memref<78x128xi32, #tpu.memory_space<hbm>>) dst(%dma_wait3A_114 : memref<78x128xi32, #tpu.memory_space<vmem>>)
      tpu.yield
    }) : () -> ()
    %mul3A_3 = arith.constant 78 : i32
    %mul3A_4 = arith.muli %add3A, %mul3A_3 : i32
    "tpu.region"() ({
      %run_scoped3A = tpu.sem_alloc : memref<!tpu.dma_semaphore, #tpu.memory_space<semaphore_mem>>
      %dma_start3A = arith.constant 0 : i32
      %dma_start3A_99 = arith.constant 0 : i32
      %dma_start3A_100 = tpu.memref_slice %arg9[%dma_start3A, %dma_start3A_99] : memref<79x128xi32, #tpu.memory_space<vmem>> -> memref<78x128xi32, #tpu.memory_space<vmem>>
      %dma_start3A_101 = arith.constant 0 : i32
      %dma_start3A_102 = tpu.memref_slice %arg3[%mul3A_4, %dma_start3A_101] : memref<2500x128xi32, #tpu.memory_space<hbm>> -> memref<78x128xi32, #tpu.memory_space<hbm>>
      %dma_start3A_103 = arith.constant 0 : i32
      %dma_start3A_104 = arith.constant 0 : i32
      %dma_start3A_105 = tpu.memref_slice %arg9[%dma_start3A_103, %dma_start3A_104] : memref<79x128xi32, #tpu.memory_space<vmem>> -> memref<78x128xi32, #tpu.memory_space<vmem>>
      %dma_start3A_106 = arith.constant 0 : i32
      %dma_start3A_107 = tpu.memref_slice %arg3[%mul3A_4, %dma_start3A_106] : memref<2500x128xi32, #tpu.memory_space<hbm>> -> memref<78x128xi32, #tpu.memory_space<hbm>>
      tpu.enqueue_dma source(%dma_start3A_107 : memref<78x128xi32, #tpu.memory_space<hbm>>) target(%dma_start3A_105 : memref<78x128xi32, #tpu.memory_space<vmem>>) target_semaphore(%run_scoped3A : memref<!tpu.dma_semaphore, #tpu.memory_space<semaphore_mem>>)
      %dma_wait3A = arith.constant 0 : i32
      %dma_wait3A_108 = arith.constant 0 : i32
      %dma_wait3A_109 = tpu.memref_slice %arg9[%dma_wait3A, %dma_wait3A_108] : memref<79x128xi32, #tpu.memory_space<vmem>> -> memref<78x128xi32, #tpu.memory_space<vmem>>
      %dma_wait3A_110 = arith.constant 0 : i32
      %dma_wait3A_111 = tpu.memref_slice %arg3[%mul3A_4, %dma_wait3A_110] : memref<2500x128xi32, #tpu.memory_space<hbm>> -> memref<78x128xi32, #tpu.memory_space<hbm>>
      %dma_wait3A_112 = arith.constant 0 : i32
      %dma_wait3A_113 = arith.constant 0 : i32
      %dma_wait3A_114 = tpu.memref_slice %arg9[%dma_wait3A_112, %dma_wait3A_113] : memref<79x128xi32, #tpu.memory_space<vmem>> -> memref<78x128xi32, #tpu.memory_space<vmem>>
      %dma_wait3A_115 = arith.constant 0 : i32
      %dma_wait3A_116 = tpu.memref_slice %arg3[%mul3A_4, %dma_wait3A_115] : memref<2500x128xi32, #tpu.memory_space<hbm>> -> memref<78x128xi32, #tpu.memory_space<hbm>>
      tpu.wait_dma2 semaphore(%run_scoped3A : memref<!tpu.dma_semaphore, #tpu.memory_space<semaphore_mem>>) src(%dma_wait3A_116 : memref<78x128xi32, #tpu.memory_space<hbm>>) dst(%dma_wait3A_114 : memref<78x128xi32, #tpu.memory_space<vmem>>)
      tpu.yield
    }) : () -> ()
    %lt3A = arith.constant 4 : i32
    %lt3A_5 = arith.cmpi slt, %add3A, %lt3A : i32
    %convert_element_type3A = arith.extui %lt3A_5 : i1 to i32
    %cond3A = arith.constant 0 : i32
    %cond3A_6 = arith.cmpi ne, %convert_element_type3A, %cond3A : i32
    scf.if %cond3A_6 {
      %add3A_99 = arith.constant 2496 : i32
      %add3A_100 = arith.addi %add3A_99, %add3A : i32
      "tpu.region"() ({
        %run_scoped3A = tpu.sem_alloc : memref<!tpu.dma_semaphore, #tpu.memory_space<semaphore_mem>>
        %dma_start3A = arith.constant 78 : i32
        %dma_start3A_103 = arith.constant 0 : i32
        %dma_start3A_104 = tpu.memref_slice %arg8[%dma_start3A, %dma_start3A_103] : memref<79x128xi32, #tpu.memory_space<vmem>> -> memref<1x128xi32, #tpu.memory_space<vmem>>
        %dma_start3A_105 = arith.constant 0 : i32
        %dma_start3A_106 = tpu.memref_slice %arg2[%add3A_100, %dma_start3A_105] : memref<2500x128xi32, #tpu.memory_space<hbm>> -> memref<1x128xi32, #tpu.memory_space<hbm>>
        %dma_start3A_107 = arith.constant 78 : i32
        %dma_start3A_108 = arith.constant 0 : i32
        %dma_start3A_109 = tpu.memref_slice %arg8[%dma_start3A_107, %dma_start3A_108] : memref<79x128xi32, #tpu.memory_space<vmem>> -> memref<1x128xi32, #tpu.memory_space<vmem>>
        %dma_start3A_110 = arith.constant 0 : i32
        %dma_start3A_111 = tpu.memref_slice %arg2[%add3A_100, %dma_start3A_110] : memref<2500x128xi32, #tpu.memory_space<hbm>> -> memref<1x128xi32, #tpu.memory_space<hbm>>
        tpu.enqueue_dma source(%dma_start3A_111 : memref<1x128xi32, #tpu.memory_space<hbm>>) target(%dma_start3A_109 : memref<1x128xi32, #tpu.memory_space<vmem>>) target_semaphore(%run_scoped3A : memref<!tpu.dma_semaphore, #tpu.memory_space<semaphore_mem>>)
        %dma_wait3A = arith.constant 78 : i32
        %dma_wait3A_112 = arith.constant 0 : i32
        %dma_wait3A_113 = tpu.memref_slice %arg8[%dma_wait3A, %dma_wait3A_112] : memref<79x128xi32, #tpu.memory_space<vmem>> -> memref<1x128xi32, #tpu.memory_space<vmem>>
        %dma_wait3A_114 = arith.constant 0 : i32
        %dma_wait3A_115 = tpu.memref_slice %arg2[%add3A_100, %dma_wait3A_114] : memref<2500x128xi32, #tpu.memory_space<hbm>> -> memref<1x128xi32, #tpu.memory_space<hbm>>
        %dma_wait3A_116 = arith.constant 78 : i32
        %dma_wait3A_117 = arith.constant 0 : i32
        %dma_wait3A_118 = tpu.memref_slice %arg8[%dma_wait3A_116, %dma_wait3A_117] : memref<79x128xi32, #tpu.memory_space<vmem>> -> memref<1x128xi32, #tpu.memory_space<vmem>>
        %dma_wait3A_119 = arith.constant 0 : i32
        %dma_wait3A_120 = tpu.memref_slice %arg2[%add3A_100, %dma_wait3A_119] : memref<2500x128xi32, #tpu.memory_space<hbm>> -> memref<1x128xi32, #tpu.memory_space<hbm>>
        tpu.wait_dma2 semaphore(%run_scoped3A : memref<!tpu.dma_semaphore, #tpu.memory_space<semaphore_mem>>) src(%dma_wait3A_120 : memref<1x128xi32, #tpu.memory_space<hbm>>) dst(%dma_wait3A_118 : memref<1x128xi32, #tpu.memory_space<vmem>>)
        tpu.yield
      }) : () -> ()
      %add3A_101 = arith.constant 2496 : i32
      %add3A_102 = arith.addi %add3A_101, %add3A : i32
      "tpu.region"() ({
        %run_scoped3A = tpu.sem_alloc : memref<!tpu.dma_semaphore, #tpu.memory_space<semaphore_mem>>
        %dma_start3A = arith.constant 78 : i32
        %dma_start3A_103 = arith.constant 0 : i32
        %dma_start3A_104 = tpu.memref_slice %arg9[%dma_start3A, %dma_start3A_103] : memref<79x128xi32, #tpu.memory_space<vmem>> -> memref<1x128xi32, #tpu.memory_space<vmem>>
        %dma_start3A_105 = arith.constant 0 : i32
        %dma_start3A_106 = tpu.memref_slice %arg3[%add3A_102, %dma_start3A_105] : memref<2500x128xi32, #tpu.memory_space<hbm>> -> memref<1x128xi32, #tpu.memory_space<hbm>>
        %dma_start3A_107 = arith.constant 78 : i32
        %dma_start3A_108 = arith.constant 0 : i32
        %dma_start3A_109 = tpu.memref_slice %arg9[%dma_start3A_107, %dma_start3A_108] : memref<79x128xi32, #tpu.memory_space<vmem>> -> memref<1x128xi32, #tpu.memory_space<vmem>>
        %dma_start3A_110 = arith.constant 0 : i32
        %dma_start3A_111 = tpu.memref_slice %arg3[%add3A_102, %dma_start3A_110] : memref<2500x128xi32, #tpu.memory_space<hbm>> -> memref<1x128xi32, #tpu.memory_space<hbm>>
        tpu.enqueue_dma source(%dma_start3A_111 : memref<1x128xi32, #tpu.memory_space<hbm>>) target(%dma_start3A_109 : memref<1x128xi32, #tpu.memory_space<vmem>>) target_semaphore(%run_scoped3A : memref<!tpu.dma_semaphore, #tpu.memory_space<semaphore_mem>>)
        %dma_wait3A = arith.constant 78 : i32
        %dma_wait3A_112 = arith.constant 0 : i32
        %dma_wait3A_113 = tpu.memref_slice %arg9[%dma_wait3A, %dma_wait3A_112] : memref<79x128xi32, #tpu.memory_space<vmem>> -> memref<1x128xi32, #tpu.memory_space<vmem>>
        %dma_wait3A_114 = arith.constant 0 : i32
        %dma_wait3A_115 = tpu.memref_slice %arg3[%add3A_102, %dma_wait3A_114] : memref<2500x128xi32, #tpu.memory_space<hbm>> -> memref<1x128xi32, #tpu.memory_space<hbm>>
        %dma_wait3A_116 = arith.constant 78 : i32
        %dma_wait3A_117 = arith.constant 0 : i32
        %dma_wait3A_118 = tpu.memref_slice %arg9[%dma_wait3A_116, %dma_wait3A_117] : memref<79x128xi32, #tpu.memory_space<vmem>> -> memref<1x128xi32, #tpu.memory_space<vmem>>
        %dma_wait3A_119 = arith.constant 0 : i32
        %dma_wait3A_120 = tpu.memref_slice %arg3[%add3A_102, %dma_wait3A_119] : memref<2500x128xi32, #tpu.memory_space<hbm>> -> memref<1x128xi32, #tpu.memory_space<hbm>>
        tpu.wait_dma2 semaphore(%run_scoped3A : memref<!tpu.dma_semaphore, #tpu.memory_space<semaphore_mem>>) src(%dma_wait3A_120 : memref<1x128xi32, #tpu.memory_space<hbm>>) dst(%dma_wait3A_118 : memref<1x128xi32, #tpu.memory_space<vmem>>)
        tpu.yield
      }) : () -> ()
    } else {
    }
    %scan3A = arith.constant 0 : i32
    %scan3A_7 = arith.constant 0 : i32
    %scan3A_8 = arith.constant 128 : i32
    %scan3A_9 = arith.addi %scan3A_7, %scan3A_8 : i32
    %scan3A_10 = arith.constant 1 : i32
    %scan3A_11 = scf.for %scan3A_99 = %scan3A_7 to %scan3A_9 step %scan3A_10 iter_args(%scan3A_100 = %scan3A) -> (i32)  : i32 {
      %broadcast_in_dim3A = arith.constant 1.000000e+00 : f32
      %broadcast_in_dim3A_101 = vector.broadcast %broadcast_in_dim3A : f32 to vector<16xf32>
      %swap3A = arith.index_cast %scan3A_99 : i32 to index
      %swap3A_102 = arith.constant 0 : index
      %swap3A_103 = tpu.vector_load %arg10[%swap3A, %swap3A_102] {strides = array<i32>} : memref<128x16xf32, #tpu.memory_space<vmem>>, vector<1x16xf32>,
      %swap3A_104 = vector.shape_cast %swap3A_103 : vector<1x16xf32> to vector<16xf32>
      %swap3A_105 = vector.shape_cast %broadcast_in_dim3A_101 : vector<16xf32> to vector<1x16xf32>
      tpu.vector_store %arg10[%swap3A, %swap3A_102], %swap3A_105 {strides = array<i32>} : memref<128x16xf32, #tpu.memory_space<vmem>>, vector<1x16xf32>,
      %scan3A_106 = arith.constant 0 : i32
      scf.yield %scan3A_106 : i32
    }
    %scan3A_12 = arith.constant 128 : i32
    %scan3A_13 = arith.constant 0 : i32
    %scan3A_14 = arith.constant 0 : i32
    %scan3A_15 = arith.constant 48 : i32
    %scan3A_16 = arith.addi %scan3A_14, %scan3A_15 : i32
    %scan3A_17 = arith.constant 1 : i32
    %scan3A_18 = scf.for %scan3A_99 = %scan3A_14 to %scan3A_16 step %scan3A_17 iter_args(%scan3A_100 = %scan3A_13) -> (i32)  : i32 {
      %scan3A_101 = arith.constant 0 : i32
      %scan3A_102 = arith.constant 0 : i32
      %broadcast_in_dim3A = arith.constant 0.000000e+00 : f32
      %broadcast_in_dim3A_103 = vector.broadcast %broadcast_in_dim3A : f32 to vector<16xf32>
      %mul3A_104 = arith.constant 16 : i32
      %mul3A_105 = arith.muli %scan3A_102, %mul3A_104 : i32
      %swap3A = arith.index_cast %scan3A_99 : i32 to index
      %swap3A_106 = arith.index_cast %mul3A_105 : i32 to index
      %swap3A_107 = tpu.vector_load %arg11[%swap3A, %swap3A_106] {strides = array<i32>} : memref<48x16xf32, #tpu.memory_space<vmem>>, vector<1x16xf32>,
      %swap3A_108 = vector.shape_cast %swap3A_107 : vector<1x16xf32> to vector<16xf32>
      %swap3A_109 = vector.shape_cast %broadcast_in_dim3A_103 : vector<16xf32> to vector<1x16xf32>
      tpu.vector_store %arg11[%swap3A, %swap3A_106], %swap3A_109 {strides = array<i32>} : memref<48x16xf32, #tpu.memory_space<vmem>>, vector<1x16xf32>,
      %scan3A_110 = arith.constant 0 : i32
      %scan3A_111 = arith.constant 1 : i32
      %scan3A_112 = arith.constant 0 : i32
      scf.yield %scan3A_112 : i32
    }
    %scan3A_19 = arith.constant 48 : i32
    %mul3A_20 = arith.constant 624 : i32
    %mul3A_21 = arith.muli %arg1, %mul3A_20 : i32
    %add3A_22 = arith.constant 0 : i32
    %add3A_23 = arith.addi %mul3A_21, %add3A_22 : i32
    "tpu.region"() ({
      %run_scoped3A = tpu.sem_alloc : memref<!tpu.dma_semaphore, #tpu.memory_space<semaphore_mem>>
      %dma_start3A = arith.constant 0 : i32
      %dma_start3A_99 = tpu.memref_slice %arg6[%add3A_23, %dma_start3A] : memref<10000x16xf32, #tpu.memory_space<vmem_shared>> -> memref<48x16xf32, #tpu.memory_space<vmem_shared>>
      %dma_start3A_100 = arith.constant 0 : i32
      %dma_start3A_101 = tpu.memref_slice %arg6[%add3A_23, %dma_start3A_100] : memref<10000x16xf32, #tpu.memory_space<vmem_shared>> -> memref<48x16xf32, #tpu.memory_space<vmem_shared>>
      tpu.enqueue_dma source(%arg11 : memref<48x16xf32, #tpu.memory_space<vmem>>) target(%dma_start3A_101 : memref<48x16xf32, #tpu.memory_space<vmem_shared>>) target_semaphore(%run_scoped3A : memref<!tpu.dma_semaphore, #tpu.memory_space<semaphore_mem>>)
      %dma_wait3A = arith.constant 0 : i32
      %dma_wait3A_102 = tpu.memref_slice %arg6[%add3A_23, %dma_wait3A] : memref<10000x16xf32, #tpu.memory_space<vmem_shared>> -> memref<48x16xf32, #tpu.memory_space<vmem_shared>>
      %dma_wait3A_103 = arith.constant 0 : i32
      %dma_wait3A_104 = tpu.memref_slice %arg6[%add3A_23, %dma_wait3A_103] : memref<10000x16xf32, #tpu.memory_space<vmem_shared>> -> memref<48x16xf32, #tpu.memory_space<vmem_shared>>
      tpu.wait_dma2 semaphore(%run_scoped3A : memref<!tpu.dma_semaphore, #tpu.memory_space<semaphore_mem>>) src(%arg11 : memref<48x16xf32, #tpu.memory_space<vmem>>) dst(%dma_wait3A_104 : memref<48x16xf32, #tpu.memory_space<vmem_shared>>)
      tpu.yield
    }) : () -> ()
    %add3A_24 = arith.constant 0 : i32
    %add3A_25 = arith.addi %mul3A_21, %add3A_24 : i32
    "tpu.region"() ({
      %run_scoped3A = tpu.sem_alloc : memref<!tpu.dma_semaphore, #tpu.memory_space<semaphore_mem>>
      %dma_start3A = arith.constant 0 : i32
      %dma_start3A_99 = tpu.memref_slice %arg7[%add3A_25, %dma_start3A] : memref<10000x16xf32, #tpu.memory_space<vmem_shared>> -> memref<48x16xf32, #tpu.memory_space<vmem_shared>>
      %dma_start3A_100 = arith.constant 0 : i32
      %dma_start3A_101 = tpu.memref_slice %arg7[%add3A_25, %dma_start3A_100] : memref<10000x16xf32, #tpu.memory_space<vmem_shared>> -> memref<48x16xf32, #tpu.memory_space<vmem_shared>>
      tpu.enqueue_dma source(%arg11 : memref<48x16xf32, #tpu.memory_space<vmem>>) target(%dma_start3A_101 : memref<48x16xf32, #tpu.memory_space<vmem_shared>>) target_semaphore(%run_scoped3A : memref<!tpu.dma_semaphore, #tpu.memory_space<semaphore_mem>>)
      %dma_wait3A = arith.constant 0 : i32
      %dma_wait3A_102 = tpu.memref_slice %arg7[%add3A_25, %dma_wait3A] : memref<10000x16xf32, #tpu.memory_space<vmem_shared>> -> memref<48x16xf32, #tpu.memory_space<vmem_shared>>
      %dma_wait3A_103 = arith.constant 0 : i32
      %dma_wait3A_104 = tpu.memref_slice %arg7[%add3A_25, %dma_wait3A_103] : memref<10000x16xf32, #tpu.memory_space<vmem_shared>> -> memref<48x16xf32, #tpu.memory_space<vmem_shared>>
      tpu.wait_dma2 semaphore(%run_scoped3A : memref<!tpu.dma_semaphore, #tpu.memory_space<semaphore_mem>>) src(%arg11 : memref<48x16xf32, #tpu.memory_space<vmem>>) dst(%dma_wait3A_104 : memref<48x16xf32, #tpu.memory_space<vmem_shared>>)
      tpu.yield
    }) : () -> ()
    %add3A_26 = arith.constant 48 : i32
    %add3A_27 = arith.addi %mul3A_21, %add3A_26 : i32
    "tpu.region"() ({
      %run_scoped3A = tpu.sem_alloc : memref<!tpu.dma_semaphore, #tpu.memory_space<semaphore_mem>>
      %dma_start3A = arith.constant 0 : i32
      %dma_start3A_99 = tpu.memref_slice %arg6[%add3A_27, %dma_start3A] : memref<10000x16xf32, #tpu.memory_space<vmem_shared>> -> memref<48x16xf32, #tpu.memory_space<vmem_shared>>
      %dma_start3A_100 = arith.constant 0 : i32
      %dma_start3A_101 = tpu.memref_slice %arg6[%add3A_27, %dma_start3A_100] : memref<10000x16xf32, #tpu.memory_space<vmem_shared>> -> memref<48x16xf32, #tpu.memory_space<vmem_shared>>
      tpu.enqueue_dma source(%arg11 : memref<48x16xf32, #tpu.memory_space<vmem>>) target(%dma_start3A_101 : memref<48x16xf32, #tpu.memory_space<vmem_shared>>) target_semaphore(%run_scoped3A : memref<!tpu.dma_semaphore, #tpu.memory_space<semaphore_mem>>)
      %dma_wait3A = arith.constant 0 : i32
      %dma_wait3A_102 = tpu.memref_slice %arg6[%add3A_27, %dma_wait3A] : memref<10000x16xf32, #tpu.memory_space<vmem_shared>> -> memref<48x16xf32, #tpu.memory_space<vmem_shared>>
      %dma_wait3A_103 = arith.constant 0 : i32
      %dma_wait3A_104 = tpu.memref_slice %arg6[%add3A_27, %dma_wait3A_103] : memref<10000x16xf32, #tpu.memory_space<vmem_shared>> -> memref<48x16xf32, #tpu.memory_space<vmem_shared>>
      tpu.wait_dma2 semaphore(%run_scoped3A : memref<!tpu.dma_semaphore, #tpu.memory_space<semaphore_mem>>) src(%arg11 : memref<48x16xf32, #tpu.memory_space<vmem>>) dst(%dma_wait3A_104 : memref<48x16xf32, #tpu.memory_space<vmem_shared>>)
      tpu.yield
    }) : () -> ()
    %add3A_28 = arith.constant 48 : i32
    %add3A_29 = arith.addi %mul3A_21, %add3A_28 : i32
    "tpu.region"() ({
      %run_scoped3A = tpu.sem_alloc : memref<!tpu.dma_semaphore, #tpu.memory_space<semaphore_mem>>
      %dma_start3A = arith.constant 0 : i32
      %dma_start3A_99 = tpu.memref_slice %arg7[%add3A_29, %dma_start3A] : memref<10000x16xf32, #tpu.memory_space<vmem_shared>> -> memref<48x16xf32, #tpu.memory_space<vmem_shared>>
      %dma_start3A_100 = arith.constant 0 : i32
      %dma_start3A_101 = tpu.memref_slice %arg7[%add3A_29, %dma_start3A_100] : memref<10000x16xf32, #tpu.memory_space<vmem_shared>> -> memref<48x16xf32, #tpu.memory_space<vmem_shared>>
      tpu.enqueue_dma source(%arg11 : memref<48x16xf32, #tpu.memory_space<vmem>>) target(%dma_start3A_101 : memref<48x16xf32, #tpu.memory_space<vmem_shared>>) target_semaphore(%run_scoped3A : memref<!tpu.dma_semaphore, #tpu.memory_space<semaphore_mem>>)
      %dma_wait3A = arith.constant 0 : i32
      %dma_wait3A_102 = tpu.memref_slice %arg7[%add3A_29, %dma_wait3A] : memref<10000x16xf32, #tpu.memory_space<vmem_shared>> -> memref<48x16xf32, #tpu.memory_space<vmem_shared>>
      %dma_wait3A_103 = arith.constant 0 : i32
      %dma_wait3A_104 = tpu.memref_slice %arg7[%add3A_29, %dma_wait3A_103] : memref<10000x16xf32, #tpu.memory_space<vmem_shared>> -> memref<48x16xf32, #tpu.memory_space<vmem_shared>>
      tpu.wait_dma2 semaphore(%run_scoped3A : memref<!tpu.dma_semaphore, #tpu.memory_space<semaphore_mem>>) src(%arg11 : memref<48x16xf32, #tpu.memory_space<vmem>>) dst(%dma_wait3A_104 : memref<48x16xf32, #tpu.memory_space<vmem_shared>>)
      tpu.yield
    }) : () -> ()
    %add3A_30 = arith.constant 96 : i32
    %add3A_31 = arith.addi %mul3A_21, %add3A_30 : i32
    "tpu.region"() ({
      %run_scoped3A = tpu.sem_alloc : memref<!tpu.dma_semaphore, #tpu.memory_space<semaphore_mem>>
      %dma_start3A = arith.constant 0 : i32
      %dma_start3A_99 = tpu.memref_slice %arg6[%add3A_31, %dma_start3A] : memref<10000x16xf32, #tpu.memory_space<vmem_shared>> -> memref<48x16xf32, #tpu.memory_space<vmem_shared>>
      %dma_start3A_100 = arith.constant 0 : i32
      %dma_start3A_101 = tpu.memref_slice %arg6[%add3A_31, %dma_start3A_100] : memref<10000x16xf32, #tpu.memory_space<vmem_shared>> -> memref<48x16xf32, #tpu.memory_space<vmem_shared>>
      tpu.enqueue_dma source(%arg11 : memref<48x16xf32, #tpu.memory_space<vmem>>) target(%dma_start3A_101 : memref<48x16xf32, #tpu.memory_space<vmem_shared>>) target_semaphore(%run_scoped3A : memref<!tpu.dma_semaphore, #tpu.memory_space<semaphore_mem>>)
      %dma_wait3A = arith.constant 0 : i32
      %dma_wait3A_102 = tpu.memref_slice %arg6[%add3A_31, %dma_wait3A] : memref<10000x16xf32, #tpu.memory_space<vmem_shared>> -> memref<48x16xf32, #tpu.memory_space<vmem_shared>>
      %dma_wait3A_103 = arith.constant 0 : i32
      %dma_wait3A_104 = tpu.memref_slice %arg6[%add3A_31, %dma_wait3A_103] : memref<10000x16xf32, #tpu.memory_space<vmem_shared>> -> memref<48x16xf32, #tpu.memory_space<vmem_shared>>
      tpu.wait_dma2 semaphore(%run_scoped3A : memref<!tpu.dma_semaphore, #tpu.memory_space<semaphore_mem>>) src(%arg11 : memref<48x16xf32, #tpu.memory_space<vmem>>) dst(%dma_wait3A_104 : memref<48x16xf32, #tpu.memory_space<vmem_shared>>)
      tpu.yield
    }) : () -> ()
    %add3A_32 = arith.constant 96 : i32
    %add3A_33 = arith.addi %mul3A_21, %add3A_32 : i32
    "tpu.region"() ({
      %run_scoped3A = tpu.sem_alloc : memref<!tpu.dma_semaphore, #tpu.memory_space<semaphore_mem>>
      %dma_start3A = arith.constant 0 : i32
      %dma_start3A_99 = tpu.memref_slice %arg7[%add3A_33, %dma_start3A] : memref<10000x16xf32, #tpu.memory_space<vmem_shared>> -> memref<48x16xf32, #tpu.memory_space<vmem_shared>>
      %dma_start3A_100 = arith.constant 0 : i32
      %dma_start3A_101 = tpu.memref_slice %arg7[%add3A_33, %dma_start3A_100] : memref<10000x16xf32, #tpu.memory_space<vmem_shared>> -> memref<48x16xf32, #tpu.memory_space<vmem_shared>>
      tpu.enqueue_dma source(%arg11 : memref<48x16xf32, #tpu.memory_space<vmem>>) target(%dma_start3A_101 : memref<48x16xf32, #tpu.memory_space<vmem_shared>>) target_semaphore(%run_scoped3A : memref<!tpu.dma_semaphore, #tpu.memory_space<semaphore_mem>>)
      %dma_wait3A = arith.constant 0 : i32
      %dma_wait3A_102 = tpu.memref_slice %arg7[%add3A_33, %dma_wait3A] : memref<10000x16xf32, #tpu.memory_space<vmem_shared>> -> memref<48x16xf32, #tpu.memory_space<vmem_shared>>
      %dma_wait3A_103 = arith.constant 0 : i32
      %dma_wait3A_104 = tpu.memref_slice %arg7[%add3A_33, %dma_wait3A_103] : memref<10000x16xf32, #tpu.memory_space<vmem_shared>> -> memref<48x16xf32, #tpu.memory_space<vmem_shared>>
      tpu.wait_dma2 semaphore(%run_scoped3A : memref<!tpu.dma_semaphore, #tpu.memory_space<semaphore_mem>>) src(%arg11 : memref<48x16xf32, #tpu.memory_space<vmem>>) dst(%dma_wait3A_104 : memref<48x16xf32, #tpu.memory_space<vmem_shared>>)
      tpu.yield
    }) : () -> ()
    %add3A_34 = arith.constant 144 : i32
    %add3A_35 = arith.addi %mul3A_21, %add3A_34 : i32
    "tpu.region"() ({
      %run_scoped3A = tpu.sem_alloc : memref<!tpu.dma_semaphore, #tpu.memory_space<semaphore_mem>>
      %dma_start3A = arith.constant 0 : i32
      %dma_start3A_99 = tpu.memref_slice %arg6[%add3A_35, %dma_start3A] : memref<10000x16xf32, #tpu.memory_space<vmem_shared>> -> memref<48x16xf32, #tpu.memory_space<vmem_shared>>
      %dma_start3A_100 = arith.constant 0 : i32
      %dma_start3A_101 = tpu.memref_slice %arg6[%add3A_35, %dma_start3A_100] : memref<10000x16xf32, #tpu.memory_space<vmem_shared>> -> memref<48x16xf32, #tpu.memory_space<vmem_shared>>
      tpu.enqueue_dma source(%arg11 : memref<48x16xf32, #tpu.memory_space<vmem>>) target(%dma_start3A_101 : memref<48x16xf32, #tpu.memory_space<vmem_shared>>) target_semaphore(%run_scoped3A : memref<!tpu.dma_semaphore, #tpu.memory_space<semaphore_mem>>)
      %dma_wait3A = arith.constant 0 : i32
      %dma_wait3A_102 = tpu.memref_slice %arg6[%add3A_35, %dma_wait3A] : memref<10000x16xf32, #tpu.memory_space<vmem_shared>> -> memref<48x16xf32, #tpu.memory_space<vmem_shared>>
      %dma_wait3A_103 = arith.constant 0 : i32
      %dma_wait3A_104 = tpu.memref_slice %arg6[%add3A_35, %dma_wait3A_103] : memref<10000x16xf32, #tpu.memory_space<vmem_shared>> -> memref<48x16xf32, #tpu.memory_space<vmem_shared>>
      tpu.wait_dma2 semaphore(%run_scoped3A : memref<!tpu.dma_semaphore, #tpu.memory_space<semaphore_mem>>) src(%arg11 : memref<48x16xf32, #tpu.memory_space<vmem>>) dst(%dma_wait3A_104 : memref<48x16xf32, #tpu.memory_space<vmem_shared>>)
      tpu.yield
    }) : () -> ()
    %add3A_36 = arith.constant 144 : i32
    %add3A_37 = arith.addi %mul3A_21, %add3A_36 : i32
    "tpu.region"() ({
      %run_scoped3A = tpu.sem_alloc : memref<!tpu.dma_semaphore, #tpu.memory_space<semaphore_mem>>
      %dma_start3A = arith.constant 0 : i32
      %dma_start3A_99 = tpu.memref_slice %arg7[%add3A_37, %dma_start3A] : memref<10000x16xf32, #tpu.memory_space<vmem_shared>> -> memref<48x16xf32, #tpu.memory_space<vmem_shared>>
      %dma_start3A_100 = arith.constant 0 : i32
      %dma_start3A_101 = tpu.memref_slice %arg7[%add3A_37, %dma_start3A_100] : memref<10000x16xf32, #tpu.memory_space<vmem_shared>> -> memref<48x16xf32, #tpu.memory_space<vmem_shared>>
      tpu.enqueue_dma source(%arg11 : memref<48x16xf32, #tpu.memory_space<vmem>>) target(%dma_start3A_101 : memref<48x16xf32, #tpu.memory_space<vmem_shared>>) target_semaphore(%run_scoped3A : memref<!tpu.dma_semaphore, #tpu.memory_space<semaphore_mem>>)
      %dma_wait3A = arith.constant 0 : i32
      %dma_wait3A_102 = tpu.memref_slice %arg7[%add3A_37, %dma_wait3A] : memref<10000x16xf32, #tpu.memory_space<vmem_shared>> -> memref<48x16xf32, #tpu.memory_space<vmem_shared>>
      %dma_wait3A_103 = arith.constant 0 : i32
      %dma_wait3A_104 = tpu.memref_slice %arg7[%add3A_37, %dma_wait3A_103] : memref<10000x16xf32, #tpu.memory_space<vmem_shared>> -> memref<48x16xf32, #tpu.memory_space<vmem_shared>>
      tpu.wait_dma2 semaphore(%run_scoped3A : memref<!tpu.dma_semaphore, #tpu.memory_space<semaphore_mem>>) src(%arg11 : memref<48x16xf32, #tpu.memory_space<vmem>>) dst(%dma_wait3A_104 : memref<48x16xf32, #tpu.memory_space<vmem_shared>>)
      tpu.yield
    }) : () -> ()
    %add3A_38 = arith.constant 192 : i32
    %add3A_39 = arith.addi %mul3A_21, %add3A_38 : i32
    "tpu.region"() ({
      %run_scoped3A = tpu.sem_alloc : memref<!tpu.dma_semaphore, #tpu.memory_space<semaphore_mem>>
      %dma_start3A = arith.constant 0 : i32
      %dma_start3A_99 = tpu.memref_slice %arg6[%add3A_39, %dma_start3A] : memref<10000x16xf32, #tpu.memory_space<vmem_shared>> -> memref<48x16xf32, #tpu.memory_space<vmem_shared>>
      %dma_start3A_100 = arith.constant 0 : i32
      %dma_start3A_101 = tpu.memref_slice %arg6[%add3A_39, %dma_start3A_100] : memref<10000x16xf32, #tpu.memory_space<vmem_shared>> -> memref<48x16xf32, #tpu.memory_space<vmem_shared>>
      tpu.enqueue_dma source(%arg11 : memref<48x16xf32, #tpu.memory_space<vmem>>) target(%dma_start3A_101 : memref<48x16xf32, #tpu.memory_space<vmem_shared>>) target_semaphore(%run_scoped3A : memref<!tpu.dma_semaphore, #tpu.memory_space<semaphore_mem>>)
      %dma_wait3A = arith.constant 0 : i32
      %dma_wait3A_102 = tpu.memref_slice %arg6[%add3A_39, %dma_wait3A] : memref<10000x16xf32, #tpu.memory_space<vmem_shared>> -> memref<48x16xf32, #tpu.memory_space<vmem_shared>>
      %dma_wait3A_103 = arith.constant 0 : i32
      %dma_wait3A_104 = tpu.memref_slice %arg6[%add3A_39, %dma_wait3A_103] : memref<10000x16xf32, #tpu.memory_space<vmem_shared>> -> memref<48x16xf32, #tpu.memory_space<vmem_shared>>
      tpu.wait_dma2 semaphore(%run_scoped3A : memref<!tpu.dma_semaphore, #tpu.memory_space<semaphore_mem>>) src(%arg11 : memref<48x16xf32, #tpu.memory_space<vmem>>) dst(%dma_wait3A_104 : memref<48x16xf32, #tpu.memory_space<vmem_shared>>)
      tpu.yield
    }) : () -> ()
    %add3A_40 = arith.constant 192 : i32
    %add3A_41 = arith.addi %mul3A_21, %add3A_40 : i32
    "tpu.region"() ({
      %run_scoped3A = tpu.sem_alloc : memref<!tpu.dma_semaphore, #tpu.memory_space<semaphore_mem>>
      %dma_start3A = arith.constant 0 : i32
      %dma_start3A_99 = tpu.memref_slice %arg7[%add3A_41, %dma_start3A] : memref<10000x16xf32, #tpu.memory_space<vmem_shared>> -> memref<48x16xf32, #tpu.memory_space<vmem_shared>>
      %dma_start3A_100 = arith.constant 0 : i32
      %dma_start3A_101 = tpu.memref_slice %arg7[%add3A_41, %dma_start3A_100] : memref<10000x16xf32, #tpu.memory_space<vmem_shared>> -> memref<48x16xf32, #tpu.memory_space<vmem_shared>>
      tpu.enqueue_dma source(%arg11 : memref<48x16xf32, #tpu.memory_space<vmem>>) target(%dma_start3A_101 : memref<48x16xf32, #tpu.memory_space<vmem_shared>>) target_semaphore(%run_scoped3A : memref<!tpu.dma_semaphore, #tpu.memory_space<semaphore_mem>>)
      %dma_wait3A = arith.constant 0 : i32
      %dma_wait3A_102 = tpu.memref_slice %arg7[%add3A_41, %dma_wait3A] : memref<10000x16xf32, #tpu.memory_space<vmem_shared>> -> memref<48x16xf32, #tpu.memory_space<vmem_shared>>
      %dma_wait3A_103 = arith.constant 0 : i32
      %dma_wait3A_104 = tpu.memref_slice %arg7[%add3A_41, %dma_wait3A_103] : memref<10000x16xf32, #tpu.memory_space<vmem_shared>> -> memref<48x16xf32, #tpu.memory_space<vmem_shared>>
      tpu.wait_dma2 semaphore(%run_scoped3A : memref<!tpu.dma_semaphore, #tpu.memory_space<semaphore_mem>>) src(%arg11 : memref<48x16xf32, #tpu.memory_space<vmem>>) dst(%dma_wait3A_104 : memref<48x16xf32, #tpu.memory_space<vmem_shared>>)
      tpu.yield
    }) : () -> ()
    %add3A_42 = arith.constant 240 : i32
    %add3A_43 = arith.addi %mul3A_21, %add3A_42 : i32
    "tpu.region"() ({
      %run_scoped3A = tpu.sem_alloc : memref<!tpu.dma_semaphore, #tpu.memory_space<semaphore_mem>>
      %dma_start3A = arith.constant 0 : i32
      %dma_start3A_99 = tpu.memref_slice %arg6[%add3A_43, %dma_start3A] : memref<10000x16xf32, #tpu.memory_space<vmem_shared>> -> memref<48x16xf32, #tpu.memory_space<vmem_shared>>
      %dma_start3A_100 = arith.constant 0 : i32
      %dma_start3A_101 = tpu.memref_slice %arg6[%add3A_43, %dma_start3A_100] : memref<10000x16xf32, #tpu.memory_space<vmem_shared>> -> memref<48x16xf32, #tpu.memory_space<vmem_shared>>
      tpu.enqueue_dma source(%arg11 : memref<48x16xf32, #tpu.memory_space<vmem>>) target(%dma_start3A_101 : memref<48x16xf32, #tpu.memory_space<vmem_shared>>) target_semaphore(%run_scoped3A : memref<!tpu.dma_semaphore, #tpu.memory_space<semaphore_mem>>)
      %dma_wait3A = arith.constant 0 : i32
      %dma_wait3A_102 = tpu.memref_slice %arg6[%add3A_43, %dma_wait3A] : memref<10000x16xf32, #tpu.memory_space<vmem_shared>> -> memref<48x16xf32, #tpu.memory_space<vmem_shared>>
      %dma_wait3A_103 = arith.constant 0 : i32
      %dma_wait3A_104 = tpu.memref_slice %arg6[%add3A_43, %dma_wait3A_103] : memref<10000x16xf32, #tpu.memory_space<vmem_shared>> -> memref<48x16xf32, #tpu.memory_space<vmem_shared>>
      tpu.wait_dma2 semaphore(%run_scoped3A : memref<!tpu.dma_semaphore, #tpu.memory_space<semaphore_mem>>) src(%arg11 : memref<48x16xf32, #tpu.memory_space<vmem>>) dst(%dma_wait3A_104 : memref<48x16xf32, #tpu.memory_space<vmem_shared>>)
      tpu.yield
    }) : () -> ()
    %add3A_44 = arith.constant 240 : i32
    %add3A_45 = arith.addi %mul3A_21, %add3A_44 : i32
    "tpu.region"() ({
      %run_scoped3A = tpu.sem_alloc : memref<!tpu.dma_semaphore, #tpu.memory_space<semaphore_mem>>
      %dma_start3A = arith.constant 0 : i32
      %dma_start3A_99 = tpu.memref_slice %arg7[%add3A_45, %dma_start3A] : memref<10000x16xf32, #tpu.memory_space<vmem_shared>> -> memref<48x16xf32, #tpu.memory_space<vmem_shared>>
      %dma_start3A_100 = arith.constant 0 : i32
      %dma_start3A_101 = tpu.memref_slice %arg7[%add3A_45, %dma_start3A_100] : memref<10000x16xf32, #tpu.memory_space<vmem_shared>> -> memref<48x16xf32, #tpu.memory_space<vmem_shared>>
      tpu.enqueue_dma source(%arg11 : memref<48x16xf32, #tpu.memory_space<vmem>>) target(%dma_start3A_101 : memref<48x16xf32, #tpu.memory_space<vmem_shared>>) target_semaphore(%run_scoped3A : memref<!tpu.dma_semaphore, #tpu.memory_space<semaphore_mem>>)
      %dma_wait3A = arith.constant 0 : i32
      %dma_wait3A_102 = tpu.memref_slice %arg7[%add3A_45, %dma_wait3A] : memref<10000x16xf32, #tpu.memory_space<vmem_shared>> -> memref<48x16xf32, #tpu.memory_space<vmem_shared>>
      %dma_wait3A_103 = arith.constant 0 : i32
      %dma_wait3A_104 = tpu.memref_slice %arg7[%add3A_45, %dma_wait3A_103] : memref<10000x16xf32, #tpu.memory_space<vmem_shared>> -> memref<48x16xf32, #tpu.memory_space<vmem_shared>>
      tpu.wait_dma2 semaphore(%run_scoped3A : memref<!tpu.dma_semaphore, #tpu.memory_space<semaphore_mem>>) src(%arg11 : memref<48x16xf32, #tpu.memory_space<vmem>>) dst(%dma_wait3A_104 : memref<48x16xf32, #tpu.memory_space<vmem_shared>>)
      tpu.yield
    }) : () -> ()
    %add3A_46 = arith.constant 288 : i32
    %add3A_47 = arith.addi %mul3A_21, %add3A_46 : i32
    "tpu.region"() ({
      %run_scoped3A = tpu.sem_alloc : memref<!tpu.dma_semaphore, #tpu.memory_space<semaphore_mem>>
      %dma_start3A = arith.constant 0 : i32
      %dma_start3A_99 = tpu.memref_slice %arg6[%add3A_47, %dma_start3A] : memref<10000x16xf32, #tpu.memory_space<vmem_shared>> -> memref<48x16xf32, #tpu.memory_space<vmem_shared>>
      %dma_start3A_100 = arith.constant 0 : i32
      %dma_start3A_101 = tpu.memref_slice %arg6[%add3A_47, %dma_start3A_100] : memref<10000x16xf32, #tpu.memory_space<vmem_shared>> -> memref<48x16xf32, #tpu.memory_space<vmem_shared>>
      tpu.enqueue_dma source(%arg11 : memref<48x16xf32, #tpu.memory_space<vmem>>) target(%dma_start3A_101 : memref<48x16xf32, #tpu.memory_space<vmem_shared>>) target_semaphore(%run_scoped3A : memref<!tpu.dma_semaphore, #tpu.memory_space<semaphore_mem>>)
      %dma_wait3A = arith.constant 0 : i32
      %dma_wait3A_102 = tpu.memref_slice %arg6[%add3A_47, %dma_wait3A] : memref<10000x16xf32, #tpu.memory_space<vmem_shared>> -> memref<48x16xf32, #tpu.memory_space<vmem_shared>>
      %dma_wait3A_103 = arith.constant 0 : i32
      %dma_wait3A_104 = tpu.memref_slice %arg6[%add3A_47, %dma_wait3A_103] : memref<10000x16xf32, #tpu.memory_space<vmem_shared>> -> memref<48x16xf32, #tpu.memory_space<vmem_shared>>
      tpu.wait_dma2 semaphore(%run_scoped3A : memref<!tpu.dma_semaphore, #tpu.memory_space<semaphore_mem>>) src(%arg11 : memref<48x16xf32, #tpu.memory_space<vmem>>) dst(%dma_wait3A_104 : memref<48x16xf32, #tpu.memory_space<vmem_shared>>)
      tpu.yield
    }) : () -> ()
    %add3A_48 = arith.constant 288 : i32
    %add3A_49 = arith.addi %mul3A_21, %add3A_48 : i32
    "tpu.region"() ({
      %run_scoped3A = tpu.sem_alloc : memref<!tpu.dma_semaphore, #tpu.memory_space<semaphore_mem>>
      %dma_start3A = arith.constant 0 : i32
      %dma_start3A_99 = tpu.memref_slice %arg7[%add3A_49, %dma_start3A] : memref<10000x16xf32, #tpu.memory_space<vmem_shared>> -> memref<48x16xf32, #tpu.memory_space<vmem_shared>>
      %dma_start3A_100 = arith.constant 0 : i32
      %dma_start3A_101 = tpu.memref_slice %arg7[%add3A_49, %dma_start3A_100] : memref<10000x16xf32, #tpu.memory_space<vmem_shared>> -> memref<48x16xf32, #tpu.memory_space<vmem_shared>>
      tpu.enqueue_dma source(%arg11 : memref<48x16xf32, #tpu.memory_space<vmem>>) target(%dma_start3A_101 : memref<48x16xf32, #tpu.memory_space<vmem_shared>>) target_semaphore(%run_scoped3A : memref<!tpu.dma_semaphore, #tpu.memory_space<semaphore_mem>>)
      %dma_wait3A = arith.constant 0 : i32
      %dma_wait3A_102 = tpu.memref_slice %arg7[%add3A_49, %dma_wait3A] : memref<10000x16xf32, #tpu.memory_space<vmem_shared>> -> memref<48x16xf32, #tpu.memory_space<vmem_shared>>
      %dma_wait3A_103 = arith.constant 0 : i32
      %dma_wait3A_104 = tpu.memref_slice %arg7[%add3A_49, %dma_wait3A_103] : memref<10000x16xf32, #tpu.memory_space<vmem_shared>> -> memref<48x16xf32, #tpu.memory_space<vmem_shared>>
      tpu.wait_dma2 semaphore(%run_scoped3A : memref<!tpu.dma_semaphore, #tpu.memory_space<semaphore_mem>>) src(%arg11 : memref<48x16xf32, #tpu.memory_space<vmem>>) dst(%dma_wait3A_104 : memref<48x16xf32, #tpu.memory_space<vmem_shared>>)
      tpu.yield
    }) : () -> ()
    %add3A_50 = arith.constant 336 : i32
    %add3A_51 = arith.addi %mul3A_21, %add3A_50 : i32
    "tpu.region"() ({
      %run_scoped3A = tpu.sem_alloc : memref<!tpu.dma_semaphore, #tpu.memory_space<semaphore_mem>>
      %dma_start3A = arith.constant 0 : i32
      %dma_start3A_99 = tpu.memref_slice %arg6[%add3A_51, %dma_start3A] : memref<10000x16xf32, #tpu.memory_space<vmem_shared>> -> memref<48x16xf32, #tpu.memory_space<vmem_shared>>
      %dma_start3A_100 = arith.constant 0 : i32
      %dma_start3A_101 = tpu.memref_slice %arg6[%add3A_51, %dma_start3A_100] : memref<10000x16xf32, #tpu.memory_space<vmem_shared>> -> memref<48x16xf32, #tpu.memory_space<vmem_shared>>
      tpu.enqueue_dma source(%arg11 : memref<48x16xf32, #tpu.memory_space<vmem>>) target(%dma_start3A_101 : memref<48x16xf32, #tpu.memory_space<vmem_shared>>) target_semaphore(%run_scoped3A : memref<!tpu.dma_semaphore, #tpu.memory_space<semaphore_mem>>)
      %dma_wait3A = arith.constant 0 : i32
      %dma_wait3A_102 = tpu.memref_slice %arg6[%add3A_51, %dma_wait3A] : memref<10000x16xf32, #tpu.memory_space<vmem_shared>> -> memref<48x16xf32, #tpu.memory_space<vmem_shared>>
      %dma_wait3A_103 = arith.constant 0 : i32
      %dma_wait3A_104 = tpu.memref_slice %arg6[%add3A_51, %dma_wait3A_103] : memref<10000x16xf32, #tpu.memory_space<vmem_shared>> -> memref<48x16xf32, #tpu.memory_space<vmem_shared>>
      tpu.wait_dma2 semaphore(%run_scoped3A : memref<!tpu.dma_semaphore, #tpu.memory_space<semaphore_mem>>) src(%arg11 : memref<48x16xf32, #tpu.memory_space<vmem>>) dst(%dma_wait3A_104 : memref<48x16xf32, #tpu.memory_space<vmem_shared>>)
      tpu.yield
    }) : () -> ()
    %add3A_52 = arith.constant 336 : i32
    %add3A_53 = arith.addi %mul3A_21, %add3A_52 : i32
    "tpu.region"() ({
      %run_scoped3A = tpu.sem_alloc : memref<!tpu.dma_semaphore, #tpu.memory_space<semaphore_mem>>
      %dma_start3A = arith.constant 0 : i32
      %dma_start3A_99 = tpu.memref_slice %arg7[%add3A_53, %dma_start3A] : memref<10000x16xf32, #tpu.memory_space<vmem_shared>> -> memref<48x16xf32, #tpu.memory_space<vmem_shared>>
      %dma_start3A_100 = arith.constant 0 : i32
      %dma_start3A_101 = tpu.memref_slice %arg7[%add3A_53, %dma_start3A_100] : memref<10000x16xf32, #tpu.memory_space<vmem_shared>> -> memref<48x16xf32, #tpu.memory_space<vmem_shared>>
      tpu.enqueue_dma source(%arg11 : memref<48x16xf32, #tpu.memory_space<vmem>>) target(%dma_start3A_101 : memref<48x16xf32, #tpu.memory_space<vmem_shared>>) target_semaphore(%run_scoped3A : memref<!tpu.dma_semaphore, #tpu.memory_space<semaphore_mem>>)
      %dma_wait3A = arith.constant 0 : i32
      %dma_wait3A_102 = tpu.memref_slice %arg7[%add3A_53, %dma_wait3A] : memref<10000x16xf32, #tpu.memory_space<vmem_shared>> -> memref<48x16xf32, #tpu.memory_space<vmem_shared>>
      %dma_wait3A_103 = arith.constant 0 : i32
      %dma_wait3A_104 = tpu.memref_slice %arg7[%add3A_53, %dma_wait3A_103] : memref<10000x16xf32, #tpu.memory_space<vmem_shared>> -> memref<48x16xf32, #tpu.memory_space<vmem_shared>>
      tpu.wait_dma2 semaphore(%run_scoped3A : memref<!tpu.dma_semaphore, #tpu.memory_space<semaphore_mem>>) src(%arg11 : memref<48x16xf32, #tpu.memory_space<vmem>>) dst(%dma_wait3A_104 : memref<48x16xf32, #tpu.memory_space<vmem_shared>>)
      tpu.yield
    }) : () -> ()
    %add3A_54 = arith.constant 384 : i32
    %add3A_55 = arith.addi %mul3A_21, %add3A_54 : i32
    "tpu.region"() ({
      %run_scoped3A = tpu.sem_alloc : memref<!tpu.dma_semaphore, #tpu.memory_space<semaphore_mem>>
      %dma_start3A = arith.constant 0 : i32
      %dma_start3A_99 = tpu.memref_slice %arg6[%add3A_55, %dma_start3A] : memref<10000x16xf32, #tpu.memory_space<vmem_shared>> -> memref<48x16xf32, #tpu.memory_space<vmem_shared>>
      %dma_start3A_100 = arith.constant 0 : i32
      %dma_start3A_101 = tpu.memref_slice %arg6[%add3A_55, %dma_start3A_100] : memref<10000x16xf32, #tpu.memory_space<vmem_shared>> -> memref<48x16xf32, #tpu.memory_space<vmem_shared>>
      tpu.enqueue_dma source(%arg11 : memref<48x16xf32, #tpu.memory_space<vmem>>) target(%dma_start3A_101 : memref<48x16xf32, #tpu.memory_space<vmem_shared>>) target_semaphore(%run_scoped3A : memref<!tpu.dma_semaphore, #tpu.memory_space<semaphore_mem>>)
      %dma_wait3A = arith.constant 0 : i32
      %dma_wait3A_102 = tpu.memref_slice %arg6[%add3A_55, %dma_wait3A] : memref<10000x16xf32, #tpu.memory_space<vmem_shared>> -> memref<48x16xf32, #tpu.memory_space<vmem_shared>>
      %dma_wait3A_103 = arith.constant 0 : i32
      %dma_wait3A_104 = tpu.memref_slice %arg6[%add3A_55, %dma_wait3A_103] : memref<10000x16xf32, #tpu.memory_space<vmem_shared>> -> memref<48x16xf32, #tpu.memory_space<vmem_shared>>
      tpu.wait_dma2 semaphore(%run_scoped3A : memref<!tpu.dma_semaphore, #tpu.memory_space<semaphore_mem>>) src(%arg11 : memref<48x16xf32, #tpu.memory_space<vmem>>) dst(%dma_wait3A_104 : memref<48x16xf32, #tpu.memory_space<vmem_shared>>)
      tpu.yield
    }) : () -> ()
    %add3A_56 = arith.constant 384 : i32
    %add3A_57 = arith.addi %mul3A_21, %add3A_56 : i32
    "tpu.region"() ({
      %run_scoped3A = tpu.sem_alloc : memref<!tpu.dma_semaphore, #tpu.memory_space<semaphore_mem>>
      %dma_start3A = arith.constant 0 : i32
      %dma_start3A_99 = tpu.memref_slice %arg7[%add3A_57, %dma_start3A] : memref<10000x16xf32, #tpu.memory_space<vmem_shared>> -> memref<48x16xf32, #tpu.memory_space<vmem_shared>>
      %dma_start3A_100 = arith.constant 0 : i32
      %dma_start3A_101 = tpu.memref_slice %arg7[%add3A_57, %dma_start3A_100] : memref<10000x16xf32, #tpu.memory_space<vmem_shared>> -> memref<48x16xf32, #tpu.memory_space<vmem_shared>>
      tpu.enqueue_dma source(%arg11 : memref<48x16xf32, #tpu.memory_space<vmem>>) target(%dma_start3A_101 : memref<48x16xf32, #tpu.memory_space<vmem_shared>>) target_semaphore(%run_scoped3A : memref<!tpu.dma_semaphore, #tpu.memory_space<semaphore_mem>>)
      %dma_wait3A = arith.constant 0 : i32
      %dma_wait3A_102 = tpu.memref_slice %arg7[%add3A_57, %dma_wait3A] : memref<10000x16xf32, #tpu.memory_space<vmem_shared>> -> memref<48x16xf32, #tpu.memory_space<vmem_shared>>
      %dma_wait3A_103 = arith.constant 0 : i32
      %dma_wait3A_104 = tpu.memref_slice %arg7[%add3A_57, %dma_wait3A_103] : memref<10000x16xf32, #tpu.memory_space<vmem_shared>> -> memref<48x16xf32, #tpu.memory_space<vmem_shared>>
      tpu.wait_dma2 semaphore(%run_scoped3A : memref<!tpu.dma_semaphore, #tpu.memory_space<semaphore_mem>>) src(%arg11 : memref<48x16xf32, #tpu.memory_space<vmem>>) dst(%dma_wait3A_104 : memref<48x16xf32, #tpu.memory_space<vmem_shared>>)
      tpu.yield
    }) : () -> ()
    %add3A_58 = arith.constant 432 : i32
    %add3A_59 = arith.addi %mul3A_21, %add3A_58 : i32
    "tpu.region"() ({
      %run_scoped3A = tpu.sem_alloc : memref<!tpu.dma_semaphore, #tpu.memory_space<semaphore_mem>>
      %dma_start3A = arith.constant 0 : i32
      %dma_start3A_99 = tpu.memref_slice %arg6[%add3A_59, %dma_start3A] : memref<10000x16xf32, #tpu.memory_space<vmem_shared>> -> memref<48x16xf32, #tpu.memory_space<vmem_shared>>
      %dma_start3A_100 = arith.constant 0 : i32
      %dma_start3A_101 = tpu.memref_slice %arg6[%add3A_59, %dma_start3A_100] : memref<10000x16xf32, #tpu.memory_space<vmem_shared>> -> memref<48x16xf32, #tpu.memory_space<vmem_shared>>
      tpu.enqueue_dma source(%arg11 : memref<48x16xf32, #tpu.memory_space<vmem>>) target(%dma_start3A_101 : memref<48x16xf32, #tpu.memory_space<vmem_shared>>) target_semaphore(%run_scoped3A : memref<!tpu.dma_semaphore, #tpu.memory_space<semaphore_mem>>)
      %dma_wait3A = arith.constant 0 : i32
      %dma_wait3A_102 = tpu.memref_slice %arg6[%add3A_59, %dma_wait3A] : memref<10000x16xf32, #tpu.memory_space<vmem_shared>> -> memref<48x16xf32, #tpu.memory_space<vmem_shared>>
      %dma_wait3A_103 = arith.constant 0 : i32
      %dma_wait3A_104 = tpu.memref_slice %arg6[%add3A_59, %dma_wait3A_103] : memref<10000x16xf32, #tpu.memory_space<vmem_shared>> -> memref<48x16xf32, #tpu.memory_space<vmem_shared>>
      tpu.wait_dma2 semaphore(%run_scoped3A : memref<!tpu.dma_semaphore, #tpu.memory_space<semaphore_mem>>) src(%arg11 : memref<48x16xf32, #tpu.memory_space<vmem>>) dst(%dma_wait3A_104 : memref<48x16xf32, #tpu.memory_space<vmem_shared>>)
      tpu.yield
    }) : () -> ()
    %add3A_60 = arith.constant 432 : i32
    %add3A_61 = arith.addi %mul3A_21, %add3A_60 : i32
    "tpu.region"() ({
      %run_scoped3A = tpu.sem_alloc : memref<!tpu.dma_semaphore, #tpu.memory_space<semaphore_mem>>
      %dma_start3A = arith.constant 0 : i32
      %dma_start3A_99 = tpu.memref_slice %arg7[%add3A_61, %dma_start3A] : memref<10000x16xf32, #tpu.memory_space<vmem_shared>> -> memref<48x16xf32, #tpu.memory_space<vmem_shared>>
      %dma_start3A_100 = arith.constant 0 : i32
      %dma_start3A_101 = tpu.memref_slice %arg7[%add3A_61, %dma_start3A_100] : memref<10000x16xf32, #tpu.memory_space<vmem_shared>> -> memref<48x16xf32, #tpu.memory_space<vmem_shared>>
      tpu.enqueue_dma source(%arg11 : memref<48x16xf32, #tpu.memory_space<vmem>>) target(%dma_start3A_101 : memref<48x16xf32, #tpu.memory_space<vmem_shared>>) target_semaphore(%run_scoped3A : memref<!tpu.dma_semaphore, #tpu.memory_space<semaphore_mem>>)
      %dma_wait3A = arith.constant 0 : i32
      %dma_wait3A_102 = tpu.memref_slice %arg7[%add3A_61, %dma_wait3A] : memref<10000x16xf32, #tpu.memory_space<vmem_shared>> -> memref<48x16xf32, #tpu.memory_space<vmem_shared>>
      %dma_wait3A_103 = arith.constant 0 : i32
      %dma_wait3A_104 = tpu.memref_slice %arg7[%add3A_61, %dma_wait3A_103] : memref<10000x16xf32, #tpu.memory_space<vmem_shared>> -> memref<48x16xf32, #tpu.memory_space<vmem_shared>>
      tpu.wait_dma2 semaphore(%run_scoped3A : memref<!tpu.dma_semaphore, #tpu.memory_space<semaphore_mem>>) src(%arg11 : memref<48x16xf32, #tpu.memory_space<vmem>>) dst(%dma_wait3A_104 : memref<48x16xf32, #tpu.memory_space<vmem_shared>>)
      tpu.yield
    }) : () -> ()
    %add3A_62 = arith.constant 480 : i32
    %add3A_63 = arith.addi %mul3A_21, %add3A_62 : i32
    "tpu.region"() ({
      %run_scoped3A = tpu.sem_alloc : memref<!tpu.dma_semaphore, #tpu.memory_space<semaphore_mem>>
      %dma_start3A = arith.constant 0 : i32
      %dma_start3A_99 = tpu.memref_slice %arg6[%add3A_63, %dma_start3A] : memref<10000x16xf32, #tpu.memory_space<vmem_shared>> -> memref<48x16xf32, #tpu.memory_space<vmem_shared>>
      %dma_start3A_100 = arith.constant 0 : i32
      %dma_start3A_101 = tpu.memref_slice %arg6[%add3A_63, %dma_start3A_100] : memref<10000x16xf32, #tpu.memory_space<vmem_shared>> -> memref<48x16xf32, #tpu.memory_space<vmem_shared>>
      tpu.enqueue_dma source(%arg11 : memref<48x16xf32, #tpu.memory_space<vmem>>) target(%dma_start3A_101 : memref<48x16xf32, #tpu.memory_space<vmem_shared>>) target_semaphore(%run_scoped3A : memref<!tpu.dma_semaphore, #tpu.memory_space<semaphore_mem>>)
      %dma_wait3A = arith.constant 0 : i32
      %dma_wait3A_102 = tpu.memref_slice %arg6[%add3A_63, %dma_wait3A] : memref<10000x16xf32, #tpu.memory_space<vmem_shared>> -> memref<48x16xf32, #tpu.memory_space<vmem_shared>>
      %dma_wait3A_103 = arith.constant 0 : i32
      %dma_wait3A_104 = tpu.memref_slice %arg6[%add3A_63, %dma_wait3A_103] : memref<10000x16xf32, #tpu.memory_space<vmem_shared>> -> memref<48x16xf32, #tpu.memory_space<vmem_shared>>
      tpu.wait_dma2 semaphore(%run_scoped3A : memref<!tpu.dma_semaphore, #tpu.memory_space<semaphore_mem>>) src(%arg11 : memref<48x16xf32, #tpu.memory_space<vmem>>) dst(%dma_wait3A_104 : memref<48x16xf32, #tpu.memory_space<vmem_shared>>)
      tpu.yield
    }) : () -> ()
    %add3A_64 = arith.constant 480 : i32
    %add3A_65 = arith.addi %mul3A_21, %add3A_64 : i32
    "tpu.region"() ({
      %run_scoped3A = tpu.sem_alloc : memref<!tpu.dma_semaphore, #tpu.memory_space<semaphore_mem>>
      %dma_start3A = arith.constant 0 : i32
      %dma_start3A_99 = tpu.memref_slice %arg7[%add3A_65, %dma_start3A] : memref<10000x16xf32, #tpu.memory_space<vmem_shared>> -> memref<48x16xf32, #tpu.memory_space<vmem_shared>>
      %dma_start3A_100 = arith.constant 0 : i32
      %dma_start3A_101 = tpu.memref_slice %arg7[%add3A_65, %dma_start3A_100] : memref<10000x16xf32, #tpu.memory_space<vmem_shared>> -> memref<48x16xf32, #tpu.memory_space<vmem_shared>>
      tpu.enqueue_dma source(%arg11 : memref<48x16xf32, #tpu.memory_space<vmem>>) target(%dma_start3A_101 : memref<48x16xf32, #tpu.memory_space<vmem_shared>>) target_semaphore(%run_scoped3A : memref<!tpu.dma_semaphore, #tpu.memory_space<semaphore_mem>>)
      %dma_wait3A = arith.constant 0 : i32
      %dma_wait3A_102 = tpu.memref_slice %arg7[%add3A_65, %dma_wait3A] : memref<10000x16xf32, #tpu.memory_space<vmem_shared>> -> memref<48x16xf32, #tpu.memory_space<vmem_shared>>
      %dma_wait3A_103 = arith.constant 0 : i32
      %dma_wait3A_104 = tpu.memref_slice %arg7[%add3A_65, %dma_wait3A_103] : memref<10000x16xf32, #tpu.memory_space<vmem_shared>> -> memref<48x16xf32, #tpu.memory_space<vmem_shared>>
      tpu.wait_dma2 semaphore(%run_scoped3A : memref<!tpu.dma_semaphore, #tpu.memory_space<semaphore_mem>>) src(%arg11 : memref<48x16xf32, #tpu.memory_space<vmem>>) dst(%dma_wait3A_104 : memref<48x16xf32, #tpu.memory_space<vmem_shared>>)
      tpu.yield
    }) : () -> ()
    %add3A_66 = arith.constant 528 : i32
    %add3A_67 = arith.addi %mul3A_21, %add3A_66 : i32
    "tpu.region"() ({
      %run_scoped3A = tpu.sem_alloc : memref<!tpu.dma_semaphore, #tpu.memory_space<semaphore_mem>>
      %dma_start3A = arith.constant 0 : i32
      %dma_start3A_99 = tpu.memref_slice %arg6[%add3A_67, %dma_start3A] : memref<10000x16xf32, #tpu.memory_space<vmem_shared>> -> memref<48x16xf32, #tpu.memory_space<vmem_shared>>
      %dma_start3A_100 = arith.constant 0 : i32
      %dma_start3A_101 = tpu.memref_slice %arg6[%add3A_67, %dma_start3A_100] : memref<10000x16xf32, #tpu.memory_space<vmem_shared>> -> memref<48x16xf32, #tpu.memory_space<vmem_shared>>
      tpu.enqueue_dma source(%arg11 : memref<48x16xf32, #tpu.memory_space<vmem>>) target(%dma_start3A_101 : memref<48x16xf32, #tpu.memory_space<vmem_shared>>) target_semaphore(%run_scoped3A : memref<!tpu.dma_semaphore, #tpu.memory_space<semaphore_mem>>)
      %dma_wait3A = arith.constant 0 : i32
      %dma_wait3A_102 = tpu.memref_slice %arg6[%add3A_67, %dma_wait3A] : memref<10000x16xf32, #tpu.memory_space<vmem_shared>> -> memref<48x16xf32, #tpu.memory_space<vmem_shared>>
      %dma_wait3A_103 = arith.constant 0 : i32
      %dma_wait3A_104 = tpu.memref_slice %arg6[%add3A_67, %dma_wait3A_103] : memref<10000x16xf32, #tpu.memory_space<vmem_shared>> -> memref<48x16xf32, #tpu.memory_space<vmem_shared>>
      tpu.wait_dma2 semaphore(%run_scoped3A : memref<!tpu.dma_semaphore, #tpu.memory_space<semaphore_mem>>) src(%arg11 : memref<48x16xf32, #tpu.memory_space<vmem>>) dst(%dma_wait3A_104 : memref<48x16xf32, #tpu.memory_space<vmem_shared>>)
      tpu.yield
    }) : () -> ()
    %add3A_68 = arith.constant 528 : i32
    %add3A_69 = arith.addi %mul3A_21, %add3A_68 : i32
    "tpu.region"() ({
      %run_scoped3A = tpu.sem_alloc : memref<!tpu.dma_semaphore, #tpu.memory_space<semaphore_mem>>
      %dma_start3A = arith.constant 0 : i32
      %dma_start3A_99 = tpu.memref_slice %arg7[%add3A_69, %dma_start3A] : memref<10000x16xf32, #tpu.memory_space<vmem_shared>> -> memref<48x16xf32, #tpu.memory_space<vmem_shared>>
      %dma_start3A_100 = arith.constant 0 : i32
      %dma_start3A_101 = tpu.memref_slice %arg7[%add3A_69, %dma_start3A_100] : memref<10000x16xf32, #tpu.memory_space<vmem_shared>> -> memref<48x16xf32, #tpu.memory_space<vmem_shared>>
      tpu.enqueue_dma source(%arg11 : memref<48x16xf32, #tpu.memory_space<vmem>>) target(%dma_start3A_101 : memref<48x16xf32, #tpu.memory_space<vmem_shared>>) target_semaphore(%run_scoped3A : memref<!tpu.dma_semaphore, #tpu.memory_space<semaphore_mem>>)
      %dma_wait3A = arith.constant 0 : i32
      %dma_wait3A_102 = tpu.memref_slice %arg7[%add3A_69, %dma_wait3A] : memref<10000x16xf32, #tpu.memory_space<vmem_shared>> -> memref<48x16xf32, #tpu.memory_space<vmem_shared>>
      %dma_wait3A_103 = arith.constant 0 : i32
      %dma_wait3A_104 = tpu.memref_slice %arg7[%add3A_69, %dma_wait3A_103] : memref<10000x16xf32, #tpu.memory_space<vmem_shared>> -> memref<48x16xf32, #tpu.memory_space<vmem_shared>>
      tpu.wait_dma2 semaphore(%run_scoped3A : memref<!tpu.dma_semaphore, #tpu.memory_space<semaphore_mem>>) src(%arg11 : memref<48x16xf32, #tpu.memory_space<vmem>>) dst(%dma_wait3A_104 : memref<48x16xf32, #tpu.memory_space<vmem_shared>>)
      tpu.yield
    }) : () -> ()
    %add3A_70 = arith.constant 576 : i32
    %add3A_71 = arith.addi %mul3A_21, %add3A_70 : i32
    "tpu.region"() ({
      %run_scoped3A = tpu.sem_alloc : memref<!tpu.dma_semaphore, #tpu.memory_space<semaphore_mem>>
      %dma_start3A = arith.constant 0 : i32
      %dma_start3A_99 = tpu.memref_slice %arg6[%add3A_71, %dma_start3A] : memref<10000x16xf32, #tpu.memory_space<vmem_shared>> -> memref<48x16xf32, #tpu.memory_space<vmem_shared>>
      %dma_start3A_100 = arith.constant 0 : i32
      %dma_start3A_101 = tpu.memref_slice %arg6[%add3A_71, %dma_start3A_100] : memref<10000x16xf32, #tpu.memory_space<vmem_shared>> -> memref<48x16xf32, #tpu.memory_space<vmem_shared>>
      tpu.enqueue_dma source(%arg11 : memref<48x16xf32, #tpu.memory_space<vmem>>) target(%dma_start3A_101 : memref<48x16xf32, #tpu.memory_space<vmem_shared>>) target_semaphore(%run_scoped3A : memref<!tpu.dma_semaphore, #tpu.memory_space<semaphore_mem>>)
      %dma_wait3A = arith.constant 0 : i32
      %dma_wait3A_102 = tpu.memref_slice %arg6[%add3A_71, %dma_wait3A] : memref<10000x16xf32, #tpu.memory_space<vmem_shared>> -> memref<48x16xf32, #tpu.memory_space<vmem_shared>>
      %dma_wait3A_103 = arith.constant 0 : i32
      %dma_wait3A_104 = tpu.memref_slice %arg6[%add3A_71, %dma_wait3A_103] : memref<10000x16xf32, #tpu.memory_space<vmem_shared>> -> memref<48x16xf32, #tpu.memory_space<vmem_shared>>
      tpu.wait_dma2 semaphore(%run_scoped3A : memref<!tpu.dma_semaphore, #tpu.memory_space<semaphore_mem>>) src(%arg11 : memref<48x16xf32, #tpu.memory_space<vmem>>) dst(%dma_wait3A_104 : memref<48x16xf32, #tpu.memory_space<vmem_shared>>)
      tpu.yield
    }) : () -> ()
    %add3A_72 = arith.constant 576 : i32
    %add3A_73 = arith.addi %mul3A_21, %add3A_72 : i32
    "tpu.region"() ({
      %run_scoped3A = tpu.sem_alloc : memref<!tpu.dma_semaphore, #tpu.memory_space<semaphore_mem>>
      %dma_start3A = arith.constant 0 : i32
      %dma_start3A_99 = tpu.memref_slice %arg7[%add3A_73, %dma_start3A] : memref<10000x16xf32, #tpu.memory_space<vmem_shared>> -> memref<48x16xf32, #tpu.memory_space<vmem_shared>>
      %dma_start3A_100 = arith.constant 0 : i32
      %dma_start3A_101 = tpu.memref_slice %arg7[%add3A_73, %dma_start3A_100] : memref<10000x16xf32, #tpu.memory_space<vmem_shared>> -> memref<48x16xf32, #tpu.memory_space<vmem_shared>>
      tpu.enqueue_dma source(%arg11 : memref<48x16xf32, #tpu.memory_space<vmem>>) target(%dma_start3A_101 : memref<48x16xf32, #tpu.memory_space<vmem_shared>>) target_semaphore(%run_scoped3A : memref<!tpu.dma_semaphore, #tpu.memory_space<semaphore_mem>>)
      %dma_wait3A = arith.constant 0 : i32
      %dma_wait3A_102 = tpu.memref_slice %arg7[%add3A_73, %dma_wait3A] : memref<10000x16xf32, #tpu.memory_space<vmem_shared>> -> memref<48x16xf32, #tpu.memory_space<vmem_shared>>
      %dma_wait3A_103 = arith.constant 0 : i32
      %dma_wait3A_104 = tpu.memref_slice %arg7[%add3A_73, %dma_wait3A_103] : memref<10000x16xf32, #tpu.memory_space<vmem_shared>> -> memref<48x16xf32, #tpu.memory_space<vmem_shared>>
      tpu.wait_dma2 semaphore(%run_scoped3A : memref<!tpu.dma_semaphore, #tpu.memory_space<semaphore_mem>>) src(%arg11 : memref<48x16xf32, #tpu.memory_space<vmem>>) dst(%dma_wait3A_104 : memref<48x16xf32, #tpu.memory_space<vmem_shared>>)
      tpu.yield
    }) : () -> ()
    %eq3A = arith.constant 15 : i32
    %eq3A_74 = arith.cmpi eq, %arg1, %eq3A : i32
    %convert_element_type3A_75 = arith.extui %eq3A_74 : i1 to i32
    %cond3A_76 = arith.constant 0 : i32
    %cond3A_77 = arith.cmpi ne, %convert_element_type3A_75, %cond3A_76 : i32
    scf.if %cond3A_77 {
      "tpu.region"() ({
        %run_scoped3A = tpu.sem_alloc : memref<!tpu.dma_semaphore, #tpu.memory_space<semaphore_mem>>
        %dma_start3A = arith.constant 0 : i32
        %dma_start3A_99 = arith.constant 0 : i32
        %dma_start3A_100 = tpu.memref_slice %arg11[%dma_start3A, %dma_start3A_99] : memref<48x16xf32, #tpu.memory_space<vmem>> -> memref<16x16xf32, #tpu.memory_space<vmem>>
        %dma_start3A_101 = arith.constant 9984 : i32
        %dma_start3A_102 = arith.constant 0 : i32
        %dma_start3A_103 = tpu.memref_slice %arg6[%dma_start3A_101, %dma_start3A_102] : memref<10000x16xf32, #tpu.memory_space<vmem_shared>> -> memref<16x16xf32, #tpu.memory_space<vmem_shared>>
        %dma_start3A_104 = arith.constant 9984 : i32
        %dma_start3A_105 = arith.constant 0 : i32
        %dma_start3A_106 = tpu.memref_slice %arg6[%dma_start3A_104, %dma_start3A_105] : memref<10000x16xf32, #tpu.memory_space<vmem_shared>> -> memref<16x16xf32, #tpu.memory_space<vmem_shared>>
        %dma_start3A_107 = arith.constant 0 : i32
        %dma_start3A_108 = arith.constant 0 : i32
        %dma_start3A_109 = tpu.memref_slice %arg11[%dma_start3A_107, %dma_start3A_108] : memref<48x16xf32, #tpu.memory_space<vmem>> -> memref<16x16xf32, #tpu.memory_space<vmem>>
        tpu.enqueue_dma source(%dma_start3A_109 : memref<16x16xf32, #tpu.memory_space<vmem>>) target(%dma_start3A_106 : memref<16x16xf32, #tpu.memory_space<vmem_shared>>) target_semaphore(%run_scoped3A : memref<!tpu.dma_semaphore, #tpu.memory_space<semaphore_mem>>)
        %dma_wait3A = arith.constant 0 : i32
        %dma_wait3A_110 = arith.constant 0 : i32
        %dma_wait3A_111 = tpu.memref_slice %arg11[%dma_wait3A, %dma_wait3A_110] : memref<48x16xf32, #tpu.memory_space<vmem>> -> memref<16x16xf32, #tpu.memory_space<vmem>>
        %dma_wait3A_112 = arith.constant 9984 : i32
        %dma_wait3A_113 = arith.constant 0 : i32
        %dma_wait3A_114 = tpu.memref_slice %arg6[%dma_wait3A_112, %dma_wait3A_113] : memref<10000x16xf32, #tpu.memory_space<vmem_shared>> -> memref<16x16xf32, #tpu.memory_space<vmem_shared>>
        %dma_wait3A_115 = arith.constant 9984 : i32
        %dma_wait3A_116 = arith.constant 0 : i32
        %dma_wait3A_117 = tpu.memref_slice %arg6[%dma_wait3A_115, %dma_wait3A_116] : memref<10000x16xf32, #tpu.memory_space<vmem_shared>> -> memref<16x16xf32, #tpu.memory_space<vmem_shared>>
        %dma_wait3A_118 = arith.constant 0 : i32
        %dma_wait3A_119 = arith.constant 0 : i32
        %dma_wait3A_120 = tpu.memref_slice %arg11[%dma_wait3A_118, %dma_wait3A_119] : memref<48x16xf32, #tpu.memory_space<vmem>> -> memref<16x16xf32, #tpu.memory_space<vmem>>
        tpu.wait_dma2 semaphore(%run_scoped3A : memref<!tpu.dma_semaphore, #tpu.memory_space<semaphore_mem>>) src(%dma_wait3A_120 : memref<16x16xf32, #tpu.memory_space<vmem>>) dst(%dma_wait3A_117 : memref<16x16xf32, #tpu.memory_space<vmem_shared>>)
        tpu.yield
      }) : () -> ()
      "tpu.region"() ({
        %run_scoped3A = tpu.sem_alloc : memref<!tpu.dma_semaphore, #tpu.memory_space<semaphore_mem>>
        %dma_start3A = arith.constant 0 : i32
        %dma_start3A_99 = arith.constant 0 : i32
        %dma_start3A_100 = tpu.memref_slice %arg11[%dma_start3A, %dma_start3A_99] : memref<48x16xf32, #tpu.memory_space<vmem>> -> memref<16x16xf32, #tpu.memory_space<vmem>>
        %dma_start3A_101 = arith.constant 9984 : i32
        %dma_start3A_102 = arith.constant 0 : i32
        %dma_start3A_103 = tpu.memref_slice %arg7[%dma_start3A_101, %dma_start3A_102] : memref<10000x16xf32, #tpu.memory_space<vmem_shared>> -> memref<16x16xf32, #tpu.memory_space<vmem_shared>>
        %dma_start3A_104 = arith.constant 9984 : i32
        %dma_start3A_105 = arith.constant 0 : i32
        %dma_start3A_106 = tpu.memref_slice %arg7[%dma_start3A_104, %dma_start3A_105] : memref<10000x16xf32, #tpu.memory_space<vmem_shared>> -> memref<16x16xf32, #tpu.memory_space<vmem_shared>>
        %dma_start3A_107 = arith.constant 0 : i32
        %dma_start3A_108 = arith.constant 0 : i32
        %dma_start3A_109 = tpu.memref_slice %arg11[%dma_start3A_107, %dma_start3A_108] : memref<48x16xf32, #tpu.memory_space<vmem>> -> memref<16x16xf32, #tpu.memory_space<vmem>>
        tpu.enqueue_dma source(%dma_start3A_109 : memref<16x16xf32, #tpu.memory_space<vmem>>) target(%dma_start3A_106 : memref<16x16xf32, #tpu.memory_space<vmem_shared>>) target_semaphore(%run_scoped3A : memref<!tpu.dma_semaphore, #tpu.memory_space<semaphore_mem>>)
        %dma_wait3A = arith.constant 0 : i32
        %dma_wait3A_110 = arith.constant 0 : i32
        %dma_wait3A_111 = tpu.memref_slice %arg11[%dma_wait3A, %dma_wait3A_110] : memref<48x16xf32, #tpu.memory_space<vmem>> -> memref<16x16xf32, #tpu.memory_space<vmem>>
        %dma_wait3A_112 = arith.constant 9984 : i32
        %dma_wait3A_113 = arith.constant 0 : i32
        %dma_wait3A_114 = tpu.memref_slice %arg7[%dma_wait3A_112, %dma_wait3A_113] : memref<10000x16xf32, #tpu.memory_space<vmem_shared>> -> memref<16x16xf32, #tpu.memory_space<vmem_shared>>
        %dma_wait3A_115 = arith.constant 9984 : i32
        %dma_wait3A_116 = arith.constant 0 : i32
        %dma_wait3A_117 = tpu.memref_slice %arg7[%dma_wait3A_115, %dma_wait3A_116] : memref<10000x16xf32, #tpu.memory_space<vmem_shared>> -> memref<16x16xf32, #tpu.memory_space<vmem_shared>>
        %dma_wait3A_118 = arith.constant 0 : i32
        %dma_wait3A_119 = arith.constant 0 : i32
        %dma_wait3A_120 = tpu.memref_slice %arg11[%dma_wait3A_118, %dma_wait3A_119] : memref<48x16xf32, #tpu.memory_space<vmem>> -> memref<16x16xf32, #tpu.memory_space<vmem>>
        tpu.wait_dma2 semaphore(%run_scoped3A : memref<!tpu.dma_semaphore, #tpu.memory_space<semaphore_mem>>) src(%dma_wait3A_120 : memref<16x16xf32, #tpu.memory_space<vmem>>) dst(%dma_wait3A_117 : memref<16x16xf32, #tpu.memory_space<vmem_shared>>)
        tpu.yield
      }) : () -> ()
    } else {
    }
    %barrier3A = arith.constant 0 : index
    tpu.barrier barrier_id(%barrier3A)
    %scan3A_78 = arith.constant 0 : i32
    %scan3A_79 = arith.constant 0 : i32
    %scan3A_80 = arith.constant 13 : i32
    %scan3A_81 = arith.addi %scan3A_79, %scan3A_80 : i32
    %scan3A_82 = arith.constant 1 : i32
    %scan3A_83 = scf.for %scan3A_99 = %scan3A_79 to %scan3A_81 step %scan3A_82 iter_args(%scan3A_100 = %scan3A_78) -> (i32)  : i32 {
      %mul3A_101 = arith.constant 6 : i32
      %mul3A_102 = arith.muli %scan3A_99, %mul3A_101 : i32
      %add3A_103 = arith.constant 0 : i32
      %add3A_104 = arith.addi %mul3A_102, %add3A_103 : i32
      %dma_start3A = arith.constant 0 : i32
      %dma_start3A_105 = tpu.memref_slice %arg8[%add3A_104, %dma_start3A] : memref<79x128xi32, #tpu.memory_space<vmem>> -> memref<1x128xi32, #tpu.memory_space<vmem>>
      %dma_start3A_106 = tpu.memref_squeeze %dma_start3A_105 : memref<1x128xi32, #tpu.memory_space<vmem>> -> memref<128xi32, #tpu.memory_space<vmem>>
      %dma_start3A_107 = arith.constant 0 : i32
      %dma_start3A_108 = arith.constant 0 : i32
      %dma_start3A_109 = tpu.memref_slice %arg7[%dma_start3A_107, %dma_start3A_108] : memref<10000x16xf32, #tpu.memory_space<vmem_shared>> -> memref<10000x16xf32, #tpu.memory_space<vmem_shared>>
      tpu.enqueue_indirect_dma source(%arg10 : memref<128x16xf32, #tpu.memory_space<vmem>>) target(%dma_start3A_109 : memref<10000x16xf32, #tpu.memory_space<vmem_shared>>) offsets(%dma_start3A_106 : memref<128xi32, #tpu.memory_space<vmem>>) semaphore(%arg12 : memref<!tpu.dma_semaphore, #tpu.memory_space<semaphore_mem>>) {add = true}
      %dma_start3A_110 = arith.constant 0 : i32
      %dma_start3A_111 = tpu.memref_slice %arg9[%add3A_104, %dma_start3A_110] : memref<79x128xi32, #tpu.memory_space<vmem>> -> memref<1x128xi32, #tpu.memory_space<vmem>>
      %dma_start3A_112 = tpu.memref_squeeze %dma_start3A_111 : memref<1x128xi32, #tpu.memory_space<vmem>> -> memref<128xi32, #tpu.memory_space<vmem>>
      %dma_start3A_113 = arith.constant 0 : i32
      %dma_start3A_114 = arith.constant 0 : i32
      %dma_start3A_115 = tpu.memref_slice %arg6[%dma_start3A_113, %dma_start3A_114] : memref<10000x16xf32, #tpu.memory_space<vmem_shared>> -> memref<10000x16xf32, #tpu.memory_space<vmem_shared>>
      tpu.enqueue_indirect_dma source(%arg10 : memref<128x16xf32, #tpu.memory_space<vmem>>) target(%dma_start3A_115 : memref<10000x16xf32, #tpu.memory_space<vmem_shared>>) offsets(%dma_start3A_112 : memref<128xi32, #tpu.memory_space<vmem>>) semaphore(%arg12 : memref<!tpu.dma_semaphore, #tpu.memory_space<semaphore_mem>>) {add = true}
      %mul3A_116 = arith.constant 6 : i32
      %mul3A_117 = arith.muli %scan3A_99, %mul3A_116 : i32
      %add3A_118 = arith.constant 1 : i32
      %add3A_119 = arith.addi %mul3A_117, %add3A_118 : i32
      %dma_start3A_120 = arith.constant 0 : i32
      %dma_start3A_121 = tpu.memref_slice %arg8[%add3A_119, %dma_start3A_120] : memref<79x128xi32, #tpu.memory_space<vmem>> -> memref<1x128xi32, #tpu.memory_space<vmem>>
      %dma_start3A_122 = tpu.memref_squeeze %dma_start3A_121 : memref<1x128xi32, #tpu.memory_space<vmem>> -> memref<128xi32, #tpu.memory_space<vmem>>
      %dma_start3A_123 = arith.constant 0 : i32
      %dma_start3A_124 = arith.constant 0 : i32
      %dma_start3A_125 = tpu.memref_slice %arg7[%dma_start3A_123, %dma_start3A_124] : memref<10000x16xf32, #tpu.memory_space<vmem_shared>> -> memref<10000x16xf32, #tpu.memory_space<vmem_shared>>
      tpu.enqueue_indirect_dma source(%arg10 : memref<128x16xf32, #tpu.memory_space<vmem>>) target(%dma_start3A_125 : memref<10000x16xf32, #tpu.memory_space<vmem_shared>>) offsets(%dma_start3A_122 : memref<128xi32, #tpu.memory_space<vmem>>) semaphore(%arg12 : memref<!tpu.dma_semaphore, #tpu.memory_space<semaphore_mem>>) {add = true}
      %dma_start3A_126 = arith.constant 0 : i32
      %dma_start3A_127 = tpu.memref_slice %arg9[%add3A_119, %dma_start3A_126] : memref<79x128xi32, #tpu.memory_space<vmem>> -> memref<1x128xi32, #tpu.memory_space<vmem>>
      %dma_start3A_128 = tpu.memref_squeeze %dma_start3A_127 : memref<1x128xi32, #tpu.memory_space<vmem>> -> memref<128xi32, #tpu.memory_space<vmem>>
      %dma_start3A_129 = arith.constant 0 : i32
      %dma_start3A_130 = arith.constant 0 : i32
      %dma_start3A_131 = tpu.memref_slice %arg6[%dma_start3A_129, %dma_start3A_130] : memref<10000x16xf32, #tpu.memory_space<vmem_shared>> -> memref<10000x16xf32, #tpu.memory_space<vmem_shared>>
      tpu.enqueue_indirect_dma source(%arg10 : memref<128x16xf32, #tpu.memory_space<vmem>>) target(%dma_start3A_131 : memref<10000x16xf32, #tpu.memory_space<vmem_shared>>) offsets(%dma_start3A_128 : memref<128xi32, #tpu.memory_space<vmem>>) semaphore(%arg12 : memref<!tpu.dma_semaphore, #tpu.memory_space<semaphore_mem>>) {add = true}
      %mul3A_132 = arith.constant 6 : i32
      %mul3A_133 = arith.muli %scan3A_99, %mul3A_132 : i32
      %add3A_134 = arith.constant 2 : i32
      %add3A_135 = arith.addi %mul3A_133, %add3A_134 : i32
      %dma_start3A_136 = arith.constant 0 : i32
      %dma_start3A_137 = tpu.memref_slice %arg8[%add3A_135, %dma_start3A_136] : memref<79x128xi32, #tpu.memory_space<vmem>> -> memref<1x128xi32, #tpu.memory_space<vmem>>
      %dma_start3A_138 = tpu.memref_squeeze %dma_start3A_137 : memref<1x128xi32, #tpu.memory_space<vmem>> -> memref<128xi32, #tpu.memory_space<vmem>>
      %dma_start3A_139 = arith.constant 0 : i32
      %dma_start3A_140 = arith.constant 0 : i32
      %dma_start3A_141 = tpu.memref_slice %arg7[%dma_start3A_139, %dma_start3A_140] : memref<10000x16xf32, #tpu.memory_space<vmem_shared>> -> memref<10000x16xf32, #tpu.memory_space<vmem_shared>>
      tpu.enqueue_indirect_dma source(%arg10 : memref<128x16xf32, #tpu.memory_space<vmem>>) target(%dma_start3A_141 : memref<10000x16xf32, #tpu.memory_space<vmem_shared>>) offsets(%dma_start3A_138 : memref<128xi32, #tpu.memory_space<vmem>>) semaphore(%arg12 : memref<!tpu.dma_semaphore, #tpu.memory_space<semaphore_mem>>) {add = true}
      %dma_start3A_142 = arith.constant 0 : i32
      %dma_start3A_143 = tpu.memref_slice %arg9[%add3A_135, %dma_start3A_142] : memref<79x128xi32, #tpu.memory_space<vmem>> -> memref<1x128xi32, #tpu.memory_space<vmem>>
      %dma_start3A_144 = tpu.memref_squeeze %dma_start3A_143 : memref<1x128xi32, #tpu.memory_space<vmem>> -> memref<128xi32, #tpu.memory_space<vmem>>
      %dma_start3A_145 = arith.constant 0 : i32
      %dma_start3A_146 = arith.constant 0 : i32
      %dma_start3A_147 = tpu.memref_slice %arg6[%dma_start3A_145, %dma_start3A_146] : memref<10000x16xf32, #tpu.memory_space<vmem_shared>> -> memref<10000x16xf32, #tpu.memory_space<vmem_shared>>
      tpu.enqueue_indirect_dma source(%arg10 : memref<128x16xf32, #tpu.memory_space<vmem>>) target(%dma_start3A_147 : memref<10000x16xf32, #tpu.memory_space<vmem_shared>>) offsets(%dma_start3A_144 : memref<128xi32, #tpu.memory_space<vmem>>) semaphore(%arg12 : memref<!tpu.dma_semaphore, #tpu.memory_space<semaphore_mem>>) {add = true}
      %mul3A_148 = arith.constant 6 : i32
      %mul3A_149 = arith.muli %scan3A_99, %mul3A_148 : i32
      %add3A_150 = arith.constant 3 : i32
      %add3A_151 = arith.addi %mul3A_149, %add3A_150 : i32
      %dma_start3A_152 = arith.constant 0 : i32
      %dma_start3A_153 = tpu.memref_slice %arg8[%add3A_151, %dma_start3A_152] : memref<79x128xi32, #tpu.memory_space<vmem>> -> memref<1x128xi32, #tpu.memory_space<vmem>>
      %dma_start3A_154 = tpu.memref_squeeze %dma_start3A_153 : memref<1x128xi32, #tpu.memory_space<vmem>> -> memref<128xi32, #tpu.memory_space<vmem>>
      %dma_start3A_155 = arith.constant 0 : i32
      %dma_start3A_156 = arith.constant 0 : i32
      %dma_start3A_157 = tpu.memref_slice %arg7[%dma_start3A_155, %dma_start3A_156] : memref<10000x16xf32, #tpu.memory_space<vmem_shared>> -> memref<10000x16xf32, #tpu.memory_space<vmem_shared>>
      tpu.enqueue_indirect_dma source(%arg10 : memref<128x16xf32, #tpu.memory_space<vmem>>) target(%dma_start3A_157 : memref<10000x16xf32, #tpu.memory_space<vmem_shared>>) offsets(%dma_start3A_154 : memref<128xi32, #tpu.memory_space<vmem>>) semaphore(%arg12 : memref<!tpu.dma_semaphore, #tpu.memory_space<semaphore_mem>>) {add = true}
      %dma_start3A_158 = arith.constant 0 : i32
      %dma_start3A_159 = tpu.memref_slice %arg9[%add3A_151, %dma_start3A_158] : memref<79x128xi32, #tpu.memory_space<vmem>> -> memref<1x128xi32, #tpu.memory_space<vmem>>
      %dma_start3A_160 = tpu.memref_squeeze %dma_start3A_159 : memref<1x128xi32, #tpu.memory_space<vmem>> -> memref<128xi32, #tpu.memory_space<vmem>>
      %dma_start3A_161 = arith.constant 0 : i32
      %dma_start3A_162 = arith.constant 0 : i32
      %dma_start3A_163 = tpu.memref_slice %arg6[%dma_start3A_161, %dma_start3A_162] : memref<10000x16xf32, #tpu.memory_space<vmem_shared>> -> memref<10000x16xf32, #tpu.memory_space<vmem_shared>>
      tpu.enqueue_indirect_dma source(%arg10 : memref<128x16xf32, #tpu.memory_space<vmem>>) target(%dma_start3A_163 : memref<10000x16xf32, #tpu.memory_space<vmem_shared>>) offsets(%dma_start3A_160 : memref<128xi32, #tpu.memory_space<vmem>>) semaphore(%arg12 : memref<!tpu.dma_semaphore, #tpu.memory_space<semaphore_mem>>) {add = true}
      %mul3A_164 = arith.constant 6 : i32
      %mul3A_165 = arith.muli %scan3A_99, %mul3A_164 : i32
      %add3A_166 = arith.constant 4 : i32
      %add3A_167 = arith.addi %mul3A_165, %add3A_166 : i32
      %dma_start3A_168 = arith.constant 0 : i32
      %dma_start3A_169 = tpu.memref_slice %arg8[%add3A_167, %dma_start3A_168] : memref<79x128xi32, #tpu.memory_space<vmem>> -> memref<1x128xi32, #tpu.memory_space<vmem>>
      %dma_start3A_170 = tpu.memref_squeeze %dma_start3A_169 : memref<1x128xi32, #tpu.memory_space<vmem>> -> memref<128xi32, #tpu.memory_space<vmem>>
      %dma_start3A_171 = arith.constant 0 : i32
      %dma_start3A_172 = arith.constant 0 : i32
      %dma_start3A_173 = tpu.memref_slice %arg7[%dma_start3A_171, %dma_start3A_172] : memref<10000x16xf32, #tpu.memory_space<vmem_shared>> -> memref<10000x16xf32, #tpu.memory_space<vmem_shared>>
      tpu.enqueue_indirect_dma source(%arg10 : memref<128x16xf32, #tpu.memory_space<vmem>>) target(%dma_start3A_173 : memref<10000x16xf32, #tpu.memory_space<vmem_shared>>) offsets(%dma_start3A_170 : memref<128xi32, #tpu.memory_space<vmem>>) semaphore(%arg12 : memref<!tpu.dma_semaphore, #tpu.memory_space<semaphore_mem>>) {add = true}
      %dma_start3A_174 = arith.constant 0 : i32
      %dma_start3A_175 = tpu.memref_slice %arg9[%add3A_167, %dma_start3A_174] : memref<79x128xi32, #tpu.memory_space<vmem>> -> memref<1x128xi32, #tpu.memory_space<vmem>>
      %dma_start3A_176 = tpu.memref_squeeze %dma_start3A_175 : memref<1x128xi32, #tpu.memory_space<vmem>> -> memref<128xi32, #tpu.memory_space<vmem>>
      %dma_start3A_177 = arith.constant 0 : i32
      %dma_start3A_178 = arith.constant 0 : i32
      %dma_start3A_179 = tpu.memref_slice %arg6[%dma_start3A_177, %dma_start3A_178] : memref<10000x16xf32, #tpu.memory_space<vmem_shared>> -> memref<10000x16xf32, #tpu.memory_space<vmem_shared>>
      tpu.enqueue_indirect_dma source(%arg10 : memref<128x16xf32, #tpu.memory_space<vmem>>) target(%dma_start3A_179 : memref<10000x16xf32, #tpu.memory_space<vmem_shared>>) offsets(%dma_start3A_176 : memref<128xi32, #tpu.memory_space<vmem>>) semaphore(%arg12 : memref<!tpu.dma_semaphore, #tpu.memory_space<semaphore_mem>>) {add = true}
      %mul3A_180 = arith.constant 6 : i32
      %mul3A_181 = arith.muli %scan3A_99, %mul3A_180 : i32
      %add3A_182 = arith.constant 5 : i32
      %add3A_183 = arith.addi %mul3A_181, %add3A_182 : i32
      %dma_start3A_184 = arith.constant 0 : i32
      %dma_start3A_185 = tpu.memref_slice %arg8[%add3A_183, %dma_start3A_184] : memref<79x128xi32, #tpu.memory_space<vmem>> -> memref<1x128xi32, #tpu.memory_space<vmem>>
      %dma_start3A_186 = tpu.memref_squeeze %dma_start3A_185 : memref<1x128xi32, #tpu.memory_space<vmem>> -> memref<128xi32, #tpu.memory_space<vmem>>
      %dma_start3A_187 = arith.constant 0 : i32
      %dma_start3A_188 = arith.constant 0 : i32
      %dma_start3A_189 = tpu.memref_slice %arg7[%dma_start3A_187, %dma_start3A_188] : memref<10000x16xf32, #tpu.memory_space<vmem_shared>> -> memref<10000x16xf32, #tpu.memory_space<vmem_shared>>
      tpu.enqueue_indirect_dma source(%arg10 : memref<128x16xf32, #tpu.memory_space<vmem>>) target(%dma_start3A_189 : memref<10000x16xf32, #tpu.memory_space<vmem_shared>>) offsets(%dma_start3A_186 : memref<128xi32, #tpu.memory_space<vmem>>) semaphore(%arg12 : memref<!tpu.dma_semaphore, #tpu.memory_space<semaphore_mem>>) {add = true}
      %dma_start3A_190 = arith.constant 0 : i32
      %dma_start3A_191 = tpu.memref_slice %arg9[%add3A_183, %dma_start3A_190] : memref<79x128xi32, #tpu.memory_space<vmem>> -> memref<1x128xi32, #tpu.memory_space<vmem>>
      %dma_start3A_192 = tpu.memref_squeeze %dma_start3A_191 : memref<1x128xi32, #tpu.memory_space<vmem>> -> memref<128xi32, #tpu.memory_space<vmem>>
      %dma_start3A_193 = arith.constant 0 : i32
      %dma_start3A_194 = arith.constant 0 : i32
      %dma_start3A_195 = tpu.memref_slice %arg6[%dma_start3A_193, %dma_start3A_194] : memref<10000x16xf32, #tpu.memory_space<vmem_shared>> -> memref<10000x16xf32, #tpu.memory_space<vmem_shared>>
      tpu.enqueue_indirect_dma source(%arg10 : memref<128x16xf32, #tpu.memory_space<vmem>>) target(%dma_start3A_195 : memref<10000x16xf32, #tpu.memory_space<vmem_shared>>) offsets(%dma_start3A_192 : memref<128xi32, #tpu.memory_space<vmem>>) semaphore(%arg12 : memref<!tpu.dma_semaphore, #tpu.memory_space<semaphore_mem>>) {add = true}
      %mul3A_196 = arith.constant 6 : i32
      %mul3A_197 = arith.muli %scan3A_99, %mul3A_196 : i32
      %add3A_198 = arith.constant 0 : i32
      %add3A_199 = arith.addi %mul3A_197, %add3A_198 : i32
      %dma_wait3A = arith.constant 0 : i32
      %dma_wait3A_200 = tpu.memref_slice %arg8[%add3A_199, %dma_wait3A] : memref<79x128xi32, #tpu.memory_space<vmem>> -> memref<1x128xi32, #tpu.memory_space<vmem>>
      %dma_wait3A_201 = tpu.memref_squeeze %dma_wait3A_200 : memref<1x128xi32, #tpu.memory_space<vmem>> -> memref<128xi32, #tpu.memory_space<vmem>>
      %dma_wait3A_202 = arith.constant 0 : i32
      %dma_wait3A_203 = arith.constant 0 : i32
      %dma_wait3A_204 = tpu.memref_slice %arg7[%dma_wait3A_202, %dma_wait3A_203] : memref<10000x16xf32, #tpu.memory_space<vmem_shared>> -> memref<10000x16xf32, #tpu.memory_space<vmem_shared>>
      tpu.wait_indirect_dma semaphore(%arg12 : memref<!tpu.dma_semaphore, #tpu.memory_space<semaphore_mem>>) src(%arg10 : memref<128x16xf32, #tpu.memory_space<vmem>>) dst(%dma_wait3A_204 : memref<10000x16xf32, #tpu.memory_space<vmem_shared>>)
      %dma_wait3A_205 = arith.constant 0 : i32
      %dma_wait3A_206 = tpu.memref_slice %arg9[%add3A_199, %dma_wait3A_205] : memref<79x128xi32, #tpu.memory_space<vmem>> -> memref<1x128xi32, #tpu.memory_space<vmem>>
      %dma_wait3A_207 = tpu.memref_squeeze %dma_wait3A_206 : memref<1x128xi32, #tpu.memory_space<vmem>> -> memref<128xi32, #tpu.memory_space<vmem>>
      %dma_wait3A_208 = arith.constant 0 : i32
      %dma_wait3A_209 = arith.constant 0 : i32
      %dma_wait3A_210 = tpu.memref_slice %arg6[%dma_wait3A_208, %dma_wait3A_209] : memref<10000x16xf32, #tpu.memory_space<vmem_shared>> -> memref<10000x16xf32, #tpu.memory_space<vmem_shared>>
      tpu.wait_indirect_dma semaphore(%arg12 : memref<!tpu.dma_semaphore, #tpu.memory_space<semaphore_mem>>) src(%arg10 : memref<128x16xf32, #tpu.memory_space<vmem>>) dst(%dma_wait3A_210 : memref<10000x16xf32, #tpu.memory_space<vmem_shared>>)
      %mul3A_211 = arith.constant 6 : i32
      %mul3A_212 = arith.muli %scan3A_99, %mul3A_211 : i32
      %add3A_213 = arith.constant 1 : i32
      %add3A_214 = arith.addi %mul3A_212, %add3A_213 : i32
      %dma_wait3A_215 = arith.constant 0 : i32
      %dma_wait3A_216 = tpu.memref_slice %arg8[%add3A_214, %dma_wait3A_215] : memref<79x128xi32, #tpu.memory_space<vmem>> -> memref<1x128xi32, #tpu.memory_space<vmem>>
      %dma_wait3A_217 = tpu.memref_squeeze %dma_wait3A_216 : memref<1x128xi32, #tpu.memory_space<vmem>> -> memref<128xi32, #tpu.memory_space<vmem>>
      %dma_wait3A_218 = arith.constant 0 : i32
      %dma_wait3A_219 = arith.constant 0 : i32
      %dma_wait3A_220 = tpu.memref_slice %arg7[%dma_wait3A_218, %dma_wait3A_219] : memref<10000x16xf32, #tpu.memory_space<vmem_shared>> -> memref<10000x16xf32, #tpu.memory_space<vmem_shared>>
      tpu.wait_indirect_dma semaphore(%arg12 : memref<!tpu.dma_semaphore, #tpu.memory_space<semaphore_mem>>) src(%arg10 : memref<128x16xf32, #tpu.memory_space<vmem>>) dst(%dma_wait3A_220 : memref<10000x16xf32, #tpu.memory_space<vmem_shared>>)
      %dma_wait3A_221 = arith.constant 0 : i32
      %dma_wait3A_222 = tpu.memref_slice %arg9[%add3A_214, %dma_wait3A_221] : memref<79x128xi32, #tpu.memory_space<vmem>> -> memref<1x128xi32, #tpu.memory_space<vmem>>
      %dma_wait3A_223 = tpu.memref_squeeze %dma_wait3A_222 : memref<1x128xi32, #tpu.memory_space<vmem>> -> memref<128xi32, #tpu.memory_space<vmem>>
      %dma_wait3A_224 = arith.constant 0 : i32
      %dma_wait3A_225 = arith.constant 0 : i32
      %dma_wait3A_226 = tpu.memref_slice %arg6[%dma_wait3A_224, %dma_wait3A_225] : memref<10000x16xf32, #tpu.memory_space<vmem_shared>> -> memref<10000x16xf32, #tpu.memory_space<vmem_shared>>
      tpu.wait_indirect_dma semaphore(%arg12 : memref<!tpu.dma_semaphore, #tpu.memory_space<semaphore_mem>>) src(%arg10 : memref<128x16xf32, #tpu.memory_space<vmem>>) dst(%dma_wait3A_226 : memref<10000x16xf32, #tpu.memory_space<vmem_shared>>)
      %mul3A_227 = arith.constant 6 : i32
      %mul3A_228 = arith.muli %scan3A_99, %mul3A_227 : i32
      %add3A_229 = arith.constant 2 : i32
      %add3A_230 = arith.addi %mul3A_228, %add3A_229 : i32
      %dma_wait3A_231 = arith.constant 0 : i32
      %dma_wait3A_232 = tpu.memref_slice %arg8[%add3A_230, %dma_wait3A_231] : memref<79x128xi32, #tpu.memory_space<vmem>> -> memref<1x128xi32, #tpu.memory_space<vmem>>
      %dma_wait3A_233 = tpu.memref_squeeze %dma_wait3A_232 : memref<1x128xi32, #tpu.memory_space<vmem>> -> memref<128xi32, #tpu.memory_space<vmem>>
      %dma_wait3A_234 = arith.constant 0 : i32
      %dma_wait3A_235 = arith.constant 0 : i32
      %dma_wait3A_236 = tpu.memref_slice %arg7[%dma_wait3A_234, %dma_wait3A_235] : memref<10000x16xf32, #tpu.memory_space<vmem_shared>> -> memref<10000x16xf32, #tpu.memory_space<vmem_shared>>
      tpu.wait_indirect_dma semaphore(%arg12 : memref<!tpu.dma_semaphore, #tpu.memory_space<semaphore_mem>>) src(%arg10 : memref<128x16xf32, #tpu.memory_space<vmem>>) dst(%dma_wait3A_236 : memref<10000x16xf32, #tpu.memory_space<vmem_shared>>)
      %dma_wait3A_237 = arith.constant 0 : i32
      %dma_wait3A_238 = tpu.memref_slice %arg9[%add3A_230, %dma_wait3A_237] : memref<79x128xi32, #tpu.memory_space<vmem>> -> memref<1x128xi32, #tpu.memory_space<vmem>>
      %dma_wait3A_239 = tpu.memref_squeeze %dma_wait3A_238 : memref<1x128xi32, #tpu.memory_space<vmem>> -> memref<128xi32, #tpu.memory_space<vmem>>
      %dma_wait3A_240 = arith.constant 0 : i32
      %dma_wait3A_241 = arith.constant 0 : i32
      %dma_wait3A_242 = tpu.memref_slice %arg6[%dma_wait3A_240, %dma_wait3A_241] : memref<10000x16xf32, #tpu.memory_space<vmem_shared>> -> memref<10000x16xf32, #tpu.memory_space<vmem_shared>>
      tpu.wait_indirect_dma semaphore(%arg12 : memref<!tpu.dma_semaphore, #tpu.memory_space<semaphore_mem>>) src(%arg10 : memref<128x16xf32, #tpu.memory_space<vmem>>) dst(%dma_wait3A_242 : memref<10000x16xf32, #tpu.memory_space<vmem_shared>>)
      %mul3A_243 = arith.constant 6 : i32
      %mul3A_244 = arith.muli %scan3A_99, %mul3A_243 : i32
      %add3A_245 = arith.constant 3 : i32
      %add3A_246 = arith.addi %mul3A_244, %add3A_245 : i32
      %dma_wait3A_247 = arith.constant 0 : i32
      %dma_wait3A_248 = tpu.memref_slice %arg8[%add3A_246, %dma_wait3A_247] : memref<79x128xi32, #tpu.memory_space<vmem>> -> memref<1x128xi32, #tpu.memory_space<vmem>>
      %dma_wait3A_249 = tpu.memref_squeeze %dma_wait3A_248 : memref<1x128xi32, #tpu.memory_space<vmem>> -> memref<128xi32, #tpu.memory_space<vmem>>
      %dma_wait3A_250 = arith.constant 0 : i32
      %dma_wait3A_251 = arith.constant 0 : i32
      %dma_wait3A_252 = tpu.memref_slice %arg7[%dma_wait3A_250, %dma_wait3A_251] : memref<10000x16xf32, #tpu.memory_space<vmem_shared>> -> memref<10000x16xf32, #tpu.memory_space<vmem_shared>>
      tpu.wait_indirect_dma semaphore(%arg12 : memref<!tpu.dma_semaphore, #tpu.memory_space<semaphore_mem>>) src(%arg10 : memref<128x16xf32, #tpu.memory_space<vmem>>) dst(%dma_wait3A_252 : memref<10000x16xf32, #tpu.memory_space<vmem_shared>>)
      %dma_wait3A_253 = arith.constant 0 : i32
      %dma_wait3A_254 = tpu.memref_slice %arg9[%add3A_246, %dma_wait3A_253] : memref<79x128xi32, #tpu.memory_space<vmem>> -> memref<1x128xi32, #tpu.memory_space<vmem>>
      %dma_wait3A_255 = tpu.memref_squeeze %dma_wait3A_254 : memref<1x128xi32, #tpu.memory_space<vmem>> -> memref<128xi32, #tpu.memory_space<vmem>>
      %dma_wait3A_256 = arith.constant 0 : i32
      %dma_wait3A_257 = arith.constant 0 : i32
      %dma_wait3A_258 = tpu.memref_slice %arg6[%dma_wait3A_256, %dma_wait3A_257] : memref<10000x16xf32, #tpu.memory_space<vmem_shared>> -> memref<10000x16xf32, #tpu.memory_space<vmem_shared>>
      tpu.wait_indirect_dma semaphore(%arg12 : memref<!tpu.dma_semaphore, #tpu.memory_space<semaphore_mem>>) src(%arg10 : memref<128x16xf32, #tpu.memory_space<vmem>>) dst(%dma_wait3A_258 : memref<10000x16xf32, #tpu.memory_space<vmem_shared>>)
      %mul3A_259 = arith.constant 6 : i32
      %mul3A_260 = arith.muli %scan3A_99, %mul3A_259 : i32
      %add3A_261 = arith.constant 4 : i32
      %add3A_262 = arith.addi %mul3A_260, %add3A_261 : i32
      %dma_wait3A_263 = arith.constant 0 : i32
      %dma_wait3A_264 = tpu.memref_slice %arg8[%add3A_262, %dma_wait3A_263] : memref<79x128xi32, #tpu.memory_space<vmem>> -> memref<1x128xi32, #tpu.memory_space<vmem>>
      %dma_wait3A_265 = tpu.memref_squeeze %dma_wait3A_264 : memref<1x128xi32, #tpu.memory_space<vmem>> -> memref<128xi32, #tpu.memory_space<vmem>>
      %dma_wait3A_266 = arith.constant 0 : i32
      %dma_wait3A_267 = arith.constant 0 : i32
      %dma_wait3A_268 = tpu.memref_slice %arg7[%dma_wait3A_266, %dma_wait3A_267] : memref<10000x16xf32, #tpu.memory_space<vmem_shared>> -> memref<10000x16xf32, #tpu.memory_space<vmem_shared>>
      tpu.wait_indirect_dma semaphore(%arg12 : memref<!tpu.dma_semaphore, #tpu.memory_space<semaphore_mem>>) src(%arg10 : memref<128x16xf32, #tpu.memory_space<vmem>>) dst(%dma_wait3A_268 : memref<10000x16xf32, #tpu.memory_space<vmem_shared>>)
      %dma_wait3A_269 = arith.constant 0 : i32
      %dma_wait3A_270 = tpu.memref_slice %arg9[%add3A_262, %dma_wait3A_269] : memref<79x128xi32, #tpu.memory_space<vmem>> -> memref<1x128xi32, #tpu.memory_space<vmem>>
      %dma_wait3A_271 = tpu.memref_squeeze %dma_wait3A_270 : memref<1x128xi32, #tpu.memory_space<vmem>> -> memref<128xi32, #tpu.memory_space<vmem>>
      %dma_wait3A_272 = arith.constant 0 : i32
      %dma_wait3A_273 = arith.constant 0 : i32
      %dma_wait3A_274 = tpu.memref_slice %arg6[%dma_wait3A_272, %dma_wait3A_273] : memref<10000x16xf32, #tpu.memory_space<vmem_shared>> -> memref<10000x16xf32, #tpu.memory_space<vmem_shared>>
      tpu.wait_indirect_dma semaphore(%arg12 : memref<!tpu.dma_semaphore, #tpu.memory_space<semaphore_mem>>) src(%arg10 : memref<128x16xf32, #tpu.memory_space<vmem>>) dst(%dma_wait3A_274 : memref<10000x16xf32, #tpu.memory_space<vmem_shared>>)
      %mul3A_275 = arith.constant 6 : i32
      %mul3A_276 = arith.muli %scan3A_99, %mul3A_275 : i32
      %add3A_277 = arith.constant 5 : i32
      %add3A_278 = arith.addi %mul3A_276, %add3A_277 : i32
      %dma_wait3A_279 = arith.constant 0 : i32
      %dma_wait3A_280 = tpu.memref_slice %arg8[%add3A_278, %dma_wait3A_279] : memref<79x128xi32, #tpu.memory_space<vmem>> -> memref<1x128xi32, #tpu.memory_space<vmem>>
      %dma_wait3A_281 = tpu.memref_squeeze %dma_wait3A_280 : memref<1x128xi32, #tpu.memory_space<vmem>> -> memref<128xi32, #tpu.memory_space<vmem>>
      %dma_wait3A_282 = arith.constant 0 : i32
      %dma_wait3A_283 = arith.constant 0 : i32
      %dma_wait3A_284 = tpu.memref_slice %arg7[%dma_wait3A_282, %dma_wait3A_283] : memref<10000x16xf32, #tpu.memory_space<vmem_shared>> -> memref<10000x16xf32, #tpu.memory_space<vmem_shared>>
      tpu.wait_indirect_dma semaphore(%arg12 : memref<!tpu.dma_semaphore, #tpu.memory_space<semaphore_mem>>) src(%arg10 : memref<128x16xf32, #tpu.memory_space<vmem>>) dst(%dma_wait3A_284 : memref<10000x16xf32, #tpu.memory_space<vmem_shared>>)
      %dma_wait3A_285 = arith.constant 0 : i32
      %dma_wait3A_286 = tpu.memref_slice %arg9[%add3A_278, %dma_wait3A_285] : memref<79x128xi32, #tpu.memory_space<vmem>> -> memref<1x128xi32, #tpu.memory_space<vmem>>
      %dma_wait3A_287 = tpu.memref_squeeze %dma_wait3A_286 : memref<1x128xi32, #tpu.memory_space<vmem>> -> memref<128xi32, #tpu.memory_space<vmem>>
      %dma_wait3A_288 = arith.constant 0 : i32
      %dma_wait3A_289 = arith.constant 0 : i32
      %dma_wait3A_290 = tpu.memref_slice %arg6[%dma_wait3A_288, %dma_wait3A_289] : memref<10000x16xf32, #tpu.memory_space<vmem_shared>> -> memref<10000x16xf32, #tpu.memory_space<vmem_shared>>
      tpu.wait_indirect_dma semaphore(%arg12 : memref<!tpu.dma_semaphore, #tpu.memory_space<semaphore_mem>>) src(%arg10 : memref<128x16xf32, #tpu.memory_space<vmem>>) dst(%dma_wait3A_290 : memref<10000x16xf32, #tpu.memory_space<vmem_shared>>)
      %scan3A_291 = arith.constant 0 : i32
      scf.yield %scan3A_291 : i32
    }
    %scan3A_84 = arith.constant 13 : i32
    %lt3A_85 = arith.constant 4 : i32
    %lt3A_86 = arith.cmpi slt, %add3A, %lt3A_85 : i32
    %convert_element_type3A_87 = arith.extui %lt3A_86 : i1 to i32
    %cond3A_88 = arith.constant 0 : i32
    %cond3A_89 = arith.cmpi ne, %convert_element_type3A_87, %cond3A_88 : i32
    scf.if %cond3A_89 {
      %run_scoped3A = arith.constant 78 : i32
      "tpu.region"() ({
        %run_scoped3A_100 = tpu.sem_alloc : memref<!tpu.dma_semaphore, #tpu.memory_space<semaphore_mem>>
        %dma_start3A = arith.constant 0 : i32
        %dma_start3A_101 = tpu.memref_slice %arg8[%run_scoped3A, %dma_start3A] : memref<79x128xi32, #tpu.memory_space<vmem>> -> memref<1x128xi32, #tpu.memory_space<vmem>>
        %dma_start3A_102 = tpu.memref_squeeze %dma_start3A_101 : memref<1x128xi32, #tpu.memory_space<vmem>> -> memref<128xi32, #tpu.memory_space<vmem>>
        %dma_start3A_103 = arith.constant 0 : i32
        %dma_start3A_104 = arith.constant 0 : i32
        %dma_start3A_105 = tpu.memref_slice %arg7[%dma_start3A_103, %dma_start3A_104] : memref<10000x16xf32, #tpu.memory_space<vmem_shared>> -> memref<10000x16xf32, #tpu.memory_space<vmem_shared>>
        tpu.enqueue_indirect_dma source(%arg10 : memref<128x16xf32, #tpu.memory_space<vmem>>) target(%dma_start3A_105 : memref<10000x16xf32, #tpu.memory_space<vmem_shared>>) offsets(%dma_start3A_102 : memref<128xi32, #tpu.memory_space<vmem>>) semaphore(%run_scoped3A_100 : memref<!tpu.dma_semaphore, #tpu.memory_space<semaphore_mem>>) {add = true}
        %dma_wait3A = arith.constant 0 : i32
        %dma_wait3A_106 = tpu.memref_slice %arg8[%run_scoped3A, %dma_wait3A] : memref<79x128xi32, #tpu.memory_space<vmem>> -> memref<1x128xi32, #tpu.memory_space<vmem>>
        %dma_wait3A_107 = tpu.memref_squeeze %dma_wait3A_106 : memref<1x128xi32, #tpu.memory_space<vmem>> -> memref<128xi32, #tpu.memory_space<vmem>>
        %dma_wait3A_108 = arith.constant 0 : i32
        %dma_wait3A_109 = arith.constant 0 : i32
        %dma_wait3A_110 = tpu.memref_slice %arg7[%dma_wait3A_108, %dma_wait3A_109] : memref<10000x16xf32, #tpu.memory_space<vmem_shared>> -> memref<10000x16xf32, #tpu.memory_space<vmem_shared>>
        tpu.wait_indirect_dma semaphore(%run_scoped3A_100 : memref<!tpu.dma_semaphore, #tpu.memory_space<semaphore_mem>>) src(%arg10 : memref<128x16xf32, #tpu.memory_space<vmem>>) dst(%dma_wait3A_110 : memref<10000x16xf32, #tpu.memory_space<vmem_shared>>)
        tpu.yield
      }) : () -> ()
      %run_scoped3A_99 = arith.constant 78 : i32
      "tpu.region"() ({
        %run_scoped3A_100 = tpu.sem_alloc : memref<!tpu.dma_semaphore, #tpu.memory_space<semaphore_mem>>
        %dma_start3A = arith.constant 0 : i32
        %dma_start3A_101 = tpu.memref_slice %arg9[%run_scoped3A_99, %dma_start3A] : memref<79x128xi32, #tpu.memory_space<vmem>> -> memref<1x128xi32, #tpu.memory_space<vmem>>
        %dma_start3A_102 = tpu.memref_squeeze %dma_start3A_101 : memref<1x128xi32, #tpu.memory_space<vmem>> -> memref<128xi32, #tpu.memory_space<vmem>>
        %dma_start3A_103 = arith.constant 0 : i32
        %dma_start3A_104 = arith.constant 0 : i32
        %dma_start3A_105 = tpu.memref_slice %arg6[%dma_start3A_103, %dma_start3A_104] : memref<10000x16xf32, #tpu.memory_space<vmem_shared>> -> memref<10000x16xf32, #tpu.memory_space<vmem_shared>>
        tpu.enqueue_indirect_dma source(%arg10 : memref<128x16xf32, #tpu.memory_space<vmem>>) target(%dma_start3A_105 : memref<10000x16xf32, #tpu.memory_space<vmem_shared>>) offsets(%dma_start3A_102 : memref<128xi32, #tpu.memory_space<vmem>>) semaphore(%run_scoped3A_100 : memref<!tpu.dma_semaphore, #tpu.memory_space<semaphore_mem>>) {add = true}
        %dma_wait3A = arith.constant 0 : i32
        %dma_wait3A_106 = tpu.memref_slice %arg9[%run_scoped3A_99, %dma_wait3A] : memref<79x128xi32, #tpu.memory_space<vmem>> -> memref<1x128xi32, #tpu.memory_space<vmem>>
        %dma_wait3A_107 = tpu.memref_squeeze %dma_wait3A_106 : memref<1x128xi32, #tpu.memory_space<vmem>> -> memref<128xi32, #tpu.memory_space<vmem>>
        %dma_wait3A_108 = arith.constant 0 : i32
        %dma_wait3A_109 = arith.constant 0 : i32
        %dma_wait3A_110 = tpu.memref_slice %arg6[%dma_wait3A_108, %dma_wait3A_109] : memref<10000x16xf32, #tpu.memory_space<vmem_shared>> -> memref<10000x16xf32, #tpu.memory_space<vmem_shared>>
        tpu.wait_indirect_dma semaphore(%run_scoped3A_100 : memref<!tpu.dma_semaphore, #tpu.memory_space<semaphore_mem>>) src(%arg10 : memref<128x16xf32, #tpu.memory_space<vmem>>) dst(%dma_wait3A_110 : memref<10000x16xf32, #tpu.memory_space<vmem_shared>>)
        tpu.yield
      }) : () -> ()
    } else {
    }
    %barrier3A_90 = arith.constant 0 : index
    tpu.barrier barrier_id(%barrier3A_90)
    %mul3A_91 = arith.constant 10000 : i32
    %mul3A_92 = arith.muli %arg0, %mul3A_91 : i32
    %add3A_93 = arith.addi %mul3A_92, %mul3A_21 : i32
    "tpu.region"() ({
      %run_scoped3A = tpu.sem_alloc : memref<!tpu.dma_semaphore, #tpu.memory_space<semaphore_mem>>
      %dma_start3A = arith.constant 0 : i32
      %dma_start3A_99 = tpu.memref_slice %arg4[%add3A_93, %dma_start3A] : memref<20000x16xf32, #tpu.memory_space<hbm>> -> memref<624x16xf32, #tpu.memory_space<hbm>>
      %dma_start3A_100 = arith.constant 0 : i32
      %dma_start3A_101 = tpu.memref_slice %arg6[%mul3A_21, %dma_start3A_100] : memref<10000x16xf32, #tpu.memory_space<vmem_shared>> -> memref<624x16xf32, #tpu.memory_space<vmem_shared>>
      tpu.enqueue_dma source(%dma_start3A_101 : memref<624x16xf32, #tpu.memory_space<vmem_shared>>) target(%dma_start3A_99 : memref<624x16xf32, #tpu.memory_space<hbm>>) target_semaphore(%run_scoped3A : memref<!tpu.dma_semaphore, #tpu.memory_space<semaphore_mem>>)
      %dma_wait3A = arith.constant 0 : i32
      %dma_wait3A_102 = tpu.memref_slice %arg4[%add3A_93, %dma_wait3A] : memref<20000x16xf32, #tpu.memory_space<hbm>> -> memref<624x16xf32, #tpu.memory_space<hbm>>
      %dma_wait3A_103 = arith.constant 0 : i32
      %dma_wait3A_104 = tpu.memref_slice %arg6[%mul3A_21, %dma_wait3A_103] : memref<10000x16xf32, #tpu.memory_space<vmem_shared>> -> memref<624x16xf32, #tpu.memory_space<vmem_shared>>
      tpu.wait_dma2 semaphore(%run_scoped3A : memref<!tpu.dma_semaphore, #tpu.memory_space<semaphore_mem>>) src(%dma_wait3A_104 : memref<624x16xf32, #tpu.memory_space<vmem_shared>>) dst(%dma_wait3A_102 : memref<624x16xf32, #tpu.memory_space<hbm>>)
      tpu.yield
    }) : () -> ()
    "tpu.region"() ({
      %run_scoped3A = tpu.sem_alloc : memref<!tpu.dma_semaphore, #tpu.memory_space<semaphore_mem>>
      %dma_start3A = arith.constant 0 : i32
      %dma_start3A_99 = tpu.memref_slice %arg5[%add3A_93, %dma_start3A] : memref<20000x16xf32, #tpu.memory_space<hbm>> -> memref<624x16xf32, #tpu.memory_space<hbm>>
      %dma_start3A_100 = arith.constant 0 : i32
      %dma_start3A_101 = tpu.memref_slice %arg7[%mul3A_21, %dma_start3A_100] : memref<10000x16xf32, #tpu.memory_space<vmem_shared>> -> memref<624x16xf32, #tpu.memory_space<vmem_shared>>
      tpu.enqueue_dma source(%dma_start3A_101 : memref<624x16xf32, #tpu.memory_space<vmem_shared>>) target(%dma_start3A_99 : memref<624x16xf32, #tpu.memory_space<hbm>>) target_semaphore(%run_scoped3A : memref<!tpu.dma_semaphore, #tpu.memory_space<semaphore_mem>>)
      %dma_wait3A = arith.constant 0 : i32
      %dma_wait3A_102 = tpu.memref_slice %arg5[%add3A_93, %dma_wait3A] : memref<20000x16xf32, #tpu.memory_space<hbm>> -> memref<624x16xf32, #tpu.memory_space<hbm>>
      %dma_wait3A_103 = arith.constant 0 : i32
      %dma_wait3A_104 = tpu.memref_slice %arg7[%mul3A_21, %dma_wait3A_103] : memref<10000x16xf32, #tpu.memory_space<vmem_shared>> -> memref<624x16xf32, #tpu.memory_space<vmem_shared>>
      tpu.wait_dma2 semaphore(%run_scoped3A : memref<!tpu.dma_semaphore, #tpu.memory_space<semaphore_mem>>) src(%dma_wait3A_104 : memref<624x16xf32, #tpu.memory_space<vmem_shared>>) dst(%dma_wait3A_102 : memref<624x16xf32, #tpu.memory_space<hbm>>)
      tpu.yield
    }) : () -> ()
    %eq3A_94 = arith.constant 15 : i32
    %eq3A_95 = arith.cmpi eq, %arg1, %eq3A_94 : i32
    %convert_element_type3A_96 = arith.extui %eq3A_95 : i1 to i32
    %cond3A_97 = arith.constant 0 : i32
    %cond3A_98 = arith.cmpi ne, %convert_element_type3A_96, %cond3A_97 : i32
    scf.if %cond3A_98 {
      %mul3A_99 = arith.constant 10000 : i32
      %mul3A_100 = arith.muli %arg0, %mul3A_99 : i32
      %add3A_101 = arith.constant 9984 : i32
      %add3A_102 = arith.addi %mul3A_100, %add3A_101 : i32
      "tpu.region"() ({
        %run_scoped3A = tpu.sem_alloc : memref<!tpu.dma_semaphore, #tpu.memory_space<semaphore_mem>>
        %dma_start3A = arith.constant 0 : i32
        %dma_start3A_107 = tpu.memref_slice %arg4[%add3A_102, %dma_start3A] : memref<20000x16xf32, #tpu.memory_space<hbm>> -> memref<16x16xf32, #tpu.memory_space<hbm>>
        %dma_start3A_108 = arith.constant 9984 : i32
        %dma_start3A_109 = arith.constant 0 : i32
        %dma_start3A_110 = tpu.memref_slice %arg6[%dma_start3A_108, %dma_start3A_109] : memref<10000x16xf32, #tpu.memory_space<vmem_shared>> -> memref<16x16xf32, #tpu.memory_space<vmem_shared>>
        tpu.enqueue_dma source(%dma_start3A_110 : memref<16x16xf32, #tpu.memory_space<vmem_shared>>) target(%dma_start3A_107 : memref<16x16xf32, #tpu.memory_space<hbm>>) target_semaphore(%run_scoped3A : memref<!tpu.dma_semaphore, #tpu.memory_space<semaphore_mem>>)
        %dma_wait3A = arith.constant 0 : i32
        %dma_wait3A_111 = tpu.memref_slice %arg4[%add3A_102, %dma_wait3A] : memref<20000x16xf32, #tpu.memory_space<hbm>> -> memref<16x16xf32, #tpu.memory_space<hbm>>
        %dma_wait3A_112 = arith.constant 9984 : i32
        %dma_wait3A_113 = arith.constant 0 : i32
        %dma_wait3A_114 = tpu.memref_slice %arg6[%dma_wait3A_112, %dma_wait3A_113] : memref<10000x16xf32, #tpu.memory_space<vmem_shared>> -> memref<16x16xf32, #tpu.memory_space<vmem_shared>>
        tpu.wait_dma2 semaphore(%run_scoped3A : memref<!tpu.dma_semaphore, #tpu.memory_space<semaphore_mem>>) src(%dma_wait3A_114 : memref<16x16xf32, #tpu.memory_space<vmem_shared>>) dst(%dma_wait3A_111 : memref<16x16xf32, #tpu.memory_space<hbm>>)
        tpu.yield
      }) : () -> ()
      %mul3A_103 = arith.constant 10000 : i32
      %mul3A_104 = arith.muli %arg0, %mul3A_103 : i32
      %add3A_105 = arith.constant 9984 : i32
      %add3A_106 = arith.addi %mul3A_104, %add3A_105 : i32
      "tpu.region"() ({
        %run_scoped3A = tpu.sem_alloc : memref<!tpu.dma_semaphore, #tpu.memory_space<semaphore_mem>>
        %dma_start3A = arith.constant 0 : i32
        %dma_start3A_107 = tpu.memref_slice %arg5[%add3A_106, %dma_start3A] : memref<20000x16xf32, #tpu.memory_space<hbm>> -> memref<16x16xf32, #tpu.memory_space<hbm>>
        %dma_start3A_108 = arith.constant 9984 : i32
        %dma_start3A_109 = arith.constant 0 : i32
        %dma_start3A_110 = tpu.memref_slice %arg7[%dma_start3A_108, %dma_start3A_109] : memref<10000x16xf32, #tpu.memory_space<vmem_shared>> -> memref<16x16xf32, #tpu.memory_space<vmem_shared>>
        tpu.enqueue_dma source(%dma_start3A_110 : memref<16x16xf32, #tpu.memory_space<vmem_shared>>) target(%dma_start3A_107 : memref<16x16xf32, #tpu.memory_space<hbm>>) target_semaphore(%run_scoped3A : memref<!tpu.dma_semaphore, #tpu.memory_space<semaphore_mem>>)
        %dma_wait3A = arith.constant 0 : i32
        %dma_wait3A_111 = tpu.memref_slice %arg5[%add3A_106, %dma_wait3A] : memref<20000x16xf32, #tpu.memory_space<hbm>> -> memref<16x16xf32, #tpu.memory_space<hbm>>
        %dma_wait3A_112 = arith.constant 9984 : i32
        %dma_wait3A_113 = arith.constant 0 : i32
        %dma_wait3A_114 = tpu.memref_slice %arg7[%dma_wait3A_112, %dma_wait3A_113] : memref<10000x16xf32, #tpu.memory_space<vmem_shared>> -> memref<16x16xf32, #tpu.memory_space<vmem_shared>>
        tpu.wait_dma2 semaphore(%run_scoped3A : memref<!tpu.dma_semaphore, #tpu.memory_space<semaphore_mem>>) src(%dma_wait3A_114 : memref<16x16xf32, #tpu.memory_space<vmem_shared>>) dst(%dma_wait3A_111 : memref<16x16xf32, #tpu.memory_space<hbm>>)
        tpu.yield
      }) : () -> ()
    } else {
    }
    return
  }
}

#map = affine_map<(d0, d1) -> (0, 0)>
module attributes {stable_mosaic.version = 14 : i64} {
  func.func @_sc_scatter_body(%arg0: i32, %arg1: i32, %arg2: memref<10000x128xf32, #tpu.memory_space<hbm>>, %arg3: memref<2500x128xi32, #tpu.memory_space<hbm>>, %arg4: memref<2500x128xi32, #tpu.memory_space<hbm>>, %arg5: memref<20000x128xf32, #tpu.memory_space<hbm>>, %arg6: memref<10000x128xf32, #tpu.memory_space<vmem_shared>>, %arg7: memref<128xi32, #tpu.memory_space<vmem>>, %arg8: memref<128xi32, #tpu.memory_space<vmem>>, %arg9: memref<128xi32, #tpu.memory_space<vmem>>, %arg10: memref<128xi32, #tpu.memory_space<vmem>>, %arg11: memref<128x128xf32, #tpu.memory_space<vmem>>, %arg12: memref<128x128xf32, #tpu.memory_space<vmem>>, %arg13: memref<48x128xf32, #tpu.memory_space<vmem>>, %arg14: memref<!tpu.dma_semaphore, #tpu.memory_space<semaphore_mem>>, %arg15: memref<!tpu.dma_semaphore, #tpu.memory_space<semaphore_mem>>, %arg16: memref<!tpu.dma_semaphore, #tpu.memory_space<semaphore_mem>>, %arg17: memref<!tpu.dma_semaphore, #tpu.memory_space<semaphore_mem>>, %arg18: memref<!tpu.dma_semaphore, #tpu.memory_space<semaphore_mem>>) attributes {dimension_semantics = [#tpu.dimension_semantics<core_parallel>, #tpu.dimension_semantics<subcore_parallel>], iteration_bounds = array<i64: 2, 16>, scalar_prefetch = 0 : i64, scratch_operands = 13 : i64, tpu.core_type = #tpu.core_type<sc_vector_subcore>, window_params = [{transform_indices = #map}, {transform_indices = #map}, {transform_indices = #map}, {transform_indices = #map}]} {
    %mul3A = arith.constant 16 : i32
    %mul3A_0 = arith.muli %arg0, %mul3A : i32
    %add3A = arith.addi %mul3A_0, %arg1 : i32
    %mul3A_1 = arith.constant 624 : i32
    %mul3A_2 = arith.muli %arg1, %mul3A_1 : i32
    %mul3A_3 = arith.constant 78 : i32
    %mul3A_4 = arith.muli %add3A, %mul3A_3 : i32
    %dma_start3A = arith.constant 0 : i32
    %dma_start3A_5 = tpu.memref_slice %arg3[%mul3A_4, %dma_start3A] : memref<2500x128xi32, #tpu.memory_space<hbm>> -> memref<1x128xi32, #tpu.memory_space<hbm>>
    %dma_start3A_6 = tpu.memref_squeeze %dma_start3A_5 : memref<1x128xi32, #tpu.memory_space<hbm>> -> memref<128xi32, #tpu.memory_space<hbm>>
    %dma_start3A_7 = arith.constant 0 : i32
    %dma_start3A_8 = tpu.memref_slice %arg3[%mul3A_4, %dma_start3A_7] : memref<2500x128xi32, #tpu.memory_space<hbm>> -> memref<1x128xi32, #tpu.memory_space<hbm>>
    %dma_start3A_9 = tpu.memref_squeeze %dma_start3A_8 : memref<1x128xi32, #tpu.memory_space<hbm>> -> memref<128xi32, #tpu.memory_space<hbm>>
    tpu.enqueue_dma source(%dma_start3A_9 : memref<128xi32, #tpu.memory_space<hbm>>) target(%arg7 : memref<128xi32, #tpu.memory_space<vmem>>) target_semaphore(%arg16 : memref<!tpu.dma_semaphore, #tpu.memory_space<semaphore_mem>>)
    %dma_start3A_10 = arith.constant 0 : i32
    %dma_start3A_11 = tpu.memref_slice %arg4[%mul3A_4, %dma_start3A_10] : memref<2500x128xi32, #tpu.memory_space<hbm>> -> memref<1x128xi32, #tpu.memory_space<hbm>>
    %dma_start3A_12 = tpu.memref_squeeze %dma_start3A_11 : memref<1x128xi32, #tpu.memory_space<hbm>> -> memref<128xi32, #tpu.memory_space<hbm>>
    %dma_start3A_13 = arith.constant 0 : i32
    %dma_start3A_14 = tpu.memref_slice %arg4[%mul3A_4, %dma_start3A_13] : memref<2500x128xi32, #tpu.memory_space<hbm>> -> memref<1x128xi32, #tpu.memory_space<hbm>>
    %dma_start3A_15 = tpu.memref_squeeze %dma_start3A_14 : memref<1x128xi32, #tpu.memory_space<hbm>> -> memref<128xi32, #tpu.memory_space<hbm>>
    tpu.enqueue_dma source(%dma_start3A_15 : memref<128xi32, #tpu.memory_space<hbm>>) target(%arg9 : memref<128xi32, #tpu.memory_space<vmem>>) target_semaphore(%arg16 : memref<!tpu.dma_semaphore, #tpu.memory_space<semaphore_mem>>)
    %add3A_16 = arith.constant 1 : i32
    %add3A_17 = arith.addi %mul3A_4, %add3A_16 : i32
    %dma_start3A_18 = arith.constant 0 : i32
    %dma_start3A_19 = tpu.memref_slice %arg3[%add3A_17, %dma_start3A_18] : memref<2500x128xi32, #tpu.memory_space<hbm>> -> memref<1x128xi32, #tpu.memory_space<hbm>>
    %dma_start3A_20 = tpu.memref_squeeze %dma_start3A_19 : memref<1x128xi32, #tpu.memory_space<hbm>> -> memref<128xi32, #tpu.memory_space<hbm>>
    %dma_start3A_21 = arith.constant 0 : i32
    %dma_start3A_22 = tpu.memref_slice %arg3[%add3A_17, %dma_start3A_21] : memref<2500x128xi32, #tpu.memory_space<hbm>> -> memref<1x128xi32, #tpu.memory_space<hbm>>
    %dma_start3A_23 = tpu.memref_squeeze %dma_start3A_22 : memref<1x128xi32, #tpu.memory_space<hbm>> -> memref<128xi32, #tpu.memory_space<hbm>>
    tpu.enqueue_dma source(%dma_start3A_23 : memref<128xi32, #tpu.memory_space<hbm>>) target(%arg8 : memref<128xi32, #tpu.memory_space<vmem>>) target_semaphore(%arg17 : memref<!tpu.dma_semaphore, #tpu.memory_space<semaphore_mem>>)
    %dma_start3A_24 = arith.constant 0 : i32
    %dma_start3A_25 = tpu.memref_slice %arg4[%add3A_17, %dma_start3A_24] : memref<2500x128xi32, #tpu.memory_space<hbm>> -> memref<1x128xi32, #tpu.memory_space<hbm>>
    %dma_start3A_26 = tpu.memref_squeeze %dma_start3A_25 : memref<1x128xi32, #tpu.memory_space<hbm>> -> memref<128xi32, #tpu.memory_space<hbm>>
    %dma_start3A_27 = arith.constant 0 : i32
    %dma_start3A_28 = tpu.memref_slice %arg4[%add3A_17, %dma_start3A_27] : memref<2500x128xi32, #tpu.memory_space<hbm>> -> memref<1x128xi32, #tpu.memory_space<hbm>>
    %dma_start3A_29 = tpu.memref_squeeze %dma_start3A_28 : memref<1x128xi32, #tpu.memory_space<hbm>> -> memref<128xi32, #tpu.memory_space<hbm>>
    tpu.enqueue_dma source(%dma_start3A_29 : memref<128xi32, #tpu.memory_space<hbm>>) target(%arg10 : memref<128xi32, #tpu.memory_space<vmem>>) target_semaphore(%arg17 : memref<!tpu.dma_semaphore, #tpu.memory_space<semaphore_mem>>)
    %scan3A = arith.constant 0 : i32
    %scan3A_30 = arith.constant 0 : i32
    %scan3A_31 = arith.constant 48 : i32
    %scan3A_32 = arith.addi %scan3A_30, %scan3A_31 : i32
    %scan3A_33 = arith.constant 1 : i32
    %scan3A_34 = scf.for %scan3A_233 = %scan3A_30 to %scan3A_32 step %scan3A_33 iter_args(%scan3A_234 = %scan3A) -> (i32)  : i32 {
      %scan3A_235 = arith.constant 0 : i32
      %scan3A_236 = arith.constant 0 : i32
      %scan3A_237 = arith.constant 8 : i32
      %scan3A_238 = arith.addi %scan3A_236, %scan3A_237 : i32
      %scan3A_239 = arith.constant 1 : i32
      %scan3A_240 = scf.for %scan3A_243 = %scan3A_236 to %scan3A_238 step %scan3A_239 iter_args(%scan3A_244 = %scan3A_235) -> (i32)  : i32 {
        %broadcast_in_dim3A = arith.constant 0.000000e+00 : f32
        %broadcast_in_dim3A_245 = vector.broadcast %broadcast_in_dim3A : f32 to vector<16xf32>
        %mul3A_246 = arith.constant 16 : i32
        %mul3A_247 = arith.muli %scan3A_243, %mul3A_246 : i32
        %swap3A = arith.index_cast %scan3A_233 : i32 to index
        %swap3A_248 = arith.index_cast %mul3A_247 : i32 to index
        %swap3A_249 = tpu.vector_load %arg13[%swap3A, %swap3A_248] {strides = array<i32>} : memref<48x128xf32, #tpu.memory_space<vmem>>, vector<1x16xf32>,
        %swap3A_250 = vector.shape_cast %swap3A_249 : vector<1x16xf32> to vector<16xf32>
        %swap3A_251 = vector.shape_cast %broadcast_in_dim3A_245 : vector<16xf32> to vector<1x16xf32>
        tpu.vector_store %arg13[%swap3A, %swap3A_248], %swap3A_251 {strides = array<i32>} : memref<48x128xf32, #tpu.memory_space<vmem>>, vector<1x16xf32>,
        %scan3A_252 = arith.constant 0 : i32
        scf.yield %scan3A_252 : i32
      }
      %scan3A_241 = arith.constant 8 : i32
      %scan3A_242 = arith.constant 0 : i32
      scf.yield %scan3A_242 : i32
    }
    %scan3A_35 = arith.constant 48 : i32
    %add3A_36 = arith.constant 0 : i32
    %add3A_37 = arith.addi %mul3A_2, %add3A_36 : i32
    %dma_start3A_38 = arith.constant 0 : i32
    %dma_start3A_39 = tpu.memref_slice %arg6[%add3A_37, %dma_start3A_38] : memref<10000x128xf32, #tpu.memory_space<vmem_shared>> -> memref<48x128xf32, #tpu.memory_space<vmem_shared>>
    %dma_start3A_40 = arith.constant 0 : i32
    %dma_start3A_41 = tpu.memref_slice %arg6[%add3A_37, %dma_start3A_40] : memref<10000x128xf32, #tpu.memory_space<vmem_shared>> -> memref<48x128xf32, #tpu.memory_space<vmem_shared>>
    tpu.enqueue_dma source(%arg13 : memref<48x128xf32, #tpu.memory_space<vmem>>) target(%dma_start3A_41 : memref<48x128xf32, #tpu.memory_space<vmem_shared>>) target_semaphore(%arg18 : memref<!tpu.dma_semaphore, #tpu.memory_space<semaphore_mem>>)
    %add3A_42 = arith.constant 48 : i32
    %add3A_43 = arith.addi %mul3A_2, %add3A_42 : i32
    %dma_start3A_44 = arith.constant 0 : i32
    %dma_start3A_45 = tpu.memref_slice %arg6[%add3A_43, %dma_start3A_44] : memref<10000x128xf32, #tpu.memory_space<vmem_shared>> -> memref<48x128xf32, #tpu.memory_space<vmem_shared>>
    %dma_start3A_46 = arith.constant 0 : i32
    %dma_start3A_47 = tpu.memref_slice %arg6[%add3A_43, %dma_start3A_46] : memref<10000x128xf32, #tpu.memory_space<vmem_shared>> -> memref<48x128xf32, #tpu.memory_space<vmem_shared>>
    tpu.enqueue_dma source(%arg13 : memref<48x128xf32, #tpu.memory_space<vmem>>) target(%dma_start3A_47 : memref<48x128xf32, #tpu.memory_space<vmem_shared>>) target_semaphore(%arg18 : memref<!tpu.dma_semaphore, #tpu.memory_space<semaphore_mem>>)
    %add3A_48 = arith.constant 96 : i32
    %add3A_49 = arith.addi %mul3A_2, %add3A_48 : i32
    %dma_start3A_50 = arith.constant 0 : i32
    %dma_start3A_51 = tpu.memref_slice %arg6[%add3A_49, %dma_start3A_50] : memref<10000x128xf32, #tpu.memory_space<vmem_shared>> -> memref<48x128xf32, #tpu.memory_space<vmem_shared>>
    %dma_start3A_52 = arith.constant 0 : i32
    %dma_start3A_53 = tpu.memref_slice %arg6[%add3A_49, %dma_start3A_52] : memref<10000x128xf32, #tpu.memory_space<vmem_shared>> -> memref<48x128xf32, #tpu.memory_space<vmem_shared>>
    tpu.enqueue_dma source(%arg13 : memref<48x128xf32, #tpu.memory_space<vmem>>) target(%dma_start3A_53 : memref<48x128xf32, #tpu.memory_space<vmem_shared>>) target_semaphore(%arg18 : memref<!tpu.dma_semaphore, #tpu.memory_space<semaphore_mem>>)
    %add3A_54 = arith.constant 144 : i32
    %add3A_55 = arith.addi %mul3A_2, %add3A_54 : i32
    %dma_start3A_56 = arith.constant 0 : i32
    %dma_start3A_57 = tpu.memref_slice %arg6[%add3A_55, %dma_start3A_56] : memref<10000x128xf32, #tpu.memory_space<vmem_shared>> -> memref<48x128xf32, #tpu.memory_space<vmem_shared>>
    %dma_start3A_58 = arith.constant 0 : i32
    %dma_start3A_59 = tpu.memref_slice %arg6[%add3A_55, %dma_start3A_58] : memref<10000x128xf32, #tpu.memory_space<vmem_shared>> -> memref<48x128xf32, #tpu.memory_space<vmem_shared>>
    tpu.enqueue_dma source(%arg13 : memref<48x128xf32, #tpu.memory_space<vmem>>) target(%dma_start3A_59 : memref<48x128xf32, #tpu.memory_space<vmem_shared>>) target_semaphore(%arg18 : memref<!tpu.dma_semaphore, #tpu.memory_space<semaphore_mem>>)
    %add3A_60 = arith.constant 192 : i32
    %add3A_61 = arith.addi %mul3A_2, %add3A_60 : i32
    %dma_start3A_62 = arith.constant 0 : i32
    %dma_start3A_63 = tpu.memref_slice %arg6[%add3A_61, %dma_start3A_62] : memref<10000x128xf32, #tpu.memory_space<vmem_shared>> -> memref<48x128xf32, #tpu.memory_space<vmem_shared>>
    %dma_start3A_64 = arith.constant 0 : i32
    %dma_start3A_65 = tpu.memref_slice %arg6[%add3A_61, %dma_start3A_64] : memref<10000x128xf32, #tpu.memory_space<vmem_shared>> -> memref<48x128xf32, #tpu.memory_space<vmem_shared>>
    tpu.enqueue_dma source(%arg13 : memref<48x128xf32, #tpu.memory_space<vmem>>) target(%dma_start3A_65 : memref<48x128xf32, #tpu.memory_space<vmem_shared>>) target_semaphore(%arg18 : memref<!tpu.dma_semaphore, #tpu.memory_space<semaphore_mem>>)
    %add3A_66 = arith.constant 240 : i32
    %add3A_67 = arith.addi %mul3A_2, %add3A_66 : i32
    %dma_start3A_68 = arith.constant 0 : i32
    %dma_start3A_69 = tpu.memref_slice %arg6[%add3A_67, %dma_start3A_68] : memref<10000x128xf32, #tpu.memory_space<vmem_shared>> -> memref<48x128xf32, #tpu.memory_space<vmem_shared>>
    %dma_start3A_70 = arith.constant 0 : i32
    %dma_start3A_71 = tpu.memref_slice %arg6[%add3A_67, %dma_start3A_70] : memref<10000x128xf32, #tpu.memory_space<vmem_shared>> -> memref<48x128xf32, #tpu.memory_space<vmem_shared>>
    tpu.enqueue_dma source(%arg13 : memref<48x128xf32, #tpu.memory_space<vmem>>) target(%dma_start3A_71 : memref<48x128xf32, #tpu.memory_space<vmem_shared>>) target_semaphore(%arg18 : memref<!tpu.dma_semaphore, #tpu.memory_space<semaphore_mem>>)
    %add3A_72 = arith.constant 288 : i32
    %add3A_73 = arith.addi %mul3A_2, %add3A_72 : i32
    %dma_start3A_74 = arith.constant 0 : i32
    %dma_start3A_75 = tpu.memref_slice %arg6[%add3A_73, %dma_start3A_74] : memref<10000x128xf32, #tpu.memory_space<vmem_shared>> -> memref<48x128xf32, #tpu.memory_space<vmem_shared>>
    %dma_start3A_76 = arith.constant 0 : i32
    %dma_start3A_77 = tpu.memref_slice %arg6[%add3A_73, %dma_start3A_76] : memref<10000x128xf32, #tpu.memory_space<vmem_shared>> -> memref<48x128xf32, #tpu.memory_space<vmem_shared>>
    tpu.enqueue_dma source(%arg13 : memref<48x128xf32, #tpu.memory_space<vmem>>) target(%dma_start3A_77 : memref<48x128xf32, #tpu.memory_space<vmem_shared>>) target_semaphore(%arg18 : memref<!tpu.dma_semaphore, #tpu.memory_space<semaphore_mem>>)
    %add3A_78 = arith.constant 336 : i32
    %add3A_79 = arith.addi %mul3A_2, %add3A_78 : i32
    %dma_start3A_80 = arith.constant 0 : i32
    %dma_start3A_81 = tpu.memref_slice %arg6[%add3A_79, %dma_start3A_80] : memref<10000x128xf32, #tpu.memory_space<vmem_shared>> -> memref<48x128xf32, #tpu.memory_space<vmem_shared>>
    %dma_start3A_82 = arith.constant 0 : i32
    %dma_start3A_83 = tpu.memref_slice %arg6[%add3A_79, %dma_start3A_82] : memref<10000x128xf32, #tpu.memory_space<vmem_shared>> -> memref<48x128xf32, #tpu.memory_space<vmem_shared>>
    tpu.enqueue_dma source(%arg13 : memref<48x128xf32, #tpu.memory_space<vmem>>) target(%dma_start3A_83 : memref<48x128xf32, #tpu.memory_space<vmem_shared>>) target_semaphore(%arg18 : memref<!tpu.dma_semaphore, #tpu.memory_space<semaphore_mem>>)
    %add3A_84 = arith.constant 384 : i32
    %add3A_85 = arith.addi %mul3A_2, %add3A_84 : i32
    %dma_start3A_86 = arith.constant 0 : i32
    %dma_start3A_87 = tpu.memref_slice %arg6[%add3A_85, %dma_start3A_86] : memref<10000x128xf32, #tpu.memory_space<vmem_shared>> -> memref<48x128xf32, #tpu.memory_space<vmem_shared>>
    %dma_start3A_88 = arith.constant 0 : i32
    %dma_start3A_89 = tpu.memref_slice %arg6[%add3A_85, %dma_start3A_88] : memref<10000x128xf32, #tpu.memory_space<vmem_shared>> -> memref<48x128xf32, #tpu.memory_space<vmem_shared>>
    tpu.enqueue_dma source(%arg13 : memref<48x128xf32, #tpu.memory_space<vmem>>) target(%dma_start3A_89 : memref<48x128xf32, #tpu.memory_space<vmem_shared>>) target_semaphore(%arg18 : memref<!tpu.dma_semaphore, #tpu.memory_space<semaphore_mem>>)
    %add3A_90 = arith.constant 432 : i32
    %add3A_91 = arith.addi %mul3A_2, %add3A_90 : i32
    %dma_start3A_92 = arith.constant 0 : i32
    %dma_start3A_93 = tpu.memref_slice %arg6[%add3A_91, %dma_start3A_92] : memref<10000x128xf32, #tpu.memory_space<vmem_shared>> -> memref<48x128xf32, #tpu.memory_space<vmem_shared>>
    %dma_start3A_94 = arith.constant 0 : i32
    %dma_start3A_95 = tpu.memref_slice %arg6[%add3A_91, %dma_start3A_94] : memref<10000x128xf32, #tpu.memory_space<vmem_shared>> -> memref<48x128xf32, #tpu.memory_space<vmem_shared>>
    tpu.enqueue_dma source(%arg13 : memref<48x128xf32, #tpu.memory_space<vmem>>) target(%dma_start3A_95 : memref<48x128xf32, #tpu.memory_space<vmem_shared>>) target_semaphore(%arg18 : memref<!tpu.dma_semaphore, #tpu.memory_space<semaphore_mem>>)
    %add3A_96 = arith.constant 480 : i32
    %add3A_97 = arith.addi %mul3A_2, %add3A_96 : i32
    %dma_start3A_98 = arith.constant 0 : i32
    %dma_start3A_99 = tpu.memref_slice %arg6[%add3A_97, %dma_start3A_98] : memref<10000x128xf32, #tpu.memory_space<vmem_shared>> -> memref<48x128xf32, #tpu.memory_space<vmem_shared>>
    %dma_start3A_100 = arith.constant 0 : i32
    %dma_start3A_101 = tpu.memref_slice %arg6[%add3A_97, %dma_start3A_100] : memref<10000x128xf32, #tpu.memory_space<vmem_shared>> -> memref<48x128xf32, #tpu.memory_space<vmem_shared>>
    tpu.enqueue_dma source(%arg13 : memref<48x128xf32, #tpu.memory_space<vmem>>) target(%dma_start3A_101 : memref<48x128xf32, #tpu.memory_space<vmem_shared>>) target_semaphore(%arg18 : memref<!tpu.dma_semaphore, #tpu.memory_space<semaphore_mem>>)
    %add3A_102 = arith.constant 528 : i32
    %add3A_103 = arith.addi %mul3A_2, %add3A_102 : i32
    %dma_start3A_104 = arith.constant 0 : i32
    %dma_start3A_105 = tpu.memref_slice %arg6[%add3A_103, %dma_start3A_104] : memref<10000x128xf32, #tpu.memory_space<vmem_shared>> -> memref<48x128xf32, #tpu.memory_space<vmem_shared>>
    %dma_start3A_106 = arith.constant 0 : i32
    %dma_start3A_107 = tpu.memref_slice %arg6[%add3A_103, %dma_start3A_106] : memref<10000x128xf32, #tpu.memory_space<vmem_shared>> -> memref<48x128xf32, #tpu.memory_space<vmem_shared>>
    tpu.enqueue_dma source(%arg13 : memref<48x128xf32, #tpu.memory_space<vmem>>) target(%dma_start3A_107 : memref<48x128xf32, #tpu.memory_space<vmem_shared>>) target_semaphore(%arg18 : memref<!tpu.dma_semaphore, #tpu.memory_space<semaphore_mem>>)
    %add3A_108 = arith.constant 576 : i32
    %add3A_109 = arith.addi %mul3A_2, %add3A_108 : i32
    %dma_start3A_110 = arith.constant 0 : i32
    %dma_start3A_111 = tpu.memref_slice %arg6[%add3A_109, %dma_start3A_110] : memref<10000x128xf32, #tpu.memory_space<vmem_shared>> -> memref<48x128xf32, #tpu.memory_space<vmem_shared>>
    %dma_start3A_112 = arith.constant 0 : i32
    %dma_start3A_113 = tpu.memref_slice %arg6[%add3A_109, %dma_start3A_112] : memref<10000x128xf32, #tpu.memory_space<vmem_shared>> -> memref<48x128xf32, #tpu.memory_space<vmem_shared>>
    tpu.enqueue_dma source(%arg13 : memref<48x128xf32, #tpu.memory_space<vmem>>) target(%dma_start3A_113 : memref<48x128xf32, #tpu.memory_space<vmem_shared>>) target_semaphore(%arg18 : memref<!tpu.dma_semaphore, #tpu.memory_space<semaphore_mem>>)
    %eq3A = arith.constant 15 : i32
    %eq3A_114 = arith.cmpi eq, %arg1, %eq3A : i32
    %convert_element_type3A = arith.extui %eq3A_114 : i1 to i32
    %cond3A = arith.constant 0 : i32
    %cond3A_115 = arith.cmpi ne, %convert_element_type3A, %cond3A : i32
    scf.if %cond3A_115 {
      %dma_start3A_233 = arith.constant 0 : i32
      %dma_start3A_234 = arith.constant 0 : i32
      %dma_start3A_235 = tpu.memref_slice %arg13[%dma_start3A_233, %dma_start3A_234] : memref<48x128xf32, #tpu.memory_space<vmem>> -> memref<16x128xf32, #tpu.memory_space<vmem>>
      %dma_start3A_236 = arith.constant 9984 : i32
      %dma_start3A_237 = arith.constant 0 : i32
      %dma_start3A_238 = tpu.memref_slice %arg6[%dma_start3A_236, %dma_start3A_237] : memref<10000x128xf32, #tpu.memory_space<vmem_shared>> -> memref<16x128xf32, #tpu.memory_space<vmem_shared>>
      %dma_start3A_239 = arith.constant 9984 : i32
      %dma_start3A_240 = arith.constant 0 : i32
      %dma_start3A_241 = tpu.memref_slice %arg6[%dma_start3A_239, %dma_start3A_240] : memref<10000x128xf32, #tpu.memory_space<vmem_shared>> -> memref<16x128xf32, #tpu.memory_space<vmem_shared>>
      %dma_start3A_242 = arith.constant 0 : i32
      %dma_start3A_243 = arith.constant 0 : i32
      %dma_start3A_244 = tpu.memref_slice %arg13[%dma_start3A_242, %dma_start3A_243] : memref<48x128xf32, #tpu.memory_space<vmem>> -> memref<16x128xf32, #tpu.memory_space<vmem>>
      tpu.enqueue_dma source(%dma_start3A_244 : memref<16x128xf32, #tpu.memory_space<vmem>>) target(%dma_start3A_241 : memref<16x128xf32, #tpu.memory_space<vmem_shared>>) target_semaphore(%arg18 : memref<!tpu.dma_semaphore, #tpu.memory_space<semaphore_mem>>)
    } else {
    }
    %add3A_116 = arith.constant 0 : i32
    %add3A_117 = arith.addi %mul3A_2, %add3A_116 : i32
    %dma_wait3A = arith.constant 0 : i32
    %dma_wait3A_118 = tpu.memref_slice %arg6[%add3A_117, %dma_wait3A] : memref<10000x128xf32, #tpu.memory_space<vmem_shared>> -> memref<48x128xf32, #tpu.memory_space<vmem_shared>>
    %dma_wait3A_119 = arith.constant 0 : i32
    %dma_wait3A_120 = tpu.memref_slice %arg6[%add3A_117, %dma_wait3A_119] : memref<10000x128xf32, #tpu.memory_space<vmem_shared>> -> memref<48x128xf32, #tpu.memory_space<vmem_shared>>
    tpu.wait_dma2 semaphore(%arg18 : memref<!tpu.dma_semaphore, #tpu.memory_space<semaphore_mem>>) src(%arg13 : memref<48x128xf32, #tpu.memory_space<vmem>>) dst(%dma_wait3A_120 : memref<48x128xf32, #tpu.memory_space<vmem_shared>>)
    %add3A_121 = arith.constant 48 : i32
    %add3A_122 = arith.addi %mul3A_2, %add3A_121 : i32
    %dma_wait3A_123 = arith.constant 0 : i32
    %dma_wait3A_124 = tpu.memref_slice %arg6[%add3A_122, %dma_wait3A_123] : memref<10000x128xf32, #tpu.memory_space<vmem_shared>> -> memref<48x128xf32, #tpu.memory_space<vmem_shared>>
    %dma_wait3A_125 = arith.constant 0 : i32
    %dma_wait3A_126 = tpu.memref_slice %arg6[%add3A_122, %dma_wait3A_125] : memref<10000x128xf32, #tpu.memory_space<vmem_shared>> -> memref<48x128xf32, #tpu.memory_space<vmem_shared>>
    tpu.wait_dma2 semaphore(%arg18 : memref<!tpu.dma_semaphore, #tpu.memory_space<semaphore_mem>>) src(%arg13 : memref<48x128xf32, #tpu.memory_space<vmem>>) dst(%dma_wait3A_126 : memref<48x128xf32, #tpu.memory_space<vmem_shared>>)
    %add3A_127 = arith.constant 96 : i32
    %add3A_128 = arith.addi %mul3A_2, %add3A_127 : i32
    %dma_wait3A_129 = arith.constant 0 : i32
    %dma_wait3A_130 = tpu.memref_slice %arg6[%add3A_128, %dma_wait3A_129] : memref<10000x128xf32, #tpu.memory_space<vmem_shared>> -> memref<48x128xf32, #tpu.memory_space<vmem_shared>>
    %dma_wait3A_131 = arith.constant 0 : i32
    %dma_wait3A_132 = tpu.memref_slice %arg6[%add3A_128, %dma_wait3A_131] : memref<10000x128xf32, #tpu.memory_space<vmem_shared>> -> memref<48x128xf32, #tpu.memory_space<vmem_shared>>
    tpu.wait_dma2 semaphore(%arg18 : memref<!tpu.dma_semaphore, #tpu.memory_space<semaphore_mem>>) src(%arg13 : memref<48x128xf32, #tpu.memory_space<vmem>>) dst(%dma_wait3A_132 : memref<48x128xf32, #tpu.memory_space<vmem_shared>>)
    %add3A_133 = arith.constant 144 : i32
    %add3A_134 = arith.addi %mul3A_2, %add3A_133 : i32
    %dma_wait3A_135 = arith.constant 0 : i32
    %dma_wait3A_136 = tpu.memref_slice %arg6[%add3A_134, %dma_wait3A_135] : memref<10000x128xf32, #tpu.memory_space<vmem_shared>> -> memref<48x128xf32, #tpu.memory_space<vmem_shared>>
    %dma_wait3A_137 = arith.constant 0 : i32
    %dma_wait3A_138 = tpu.memref_slice %arg6[%add3A_134, %dma_wait3A_137] : memref<10000x128xf32, #tpu.memory_space<vmem_shared>> -> memref<48x128xf32, #tpu.memory_space<vmem_shared>>
    tpu.wait_dma2 semaphore(%arg18 : memref<!tpu.dma_semaphore, #tpu.memory_space<semaphore_mem>>) src(%arg13 : memref<48x128xf32, #tpu.memory_space<vmem>>) dst(%dma_wait3A_138 : memref<48x128xf32, #tpu.memory_space<vmem_shared>>)
    %add3A_139 = arith.constant 192 : i32
    %add3A_140 = arith.addi %mul3A_2, %add3A_139 : i32
    %dma_wait3A_141 = arith.constant 0 : i32
    %dma_wait3A_142 = tpu.memref_slice %arg6[%add3A_140, %dma_wait3A_141] : memref<10000x128xf32, #tpu.memory_space<vmem_shared>> -> memref<48x128xf32, #tpu.memory_space<vmem_shared>>
    %dma_wait3A_143 = arith.constant 0 : i32
    %dma_wait3A_144 = tpu.memref_slice %arg6[%add3A_140, %dma_wait3A_143] : memref<10000x128xf32, #tpu.memory_space<vmem_shared>> -> memref<48x128xf32, #tpu.memory_space<vmem_shared>>
    tpu.wait_dma2 semaphore(%arg18 : memref<!tpu.dma_semaphore, #tpu.memory_space<semaphore_mem>>) src(%arg13 : memref<48x128xf32, #tpu.memory_space<vmem>>) dst(%dma_wait3A_144 : memref<48x128xf32, #tpu.memory_space<vmem_shared>>)
    %add3A_145 = arith.constant 240 : i32
    %add3A_146 = arith.addi %mul3A_2, %add3A_145 : i32
    %dma_wait3A_147 = arith.constant 0 : i32
    %dma_wait3A_148 = tpu.memref_slice %arg6[%add3A_146, %dma_wait3A_147] : memref<10000x128xf32, #tpu.memory_space<vmem_shared>> -> memref<48x128xf32, #tpu.memory_space<vmem_shared>>
    %dma_wait3A_149 = arith.constant 0 : i32
    %dma_wait3A_150 = tpu.memref_slice %arg6[%add3A_146, %dma_wait3A_149] : memref<10000x128xf32, #tpu.memory_space<vmem_shared>> -> memref<48x128xf32, #tpu.memory_space<vmem_shared>>
    tpu.wait_dma2 semaphore(%arg18 : memref<!tpu.dma_semaphore, #tpu.memory_space<semaphore_mem>>) src(%arg13 : memref<48x128xf32, #tpu.memory_space<vmem>>) dst(%dma_wait3A_150 : memref<48x128xf32, #tpu.memory_space<vmem_shared>>)
    %add3A_151 = arith.constant 288 : i32
    %add3A_152 = arith.addi %mul3A_2, %add3A_151 : i32
    %dma_wait3A_153 = arith.constant 0 : i32
    %dma_wait3A_154 = tpu.memref_slice %arg6[%add3A_152, %dma_wait3A_153] : memref<10000x128xf32, #tpu.memory_space<vmem_shared>> -> memref<48x128xf32, #tpu.memory_space<vmem_shared>>
    %dma_wait3A_155 = arith.constant 0 : i32
    %dma_wait3A_156 = tpu.memref_slice %arg6[%add3A_152, %dma_wait3A_155] : memref<10000x128xf32, #tpu.memory_space<vmem_shared>> -> memref<48x128xf32, #tpu.memory_space<vmem_shared>>
    tpu.wait_dma2 semaphore(%arg18 : memref<!tpu.dma_semaphore, #tpu.memory_space<semaphore_mem>>) src(%arg13 : memref<48x128xf32, #tpu.memory_space<vmem>>) dst(%dma_wait3A_156 : memref<48x128xf32, #tpu.memory_space<vmem_shared>>)
    %add3A_157 = arith.constant 336 : i32
    %add3A_158 = arith.addi %mul3A_2, %add3A_157 : i32
    %dma_wait3A_159 = arith.constant 0 : i32
    %dma_wait3A_160 = tpu.memref_slice %arg6[%add3A_158, %dma_wait3A_159] : memref<10000x128xf32, #tpu.memory_space<vmem_shared>> -> memref<48x128xf32, #tpu.memory_space<vmem_shared>>
    %dma_wait3A_161 = arith.constant 0 : i32
    %dma_wait3A_162 = tpu.memref_slice %arg6[%add3A_158, %dma_wait3A_161] : memref<10000x128xf32, #tpu.memory_space<vmem_shared>> -> memref<48x128xf32, #tpu.memory_space<vmem_shared>>
    tpu.wait_dma2 semaphore(%arg18 : memref<!tpu.dma_semaphore, #tpu.memory_space<semaphore_mem>>) src(%arg13 : memref<48x128xf32, #tpu.memory_space<vmem>>) dst(%dma_wait3A_162 : memref<48x128xf32, #tpu.memory_space<vmem_shared>>)
    %add3A_163 = arith.constant 384 : i32
    %add3A_164 = arith.addi %mul3A_2, %add3A_163 : i32
    %dma_wait3A_165 = arith.constant 0 : i32
    %dma_wait3A_166 = tpu.memref_slice %arg6[%add3A_164, %dma_wait3A_165] : memref<10000x128xf32, #tpu.memory_space<vmem_shared>> -> memref<48x128xf32, #tpu.memory_space<vmem_shared>>
    %dma_wait3A_167 = arith.constant 0 : i32
    %dma_wait3A_168 = tpu.memref_slice %arg6[%add3A_164, %dma_wait3A_167] : memref<10000x128xf32, #tpu.memory_space<vmem_shared>> -> memref<48x128xf32, #tpu.memory_space<vmem_shared>>
    tpu.wait_dma2 semaphore(%arg18 : memref<!tpu.dma_semaphore, #tpu.memory_space<semaphore_mem>>) src(%arg13 : memref<48x128xf32, #tpu.memory_space<vmem>>) dst(%dma_wait3A_168 : memref<48x128xf32, #tpu.memory_space<vmem_shared>>)
    %add3A_169 = arith.constant 432 : i32
    %add3A_170 = arith.addi %mul3A_2, %add3A_169 : i32
    %dma_wait3A_171 = arith.constant 0 : i32
    %dma_wait3A_172 = tpu.memref_slice %arg6[%add3A_170, %dma_wait3A_171] : memref<10000x128xf32, #tpu.memory_space<vmem_shared>> -> memref<48x128xf32, #tpu.memory_space<vmem_shared>>
    %dma_wait3A_173 = arith.constant 0 : i32
    %dma_wait3A_174 = tpu.memref_slice %arg6[%add3A_170, %dma_wait3A_173] : memref<10000x128xf32, #tpu.memory_space<vmem_shared>> -> memref<48x128xf32, #tpu.memory_space<vmem_shared>>
    tpu.wait_dma2 semaphore(%arg18 : memref<!tpu.dma_semaphore, #tpu.memory_space<semaphore_mem>>) src(%arg13 : memref<48x128xf32, #tpu.memory_space<vmem>>) dst(%dma_wait3A_174 : memref<48x128xf32, #tpu.memory_space<vmem_shared>>)
    %add3A_175 = arith.constant 480 : i32
    %add3A_176 = arith.addi %mul3A_2, %add3A_175 : i32
    %dma_wait3A_177 = arith.constant 0 : i32
    %dma_wait3A_178 = tpu.memref_slice %arg6[%add3A_176, %dma_wait3A_177] : memref<10000x128xf32, #tpu.memory_space<vmem_shared>> -> memref<48x128xf32, #tpu.memory_space<vmem_shared>>
    %dma_wait3A_179 = arith.constant 0 : i32
    %dma_wait3A_180 = tpu.memref_slice %arg6[%add3A_176, %dma_wait3A_179] : memref<10000x128xf32, #tpu.memory_space<vmem_shared>> -> memref<48x128xf32, #tpu.memory_space<vmem_shared>>
    tpu.wait_dma2 semaphore(%arg18 : memref<!tpu.dma_semaphore, #tpu.memory_space<semaphore_mem>>) src(%arg13 : memref<48x128xf32, #tpu.memory_space<vmem>>) dst(%dma_wait3A_180 : memref<48x128xf32, #tpu.memory_space<vmem_shared>>)
    %add3A_181 = arith.constant 528 : i32
    %add3A_182 = arith.addi %mul3A_2, %add3A_181 : i32
    %dma_wait3A_183 = arith.constant 0 : i32
    %dma_wait3A_184 = tpu.memref_slice %arg6[%add3A_182, %dma_wait3A_183] : memref<10000x128xf32, #tpu.memory_space<vmem_shared>> -> memref<48x128xf32, #tpu.memory_space<vmem_shared>>
    %dma_wait3A_185 = arith.constant 0 : i32
    %dma_wait3A_186 = tpu.memref_slice %arg6[%add3A_182, %dma_wait3A_185] : memref<10000x128xf32, #tpu.memory_space<vmem_shared>> -> memref<48x128xf32, #tpu.memory_space<vmem_shared>>
    tpu.wait_dma2 semaphore(%arg18 : memref<!tpu.dma_semaphore, #tpu.memory_space<semaphore_mem>>) src(%arg13 : memref<48x128xf32, #tpu.memory_space<vmem>>) dst(%dma_wait3A_186 : memref<48x128xf32, #tpu.memory_space<vmem_shared>>)
    %add3A_187 = arith.constant 576 : i32
    %add3A_188 = arith.addi %mul3A_2, %add3A_187 : i32
    %dma_wait3A_189 = arith.constant 0 : i32
    %dma_wait3A_190 = tpu.memref_slice %arg6[%add3A_188, %dma_wait3A_189] : memref<10000x128xf32, #tpu.memory_space<vmem_shared>> -> memref<48x128xf32, #tpu.memory_space<vmem_shared>>
    %dma_wait3A_191 = arith.constant 0 : i32
    %dma_wait3A_192 = tpu.memref_slice %arg6[%add3A_188, %dma_wait3A_191] : memref<10000x128xf32, #tpu.memory_space<vmem_shared>> -> memref<48x128xf32, #tpu.memory_space<vmem_shared>>
    tpu.wait_dma2 semaphore(%arg18 : memref<!tpu.dma_semaphore, #tpu.memory_space<semaphore_mem>>) src(%arg13 : memref<48x128xf32, #tpu.memory_space<vmem>>) dst(%dma_wait3A_192 : memref<48x128xf32, #tpu.memory_space<vmem_shared>>)
    %eq3A_193 = arith.constant 15 : i32
    %eq3A_194 = arith.cmpi eq, %arg1, %eq3A_193 : i32
    %convert_element_type3A_195 = arith.extui %eq3A_194 : i1 to i32
    %cond3A_196 = arith.constant 0 : i32
    %cond3A_197 = arith.cmpi ne, %convert_element_type3A_195, %cond3A_196 : i32
    scf.if %cond3A_197 {
      %dma_wait3A_233 = arith.constant 0 : i32
      %dma_wait3A_234 = arith.constant 0 : i32
      %dma_wait3A_235 = tpu.memref_slice %arg13[%dma_wait3A_233, %dma_wait3A_234] : memref<48x128xf32, #tpu.memory_space<vmem>> -> memref<16x128xf32, #tpu.memory_space<vmem>>
      %dma_wait3A_236 = arith.constant 9984 : i32
      %dma_wait3A_237 = arith.constant 0 : i32
      %dma_wait3A_238 = tpu.memref_slice %arg6[%dma_wait3A_236, %dma_wait3A_237] : memref<10000x128xf32, #tpu.memory_space<vmem_shared>> -> memref<16x128xf32, #tpu.memory_space<vmem_shared>>
      %dma_wait3A_239 = arith.constant 9984 : i32
      %dma_wait3A_240 = arith.constant 0 : i32
      %dma_wait3A_241 = tpu.memref_slice %arg6[%dma_wait3A_239, %dma_wait3A_240] : memref<10000x128xf32, #tpu.memory_space<vmem_shared>> -> memref<16x128xf32, #tpu.memory_space<vmem_shared>>
      %dma_wait3A_242 = arith.constant 0 : i32
      %dma_wait3A_243 = arith.constant 0 : i32
      %dma_wait3A_244 = tpu.memref_slice %arg13[%dma_wait3A_242, %dma_wait3A_243] : memref<48x128xf32, #tpu.memory_space<vmem>> -> memref<16x128xf32, #tpu.memory_space<vmem>>
      tpu.wait_dma2 semaphore(%arg18 : memref<!tpu.dma_semaphore, #tpu.memory_space<semaphore_mem>>) src(%dma_wait3A_244 : memref<16x128xf32, #tpu.memory_space<vmem>>) dst(%dma_wait3A_241 : memref<16x128xf32, #tpu.memory_space<vmem_shared>>)
    } else {
    }
    %dma_wait3A_198 = arith.constant 0 : i32
    %dma_wait3A_199 = tpu.memref_slice %arg3[%mul3A_4, %dma_wait3A_198] : memref<2500x128xi32, #tpu.memory_space<hbm>> -> memref<1x128xi32, #tpu.memory_space<hbm>>
    %dma_wait3A_200 = tpu.memref_squeeze %dma_wait3A_199 : memref<1x128xi32, #tpu.memory_space<hbm>> -> memref<128xi32, #tpu.memory_space<hbm>>
    %dma_wait3A_201 = arith.constant 0 : i32
    %dma_wait3A_202 = tpu.memref_slice %arg3[%mul3A_4, %dma_wait3A_201] : memref<2500x128xi32, #tpu.memory_space<hbm>> -> memref<1x128xi32, #tpu.memory_space<hbm>>
    %dma_wait3A_203 = tpu.memref_squeeze %dma_wait3A_202 : memref<1x128xi32, #tpu.memory_space<hbm>> -> memref<128xi32, #tpu.memory_space<hbm>>
    tpu.wait_dma2 semaphore(%arg16 : memref<!tpu.dma_semaphore, #tpu.memory_space<semaphore_mem>>) src(%dma_wait3A_203 : memref<128xi32, #tpu.memory_space<hbm>>) dst(%arg7 : memref<128xi32, #tpu.memory_space<vmem>>)
    %dma_wait3A_204 = arith.constant 0 : i32
    %dma_wait3A_205 = tpu.memref_slice %arg4[%mul3A_4, %dma_wait3A_204] : memref<2500x128xi32, #tpu.memory_space<hbm>> -> memref<1x128xi32, #tpu.memory_space<hbm>>
    %dma_wait3A_206 = tpu.memref_squeeze %dma_wait3A_205 : memref<1x128xi32, #tpu.memory_space<hbm>> -> memref<128xi32, #tpu.memory_space<hbm>>
    %dma_wait3A_207 = arith.constant 0 : i32
    %dma_wait3A_208 = tpu.memref_slice %arg4[%mul3A_4, %dma_wait3A_207] : memref<2500x128xi32, #tpu.memory_space<hbm>> -> memref<1x128xi32, #tpu.memory_space<hbm>>
    %dma_wait3A_209 = tpu.memref_squeeze %dma_wait3A_208 : memref<1x128xi32, #tpu.memory_space<hbm>> -> memref<128xi32, #tpu.memory_space<hbm>>
    tpu.wait_dma2 semaphore(%arg16 : memref<!tpu.dma_semaphore, #tpu.memory_space<semaphore_mem>>) src(%dma_wait3A_209 : memref<128xi32, #tpu.memory_space<hbm>>) dst(%arg9 : memref<128xi32, #tpu.memory_space<vmem>>)
    %dma_start3A_210 = arith.constant 0 : i32
    %dma_start3A_211 = arith.constant 0 : i32
    %dma_start3A_212 = tpu.memref_slice %arg2[%dma_start3A_210, %dma_start3A_211] : memref<10000x128xf32, #tpu.memory_space<hbm>> -> memref<10000x128xf32, #tpu.memory_space<hbm>>
    tpu.enqueue_indirect_dma source(%dma_start3A_212 : memref<10000x128xf32, #tpu.memory_space<hbm>>) target(%arg11 : memref<128x128xf32, #tpu.memory_space<vmem>>) offsets(%arg7 : memref<128xi32, #tpu.memory_space<vmem>>) semaphore(%arg14 : memref<!tpu.dma_semaphore, #tpu.memory_space<semaphore_mem>>)
    %barrier3A = arith.constant 0 : index
    tpu.barrier barrier_id(%barrier3A)
    %scan3A_213 = arith.constant 0 : i32
    %scan3A_214 = arith.constant 0 : i32
    %scan3A_215 = arith.constant 39 : i32
    %scan3A_216 = arith.addi %scan3A_214, %scan3A_215 : i32
    %scan3A_217 = arith.constant 1 : i32
    %scan3A_218 = scf.for %scan3A_233 = %scan3A_214 to %scan3A_216 step %scan3A_217 iter_args(%scan3A_234 = %scan3A_213) -> (i32)  : i32 {
      %mul3A_235 = arith.constant 2 : i32
      %mul3A_236 = arith.muli %mul3A_235, %scan3A_233 : i32
      %add3A_237 = arith.constant 1 : i32
      %add3A_238 = arith.addi %mul3A_236, %add3A_237 : i32
      %add3A_239 = arith.addi %mul3A_4, %add3A_238 : i32
      %dma_wait3A_240 = arith.constant 0 : i32
      %dma_wait3A_241 = tpu.memref_slice %arg3[%add3A_239, %dma_wait3A_240] : memref<2500x128xi32, #tpu.memory_space<hbm>> -> memref<1x128xi32, #tpu.memory_space<hbm>>
      %dma_wait3A_242 = tpu.memref_squeeze %dma_wait3A_241 : memref<1x128xi32, #tpu.memory_space<hbm>> -> memref<128xi32, #tpu.memory_space<hbm>>
      %dma_wait3A_243 = arith.constant 0 : i32
      %dma_wait3A_244 = tpu.memref_slice %arg3[%add3A_239, %dma_wait3A_243] : memref<2500x128xi32, #tpu.memory_space<hbm>> -> memref<1x128xi32, #tpu.memory_space<hbm>>
      %dma_wait3A_245 = tpu.memref_squeeze %dma_wait3A_244 : memref<1x128xi32, #tpu.memory_space<hbm>> -> memref<128xi32, #tpu.memory_space<hbm>>
      tpu.wait_dma2 semaphore(%arg17 : memref<!tpu.dma_semaphore, #tpu.memory_space<semaphore_mem>>) src(%dma_wait3A_245 : memref<128xi32, #tpu.memory_space<hbm>>) dst(%arg8 : memref<128xi32, #tpu.memory_space<vmem>>)
      %dma_wait3A_246 = arith.constant 0 : i32
      %dma_wait3A_247 = tpu.memref_slice %arg4[%add3A_239, %dma_wait3A_246] : memref<2500x128xi32, #tpu.memory_space<hbm>> -> memref<1x128xi32, #tpu.memory_space<hbm>>
      %dma_wait3A_248 = tpu.memref_squeeze %dma_wait3A_247 : memref<1x128xi32, #tpu.memory_space<hbm>> -> memref<128xi32, #tpu.memory_space<hbm>>
      %dma_wait3A_249 = arith.constant 0 : i32
      %dma_wait3A_250 = tpu.memref_slice %arg4[%add3A_239, %dma_wait3A_249] : memref<2500x128xi32, #tpu.memory_space<hbm>> -> memref<1x128xi32, #tpu.memory_space<hbm>>
      %dma_wait3A_251 = tpu.memref_squeeze %dma_wait3A_250 : memref<1x128xi32, #tpu.memory_space<hbm>> -> memref<128xi32, #tpu.memory_space<hbm>>
      tpu.wait_dma2 semaphore(%arg17 : memref<!tpu.dma_semaphore, #tpu.memory_space<semaphore_mem>>) src(%dma_wait3A_251 : memref<128xi32, #tpu.memory_space<hbm>>) dst(%arg10 : memref<128xi32, #tpu.memory_space<vmem>>)
      %dma_start3A_252 = arith.constant 0 : i32
      %dma_start3A_253 = arith.constant 0 : i32
      %dma_start3A_254 = tpu.memref_slice %arg2[%dma_start3A_252, %dma_start3A_253] : memref<10000x128xf32, #tpu.memory_space<hbm>> -> memref<10000x128xf32, #tpu.memory_space<hbm>>
      tpu.enqueue_indirect_dma source(%dma_start3A_254 : memref<10000x128xf32, #tpu.memory_space<hbm>>) target(%arg12 : memref<128x128xf32, #tpu.memory_space<vmem>>) offsets(%arg8 : memref<128xi32, #tpu.memory_space<vmem>>) semaphore(%arg15 : memref<!tpu.dma_semaphore, #tpu.memory_space<semaphore_mem>>)
      %dma_wait3A_255 = arith.constant 0 : i32
      %dma_wait3A_256 = arith.constant 0 : i32
      %dma_wait3A_257 = tpu.memref_slice %arg2[%dma_wait3A_255, %dma_wait3A_256] : memref<10000x128xf32, #tpu.memory_space<hbm>> -> memref<10000x128xf32, #tpu.memory_space<hbm>>
      tpu.wait_indirect_dma semaphore(%arg14 : memref<!tpu.dma_semaphore, #tpu.memory_space<semaphore_mem>>) src(%dma_wait3A_257 : memref<10000x128xf32, #tpu.memory_space<hbm>>) dst(%arg11 : memref<128x128xf32, #tpu.memory_space<vmem>>)
      "tpu.region"() ({
        %run_scoped3A = tpu.sem_alloc : memref<!tpu.dma_semaphore, #tpu.memory_space<semaphore_mem>>
        %dma_start3A_276 = arith.constant 0 : i32
        %dma_start3A_277 = arith.constant 0 : i32
        %dma_start3A_278 = tpu.memref_slice %arg6[%dma_start3A_276, %dma_start3A_277] : memref<10000x128xf32, #tpu.memory_space<vmem_shared>> -> memref<10000x128xf32, #tpu.memory_space<vmem_shared>>
        tpu.enqueue_indirect_dma source(%arg11 : memref<128x128xf32, #tpu.memory_space<vmem>>) target(%dma_start3A_278 : memref<10000x128xf32, #tpu.memory_space<vmem_shared>>) offsets(%arg9 : memref<128xi32, #tpu.memory_space<vmem>>) semaphore(%run_scoped3A : memref<!tpu.dma_semaphore, #tpu.memory_space<semaphore_mem>>) {add = true}
        %dma_wait3A_279 = arith.constant 0 : i32
        %dma_wait3A_280 = arith.constant 0 : i32
        %dma_wait3A_281 = tpu.memref_slice %arg6[%dma_wait3A_279, %dma_wait3A_280] : memref<10000x128xf32, #tpu.memory_space<vmem_shared>> -> memref<10000x128xf32, #tpu.memory_space<vmem_shared>>
        tpu.wait_indirect_dma semaphore(%run_scoped3A : memref<!tpu.dma_semaphore, #tpu.memory_space<semaphore_mem>>) src(%arg11 : memref<128x128xf32, #tpu.memory_space<vmem>>) dst(%dma_wait3A_281 : memref<10000x128xf32, #tpu.memory_space<vmem_shared>>)
        tpu.yield
      }) : () -> ()
      %add3A_258 = arith.constant 2 : i32
      %add3A_259 = arith.addi %mul3A_236, %add3A_258 : i32
      %lt3A_260 = arith.constant 78 : i32
      %lt3A_261 = arith.cmpi slt, %add3A_259, %lt3A_260 : i32
      %convert_element_type3A_262 = arith.extui %lt3A_261 : i1 to i32
      %cond3A_263 = arith.constant 0 : i32
      %cond3A_264 = arith.cmpi ne, %convert_element_type3A_262, %cond3A_263 : i32
      scf.if %cond3A_264 {
        %add3A_276 = arith.addi %mul3A_4, %mul3A_236 : i32
        %add3A_277 = arith.constant 2 : i32
        %add3A_278 = arith.addi %add3A_276, %add3A_277 : i32
        %dma_start3A_279 = arith.constant 0 : i32
        %dma_start3A_280 = tpu.memref_slice %arg3[%add3A_278, %dma_start3A_279] : memref<2500x128xi32, #tpu.memory_space<hbm>> -> memref<1x128xi32, #tpu.memory_space<hbm>>
        %dma_start3A_281 = tpu.memref_squeeze %dma_start3A_280 : memref<1x128xi32, #tpu.memory_space<hbm>> -> memref<128xi32, #tpu.memory_space<hbm>>
        %dma_start3A_282 = arith.constant 0 : i32
        %dma_start3A_283 = tpu.memref_slice %arg3[%add3A_278, %dma_start3A_282] : memref<2500x128xi32, #tpu.memory_space<hbm>> -> memref<1x128xi32, #tpu.memory_space<hbm>>
        %dma_start3A_284 = tpu.memref_squeeze %dma_start3A_283 : memref<1x128xi32, #tpu.memory_space<hbm>> -> memref<128xi32, #tpu.memory_space<hbm>>
        tpu.enqueue_dma source(%dma_start3A_284 : memref<128xi32, #tpu.memory_space<hbm>>) target(%arg7 : memref<128xi32, #tpu.memory_space<vmem>>) target_semaphore(%arg16 : memref<!tpu.dma_semaphore, #tpu.memory_space<semaphore_mem>>)
        %dma_start3A_285 = arith.constant 0 : i32
        %dma_start3A_286 = tpu.memref_slice %arg4[%add3A_278, %dma_start3A_285] : memref<2500x128xi32, #tpu.memory_space<hbm>> -> memref<1x128xi32, #tpu.memory_space<hbm>>
        %dma_start3A_287 = tpu.memref_squeeze %dma_start3A_286 : memref<1x128xi32, #tpu.memory_space<hbm>> -> memref<128xi32, #tpu.memory_space<hbm>>
        %dma_start3A_288 = arith.constant 0 : i32
        %dma_start3A_289 = tpu.memref_slice %arg4[%add3A_278, %dma_start3A_288] : memref<2500x128xi32, #tpu.memory_space<hbm>> -> memref<1x128xi32, #tpu.memory_space<hbm>>
        %dma_start3A_290 = tpu.memref_squeeze %dma_start3A_289 : memref<1x128xi32, #tpu.memory_space<hbm>> -> memref<128xi32, #tpu.memory_space<hbm>>
        tpu.enqueue_dma source(%dma_start3A_290 : memref<128xi32, #tpu.memory_space<hbm>>) target(%arg9 : memref<128xi32, #tpu.memory_space<vmem>>) target_semaphore(%arg16 : memref<!tpu.dma_semaphore, #tpu.memory_space<semaphore_mem>>)
        %add3A_291 = arith.addi %mul3A_4, %mul3A_236 : i32
        %add3A_292 = arith.constant 2 : i32
        %add3A_293 = arith.addi %add3A_291, %add3A_292 : i32
        %dma_wait3A_294 = arith.constant 0 : i32
        %dma_wait3A_295 = tpu.memref_slice %arg3[%add3A_293, %dma_wait3A_294] : memref<2500x128xi32, #tpu.memory_space<hbm>> -> memref<1x128xi32, #tpu.memory_space<hbm>>
        %dma_wait3A_296 = tpu.memref_squeeze %dma_wait3A_295 : memref<1x128xi32, #tpu.memory_space<hbm>> -> memref<128xi32, #tpu.memory_space<hbm>>
        %dma_wait3A_297 = arith.constant 0 : i32
        %dma_wait3A_298 = tpu.memref_slice %arg3[%add3A_293, %dma_wait3A_297] : memref<2500x128xi32, #tpu.memory_space<hbm>> -> memref<1x128xi32, #tpu.memory_space<hbm>>
        %dma_wait3A_299 = tpu.memref_squeeze %dma_wait3A_298 : memref<1x128xi32, #tpu.memory_space<hbm>> -> memref<128xi32, #tpu.memory_space<hbm>>
        tpu.wait_dma2 semaphore(%arg16 : memref<!tpu.dma_semaphore, #tpu.memory_space<semaphore_mem>>) src(%dma_wait3A_299 : memref<128xi32, #tpu.memory_space<hbm>>) dst(%arg7 : memref<128xi32, #tpu.memory_space<vmem>>)
        %dma_wait3A_300 = arith.constant 0 : i32
        %dma_wait3A_301 = tpu.memref_slice %arg4[%add3A_293, %dma_wait3A_300] : memref<2500x128xi32, #tpu.memory_space<hbm>> -> memref<1x128xi32, #tpu.memory_space<hbm>>
        %dma_wait3A_302 = tpu.memref_squeeze %dma_wait3A_301 : memref<1x128xi32, #tpu.memory_space<hbm>> -> memref<128xi32, #tpu.memory_space<hbm>>
        %dma_wait3A_303 = arith.constant 0 : i32
        %dma_wait3A_304 = tpu.memref_slice %arg4[%add3A_293, %dma_wait3A_303] : memref<2500x128xi32, #tpu.memory_space<hbm>> -> memref<1x128xi32, #tpu.memory_space<hbm>>
        %dma_wait3A_305 = tpu.memref_squeeze %dma_wait3A_304 : memref<1x128xi32, #tpu.memory_space<hbm>> -> memref<128xi32, #tpu.memory_space<hbm>>
        tpu.wait_dma2 semaphore(%arg16 : memref<!tpu.dma_semaphore, #tpu.memory_space<semaphore_mem>>) src(%dma_wait3A_305 : memref<128xi32, #tpu.memory_space<hbm>>) dst(%arg9 : memref<128xi32, #tpu.memory_space<vmem>>)
        %dma_start3A_306 = arith.constant 0 : i32
        %dma_start3A_307 = arith.constant 0 : i32
        %dma_start3A_308 = tpu.memref_slice %arg2[%dma_start3A_306, %dma_start3A_307] : memref<10000x128xf32, #tpu.memory_space<hbm>> -> memref<10000x128xf32, #tpu.memory_space<hbm>>
        tpu.enqueue_indirect_dma source(%dma_start3A_308 : memref<10000x128xf32, #tpu.memory_space<hbm>>) target(%arg11 : memref<128x128xf32, #tpu.memory_space<vmem>>) offsets(%arg7 : memref<128xi32, #tpu.memory_space<vmem>>) semaphore(%arg14 : memref<!tpu.dma_semaphore, #tpu.memory_space<semaphore_mem>>)
      } else {
      }
      %dma_wait3A_265 = arith.constant 0 : i32
      %dma_wait3A_266 = arith.constant 0 : i32
      %dma_wait3A_267 = tpu.memref_slice %arg2[%dma_wait3A_265, %dma_wait3A_266] : memref<10000x128xf32, #tpu.memory_space<hbm>> -> memref<10000x128xf32, #tpu.memory_space<hbm>>
      tpu.wait_indirect_dma semaphore(%arg15 : memref<!tpu.dma_semaphore, #tpu.memory_space<semaphore_mem>>) src(%dma_wait3A_267 : memref<10000x128xf32, #tpu.memory_space<hbm>>) dst(%arg12 : memref<128x128xf32, #tpu.memory_space<vmem>>)
      "tpu.region"() ({
        %run_scoped3A = tpu.sem_alloc : memref<!tpu.dma_semaphore, #tpu.memory_space<semaphore_mem>>
        %dma_start3A_276 = arith.constant 0 : i32
        %dma_start3A_277 = arith.constant 0 : i32
        %dma_start3A_278 = tpu.memref_slice %arg6[%dma_start3A_276, %dma_start3A_277] : memref<10000x128xf32, #tpu.memory_space<vmem_shared>> -> memref<10000x128xf32, #tpu.memory_space<vmem_shared>>
        tpu.enqueue_indirect_dma source(%arg12 : memref<128x128xf32, #tpu.memory_space<vmem>>) target(%dma_start3A_278 : memref<10000x128xf32, #tpu.memory_space<vmem_shared>>) offsets(%arg10 : memref<128xi32, #tpu.memory_space<vmem>>) semaphore(%run_scoped3A : memref<!tpu.dma_semaphore, #tpu.memory_space<semaphore_mem>>) {add = true}
        %dma_wait3A_279 = arith.constant 0 : i32
        %dma_wait3A_280 = arith.constant 0 : i32
        %dma_wait3A_281 = tpu.memref_slice %arg6[%dma_wait3A_279, %dma_wait3A_280] : memref<10000x128xf32, #tpu.memory_space<vmem_shared>> -> memref<10000x128xf32, #tpu.memory_space<vmem_shared>>
        tpu.wait_indirect_dma semaphore(%run_scoped3A : memref<!tpu.dma_semaphore, #tpu.memory_space<semaphore_mem>>) src(%arg12 : memref<128x128xf32, #tpu.memory_space<vmem>>) dst(%dma_wait3A_281 : memref<10000x128xf32, #tpu.memory_space<vmem_shared>>)
        tpu.yield
      }) : () -> ()
      %add3A_268 = arith.constant 2 : i32
      %add3A_269 = arith.addi %add3A_238, %add3A_268 : i32
      %lt3A_270 = arith.constant 78 : i32
      %lt3A_271 = arith.cmpi slt, %add3A_269, %lt3A_270 : i32
      %convert_element_type3A_272 = arith.extui %lt3A_271 : i1 to i32
      %cond3A_273 = arith.constant 0 : i32
      %cond3A_274 = arith.cmpi ne, %convert_element_type3A_272, %cond3A_273 : i32
      scf.if %cond3A_274 {
        %add3A_276 = arith.addi %mul3A_4, %add3A_238 : i32
        %add3A_277 = arith.constant 2 : i32
        %add3A_278 = arith.addi %add3A_276, %add3A_277 : i32
        %dma_start3A_279 = arith.constant 0 : i32
        %dma_start3A_280 = tpu.memref_slice %arg3[%add3A_278, %dma_start3A_279] : memref<2500x128xi32, #tpu.memory_space<hbm>> -> memref<1x128xi32, #tpu.memory_space<hbm>>
        %dma_start3A_281 = tpu.memref_squeeze %dma_start3A_280 : memref<1x128xi32, #tpu.memory_space<hbm>> -> memref<128xi32, #tpu.memory_space<hbm>>
        %dma_start3A_282 = arith.constant 0 : i32
        %dma_start3A_283 = tpu.memref_slice %arg3[%add3A_278, %dma_start3A_282] : memref<2500x128xi32, #tpu.memory_space<hbm>> -> memref<1x128xi32, #tpu.memory_space<hbm>>
        %dma_start3A_284 = tpu.memref_squeeze %dma_start3A_283 : memref<1x128xi32, #tpu.memory_space<hbm>> -> memref<128xi32, #tpu.memory_space<hbm>>
        tpu.enqueue_dma source(%dma_start3A_284 : memref<128xi32, #tpu.memory_space<hbm>>) target(%arg8 : memref<128xi32, #tpu.memory_space<vmem>>) target_semaphore(%arg17 : memref<!tpu.dma_semaphore, #tpu.memory_space<semaphore_mem>>)
        %dma_start3A_285 = arith.constant 0 : i32
        %dma_start3A_286 = tpu.memref_slice %arg4[%add3A_278, %dma_start3A_285] : memref<2500x128xi32, #tpu.memory_space<hbm>> -> memref<1x128xi32, #tpu.memory_space<hbm>>
        %dma_start3A_287 = tpu.memref_squeeze %dma_start3A_286 : memref<1x128xi32, #tpu.memory_space<hbm>> -> memref<128xi32, #tpu.memory_space<hbm>>
        %dma_start3A_288 = arith.constant 0 : i32
        %dma_start3A_289 = tpu.memref_slice %arg4[%add3A_278, %dma_start3A_288] : memref<2500x128xi32, #tpu.memory_space<hbm>> -> memref<1x128xi32, #tpu.memory_space<hbm>>
        %dma_start3A_290 = tpu.memref_squeeze %dma_start3A_289 : memref<1x128xi32, #tpu.memory_space<hbm>> -> memref<128xi32, #tpu.memory_space<hbm>>
        tpu.enqueue_dma source(%dma_start3A_290 : memref<128xi32, #tpu.memory_space<hbm>>) target(%arg10 : memref<128xi32, #tpu.memory_space<vmem>>) target_semaphore(%arg17 : memref<!tpu.dma_semaphore, #tpu.memory_space<semaphore_mem>>)
      } else {
      }
      %scan3A_275 = arith.constant 0 : i32
      scf.yield %scan3A_275 : i32
    }
    %scan3A_219 = arith.constant 39 : i32
    %lt3A = arith.constant 4 : i32
    %lt3A_220 = arith.cmpi slt, %add3A, %lt3A : i32
    %convert_element_type3A_221 = arith.extui %lt3A_220 : i1 to i32
    %cond3A_222 = arith.constant 0 : i32
    %cond3A_223 = arith.cmpi ne, %convert_element_type3A_221, %cond3A_222 : i32
    scf.if %cond3A_223 {
      %add3A_233 = arith.constant 2496 : i32
      %add3A_234 = arith.addi %add3A_233, %add3A : i32
      %dma_start3A_235 = arith.constant 0 : i32
      %dma_start3A_236 = tpu.memref_slice %arg3[%add3A_234, %dma_start3A_235] : memref<2500x128xi32, #tpu.memory_space<hbm>> -> memref<1x128xi32, #tpu.memory_space<hbm>>
      %dma_start3A_237 = tpu.memref_squeeze %dma_start3A_236 : memref<1x128xi32, #tpu.memory_space<hbm>> -> memref<128xi32, #tpu.memory_space<hbm>>
      %dma_start3A_238 = arith.constant 0 : i32
      %dma_start3A_239 = tpu.memref_slice %arg3[%add3A_234, %dma_start3A_238] : memref<2500x128xi32, #tpu.memory_space<hbm>> -> memref<1x128xi32, #tpu.memory_space<hbm>>
      %dma_start3A_240 = tpu.memref_squeeze %dma_start3A_239 : memref<1x128xi32, #tpu.memory_space<hbm>> -> memref<128xi32, #tpu.memory_space<hbm>>
      tpu.enqueue_dma source(%dma_start3A_240 : memref<128xi32, #tpu.memory_space<hbm>>) target(%arg7 : memref<128xi32, #tpu.memory_space<vmem>>) target_semaphore(%arg16 : memref<!tpu.dma_semaphore, #tpu.memory_space<semaphore_mem>>)
      %dma_start3A_241 = arith.constant 0 : i32
      %dma_start3A_242 = tpu.memref_slice %arg4[%add3A_234, %dma_start3A_241] : memref<2500x128xi32, #tpu.memory_space<hbm>> -> memref<1x128xi32, #tpu.memory_space<hbm>>
      %dma_start3A_243 = tpu.memref_squeeze %dma_start3A_242 : memref<1x128xi32, #tpu.memory_space<hbm>> -> memref<128xi32, #tpu.memory_space<hbm>>
      %dma_start3A_244 = arith.constant 0 : i32
      %dma_start3A_245 = tpu.memref_slice %arg4[%add3A_234, %dma_start3A_244] : memref<2500x128xi32, #tpu.memory_space<hbm>> -> memref<1x128xi32, #tpu.memory_space<hbm>>
      %dma_start3A_246 = tpu.memref_squeeze %dma_start3A_245 : memref<1x128xi32, #tpu.memory_space<hbm>> -> memref<128xi32, #tpu.memory_space<hbm>>
      tpu.enqueue_dma source(%dma_start3A_246 : memref<128xi32, #tpu.memory_space<hbm>>) target(%arg9 : memref<128xi32, #tpu.memory_space<vmem>>) target_semaphore(%arg16 : memref<!tpu.dma_semaphore, #tpu.memory_space<semaphore_mem>>)
      %dma_wait3A_247 = arith.constant 0 : i32
      %dma_wait3A_248 = tpu.memref_slice %arg3[%add3A_234, %dma_wait3A_247] : memref<2500x128xi32, #tpu.memory_space<hbm>> -> memref<1x128xi32, #tpu.memory_space<hbm>>
      %dma_wait3A_249 = tpu.memref_squeeze %dma_wait3A_248 : memref<1x128xi32, #tpu.memory_space<hbm>> -> memref<128xi32, #tpu.memory_space<hbm>>
      %dma_wait3A_250 = arith.constant 0 : i32
      %dma_wait3A_251 = tpu.memref_slice %arg3[%add3A_234, %dma_wait3A_250] : memref<2500x128xi32, #tpu.memory_space<hbm>> -> memref<1x128xi32, #tpu.memory_space<hbm>>
      %dma_wait3A_252 = tpu.memref_squeeze %dma_wait3A_251 : memref<1x128xi32, #tpu.memory_space<hbm>> -> memref<128xi32, #tpu.memory_space<hbm>>
      tpu.wait_dma2 semaphore(%arg16 : memref<!tpu.dma_semaphore, #tpu.memory_space<semaphore_mem>>) src(%dma_wait3A_252 : memref<128xi32, #tpu.memory_space<hbm>>) dst(%arg7 : memref<128xi32, #tpu.memory_space<vmem>>)
      %dma_wait3A_253 = arith.constant 0 : i32
      %dma_wait3A_254 = tpu.memref_slice %arg4[%add3A_234, %dma_wait3A_253] : memref<2500x128xi32, #tpu.memory_space<hbm>> -> memref<1x128xi32, #tpu.memory_space<hbm>>
      %dma_wait3A_255 = tpu.memref_squeeze %dma_wait3A_254 : memref<1x128xi32, #tpu.memory_space<hbm>> -> memref<128xi32, #tpu.memory_space<hbm>>
      %dma_wait3A_256 = arith.constant 0 : i32
      %dma_wait3A_257 = tpu.memref_slice %arg4[%add3A_234, %dma_wait3A_256] : memref<2500x128xi32, #tpu.memory_space<hbm>> -> memref<1x128xi32, #tpu.memory_space<hbm>>
      %dma_wait3A_258 = tpu.memref_squeeze %dma_wait3A_257 : memref<1x128xi32, #tpu.memory_space<hbm>> -> memref<128xi32, #tpu.memory_space<hbm>>
      tpu.wait_dma2 semaphore(%arg16 : memref<!tpu.dma_semaphore, #tpu.memory_space<semaphore_mem>>) src(%dma_wait3A_258 : memref<128xi32, #tpu.memory_space<hbm>>) dst(%arg9 : memref<128xi32, #tpu.memory_space<vmem>>)
      %dma_start3A_259 = arith.constant 0 : i32
      %dma_start3A_260 = arith.constant 0 : i32
      %dma_start3A_261 = tpu.memref_slice %arg2[%dma_start3A_259, %dma_start3A_260] : memref<10000x128xf32, #tpu.memory_space<hbm>> -> memref<10000x128xf32, #tpu.memory_space<hbm>>
      tpu.enqueue_indirect_dma source(%dma_start3A_261 : memref<10000x128xf32, #tpu.memory_space<hbm>>) target(%arg11 : memref<128x128xf32, #tpu.memory_space<vmem>>) offsets(%arg7 : memref<128xi32, #tpu.memory_space<vmem>>) semaphore(%arg14 : memref<!tpu.dma_semaphore, #tpu.memory_space<semaphore_mem>>)
      %dma_wait3A_262 = arith.constant 0 : i32
      %dma_wait3A_263 = arith.constant 0 : i32
      %dma_wait3A_264 = tpu.memref_slice %arg2[%dma_wait3A_262, %dma_wait3A_263] : memref<10000x128xf32, #tpu.memory_space<hbm>> -> memref<10000x128xf32, #tpu.memory_space<hbm>>
      tpu.wait_indirect_dma semaphore(%arg14 : memref<!tpu.dma_semaphore, #tpu.memory_space<semaphore_mem>>) src(%dma_wait3A_264 : memref<10000x128xf32, #tpu.memory_space<hbm>>) dst(%arg11 : memref<128x128xf32, #tpu.memory_space<vmem>>)
      "tpu.region"() ({
        %run_scoped3A = tpu.sem_alloc : memref<!tpu.dma_semaphore, #tpu.memory_space<semaphore_mem>>
        %dma_start3A_265 = arith.constant 0 : i32
        %dma_start3A_266 = arith.constant 0 : i32
        %dma_start3A_267 = tpu.memref_slice %arg6[%dma_start3A_265, %dma_start3A_266] : memref<10000x128xf32, #tpu.memory_space<vmem_shared>> -> memref<10000x128xf32, #tpu.memory_space<vmem_shared>>
        tpu.enqueue_indirect_dma source(%arg11 : memref<128x128xf32, #tpu.memory_space<vmem>>) target(%dma_start3A_267 : memref<10000x128xf32, #tpu.memory_space<vmem_shared>>) offsets(%arg9 : memref<128xi32, #tpu.memory_space<vmem>>) semaphore(%run_scoped3A : memref<!tpu.dma_semaphore, #tpu.memory_space<semaphore_mem>>) {add = true}
        %dma_wait3A_268 = arith.constant 0 : i32
        %dma_wait3A_269 = arith.constant 0 : i32
        %dma_wait3A_270 = tpu.memref_slice %arg6[%dma_wait3A_268, %dma_wait3A_269] : memref<10000x128xf32, #tpu.memory_space<vmem_shared>> -> memref<10000x128xf32, #tpu.memory_space<vmem_shared>>
        tpu.wait_indirect_dma semaphore(%run_scoped3A : memref<!tpu.dma_semaphore, #tpu.memory_space<semaphore_mem>>) src(%arg11 : memref<128x128xf32, #tpu.memory_space<vmem>>) dst(%dma_wait3A_270 : memref<10000x128xf32, #tpu.memory_space<vmem_shared>>)
        tpu.yield
      }) : () -> ()
    } else {
    }
    %barrier3A_224 = arith.constant 0 : index
    tpu.barrier barrier_id(%barrier3A_224)
    %mul3A_225 = arith.constant 10000 : i32
    %mul3A_226 = arith.muli %arg0, %mul3A_225 : i32
    %add3A_227 = arith.addi %mul3A_226, %mul3A_2 : i32
    "tpu.region"() ({
      %run_scoped3A = tpu.sem_alloc : memref<!tpu.dma_semaphore, #tpu.memory_space<semaphore_mem>>
      %dma_start3A_233 = arith.constant 0 : i32
      %dma_start3A_234 = tpu.memref_slice %arg5[%add3A_227, %dma_start3A_233] : memref<20000x128xf32, #tpu.memory_space<hbm>> -> memref<624x128xf32, #tpu.memory_space<hbm>>
      %dma_start3A_235 = arith.constant 0 : i32
      %dma_start3A_236 = tpu.memref_slice %arg6[%mul3A_2, %dma_start3A_235] : memref<10000x128xf32, #tpu.memory_space<vmem_shared>> -> memref<624x128xf32, #tpu.memory_space<vmem_shared>>
      tpu.enqueue_dma source(%dma_start3A_236 : memref<624x128xf32, #tpu.memory_space<vmem_shared>>) target(%dma_start3A_234 : memref<624x128xf32, #tpu.memory_space<hbm>>) target_semaphore(%run_scoped3A : memref<!tpu.dma_semaphore, #tpu.memory_space<semaphore_mem>>)
      %dma_wait3A_237 = arith.constant 0 : i32
      %dma_wait3A_238 = tpu.memref_slice %arg5[%add3A_227, %dma_wait3A_237] : memref<20000x128xf32, #tpu.memory_space<hbm>> -> memref<624x128xf32, #tpu.memory_space<hbm>>
      %dma_wait3A_239 = arith.constant 0 : i32
      %dma_wait3A_240 = tpu.memref_slice %arg6[%mul3A_2, %dma_wait3A_239] : memref<10000x128xf32, #tpu.memory_space<vmem_shared>> -> memref<624x128xf32, #tpu.memory_space<vmem_shared>>
      tpu.wait_dma2 semaphore(%run_scoped3A : memref<!tpu.dma_semaphore, #tpu.memory_space<semaphore_mem>>) src(%dma_wait3A_240 : memref<624x128xf32, #tpu.memory_space<vmem_shared>>) dst(%dma_wait3A_238 : memref<624x128xf32, #tpu.memory_space<hbm>>)
      tpu.yield
    }) : () -> ()
    %eq3A_228 = arith.constant 15 : i32
    %eq3A_229 = arith.cmpi eq, %arg1, %eq3A_228 : i32
    %convert_element_type3A_230 = arith.extui %eq3A_229 : i1 to i32
    %cond3A_231 = arith.constant 0 : i32
    %cond3A_232 = arith.cmpi ne, %convert_element_type3A_230, %cond3A_231 : i32
    scf.if %cond3A_232 {
      %mul3A_233 = arith.constant 10000 : i32
      %mul3A_234 = arith.muli %arg0, %mul3A_233 : i32
      %add3A_235 = arith.constant 9984 : i32
      %add3A_236 = arith.addi %mul3A_234, %add3A_235 : i32
      "tpu.region"() ({
        %run_scoped3A = tpu.sem_alloc : memref<!tpu.dma_semaphore, #tpu.memory_space<semaphore_mem>>
        %dma_start3A_237 = arith.constant 0 : i32
        %dma_start3A_238 = tpu.memref_slice %arg5[%add3A_236, %dma_start3A_237] : memref<20000x128xf32, #tpu.memory_space<hbm>> -> memref<16x128xf32, #tpu.memory_space<hbm>>
        %dma_start3A_239 = arith.constant 9984 : i32
        %dma_start3A_240 = arith.constant 0 : i32
        %dma_start3A_241 = tpu.memref_slice %arg6[%dma_start3A_239, %dma_start3A_240] : memref<10000x128xf32, #tpu.memory_space<vmem_shared>> -> memref<16x128xf32, #tpu.memory_space<vmem_shared>>
        tpu.enqueue_dma source(%dma_start3A_241 : memref<16x128xf32, #tpu.memory_space<vmem_shared>>) target(%dma_start3A_238 : memref<16x128xf32, #tpu.memory_space<hbm>>) target_semaphore(%run_scoped3A : memref<!tpu.dma_semaphore, #tpu.memory_space<semaphore_mem>>)
        %dma_wait3A_242 = arith.constant 0 : i32
        %dma_wait3A_243 = tpu.memref_slice %arg5[%add3A_236, %dma_wait3A_242] : memref<20000x128xf32, #tpu.memory_space<hbm>> -> memref<16x128xf32, #tpu.memory_space<hbm>>
        %dma_wait3A_244 = arith.constant 9984 : i32
        %dma_wait3A_245 = arith.constant 0 : i32
        %dma_wait3A_246 = tpu.memref_slice %arg6[%dma_wait3A_244, %dma_wait3A_245] : memref<10000x128xf32, #tpu.memory_space<vmem_shared>> -> memref<16x128xf32, #tpu.memory_space<vmem_shared>>
        tpu.wait_dma2 semaphore(%run_scoped3A : memref<!tpu.dma_semaphore, #tpu.memory_space<semaphore_mem>>) src(%dma_wait3A_246 : memref<16x128xf32, #tpu.memory_space<vmem_shared>>) dst(%dma_wait3A_243 : memref<16x128xf32, #tpu.memory_space<hbm>>)
        tpu.yield
      }) : () -> ()
    } else {
    }
    return
  }
}

#map = affine_map<(d0, d1) -> (0, 0)>
module attributes {stable_mosaic.version = 14 : i64} {
  func.func @_sc_scatter_body(%arg0: i32, %arg1: i32, %arg2: memref<10000x128xf32, #tpu.memory_space<hbm>>, %arg3: memref<2500x128xi32, #tpu.memory_space<hbm>>, %arg4: memref<2500x128xi32, #tpu.memory_space<hbm>>, %arg5: memref<20000x128xf32, #tpu.memory_space<hbm>>, %arg6: memref<10000x128xf32, #tpu.memory_space<vmem_shared>>, %arg7: memref<128xi32, #tpu.memory_space<vmem>>, %arg8: memref<128xi32, #tpu.memory_space<vmem>>, %arg9: memref<128xi32, #tpu.memory_space<vmem>>, %arg10: memref<128xi32, #tpu.memory_space<vmem>>, %arg11: memref<128x128xf32, #tpu.memory_space<vmem>>, %arg12: memref<128x128xf32, #tpu.memory_space<vmem>>, %arg13: memref<48x128xf32, #tpu.memory_space<vmem>>, %arg14: memref<!tpu.dma_semaphore, #tpu.memory_space<semaphore_mem>>, %arg15: memref<!tpu.dma_semaphore, #tpu.memory_space<semaphore_mem>>, %arg16: memref<!tpu.dma_semaphore, #tpu.memory_space<semaphore_mem>>, %arg17: memref<!tpu.dma_semaphore, #tpu.memory_space<semaphore_mem>>, %arg18: memref<!tpu.dma_semaphore, #tpu.memory_space<semaphore_mem>>) attributes {dimension_semantics = [#tpu.dimension_semantics<core_parallel>, #tpu.dimension_semantics<subcore_parallel>], iteration_bounds = array<i64: 2, 16>, scalar_prefetch = 0 : i64, scratch_operands = 13 : i64, tpu.core_type = #tpu.core_type<sc_vector_subcore>, window_params = [{transform_indices = #map}, {transform_indices = #map}, {transform_indices = #map}, {transform_indices = #map}]} {
    %mul3A = arith.constant 16 : i32
    %mul3A_0 = arith.muli %arg0, %mul3A : i32
    %add3A = arith.addi %mul3A_0, %arg1 : i32
    %mul3A_1 = arith.constant 624 : i32
    %mul3A_2 = arith.muli %arg1, %mul3A_1 : i32
    %mul3A_3 = arith.constant 78 : i32
    %mul3A_4 = arith.muli %add3A, %mul3A_3 : i32
    %dma_start3A = arith.constant 0 : i32
    %dma_start3A_5 = tpu.memref_slice %arg3[%mul3A_4, %dma_start3A] : memref<2500x128xi32, #tpu.memory_space<hbm>> -> memref<1x128xi32, #tpu.memory_space<hbm>>
    %dma_start3A_6 = tpu.memref_squeeze %dma_start3A_5 : memref<1x128xi32, #tpu.memory_space<hbm>> -> memref<128xi32, #tpu.memory_space<hbm>>
    %dma_start3A_7 = arith.constant 0 : i32
    %dma_start3A_8 = tpu.memref_slice %arg3[%mul3A_4, %dma_start3A_7] : memref<2500x128xi32, #tpu.memory_space<hbm>> -> memref<1x128xi32, #tpu.memory_space<hbm>>
    %dma_start3A_9 = tpu.memref_squeeze %dma_start3A_8 : memref<1x128xi32, #tpu.memory_space<hbm>> -> memref<128xi32, #tpu.memory_space<hbm>>
    tpu.enqueue_dma source(%dma_start3A_9 : memref<128xi32, #tpu.memory_space<hbm>>) target(%arg7 : memref<128xi32, #tpu.memory_space<vmem>>) target_semaphore(%arg16 : memref<!tpu.dma_semaphore, #tpu.memory_space<semaphore_mem>>)
    %dma_start3A_10 = arith.constant 0 : i32
    %dma_start3A_11 = tpu.memref_slice %arg4[%mul3A_4, %dma_start3A_10] : memref<2500x128xi32, #tpu.memory_space<hbm>> -> memref<1x128xi32, #tpu.memory_space<hbm>>
    %dma_start3A_12 = tpu.memref_squeeze %dma_start3A_11 : memref<1x128xi32, #tpu.memory_space<hbm>> -> memref<128xi32, #tpu.memory_space<hbm>>
    %dma_start3A_13 = arith.constant 0 : i32
    %dma_start3A_14 = tpu.memref_slice %arg4[%mul3A_4, %dma_start3A_13] : memref<2500x128xi32, #tpu.memory_space<hbm>> -> memref<1x128xi32, #tpu.memory_space<hbm>>
    %dma_start3A_15 = tpu.memref_squeeze %dma_start3A_14 : memref<1x128xi32, #tpu.memory_space<hbm>> -> memref<128xi32, #tpu.memory_space<hbm>>
    tpu.enqueue_dma source(%dma_start3A_15 : memref<128xi32, #tpu.memory_space<hbm>>) target(%arg9 : memref<128xi32, #tpu.memory_space<vmem>>) target_semaphore(%arg16 : memref<!tpu.dma_semaphore, #tpu.memory_space<semaphore_mem>>)
    %add3A_16 = arith.constant 1 : i32
    %add3A_17 = arith.addi %mul3A_4, %add3A_16 : i32
    %dma_start3A_18 = arith.constant 0 : i32
    %dma_start3A_19 = tpu.memref_slice %arg3[%add3A_17, %dma_start3A_18] : memref<2500x128xi32, #tpu.memory_space<hbm>> -> memref<1x128xi32, #tpu.memory_space<hbm>>
    %dma_start3A_20 = tpu.memref_squeeze %dma_start3A_19 : memref<1x128xi32, #tpu.memory_space<hbm>> -> memref<128xi32, #tpu.memory_space<hbm>>
    %dma_start3A_21 = arith.constant 0 : i32
    %dma_start3A_22 = tpu.memref_slice %arg3[%add3A_17, %dma_start3A_21] : memref<2500x128xi32, #tpu.memory_space<hbm>> -> memref<1x128xi32, #tpu.memory_space<hbm>>
    %dma_start3A_23 = tpu.memref_squeeze %dma_start3A_22 : memref<1x128xi32, #tpu.memory_space<hbm>> -> memref<128xi32, #tpu.memory_space<hbm>>
    tpu.enqueue_dma source(%dma_start3A_23 : memref<128xi32, #tpu.memory_space<hbm>>) target(%arg8 : memref<128xi32, #tpu.memory_space<vmem>>) target_semaphore(%arg17 : memref<!tpu.dma_semaphore, #tpu.memory_space<semaphore_mem>>)
    %dma_start3A_24 = arith.constant 0 : i32
    %dma_start3A_25 = tpu.memref_slice %arg4[%add3A_17, %dma_start3A_24] : memref<2500x128xi32, #tpu.memory_space<hbm>> -> memref<1x128xi32, #tpu.memory_space<hbm>>
    %dma_start3A_26 = tpu.memref_squeeze %dma_start3A_25 : memref<1x128xi32, #tpu.memory_space<hbm>> -> memref<128xi32, #tpu.memory_space<hbm>>
    %dma_start3A_27 = arith.constant 0 : i32
    %dma_start3A_28 = tpu.memref_slice %arg4[%add3A_17, %dma_start3A_27] : memref<2500x128xi32, #tpu.memory_space<hbm>> -> memref<1x128xi32, #tpu.memory_space<hbm>>
    %dma_start3A_29 = tpu.memref_squeeze %dma_start3A_28 : memref<1x128xi32, #tpu.memory_space<hbm>> -> memref<128xi32, #tpu.memory_space<hbm>>
    tpu.enqueue_dma source(%dma_start3A_29 : memref<128xi32, #tpu.memory_space<hbm>>) target(%arg10 : memref<128xi32, #tpu.memory_space<vmem>>) target_semaphore(%arg17 : memref<!tpu.dma_semaphore, #tpu.memory_space<semaphore_mem>>)
    %scan3A = arith.constant 0 : i32
    %scan3A_30 = arith.constant 0 : i32
    %scan3A_31 = arith.constant 48 : i32
    %scan3A_32 = arith.addi %scan3A_30, %scan3A_31 : i32
    %scan3A_33 = arith.constant 1 : i32
    %scan3A_34 = scf.for %scan3A_233 = %scan3A_30 to %scan3A_32 step %scan3A_33 iter_args(%scan3A_234 = %scan3A) -> (i32)  : i32 {
      %scan3A_235 = arith.constant 0 : i32
      %scan3A_236 = arith.constant 0 : i32
      %scan3A_237 = arith.constant 8 : i32
      %scan3A_238 = arith.addi %scan3A_236, %scan3A_237 : i32
      %scan3A_239 = arith.constant 1 : i32
      %scan3A_240 = scf.for %scan3A_243 = %scan3A_236 to %scan3A_238 step %scan3A_239 iter_args(%scan3A_244 = %scan3A_235) -> (i32)  : i32 {
        %broadcast_in_dim3A = arith.constant 0.000000e+00 : f32
        %broadcast_in_dim3A_245 = vector.broadcast %broadcast_in_dim3A : f32 to vector<16xf32>
        %mul3A_246 = arith.constant 16 : i32
        %mul3A_247 = arith.muli %scan3A_243, %mul3A_246 : i32
        %swap3A = arith.index_cast %scan3A_233 : i32 to index
        %swap3A_248 = arith.index_cast %mul3A_247 : i32 to index
        %swap3A_249 = tpu.vector_load %arg13[%swap3A, %swap3A_248] {strides = array<i32>} : memref<48x128xf32, #tpu.memory_space<vmem>>, vector<1x16xf32>,
        %swap3A_250 = vector.shape_cast %swap3A_249 : vector<1x16xf32> to vector<16xf32>
        %swap3A_251 = vector.shape_cast %broadcast_in_dim3A_245 : vector<16xf32> to vector<1x16xf32>
        tpu.vector_store %arg13[%swap3A, %swap3A_248], %swap3A_251 {strides = array<i32>} : memref<48x128xf32, #tpu.memory_space<vmem>>, vector<1x16xf32>,
        %scan3A_252 = arith.constant 0 : i32
        scf.yield %scan3A_252 : i32
      }
      %scan3A_241 = arith.constant 8 : i32
      %scan3A_242 = arith.constant 0 : i32
      scf.yield %scan3A_242 : i32
    }
    %scan3A_35 = arith.constant 48 : i32
    %add3A_36 = arith.constant 0 : i32
    %add3A_37 = arith.addi %mul3A_2, %add3A_36 : i32
    %dma_start3A_38 = arith.constant 0 : i32
    %dma_start3A_39 = tpu.memref_slice %arg6[%add3A_37, %dma_start3A_38] : memref<10000x128xf32, #tpu.memory_space<vmem_shared>> -> memref<48x128xf32, #tpu.memory_space<vmem_shared>>
    %dma_start3A_40 = arith.constant 0 : i32
    %dma_start3A_41 = tpu.memref_slice %arg6[%add3A_37, %dma_start3A_40] : memref<10000x128xf32, #tpu.memory_space<vmem_shared>> -> memref<48x128xf32, #tpu.memory_space<vmem_shared>>
    tpu.enqueue_dma source(%arg13 : memref<48x128xf32, #tpu.memory_space<vmem>>) target(%dma_start3A_41 : memref<48x128xf32, #tpu.memory_space<vmem_shared>>) target_semaphore(%arg18 : memref<!tpu.dma_semaphore, #tpu.memory_space<semaphore_mem>>)
    %add3A_42 = arith.constant 48 : i32
    %add3A_43 = arith.addi %mul3A_2, %add3A_42 : i32
    %dma_start3A_44 = arith.constant 0 : i32
    %dma_start3A_45 = tpu.memref_slice %arg6[%add3A_43, %dma_start3A_44] : memref<10000x128xf32, #tpu.memory_space<vmem_shared>> -> memref<48x128xf32, #tpu.memory_space<vmem_shared>>
    %dma_start3A_46 = arith.constant 0 : i32
    %dma_start3A_47 = tpu.memref_slice %arg6[%add3A_43, %dma_start3A_46] : memref<10000x128xf32, #tpu.memory_space<vmem_shared>> -> memref<48x128xf32, #tpu.memory_space<vmem_shared>>
    tpu.enqueue_dma source(%arg13 : memref<48x128xf32, #tpu.memory_space<vmem>>) target(%dma_start3A_47 : memref<48x128xf32, #tpu.memory_space<vmem_shared>>) target_semaphore(%arg18 : memref<!tpu.dma_semaphore, #tpu.memory_space<semaphore_mem>>)
    %add3A_48 = arith.constant 96 : i32
    %add3A_49 = arith.addi %mul3A_2, %add3A_48 : i32
    %dma_start3A_50 = arith.constant 0 : i32
    %dma_start3A_51 = tpu.memref_slice %arg6[%add3A_49, %dma_start3A_50] : memref<10000x128xf32, #tpu.memory_space<vmem_shared>> -> memref<48x128xf32, #tpu.memory_space<vmem_shared>>
    %dma_start3A_52 = arith.constant 0 : i32
    %dma_start3A_53 = tpu.memref_slice %arg6[%add3A_49, %dma_start3A_52] : memref<10000x128xf32, #tpu.memory_space<vmem_shared>> -> memref<48x128xf32, #tpu.memory_space<vmem_shared>>
    tpu.enqueue_dma source(%arg13 : memref<48x128xf32, #tpu.memory_space<vmem>>) target(%dma_start3A_53 : memref<48x128xf32, #tpu.memory_space<vmem_shared>>) target_semaphore(%arg18 : memref<!tpu.dma_semaphore, #tpu.memory_space<semaphore_mem>>)
    %add3A_54 = arith.constant 144 : i32
    %add3A_55 = arith.addi %mul3A_2, %add3A_54 : i32
    %dma_start3A_56 = arith.constant 0 : i32
    %dma_start3A_57 = tpu.memref_slice %arg6[%add3A_55, %dma_start3A_56] : memref<10000x128xf32, #tpu.memory_space<vmem_shared>> -> memref<48x128xf32, #tpu.memory_space<vmem_shared>>
    %dma_start3A_58 = arith.constant 0 : i32
    %dma_start3A_59 = tpu.memref_slice %arg6[%add3A_55, %dma_start3A_58] : memref<10000x128xf32, #tpu.memory_space<vmem_shared>> -> memref<48x128xf32, #tpu.memory_space<vmem_shared>>
    tpu.enqueue_dma source(%arg13 : memref<48x128xf32, #tpu.memory_space<vmem>>) target(%dma_start3A_59 : memref<48x128xf32, #tpu.memory_space<vmem_shared>>) target_semaphore(%arg18 : memref<!tpu.dma_semaphore, #tpu.memory_space<semaphore_mem>>)
    %add3A_60 = arith.constant 192 : i32
    %add3A_61 = arith.addi %mul3A_2, %add3A_60 : i32
    %dma_start3A_62 = arith.constant 0 : i32
    %dma_start3A_63 = tpu.memref_slice %arg6[%add3A_61, %dma_start3A_62] : memref<10000x128xf32, #tpu.memory_space<vmem_shared>> -> memref<48x128xf32, #tpu.memory_space<vmem_shared>>
    %dma_start3A_64 = arith.constant 0 : i32
    %dma_start3A_65 = tpu.memref_slice %arg6[%add3A_61, %dma_start3A_64] : memref<10000x128xf32, #tpu.memory_space<vmem_shared>> -> memref<48x128xf32, #tpu.memory_space<vmem_shared>>
    tpu.enqueue_dma source(%arg13 : memref<48x128xf32, #tpu.memory_space<vmem>>) target(%dma_start3A_65 : memref<48x128xf32, #tpu.memory_space<vmem_shared>>) target_semaphore(%arg18 : memref<!tpu.dma_semaphore, #tpu.memory_space<semaphore_mem>>)
    %add3A_66 = arith.constant 240 : i32
    %add3A_67 = arith.addi %mul3A_2, %add3A_66 : i32
    %dma_start3A_68 = arith.constant 0 : i32
    %dma_start3A_69 = tpu.memref_slice %arg6[%add3A_67, %dma_start3A_68] : memref<10000x128xf32, #tpu.memory_space<vmem_shared>> -> memref<48x128xf32, #tpu.memory_space<vmem_shared>>
    %dma_start3A_70 = arith.constant 0 : i32
    %dma_start3A_71 = tpu.memref_slice %arg6[%add3A_67, %dma_start3A_70] : memref<10000x128xf32, #tpu.memory_space<vmem_shared>> -> memref<48x128xf32, #tpu.memory_space<vmem_shared>>
    tpu.enqueue_dma source(%arg13 : memref<48x128xf32, #tpu.memory_space<vmem>>) target(%dma_start3A_71 : memref<48x128xf32, #tpu.memory_space<vmem_shared>>) target_semaphore(%arg18 : memref<!tpu.dma_semaphore, #tpu.memory_space<semaphore_mem>>)
    %add3A_72 = arith.constant 288 : i32
    %add3A_73 = arith.addi %mul3A_2, %add3A_72 : i32
    %dma_start3A_74 = arith.constant 0 : i32
    %dma_start3A_75 = tpu.memref_slice %arg6[%add3A_73, %dma_start3A_74] : memref<10000x128xf32, #tpu.memory_space<vmem_shared>> -> memref<48x128xf32, #tpu.memory_space<vmem_shared>>
    %dma_start3A_76 = arith.constant 0 : i32
    %dma_start3A_77 = tpu.memref_slice %arg6[%add3A_73, %dma_start3A_76] : memref<10000x128xf32, #tpu.memory_space<vmem_shared>> -> memref<48x128xf32, #tpu.memory_space<vmem_shared>>
    tpu.enqueue_dma source(%arg13 : memref<48x128xf32, #tpu.memory_space<vmem>>) target(%dma_start3A_77 : memref<48x128xf32, #tpu.memory_space<vmem_shared>>) target_semaphore(%arg18 : memref<!tpu.dma_semaphore, #tpu.memory_space<semaphore_mem>>)
    %add3A_78 = arith.constant 336 : i32
    %add3A_79 = arith.addi %mul3A_2, %add3A_78 : i32
    %dma_start3A_80 = arith.constant 0 : i32
    %dma_start3A_81 = tpu.memref_slice %arg6[%add3A_79, %dma_start3A_80] : memref<10000x128xf32, #tpu.memory_space<vmem_shared>> -> memref<48x128xf32, #tpu.memory_space<vmem_shared>>
    %dma_start3A_82 = arith.constant 0 : i32
    %dma_start3A_83 = tpu.memref_slice %arg6[%add3A_79, %dma_start3A_82] : memref<10000x128xf32, #tpu.memory_space<vmem_shared>> -> memref<48x128xf32, #tpu.memory_space<vmem_shared>>
    tpu.enqueue_dma source(%arg13 : memref<48x128xf32, #tpu.memory_space<vmem>>) target(%dma_start3A_83 : memref<48x128xf32, #tpu.memory_space<vmem_shared>>) target_semaphore(%arg18 : memref<!tpu.dma_semaphore, #tpu.memory_space<semaphore_mem>>)
    %add3A_84 = arith.constant 384 : i32
    %add3A_85 = arith.addi %mul3A_2, %add3A_84 : i32
    %dma_start3A_86 = arith.constant 0 : i32
    %dma_start3A_87 = tpu.memref_slice %arg6[%add3A_85, %dma_start3A_86] : memref<10000x128xf32, #tpu.memory_space<vmem_shared>> -> memref<48x128xf32, #tpu.memory_space<vmem_shared>>
    %dma_start3A_88 = arith.constant 0 : i32
    %dma_start3A_89 = tpu.memref_slice %arg6[%add3A_85, %dma_start3A_88] : memref<10000x128xf32, #tpu.memory_space<vmem_shared>> -> memref<48x128xf32, #tpu.memory_space<vmem_shared>>
    tpu.enqueue_dma source(%arg13 : memref<48x128xf32, #tpu.memory_space<vmem>>) target(%dma_start3A_89 : memref<48x128xf32, #tpu.memory_space<vmem_shared>>) target_semaphore(%arg18 : memref<!tpu.dma_semaphore, #tpu.memory_space<semaphore_mem>>)
    %add3A_90 = arith.constant 432 : i32
    %add3A_91 = arith.addi %mul3A_2, %add3A_90 : i32
    %dma_start3A_92 = arith.constant 0 : i32
    %dma_start3A_93 = tpu.memref_slice %arg6[%add3A_91, %dma_start3A_92] : memref<10000x128xf32, #tpu.memory_space<vmem_shared>> -> memref<48x128xf32, #tpu.memory_space<vmem_shared>>
    %dma_start3A_94 = arith.constant 0 : i32
    %dma_start3A_95 = tpu.memref_slice %arg6[%add3A_91, %dma_start3A_94] : memref<10000x128xf32, #tpu.memory_space<vmem_shared>> -> memref<48x128xf32, #tpu.memory_space<vmem_shared>>
    tpu.enqueue_dma source(%arg13 : memref<48x128xf32, #tpu.memory_space<vmem>>) target(%dma_start3A_95 : memref<48x128xf32, #tpu.memory_space<vmem_shared>>) target_semaphore(%arg18 : memref<!tpu.dma_semaphore, #tpu.memory_space<semaphore_mem>>)
    %add3A_96 = arith.constant 480 : i32
    %add3A_97 = arith.addi %mul3A_2, %add3A_96 : i32
    %dma_start3A_98 = arith.constant 0 : i32
    %dma_start3A_99 = tpu.memref_slice %arg6[%add3A_97, %dma_start3A_98] : memref<10000x128xf32, #tpu.memory_space<vmem_shared>> -> memref<48x128xf32, #tpu.memory_space<vmem_shared>>
    %dma_start3A_100 = arith.constant 0 : i32
    %dma_start3A_101 = tpu.memref_slice %arg6[%add3A_97, %dma_start3A_100] : memref<10000x128xf32, #tpu.memory_space<vmem_shared>> -> memref<48x128xf32, #tpu.memory_space<vmem_shared>>
    tpu.enqueue_dma source(%arg13 : memref<48x128xf32, #tpu.memory_space<vmem>>) target(%dma_start3A_101 : memref<48x128xf32, #tpu.memory_space<vmem_shared>>) target_semaphore(%arg18 : memref<!tpu.dma_semaphore, #tpu.memory_space<semaphore_mem>>)
    %add3A_102 = arith.constant 528 : i32
    %add3A_103 = arith.addi %mul3A_2, %add3A_102 : i32
    %dma_start3A_104 = arith.constant 0 : i32
    %dma_start3A_105 = tpu.memref_slice %arg6[%add3A_103, %dma_start3A_104] : memref<10000x128xf32, #tpu.memory_space<vmem_shared>> -> memref<48x128xf32, #tpu.memory_space<vmem_shared>>
    %dma_start3A_106 = arith.constant 0 : i32
    %dma_start3A_107 = tpu.memref_slice %arg6[%add3A_103, %dma_start3A_106] : memref<10000x128xf32, #tpu.memory_space<vmem_shared>> -> memref<48x128xf32, #tpu.memory_space<vmem_shared>>
    tpu.enqueue_dma source(%arg13 : memref<48x128xf32, #tpu.memory_space<vmem>>) target(%dma_start3A_107 : memref<48x128xf32, #tpu.memory_space<vmem_shared>>) target_semaphore(%arg18 : memref<!tpu.dma_semaphore, #tpu.memory_space<semaphore_mem>>)
    %add3A_108 = arith.constant 576 : i32
    %add3A_109 = arith.addi %mul3A_2, %add3A_108 : i32
    %dma_start3A_110 = arith.constant 0 : i32
    %dma_start3A_111 = tpu.memref_slice %arg6[%add3A_109, %dma_start3A_110] : memref<10000x128xf32, #tpu.memory_space<vmem_shared>> -> memref<48x128xf32, #tpu.memory_space<vmem_shared>>
    %dma_start3A_112 = arith.constant 0 : i32
    %dma_start3A_113 = tpu.memref_slice %arg6[%add3A_109, %dma_start3A_112] : memref<10000x128xf32, #tpu.memory_space<vmem_shared>> -> memref<48x128xf32, #tpu.memory_space<vmem_shared>>
    tpu.enqueue_dma source(%arg13 : memref<48x128xf32, #tpu.memory_space<vmem>>) target(%dma_start3A_113 : memref<48x128xf32, #tpu.memory_space<vmem_shared>>) target_semaphore(%arg18 : memref<!tpu.dma_semaphore, #tpu.memory_space<semaphore_mem>>)
    %eq3A = arith.constant 15 : i32
    %eq3A_114 = arith.cmpi eq, %arg1, %eq3A : i32
    %convert_element_type3A = arith.extui %eq3A_114 : i1 to i32
    %cond3A = arith.constant 0 : i32
    %cond3A_115 = arith.cmpi ne, %convert_element_type3A, %cond3A : i32
    scf.if %cond3A_115 {
      %dma_start3A_233 = arith.constant 0 : i32
      %dma_start3A_234 = arith.constant 0 : i32
      %dma_start3A_235 = tpu.memref_slice %arg13[%dma_start3A_233, %dma_start3A_234] : memref<48x128xf32, #tpu.memory_space<vmem>> -> memref<16x128xf32, #tpu.memory_space<vmem>>
      %dma_start3A_236 = arith.constant 9984 : i32
      %dma_start3A_237 = arith.constant 0 : i32
      %dma_start3A_238 = tpu.memref_slice %arg6[%dma_start3A_236, %dma_start3A_237] : memref<10000x128xf32, #tpu.memory_space<vmem_shared>> -> memref<16x128xf32, #tpu.memory_space<vmem_shared>>
      %dma_start3A_239 = arith.constant 9984 : i32
      %dma_start3A_240 = arith.constant 0 : i32
      %dma_start3A_241 = tpu.memref_slice %arg6[%dma_start3A_239, %dma_start3A_240] : memref<10000x128xf32, #tpu.memory_space<vmem_shared>> -> memref<16x128xf32, #tpu.memory_space<vmem_shared>>
      %dma_start3A_242 = arith.constant 0 : i32
      %dma_start3A_243 = arith.constant 0 : i32
      %dma_start3A_244 = tpu.memref_slice %arg13[%dma_start3A_242, %dma_start3A_243] : memref<48x128xf32, #tpu.memory_space<vmem>> -> memref<16x128xf32, #tpu.memory_space<vmem>>
      tpu.enqueue_dma source(%dma_start3A_244 : memref<16x128xf32, #tpu.memory_space<vmem>>) target(%dma_start3A_241 : memref<16x128xf32, #tpu.memory_space<vmem_shared>>) target_semaphore(%arg18 : memref<!tpu.dma_semaphore, #tpu.memory_space<semaphore_mem>>)
    } else {
    }
    %add3A_116 = arith.constant 0 : i32
    %add3A_117 = arith.addi %mul3A_2, %add3A_116 : i32
    %dma_wait3A = arith.constant 0 : i32
    %dma_wait3A_118 = tpu.memref_slice %arg6[%add3A_117, %dma_wait3A] : memref<10000x128xf32, #tpu.memory_space<vmem_shared>> -> memref<48x128xf32, #tpu.memory_space<vmem_shared>>
    %dma_wait3A_119 = arith.constant 0 : i32
    %dma_wait3A_120 = tpu.memref_slice %arg6[%add3A_117, %dma_wait3A_119] : memref<10000x128xf32, #tpu.memory_space<vmem_shared>> -> memref<48x128xf32, #tpu.memory_space<vmem_shared>>
    tpu.wait_dma2 semaphore(%arg18 : memref<!tpu.dma_semaphore, #tpu.memory_space<semaphore_mem>>) src(%arg13 : memref<48x128xf32, #tpu.memory_space<vmem>>) dst(%dma_wait3A_120 : memref<48x128xf32, #tpu.memory_space<vmem_shared>>)
    %add3A_121 = arith.constant 48 : i32
    %add3A_122 = arith.addi %mul3A_2, %add3A_121 : i32
    %dma_wait3A_123 = arith.constant 0 : i32
    %dma_wait3A_124 = tpu.memref_slice %arg6[%add3A_122, %dma_wait3A_123] : memref<10000x128xf32, #tpu.memory_space<vmem_shared>> -> memref<48x128xf32, #tpu.memory_space<vmem_shared>>
    %dma_wait3A_125 = arith.constant 0 : i32
    %dma_wait3A_126 = tpu.memref_slice %arg6[%add3A_122, %dma_wait3A_125] : memref<10000x128xf32, #tpu.memory_space<vmem_shared>> -> memref<48x128xf32, #tpu.memory_space<vmem_shared>>
    tpu.wait_dma2 semaphore(%arg18 : memref<!tpu.dma_semaphore, #tpu.memory_space<semaphore_mem>>) src(%arg13 : memref<48x128xf32, #tpu.memory_space<vmem>>) dst(%dma_wait3A_126 : memref<48x128xf32, #tpu.memory_space<vmem_shared>>)
    %add3A_127 = arith.constant 96 : i32
    %add3A_128 = arith.addi %mul3A_2, %add3A_127 : i32
    %dma_wait3A_129 = arith.constant 0 : i32
    %dma_wait3A_130 = tpu.memref_slice %arg6[%add3A_128, %dma_wait3A_129] : memref<10000x128xf32, #tpu.memory_space<vmem_shared>> -> memref<48x128xf32, #tpu.memory_space<vmem_shared>>
    %dma_wait3A_131 = arith.constant 0 : i32
    %dma_wait3A_132 = tpu.memref_slice %arg6[%add3A_128, %dma_wait3A_131] : memref<10000x128xf32, #tpu.memory_space<vmem_shared>> -> memref<48x128xf32, #tpu.memory_space<vmem_shared>>
    tpu.wait_dma2 semaphore(%arg18 : memref<!tpu.dma_semaphore, #tpu.memory_space<semaphore_mem>>) src(%arg13 : memref<48x128xf32, #tpu.memory_space<vmem>>) dst(%dma_wait3A_132 : memref<48x128xf32, #tpu.memory_space<vmem_shared>>)
    %add3A_133 = arith.constant 144 : i32
    %add3A_134 = arith.addi %mul3A_2, %add3A_133 : i32
    %dma_wait3A_135 = arith.constant 0 : i32
    %dma_wait3A_136 = tpu.memref_slice %arg6[%add3A_134, %dma_wait3A_135] : memref<10000x128xf32, #tpu.memory_space<vmem_shared>> -> memref<48x128xf32, #tpu.memory_space<vmem_shared>>
    %dma_wait3A_137 = arith.constant 0 : i32
    %dma_wait3A_138 = tpu.memref_slice %arg6[%add3A_134, %dma_wait3A_137] : memref<10000x128xf32, #tpu.memory_space<vmem_shared>> -> memref<48x128xf32, #tpu.memory_space<vmem_shared>>
    tpu.wait_dma2 semaphore(%arg18 : memref<!tpu.dma_semaphore, #tpu.memory_space<semaphore_mem>>) src(%arg13 : memref<48x128xf32, #tpu.memory_space<vmem>>) dst(%dma_wait3A_138 : memref<48x128xf32, #tpu.memory_space<vmem_shared>>)
    %add3A_139 = arith.constant 192 : i32
    %add3A_140 = arith.addi %mul3A_2, %add3A_139 : i32
    %dma_wait3A_141 = arith.constant 0 : i32
    %dma_wait3A_142 = tpu.memref_slice %arg6[%add3A_140, %dma_wait3A_141] : memref<10000x128xf32, #tpu.memory_space<vmem_shared>> -> memref<48x128xf32, #tpu.memory_space<vmem_shared>>
    %dma_wait3A_143 = arith.constant 0 : i32
    %dma_wait3A_144 = tpu.memref_slice %arg6[%add3A_140, %dma_wait3A_143] : memref<10000x128xf32, #tpu.memory_space<vmem_shared>> -> memref<48x128xf32, #tpu.memory_space<vmem_shared>>
    tpu.wait_dma2 semaphore(%arg18 : memref<!tpu.dma_semaphore, #tpu.memory_space<semaphore_mem>>) src(%arg13 : memref<48x128xf32, #tpu.memory_space<vmem>>) dst(%dma_wait3A_144 : memref<48x128xf32, #tpu.memory_space<vmem_shared>>)
    %add3A_145 = arith.constant 240 : i32
    %add3A_146 = arith.addi %mul3A_2, %add3A_145 : i32
    %dma_wait3A_147 = arith.constant 0 : i32
    %dma_wait3A_148 = tpu.memref_slice %arg6[%add3A_146, %dma_wait3A_147] : memref<10000x128xf32, #tpu.memory_space<vmem_shared>> -> memref<48x128xf32, #tpu.memory_space<vmem_shared>>
    %dma_wait3A_149 = arith.constant 0 : i32
    %dma_wait3A_150 = tpu.memref_slice %arg6[%add3A_146, %dma_wait3A_149] : memref<10000x128xf32, #tpu.memory_space<vmem_shared>> -> memref<48x128xf32, #tpu.memory_space<vmem_shared>>
    tpu.wait_dma2 semaphore(%arg18 : memref<!tpu.dma_semaphore, #tpu.memory_space<semaphore_mem>>) src(%arg13 : memref<48x128xf32, #tpu.memory_space<vmem>>) dst(%dma_wait3A_150 : memref<48x128xf32, #tpu.memory_space<vmem_shared>>)
    %add3A_151 = arith.constant 288 : i32
    %add3A_152 = arith.addi %mul3A_2, %add3A_151 : i32
    %dma_wait3A_153 = arith.constant 0 : i32
    %dma_wait3A_154 = tpu.memref_slice %arg6[%add3A_152, %dma_wait3A_153] : memref<10000x128xf32, #tpu.memory_space<vmem_shared>> -> memref<48x128xf32, #tpu.memory_space<vmem_shared>>
    %dma_wait3A_155 = arith.constant 0 : i32
    %dma_wait3A_156 = tpu.memref_slice %arg6[%add3A_152, %dma_wait3A_155] : memref<10000x128xf32, #tpu.memory_space<vmem_shared>> -> memref<48x128xf32, #tpu.memory_space<vmem_shared>>
    tpu.wait_dma2 semaphore(%arg18 : memref<!tpu.dma_semaphore, #tpu.memory_space<semaphore_mem>>) src(%arg13 : memref<48x128xf32, #tpu.memory_space<vmem>>) dst(%dma_wait3A_156 : memref<48x128xf32, #tpu.memory_space<vmem_shared>>)
    %add3A_157 = arith.constant 336 : i32
    %add3A_158 = arith.addi %mul3A_2, %add3A_157 : i32
    %dma_wait3A_159 = arith.constant 0 : i32
    %dma_wait3A_160 = tpu.memref_slice %arg6[%add3A_158, %dma_wait3A_159] : memref<10000x128xf32, #tpu.memory_space<vmem_shared>> -> memref<48x128xf32, #tpu.memory_space<vmem_shared>>
    %dma_wait3A_161 = arith.constant 0 : i32
    %dma_wait3A_162 = tpu.memref_slice %arg6[%add3A_158, %dma_wait3A_161] : memref<10000x128xf32, #tpu.memory_space<vmem_shared>> -> memref<48x128xf32, #tpu.memory_space<vmem_shared>>
    tpu.wait_dma2 semaphore(%arg18 : memref<!tpu.dma_semaphore, #tpu.memory_space<semaphore_mem>>) src(%arg13 : memref<48x128xf32, #tpu.memory_space<vmem>>) dst(%dma_wait3A_162 : memref<48x128xf32, #tpu.memory_space<vmem_shared>>)
    %add3A_163 = arith.constant 384 : i32
    %add3A_164 = arith.addi %mul3A_2, %add3A_163 : i32
    %dma_wait3A_165 = arith.constant 0 : i32
    %dma_wait3A_166 = tpu.memref_slice %arg6[%add3A_164, %dma_wait3A_165] : memref<10000x128xf32, #tpu.memory_space<vmem_shared>> -> memref<48x128xf32, #tpu.memory_space<vmem_shared>>
    %dma_wait3A_167 = arith.constant 0 : i32
    %dma_wait3A_168 = tpu.memref_slice %arg6[%add3A_164, %dma_wait3A_167] : memref<10000x128xf32, #tpu.memory_space<vmem_shared>> -> memref<48x128xf32, #tpu.memory_space<vmem_shared>>
    tpu.wait_dma2 semaphore(%arg18 : memref<!tpu.dma_semaphore, #tpu.memory_space<semaphore_mem>>) src(%arg13 : memref<48x128xf32, #tpu.memory_space<vmem>>) dst(%dma_wait3A_168 : memref<48x128xf32, #tpu.memory_space<vmem_shared>>)
    %add3A_169 = arith.constant 432 : i32
    %add3A_170 = arith.addi %mul3A_2, %add3A_169 : i32
    %dma_wait3A_171 = arith.constant 0 : i32
    %dma_wait3A_172 = tpu.memref_slice %arg6[%add3A_170, %dma_wait3A_171] : memref<10000x128xf32, #tpu.memory_space<vmem_shared>> -> memref<48x128xf32, #tpu.memory_space<vmem_shared>>
    %dma_wait3A_173 = arith.constant 0 : i32
    %dma_wait3A_174 = tpu.memref_slice %arg6[%add3A_170, %dma_wait3A_173] : memref<10000x128xf32, #tpu.memory_space<vmem_shared>> -> memref<48x128xf32, #tpu.memory_space<vmem_shared>>
    tpu.wait_dma2 semaphore(%arg18 : memref<!tpu.dma_semaphore, #tpu.memory_space<semaphore_mem>>) src(%arg13 : memref<48x128xf32, #tpu.memory_space<vmem>>) dst(%dma_wait3A_174 : memref<48x128xf32, #tpu.memory_space<vmem_shared>>)
    %add3A_175 = arith.constant 480 : i32
    %add3A_176 = arith.addi %mul3A_2, %add3A_175 : i32
    %dma_wait3A_177 = arith.constant 0 : i32
    %dma_wait3A_178 = tpu.memref_slice %arg6[%add3A_176, %dma_wait3A_177] : memref<10000x128xf32, #tpu.memory_space<vmem_shared>> -> memref<48x128xf32, #tpu.memory_space<vmem_shared>>
    %dma_wait3A_179 = arith.constant 0 : i32
    %dma_wait3A_180 = tpu.memref_slice %arg6[%add3A_176, %dma_wait3A_179] : memref<10000x128xf32, #tpu.memory_space<vmem_shared>> -> memref<48x128xf32, #tpu.memory_space<vmem_shared>>
    tpu.wait_dma2 semaphore(%arg18 : memref<!tpu.dma_semaphore, #tpu.memory_space<semaphore_mem>>) src(%arg13 : memref<48x128xf32, #tpu.memory_space<vmem>>) dst(%dma_wait3A_180 : memref<48x128xf32, #tpu.memory_space<vmem_shared>>)
    %add3A_181 = arith.constant 528 : i32
    %add3A_182 = arith.addi %mul3A_2, %add3A_181 : i32
    %dma_wait3A_183 = arith.constant 0 : i32
    %dma_wait3A_184 = tpu.memref_slice %arg6[%add3A_182, %dma_wait3A_183] : memref<10000x128xf32, #tpu.memory_space<vmem_shared>> -> memref<48x128xf32, #tpu.memory_space<vmem_shared>>
    %dma_wait3A_185 = arith.constant 0 : i32
    %dma_wait3A_186 = tpu.memref_slice %arg6[%add3A_182, %dma_wait3A_185] : memref<10000x128xf32, #tpu.memory_space<vmem_shared>> -> memref<48x128xf32, #tpu.memory_space<vmem_shared>>
    tpu.wait_dma2 semaphore(%arg18 : memref<!tpu.dma_semaphore, #tpu.memory_space<semaphore_mem>>) src(%arg13 : memref<48x128xf32, #tpu.memory_space<vmem>>) dst(%dma_wait3A_186 : memref<48x128xf32, #tpu.memory_space<vmem_shared>>)
    %add3A_187 = arith.constant 576 : i32
    %add3A_188 = arith.addi %mul3A_2, %add3A_187 : i32
    %dma_wait3A_189 = arith.constant 0 : i32
    %dma_wait3A_190 = tpu.memref_slice %arg6[%add3A_188, %dma_wait3A_189] : memref<10000x128xf32, #tpu.memory_space<vmem_shared>> -> memref<48x128xf32, #tpu.memory_space<vmem_shared>>
    %dma_wait3A_191 = arith.constant 0 : i32
    %dma_wait3A_192 = tpu.memref_slice %arg6[%add3A_188, %dma_wait3A_191] : memref<10000x128xf32, #tpu.memory_space<vmem_shared>> -> memref<48x128xf32, #tpu.memory_space<vmem_shared>>
    tpu.wait_dma2 semaphore(%arg18 : memref<!tpu.dma_semaphore, #tpu.memory_space<semaphore_mem>>) src(%arg13 : memref<48x128xf32, #tpu.memory_space<vmem>>) dst(%dma_wait3A_192 : memref<48x128xf32, #tpu.memory_space<vmem_shared>>)
    %eq3A_193 = arith.constant 15 : i32
    %eq3A_194 = arith.cmpi eq, %arg1, %eq3A_193 : i32
    %convert_element_type3A_195 = arith.extui %eq3A_194 : i1 to i32
    %cond3A_196 = arith.constant 0 : i32
    %cond3A_197 = arith.cmpi ne, %convert_element_type3A_195, %cond3A_196 : i32
    scf.if %cond3A_197 {
      %dma_wait3A_233 = arith.constant 0 : i32
      %dma_wait3A_234 = arith.constant 0 : i32
      %dma_wait3A_235 = tpu.memref_slice %arg13[%dma_wait3A_233, %dma_wait3A_234] : memref<48x128xf32, #tpu.memory_space<vmem>> -> memref<16x128xf32, #tpu.memory_space<vmem>>
      %dma_wait3A_236 = arith.constant 9984 : i32
      %dma_wait3A_237 = arith.constant 0 : i32
      %dma_wait3A_238 = tpu.memref_slice %arg6[%dma_wait3A_236, %dma_wait3A_237] : memref<10000x128xf32, #tpu.memory_space<vmem_shared>> -> memref<16x128xf32, #tpu.memory_space<vmem_shared>>
      %dma_wait3A_239 = arith.constant 9984 : i32
      %dma_wait3A_240 = arith.constant 0 : i32
      %dma_wait3A_241 = tpu.memref_slice %arg6[%dma_wait3A_239, %dma_wait3A_240] : memref<10000x128xf32, #tpu.memory_space<vmem_shared>> -> memref<16x128xf32, #tpu.memory_space<vmem_shared>>
      %dma_wait3A_242 = arith.constant 0 : i32
      %dma_wait3A_243 = arith.constant 0 : i32
      %dma_wait3A_244 = tpu.memref_slice %arg13[%dma_wait3A_242, %dma_wait3A_243] : memref<48x128xf32, #tpu.memory_space<vmem>> -> memref<16x128xf32, #tpu.memory_space<vmem>>
      tpu.wait_dma2 semaphore(%arg18 : memref<!tpu.dma_semaphore, #tpu.memory_space<semaphore_mem>>) src(%dma_wait3A_244 : memref<16x128xf32, #tpu.memory_space<vmem>>) dst(%dma_wait3A_241 : memref<16x128xf32, #tpu.memory_space<vmem_shared>>)
    } else {
    }
    %dma_wait3A_198 = arith.constant 0 : i32
    %dma_wait3A_199 = tpu.memref_slice %arg3[%mul3A_4, %dma_wait3A_198] : memref<2500x128xi32, #tpu.memory_space<hbm>> -> memref<1x128xi32, #tpu.memory_space<hbm>>
    %dma_wait3A_200 = tpu.memref_squeeze %dma_wait3A_199 : memref<1x128xi32, #tpu.memory_space<hbm>> -> memref<128xi32, #tpu.memory_space<hbm>>
    %dma_wait3A_201 = arith.constant 0 : i32
    %dma_wait3A_202 = tpu.memref_slice %arg3[%mul3A_4, %dma_wait3A_201] : memref<2500x128xi32, #tpu.memory_space<hbm>> -> memref<1x128xi32, #tpu.memory_space<hbm>>
    %dma_wait3A_203 = tpu.memref_squeeze %dma_wait3A_202 : memref<1x128xi32, #tpu.memory_space<hbm>> -> memref<128xi32, #tpu.memory_space<hbm>>
    tpu.wait_dma2 semaphore(%arg16 : memref<!tpu.dma_semaphore, #tpu.memory_space<semaphore_mem>>) src(%dma_wait3A_203 : memref<128xi32, #tpu.memory_space<hbm>>) dst(%arg7 : memref<128xi32, #tpu.memory_space<vmem>>)
    %dma_wait3A_204 = arith.constant 0 : i32
    %dma_wait3A_205 = tpu.memref_slice %arg4[%mul3A_4, %dma_wait3A_204] : memref<2500x128xi32, #tpu.memory_space<hbm>> -> memref<1x128xi32, #tpu.memory_space<hbm>>
    %dma_wait3A_206 = tpu.memref_squeeze %dma_wait3A_205 : memref<1x128xi32, #tpu.memory_space<hbm>> -> memref<128xi32, #tpu.memory_space<hbm>>
    %dma_wait3A_207 = arith.constant 0 : i32
    %dma_wait3A_208 = tpu.memref_slice %arg4[%mul3A_4, %dma_wait3A_207] : memref<2500x128xi32, #tpu.memory_space<hbm>> -> memref<1x128xi32, #tpu.memory_space<hbm>>
    %dma_wait3A_209 = tpu.memref_squeeze %dma_wait3A_208 : memref<1x128xi32, #tpu.memory_space<hbm>> -> memref<128xi32, #tpu.memory_space<hbm>>
    tpu.wait_dma2 semaphore(%arg16 : memref<!tpu.dma_semaphore, #tpu.memory_space<semaphore_mem>>) src(%dma_wait3A_209 : memref<128xi32, #tpu.memory_space<hbm>>) dst(%arg9 : memref<128xi32, #tpu.memory_space<vmem>>)
    %dma_start3A_210 = arith.constant 0 : i32
    %dma_start3A_211 = arith.constant 0 : i32
    %dma_start3A_212 = tpu.memref_slice %arg2[%dma_start3A_210, %dma_start3A_211] : memref<10000x128xf32, #tpu.memory_space<hbm>> -> memref<10000x128xf32, #tpu.memory_space<hbm>>
    tpu.enqueue_indirect_dma source(%dma_start3A_212 : memref<10000x128xf32, #tpu.memory_space<hbm>>) target(%arg11 : memref<128x128xf32, #tpu.memory_space<vmem>>) offsets(%arg7 : memref<128xi32, #tpu.memory_space<vmem>>) semaphore(%arg14 : memref<!tpu.dma_semaphore, #tpu.memory_space<semaphore_mem>>)
    %barrier3A = arith.constant 0 : index
    tpu.barrier barrier_id(%barrier3A)
    %scan3A_213 = arith.constant 0 : i32
    %scan3A_214 = arith.constant 0 : i32
    %scan3A_215 = arith.constant 39 : i32
    %scan3A_216 = arith.addi %scan3A_214, %scan3A_215 : i32
    %scan3A_217 = arith.constant 1 : i32
    %scan3A_218 = scf.for %scan3A_233 = %scan3A_214 to %scan3A_216 step %scan3A_217 iter_args(%scan3A_234 = %scan3A_213) -> (i32)  : i32 {
      %mul3A_235 = arith.constant 2 : i32
      %mul3A_236 = arith.muli %mul3A_235, %scan3A_233 : i32
      %add3A_237 = arith.constant 1 : i32
      %add3A_238 = arith.addi %mul3A_236, %add3A_237 : i32
      %add3A_239 = arith.addi %mul3A_4, %add3A_238 : i32
      %dma_wait3A_240 = arith.constant 0 : i32
      %dma_wait3A_241 = tpu.memref_slice %arg3[%add3A_239, %dma_wait3A_240] : memref<2500x128xi32, #tpu.memory_space<hbm>> -> memref<1x128xi32, #tpu.memory_space<hbm>>
      %dma_wait3A_242 = tpu.memref_squeeze %dma_wait3A_241 : memref<1x128xi32, #tpu.memory_space<hbm>> -> memref<128xi32, #tpu.memory_space<hbm>>
      %dma_wait3A_243 = arith.constant 0 : i32
      %dma_wait3A_244 = tpu.memref_slice %arg3[%add3A_239, %dma_wait3A_243] : memref<2500x128xi32, #tpu.memory_space<hbm>> -> memref<1x128xi32, #tpu.memory_space<hbm>>
      %dma_wait3A_245 = tpu.memref_squeeze %dma_wait3A_244 : memref<1x128xi32, #tpu.memory_space<hbm>> -> memref<128xi32, #tpu.memory_space<hbm>>
      tpu.wait_dma2 semaphore(%arg17 : memref<!tpu.dma_semaphore, #tpu.memory_space<semaphore_mem>>) src(%dma_wait3A_245 : memref<128xi32, #tpu.memory_space<hbm>>) dst(%arg8 : memref<128xi32, #tpu.memory_space<vmem>>)
      %dma_wait3A_246 = arith.constant 0 : i32
      %dma_wait3A_247 = tpu.memref_slice %arg4[%add3A_239, %dma_wait3A_246] : memref<2500x128xi32, #tpu.memory_space<hbm>> -> memref<1x128xi32, #tpu.memory_space<hbm>>
      %dma_wait3A_248 = tpu.memref_squeeze %dma_wait3A_247 : memref<1x128xi32, #tpu.memory_space<hbm>> -> memref<128xi32, #tpu.memory_space<hbm>>
      %dma_wait3A_249 = arith.constant 0 : i32
      %dma_wait3A_250 = tpu.memref_slice %arg4[%add3A_239, %dma_wait3A_249] : memref<2500x128xi32, #tpu.memory_space<hbm>> -> memref<1x128xi32, #tpu.memory_space<hbm>>
      %dma_wait3A_251 = tpu.memref_squeeze %dma_wait3A_250 : memref<1x128xi32, #tpu.memory_space<hbm>> -> memref<128xi32, #tpu.memory_space<hbm>>
      tpu.wait_dma2 semaphore(%arg17 : memref<!tpu.dma_semaphore, #tpu.memory_space<semaphore_mem>>) src(%dma_wait3A_251 : memref<128xi32, #tpu.memory_space<hbm>>) dst(%arg10 : memref<128xi32, #tpu.memory_space<vmem>>)
      %dma_start3A_252 = arith.constant 0 : i32
      %dma_start3A_253 = arith.constant 0 : i32
      %dma_start3A_254 = tpu.memref_slice %arg2[%dma_start3A_252, %dma_start3A_253] : memref<10000x128xf32, #tpu.memory_space<hbm>> -> memref<10000x128xf32, #tpu.memory_space<hbm>>
      tpu.enqueue_indirect_dma source(%dma_start3A_254 : memref<10000x128xf32, #tpu.memory_space<hbm>>) target(%arg12 : memref<128x128xf32, #tpu.memory_space<vmem>>) offsets(%arg8 : memref<128xi32, #tpu.memory_space<vmem>>) semaphore(%arg15 : memref<!tpu.dma_semaphore, #tpu.memory_space<semaphore_mem>>)
      %dma_wait3A_255 = arith.constant 0 : i32
      %dma_wait3A_256 = arith.constant 0 : i32
      %dma_wait3A_257 = tpu.memref_slice %arg2[%dma_wait3A_255, %dma_wait3A_256] : memref<10000x128xf32, #tpu.memory_space<hbm>> -> memref<10000x128xf32, #tpu.memory_space<hbm>>
      tpu.wait_indirect_dma semaphore(%arg14 : memref<!tpu.dma_semaphore, #tpu.memory_space<semaphore_mem>>) src(%dma_wait3A_257 : memref<10000x128xf32, #tpu.memory_space<hbm>>) dst(%arg11 : memref<128x128xf32, #tpu.memory_space<vmem>>)
      "tpu.region"() ({
        %run_scoped3A = tpu.sem_alloc : memref<!tpu.dma_semaphore, #tpu.memory_space<semaphore_mem>>
        %dma_start3A_276 = arith.constant 0 : i32
        %dma_start3A_277 = arith.constant 0 : i32
        %dma_start3A_278 = tpu.memref_slice %arg6[%dma_start3A_276, %dma_start3A_277] : memref<10000x128xf32, #tpu.memory_space<vmem_shared>> -> memref<10000x128xf32, #tpu.memory_space<vmem_shared>>
        tpu.enqueue_indirect_dma source(%arg11 : memref<128x128xf32, #tpu.memory_space<vmem>>) target(%dma_start3A_278 : memref<10000x128xf32, #tpu.memory_space<vmem_shared>>) offsets(%arg9 : memref<128xi32, #tpu.memory_space<vmem>>) semaphore(%run_scoped3A : memref<!tpu.dma_semaphore, #tpu.memory_space<semaphore_mem>>) {add = true}
        %dma_wait3A_279 = arith.constant 0 : i32
        %dma_wait3A_280 = arith.constant 0 : i32
        %dma_wait3A_281 = tpu.memref_slice %arg6[%dma_wait3A_279, %dma_wait3A_280] : memref<10000x128xf32, #tpu.memory_space<vmem_shared>> -> memref<10000x128xf32, #tpu.memory_space<vmem_shared>>
        tpu.wait_indirect_dma semaphore(%run_scoped3A : memref<!tpu.dma_semaphore, #tpu.memory_space<semaphore_mem>>) src(%arg11 : memref<128x128xf32, #tpu.memory_space<vmem>>) dst(%dma_wait3A_281 : memref<10000x128xf32, #tpu.memory_space<vmem_shared>>)
        tpu.yield
      }) : () -> ()
      %add3A_258 = arith.constant 2 : i32
      %add3A_259 = arith.addi %mul3A_236, %add3A_258 : i32
      %lt3A_260 = arith.constant 78 : i32
      %lt3A_261 = arith.cmpi slt, %add3A_259, %lt3A_260 : i32
      %convert_element_type3A_262 = arith.extui %lt3A_261 : i1 to i32
      %cond3A_263 = arith.constant 0 : i32
      %cond3A_264 = arith.cmpi ne, %convert_element_type3A_262, %cond3A_263 : i32
      scf.if %cond3A_264 {
        %add3A_276 = arith.addi %mul3A_4, %mul3A_236 : i32
        %add3A_277 = arith.constant 2 : i32
        %add3A_278 = arith.addi %add3A_276, %add3A_277 : i32
        %dma_start3A_279 = arith.constant 0 : i32
        %dma_start3A_280 = tpu.memref_slice %arg3[%add3A_278, %dma_start3A_279] : memref<2500x128xi32, #tpu.memory_space<hbm>> -> memref<1x128xi32, #tpu.memory_space<hbm>>
        %dma_start3A_281 = tpu.memref_squeeze %dma_start3A_280 : memref<1x128xi32, #tpu.memory_space<hbm>> -> memref<128xi32, #tpu.memory_space<hbm>>
        %dma_start3A_282 = arith.constant 0 : i32
        %dma_start3A_283 = tpu.memref_slice %arg3[%add3A_278, %dma_start3A_282] : memref<2500x128xi32, #tpu.memory_space<hbm>> -> memref<1x128xi32, #tpu.memory_space<hbm>>
        %dma_start3A_284 = tpu.memref_squeeze %dma_start3A_283 : memref<1x128xi32, #tpu.memory_space<hbm>> -> memref<128xi32, #tpu.memory_space<hbm>>
        tpu.enqueue_dma source(%dma_start3A_284 : memref<128xi32, #tpu.memory_space<hbm>>) target(%arg7 : memref<128xi32, #tpu.memory_space<vmem>>) target_semaphore(%arg16 : memref<!tpu.dma_semaphore, #tpu.memory_space<semaphore_mem>>)
        %dma_start3A_285 = arith.constant 0 : i32
        %dma_start3A_286 = tpu.memref_slice %arg4[%add3A_278, %dma_start3A_285] : memref<2500x128xi32, #tpu.memory_space<hbm>> -> memref<1x128xi32, #tpu.memory_space<hbm>>
        %dma_start3A_287 = tpu.memref_squeeze %dma_start3A_286 : memref<1x128xi32, #tpu.memory_space<hbm>> -> memref<128xi32, #tpu.memory_space<hbm>>
        %dma_start3A_288 = arith.constant 0 : i32
        %dma_start3A_289 = tpu.memref_slice %arg4[%add3A_278, %dma_start3A_288] : memref<2500x128xi32, #tpu.memory_space<hbm>> -> memref<1x128xi32, #tpu.memory_space<hbm>>
        %dma_start3A_290 = tpu.memref_squeeze %dma_start3A_289 : memref<1x128xi32, #tpu.memory_space<hbm>> -> memref<128xi32, #tpu.memory_space<hbm>>
        tpu.enqueue_dma source(%dma_start3A_290 : memref<128xi32, #tpu.memory_space<hbm>>) target(%arg9 : memref<128xi32, #tpu.memory_space<vmem>>) target_semaphore(%arg16 : memref<!tpu.dma_semaphore, #tpu.memory_space<semaphore_mem>>)
        %add3A_291 = arith.addi %mul3A_4, %mul3A_236 : i32
        %add3A_292 = arith.constant 2 : i32
        %add3A_293 = arith.addi %add3A_291, %add3A_292 : i32
        %dma_wait3A_294 = arith.constant 0 : i32
        %dma_wait3A_295 = tpu.memref_slice %arg3[%add3A_293, %dma_wait3A_294] : memref<2500x128xi32, #tpu.memory_space<hbm>> -> memref<1x128xi32, #tpu.memory_space<hbm>>
        %dma_wait3A_296 = tpu.memref_squeeze %dma_wait3A_295 : memref<1x128xi32, #tpu.memory_space<hbm>> -> memref<128xi32, #tpu.memory_space<hbm>>
        %dma_wait3A_297 = arith.constant 0 : i32
        %dma_wait3A_298 = tpu.memref_slice %arg3[%add3A_293, %dma_wait3A_297] : memref<2500x128xi32, #tpu.memory_space<hbm>> -> memref<1x128xi32, #tpu.memory_space<hbm>>
        %dma_wait3A_299 = tpu.memref_squeeze %dma_wait3A_298 : memref<1x128xi32, #tpu.memory_space<hbm>> -> memref<128xi32, #tpu.memory_space<hbm>>
        tpu.wait_dma2 semaphore(%arg16 : memref<!tpu.dma_semaphore, #tpu.memory_space<semaphore_mem>>) src(%dma_wait3A_299 : memref<128xi32, #tpu.memory_space<hbm>>) dst(%arg7 : memref<128xi32, #tpu.memory_space<vmem>>)
        %dma_wait3A_300 = arith.constant 0 : i32
        %dma_wait3A_301 = tpu.memref_slice %arg4[%add3A_293, %dma_wait3A_300] : memref<2500x128xi32, #tpu.memory_space<hbm>> -> memref<1x128xi32, #tpu.memory_space<hbm>>
        %dma_wait3A_302 = tpu.memref_squeeze %dma_wait3A_301 : memref<1x128xi32, #tpu.memory_space<hbm>> -> memref<128xi32, #tpu.memory_space<hbm>>
        %dma_wait3A_303 = arith.constant 0 : i32
        %dma_wait3A_304 = tpu.memref_slice %arg4[%add3A_293, %dma_wait3A_303] : memref<2500x128xi32, #tpu.memory_space<hbm>> -> memref<1x128xi32, #tpu.memory_space<hbm>>
        %dma_wait3A_305 = tpu.memref_squeeze %dma_wait3A_304 : memref<1x128xi32, #tpu.memory_space<hbm>> -> memref<128xi32, #tpu.memory_space<hbm>>
        tpu.wait_dma2 semaphore(%arg16 : memref<!tpu.dma_semaphore, #tpu.memory_space<semaphore_mem>>) src(%dma_wait3A_305 : memref<128xi32, #tpu.memory_space<hbm>>) dst(%arg9 : memref<128xi32, #tpu.memory_space<vmem>>)
        %dma_start3A_306 = arith.constant 0 : i32
        %dma_start3A_307 = arith.constant 0 : i32
        %dma_start3A_308 = tpu.memref_slice %arg2[%dma_start3A_306, %dma_start3A_307] : memref<10000x128xf32, #tpu.memory_space<hbm>> -> memref<10000x128xf32, #tpu.memory_space<hbm>>
        tpu.enqueue_indirect_dma source(%dma_start3A_308 : memref<10000x128xf32, #tpu.memory_space<hbm>>) target(%arg11 : memref<128x128xf32, #tpu.memory_space<vmem>>) offsets(%arg7 : memref<128xi32, #tpu.memory_space<vmem>>) semaphore(%arg14 : memref<!tpu.dma_semaphore, #tpu.memory_space<semaphore_mem>>)
      } else {
      }
      %dma_wait3A_265 = arith.constant 0 : i32
      %dma_wait3A_266 = arith.constant 0 : i32
      %dma_wait3A_267 = tpu.memref_slice %arg2[%dma_wait3A_265, %dma_wait3A_266] : memref<10000x128xf32, #tpu.memory_space<hbm>> -> memref<10000x128xf32, #tpu.memory_space<hbm>>
      tpu.wait_indirect_dma semaphore(%arg15 : memref<!tpu.dma_semaphore, #tpu.memory_space<semaphore_mem>>) src(%dma_wait3A_267 : memref<10000x128xf32, #tpu.memory_space<hbm>>) dst(%arg12 : memref<128x128xf32, #tpu.memory_space<vmem>>)
      "tpu.region"() ({
        %run_scoped3A = tpu.sem_alloc : memref<!tpu.dma_semaphore, #tpu.memory_space<semaphore_mem>>
        %dma_start3A_276 = arith.constant 0 : i32
        %dma_start3A_277 = arith.constant 0 : i32
        %dma_start3A_278 = tpu.memref_slice %arg6[%dma_start3A_276, %dma_start3A_277] : memref<10000x128xf32, #tpu.memory_space<vmem_shared>> -> memref<10000x128xf32, #tpu.memory_space<vmem_shared>>
        tpu.enqueue_indirect_dma source(%arg12 : memref<128x128xf32, #tpu.memory_space<vmem>>) target(%dma_start3A_278 : memref<10000x128xf32, #tpu.memory_space<vmem_shared>>) offsets(%arg10 : memref<128xi32, #tpu.memory_space<vmem>>) semaphore(%run_scoped3A : memref<!tpu.dma_semaphore, #tpu.memory_space<semaphore_mem>>) {add = true}
        %dma_wait3A_279 = arith.constant 0 : i32
        %dma_wait3A_280 = arith.constant 0 : i32
        %dma_wait3A_281 = tpu.memref_slice %arg6[%dma_wait3A_279, %dma_wait3A_280] : memref<10000x128xf32, #tpu.memory_space<vmem_shared>> -> memref<10000x128xf32, #tpu.memory_space<vmem_shared>>
        tpu.wait_indirect_dma semaphore(%run_scoped3A : memref<!tpu.dma_semaphore, #tpu.memory_space<semaphore_mem>>) src(%arg12 : memref<128x128xf32, #tpu.memory_space<vmem>>) dst(%dma_wait3A_281 : memref<10000x128xf32, #tpu.memory_space<vmem_shared>>)
        tpu.yield
      }) : () -> ()
      %add3A_268 = arith.constant 2 : i32
      %add3A_269 = arith.addi %add3A_238, %add3A_268 : i32
      %lt3A_270 = arith.constant 78 : i32
      %lt3A_271 = arith.cmpi slt, %add3A_269, %lt3A_270 : i32
      %convert_element_type3A_272 = arith.extui %lt3A_271 : i1 to i32
      %cond3A_273 = arith.constant 0 : i32
      %cond3A_274 = arith.cmpi ne, %convert_element_type3A_272, %cond3A_273 : i32
      scf.if %cond3A_274 {
        %add3A_276 = arith.addi %mul3A_4, %add3A_238 : i32
        %add3A_277 = arith.constant 2 : i32
        %add3A_278 = arith.addi %add3A_276, %add3A_277 : i32
        %dma_start3A_279 = arith.constant 0 : i32
        %dma_start3A_280 = tpu.memref_slice %arg3[%add3A_278, %dma_start3A_279] : memref<2500x128xi32, #tpu.memory_space<hbm>> -> memref<1x128xi32, #tpu.memory_space<hbm>>
        %dma_start3A_281 = tpu.memref_squeeze %dma_start3A_280 : memref<1x128xi32, #tpu.memory_space<hbm>> -> memref<128xi32, #tpu.memory_space<hbm>>
        %dma_start3A_282 = arith.constant 0 : i32
        %dma_start3A_283 = tpu.memref_slice %arg3[%add3A_278, %dma_start3A_282] : memref<2500x128xi32, #tpu.memory_space<hbm>> -> memref<1x128xi32, #tpu.memory_space<hbm>>
        %dma_start3A_284 = tpu.memref_squeeze %dma_start3A_283 : memref<1x128xi32, #tpu.memory_space<hbm>> -> memref<128xi32, #tpu.memory_space<hbm>>
        tpu.enqueue_dma source(%dma_start3A_284 : memref<128xi32, #tpu.memory_space<hbm>>) target(%arg8 : memref<128xi32, #tpu.memory_space<vmem>>) target_semaphore(%arg17 : memref<!tpu.dma_semaphore, #tpu.memory_space<semaphore_mem>>)
        %dma_start3A_285 = arith.constant 0 : i32
        %dma_start3A_286 = tpu.memref_slice %arg4[%add3A_278, %dma_start3A_285] : memref<2500x128xi32, #tpu.memory_space<hbm>> -> memref<1x128xi32, #tpu.memory_space<hbm>>
        %dma_start3A_287 = tpu.memref_squeeze %dma_start3A_286 : memref<1x128xi32, #tpu.memory_space<hbm>> -> memref<128xi32, #tpu.memory_space<hbm>>
        %dma_start3A_288 = arith.constant 0 : i32
        %dma_start3A_289 = tpu.memref_slice %arg4[%add3A_278, %dma_start3A_288] : memref<2500x128xi32, #tpu.memory_space<hbm>> -> memref<1x128xi32, #tpu.memory_space<hbm>>
        %dma_start3A_290 = tpu.memref_squeeze %dma_start3A_289 : memref<1x128xi32, #tpu.memory_space<hbm>> -> memref<128xi32, #tpu.memory_space<hbm>>
        tpu.enqueue_dma source(%dma_start3A_290 : memref<128xi32, #tpu.memory_space<hbm>>) target(%arg10 : memref<128xi32, #tpu.memory_space<vmem>>) target_semaphore(%arg17 : memref<!tpu.dma_semaphore, #tpu.memory_space<semaphore_mem>>)
      } else {
      }
      %scan3A_275 = arith.constant 0 : i32
      scf.yield %scan3A_275 : i32
    }
    %scan3A_219 = arith.constant 39 : i32
    %lt3A = arith.constant 4 : i32
    %lt3A_220 = arith.cmpi slt, %add3A, %lt3A : i32
    %convert_element_type3A_221 = arith.extui %lt3A_220 : i1 to i32
    %cond3A_222 = arith.constant 0 : i32
    %cond3A_223 = arith.cmpi ne, %convert_element_type3A_221, %cond3A_222 : i32
    scf.if %cond3A_223 {
      %add3A_233 = arith.constant 2496 : i32
      %add3A_234 = arith.addi %add3A_233, %add3A : i32
      %dma_start3A_235 = arith.constant 0 : i32
      %dma_start3A_236 = tpu.memref_slice %arg3[%add3A_234, %dma_start3A_235] : memref<2500x128xi32, #tpu.memory_space<hbm>> -> memref<1x128xi32, #tpu.memory_space<hbm>>
      %dma_start3A_237 = tpu.memref_squeeze %dma_start3A_236 : memref<1x128xi32, #tpu.memory_space<hbm>> -> memref<128xi32, #tpu.memory_space<hbm>>
      %dma_start3A_238 = arith.constant 0 : i32
      %dma_start3A_239 = tpu.memref_slice %arg3[%add3A_234, %dma_start3A_238] : memref<2500x128xi32, #tpu.memory_space<hbm>> -> memref<1x128xi32, #tpu.memory_space<hbm>>
      %dma_start3A_240 = tpu.memref_squeeze %dma_start3A_239 : memref<1x128xi32, #tpu.memory_space<hbm>> -> memref<128xi32, #tpu.memory_space<hbm>>
      tpu.enqueue_dma source(%dma_start3A_240 : memref<128xi32, #tpu.memory_space<hbm>>) target(%arg7 : memref<128xi32, #tpu.memory_space<vmem>>) target_semaphore(%arg16 : memref<!tpu.dma_semaphore, #tpu.memory_space<semaphore_mem>>)
      %dma_start3A_241 = arith.constant 0 : i32
      %dma_start3A_242 = tpu.memref_slice %arg4[%add3A_234, %dma_start3A_241] : memref<2500x128xi32, #tpu.memory_space<hbm>> -> memref<1x128xi32, #tpu.memory_space<hbm>>
      %dma_start3A_243 = tpu.memref_squeeze %dma_start3A_242 : memref<1x128xi32, #tpu.memory_space<hbm>> -> memref<128xi32, #tpu.memory_space<hbm>>
      %dma_start3A_244 = arith.constant 0 : i32
      %dma_start3A_245 = tpu.memref_slice %arg4[%add3A_234, %dma_start3A_244] : memref<2500x128xi32, #tpu.memory_space<hbm>> -> memref<1x128xi32, #tpu.memory_space<hbm>>
      %dma_start3A_246 = tpu.memref_squeeze %dma_start3A_245 : memref<1x128xi32, #tpu.memory_space<hbm>> -> memref<128xi32, #tpu.memory_space<hbm>>
      tpu.enqueue_dma source(%dma_start3A_246 : memref<128xi32, #tpu.memory_space<hbm>>) target(%arg9 : memref<128xi32, #tpu.memory_space<vmem>>) target_semaphore(%arg16 : memref<!tpu.dma_semaphore, #tpu.memory_space<semaphore_mem>>)
      %dma_wait3A_247 = arith.constant 0 : i32
      %dma_wait3A_248 = tpu.memref_slice %arg3[%add3A_234, %dma_wait3A_247] : memref<2500x128xi32, #tpu.memory_space<hbm>> -> memref<1x128xi32, #tpu.memory_space<hbm>>
      %dma_wait3A_249 = tpu.memref_squeeze %dma_wait3A_248 : memref<1x128xi32, #tpu.memory_space<hbm>> -> memref<128xi32, #tpu.memory_space<hbm>>
      %dma_wait3A_250 = arith.constant 0 : i32
      %dma_wait3A_251 = tpu.memref_slice %arg3[%add3A_234, %dma_wait3A_250] : memref<2500x128xi32, #tpu.memory_space<hbm>> -> memref<1x128xi32, #tpu.memory_space<hbm>>
      %dma_wait3A_252 = tpu.memref_squeeze %dma_wait3A_251 : memref<1x128xi32, #tpu.memory_space<hbm>> -> memref<128xi32, #tpu.memory_space<hbm>>
      tpu.wait_dma2 semaphore(%arg16 : memref<!tpu.dma_semaphore, #tpu.memory_space<semaphore_mem>>) src(%dma_wait3A_252 : memref<128xi32, #tpu.memory_space<hbm>>) dst(%arg7 : memref<128xi32, #tpu.memory_space<vmem>>)
      %dma_wait3A_253 = arith.constant 0 : i32
      %dma_wait3A_254 = tpu.memref_slice %arg4[%add3A_234, %dma_wait3A_253] : memref<2500x128xi32, #tpu.memory_space<hbm>> -> memref<1x128xi32, #tpu.memory_space<hbm>>
      %dma_wait3A_255 = tpu.memref_squeeze %dma_wait3A_254 : memref<1x128xi32, #tpu.memory_space<hbm>> -> memref<128xi32, #tpu.memory_space<hbm>>
      %dma_wait3A_256 = arith.constant 0 : i32
      %dma_wait3A_257 = tpu.memref_slice %arg4[%add3A_234, %dma_wait3A_256] : memref<2500x128xi32, #tpu.memory_space<hbm>> -> memref<1x128xi32, #tpu.memory_space<hbm>>
      %dma_wait3A_258 = tpu.memref_squeeze %dma_wait3A_257 : memref<1x128xi32, #tpu.memory_space<hbm>> -> memref<128xi32, #tpu.memory_space<hbm>>
      tpu.wait_dma2 semaphore(%arg16 : memref<!tpu.dma_semaphore, #tpu.memory_space<semaphore_mem>>) src(%dma_wait3A_258 : memref<128xi32, #tpu.memory_space<hbm>>) dst(%arg9 : memref<128xi32, #tpu.memory_space<vmem>>)
      %dma_start3A_259 = arith.constant 0 : i32
      %dma_start3A_260 = arith.constant 0 : i32
      %dma_start3A_261 = tpu.memref_slice %arg2[%dma_start3A_259, %dma_start3A_260] : memref<10000x128xf32, #tpu.memory_space<hbm>> -> memref<10000x128xf32, #tpu.memory_space<hbm>>
      tpu.enqueue_indirect_dma source(%dma_start3A_261 : memref<10000x128xf32, #tpu.memory_space<hbm>>) target(%arg11 : memref<128x128xf32, #tpu.memory_space<vmem>>) offsets(%arg7 : memref<128xi32, #tpu.memory_space<vmem>>) semaphore(%arg14 : memref<!tpu.dma_semaphore, #tpu.memory_space<semaphore_mem>>)
      %dma_wait3A_262 = arith.constant 0 : i32
      %dma_wait3A_263 = arith.constant 0 : i32
      %dma_wait3A_264 = tpu.memref_slice %arg2[%dma_wait3A_262, %dma_wait3A_263] : memref<10000x128xf32, #tpu.memory_space<hbm>> -> memref<10000x128xf32, #tpu.memory_space<hbm>>
      tpu.wait_indirect_dma semaphore(%arg14 : memref<!tpu.dma_semaphore, #tpu.memory_space<semaphore_mem>>) src(%dma_wait3A_264 : memref<10000x128xf32, #tpu.memory_space<hbm>>) dst(%arg11 : memref<128x128xf32, #tpu.memory_space<vmem>>)
      "tpu.region"() ({
        %run_scoped3A = tpu.sem_alloc : memref<!tpu.dma_semaphore, #tpu.memory_space<semaphore_mem>>
        %dma_start3A_265 = arith.constant 0 : i32
        %dma_start3A_266 = arith.constant 0 : i32
        %dma_start3A_267 = tpu.memref_slice %arg6[%dma_start3A_265, %dma_start3A_266] : memref<10000x128xf32, #tpu.memory_space<vmem_shared>> -> memref<10000x128xf32, #tpu.memory_space<vmem_shared>>
        tpu.enqueue_indirect_dma source(%arg11 : memref<128x128xf32, #tpu.memory_space<vmem>>) target(%dma_start3A_267 : memref<10000x128xf32, #tpu.memory_space<vmem_shared>>) offsets(%arg9 : memref<128xi32, #tpu.memory_space<vmem>>) semaphore(%run_scoped3A : memref<!tpu.dma_semaphore, #tpu.memory_space<semaphore_mem>>) {add = true}
        %dma_wait3A_268 = arith.constant 0 : i32
        %dma_wait3A_269 = arith.constant 0 : i32
        %dma_wait3A_270 = tpu.memref_slice %arg6[%dma_wait3A_268, %dma_wait3A_269] : memref<10000x128xf32, #tpu.memory_space<vmem_shared>> -> memref<10000x128xf32, #tpu.memory_space<vmem_shared>>
        tpu.wait_indirect_dma semaphore(%run_scoped3A : memref<!tpu.dma_semaphore, #tpu.memory_space<semaphore_mem>>) src(%arg11 : memref<128x128xf32, #tpu.memory_space<vmem>>) dst(%dma_wait3A_270 : memref<10000x128xf32, #tpu.memory_space<vmem_shared>>)
        tpu.yield
      }) : () -> ()
    } else {
    }
    %barrier3A_224 = arith.constant 0 : index
    tpu.barrier barrier_id(%barrier3A_224)
    %mul3A_225 = arith.constant 10000 : i32
    %mul3A_226 = arith.muli %arg0, %mul3A_225 : i32
    %add3A_227 = arith.addi %mul3A_226, %mul3A_2 : i32
    "tpu.region"() ({
      %run_scoped3A = tpu.sem_alloc : memref<!tpu.dma_semaphore, #tpu.memory_space<semaphore_mem>>
      %dma_start3A_233 = arith.constant 0 : i32
      %dma_start3A_234 = tpu.memref_slice %arg5[%add3A_227, %dma_start3A_233] : memref<20000x128xf32, #tpu.memory_space<hbm>> -> memref<624x128xf32, #tpu.memory_space<hbm>>
      %dma_start3A_235 = arith.constant 0 : i32
      %dma_start3A_236 = tpu.memref_slice %arg6[%mul3A_2, %dma_start3A_235] : memref<10000x128xf32, #tpu.memory_space<vmem_shared>> -> memref<624x128xf32, #tpu.memory_space<vmem_shared>>
      tpu.enqueue_dma source(%dma_start3A_236 : memref<624x128xf32, #tpu.memory_space<vmem_shared>>) target(%dma_start3A_234 : memref<624x128xf32, #tpu.memory_space<hbm>>) target_semaphore(%run_scoped3A : memref<!tpu.dma_semaphore, #tpu.memory_space<semaphore_mem>>)
      %dma_wait3A_237 = arith.constant 0 : i32
      %dma_wait3A_238 = tpu.memref_slice %arg5[%add3A_227, %dma_wait3A_237] : memref<20000x128xf32, #tpu.memory_space<hbm>> -> memref<624x128xf32, #tpu.memory_space<hbm>>
      %dma_wait3A_239 = arith.constant 0 : i32
      %dma_wait3A_240 = tpu.memref_slice %arg6[%mul3A_2, %dma_wait3A_239] : memref<10000x128xf32, #tpu.memory_space<vmem_shared>> -> memref<624x128xf32, #tpu.memory_space<vmem_shared>>
      tpu.wait_dma2 semaphore(%run_scoped3A : memref<!tpu.dma_semaphore, #tpu.memory_space<semaphore_mem>>) src(%dma_wait3A_240 : memref<624x128xf32, #tpu.memory_space<vmem_shared>>) dst(%dma_wait3A_238 : memref<624x128xf32, #tpu.memory_space<hbm>>)
      tpu.yield
    }) : () -> ()
    %eq3A_228 = arith.constant 15 : i32
    %eq3A_229 = arith.cmpi eq, %arg1, %eq3A_228 : i32
    %convert_element_type3A_230 = arith.extui %eq3A_229 : i1 to i32
    %cond3A_231 = arith.constant 0 : i32
    %cond3A_232 = arith.cmpi ne, %convert_element_type3A_230, %cond3A_231 : i32
    scf.if %cond3A_232 {
      %mul3A_233 = arith.constant 10000 : i32
      %mul3A_234 = arith.muli %arg0, %mul3A_233 : i32
      %add3A_235 = arith.constant 9984 : i32
      %add3A_236 = arith.addi %mul3A_234, %add3A_235 : i32
      "tpu.region"() ({
        %run_scoped3A = tpu.sem_alloc : memref<!tpu.dma_semaphore, #tpu.memory_space<semaphore_mem>>
        %dma_start3A_237 = arith.constant 0 : i32
        %dma_start3A_238 = tpu.memref_slice %arg5[%add3A_236, %dma_start3A_237] : memref<20000x128xf32, #tpu.memory_space<hbm>> -> memref<16x128xf32, #tpu.memory_space<hbm>>
        %dma_start3A_239 = arith.constant 9984 : i32
        %dma_start3A_240 = arith.constant 0 : i32
        %dma_start3A_241 = tpu.memref_slice %arg6[%dma_start3A_239, %dma_start3A_240] : memref<10000x128xf32, #tpu.memory_space<vmem_shared>> -> memref<16x128xf32, #tpu.memory_space<vmem_shared>>
        tpu.enqueue_dma source(%dma_start3A_241 : memref<16x128xf32, #tpu.memory_space<vmem_shared>>) target(%dma_start3A_238 : memref<16x128xf32, #tpu.memory_space<hbm>>) target_semaphore(%run_scoped3A : memref<!tpu.dma_semaphore, #tpu.memory_space<semaphore_mem>>)
        %dma_wait3A_242 = arith.constant 0 : i32
        %dma_wait3A_243 = tpu.memref_slice %arg5[%add3A_236, %dma_wait3A_242] : memref<20000x128xf32, #tpu.memory_space<hbm>> -> memref<16x128xf32, #tpu.memory_space<hbm>>
        %dma_wait3A_244 = arith.constant 9984 : i32
        %dma_wait3A_245 = arith.constant 0 : i32
        %dma_wait3A_246 = tpu.memref_slice %arg6[%dma_wait3A_244, %dma_wait3A_245] : memref<10000x128xf32, #tpu.memory_space<vmem_shared>> -> memref<16x128xf32, #tpu.memory_space<vmem_shared>>
        tpu.wait_dma2 semaphore(%run_scoped3A : memref<!tpu.dma_semaphore, #tpu.memory_space<semaphore_mem>>) src(%dma_wait3A_246 : memref<16x128xf32, #tpu.memory_space<vmem_shared>>) dst(%dma_wait3A_243 : memref<16x128xf32, #tpu.memory_space<hbm>>)
        tpu.yield
      }) : () -> ()
    } else {
    }
    return
  }
}

module attributes {stable_mosaic.version = 14 : i64} {
  func.func @_tc_prescale_body(%arg0: i32, %arg1: memref<1000x128xf32, #tpu.memory_space<vmem>>, %arg2: memref<1000x16xf32, #tpu.memory_space<vmem>>, %arg3: memref<1000x16xf32, #tpu.memory_space<vmem>>, %arg4: memref<1000x128xf32, #tpu.memory_space<vmem>>) attributes {dimension_semantics = [#tpu.dimension_semantics<arbitrary>], iteration_bounds = array<i64: 10>, scalar_prefetch = 0 : i64, scratch_operands = 0 : i64, tpu.core_type = #tpu.core_type<tc>, window_params = [{transform_indices = @transform_0, window_bounds = array<i64: 1000, 128>}, {transform_indices = @transform_1, window_bounds = array<i64: 1000, 16>}, {transform_indices = @transform_2, window_bounds = array<i64: 1000, 16>}, {transform_indices = @transform_3, window_bounds = array<i64: 1000, 128>}]} {
    %get3A = arith.constant 0 : index
    %get3A_0 = arith.constant 0 : index
    %get3A_1 = vector.load %arg1[%get3A, %get3A_0] : memref<1000x128xf32, #tpu.memory_space<vmem>>, vector<1000x128xf32>
    %get3A_2 = arith.constant 0 : index
    %get3A_3 = arith.constant 0 : index
    %get3A_4 = vector.load %arg2[%get3A_2, %get3A_3] : memref<1000x16xf32, #tpu.memory_space<vmem>>, vector<1000x1xf32>
    %get3A_5 = arith.constant 0 : index
    %get3A_6 = arith.constant 0 : index
    %get3A_7 = vector.load %arg3[%get3A_5, %get3A_6] : memref<1000x16xf32, #tpu.memory_space<vmem>>, vector<1000x1xf32>
    %add3A = arith.addf %get3A_4, %get3A_7 : vector<1000x1xf32>
    %gt3A = arith.constant 0.000000e+00 : f32
    %gt3A_8 = vector.broadcast %gt3A : f32 to vector<1000x1xf32>
    %gt3A_9 = arith.cmpf ogt, %add3A, %gt3A_8 : vector<1000x1xf32>
    %sqrt3A = math.sqrt %add3A : vector<1000x1xf32>
    %div3A = arith.constant 1.000000e+00 : f32
    %div3A_10 = vector.broadcast %div3A : f32 to vector<1000x1xf32>
    %div3A_11 = arith.divf %div3A_10, %sqrt3A : vector<1000x1xf32>
    %jit3A = arith.constant 0.000000e+00 : f32
    %broadcast_in_dim3A = vector.broadcast %jit3A : f32 to vector<1000x1xf32>
    %select_n3A = arith.select %gt3A_9, %div3A_11, %broadcast_in_dim3A : vector<1000x1xi1>, vector<1000x1xf32>
    %mul3A = vector.broadcast %select_n3A : vector<1000x1xf32> to vector<1000x128xf32>
    %mul3A_12 = arith.mulf %get3A_1, %mul3A : vector<1000x128xf32>
    %swap3A = arith.constant 0 : index
    %swap3A_13 = arith.constant 0 : index
    %swap3A_14 = vector.load %arg4[%swap3A, %swap3A_13] : memref<1000x128xf32, #tpu.memory_space<vmem>>, vector<1000x128xf32>
    tpu.vector_store %arg4[%swap3A, %swap3A_13], %mul3A_12 {strides = array<i32>} : memref<1000x128xf32, #tpu.memory_space<vmem>>, vector<1000x128xf32>,
    return
  }
  func.func @transform_0(%arg0: i32) -> (i32, i32) {
    %c0_i32 = arith.constant 0 : i32
    %c0_i32_0 = arith.constant 0 : i32
    return %arg0, %c0_i32 : i32, i32
  }
  func.func @transform_1(%arg0: i32) -> (i32, i32) {
    %c0_i32 = arith.constant 0 : i32
    %c0_i32_0 = arith.constant 0 : i32
    return %arg0, %c0_i32 : i32, i32
  }
  func.func @transform_2(%arg0: i32) -> (i32, i32) {
    %add3A = arith.constant 10 : i32
    %add3A_0 = arith.addi %add3A, %arg0 : i32
    %c0_i32 = arith.constant 0 : i32
    %c0_i32_1 = arith.constant 0 : i32
    return %add3A_0, %c0_i32 : i32, i32
  }
  func.func @transform_3(%arg0: i32) -> (i32, i32) {
    %c0_i32 = arith.constant 0 : i32
    %c0_i32_0 = arith.constant 0 : i32
    return %arg0, %c0_i32 : i32, i32
  }
}

module attributes {stable_mosaic.version = 14 : i64} {
  func.func @_tc_layer_body(%arg0: i32, %arg1: memref<1000x128xf32, #tpu.memory_space<vmem>>, %arg2: memref<1000x128xf32, #tpu.memory_space<vmem>>, %arg3: memref<1000x16xf32, #tpu.memory_space<vmem>>, %arg4: memref<1000x16xf32, #tpu.memory_space<vmem>>, %arg5: memref<1000x16xf32, #tpu.memory_space<vmem>>, %arg6: memref<1000x16xf32, #tpu.memory_space<vmem>>, %arg7: memref<128x128xf32, #tpu.memory_space<vmem>>, %arg8: memref<1x128xf32, #tpu.memory_space<vmem>>, %arg9: memref<1000x128xf32, #tpu.memory_space<vmem>>) attributes {dimension_semantics = [#tpu.dimension_semantics<arbitrary>], iteration_bounds = array<i64: 10>, scalar_prefetch = 0 : i64, scratch_operands = 0 : i64, tpu.core_type = #tpu.core_type<tc>, window_params = [{transform_indices = @transform_0, window_bounds = array<i64: 1000, 128>}, {transform_indices = @transform_1, window_bounds = array<i64: 1000, 128>}, {transform_indices = @transform_2, window_bounds = array<i64: 1000, 16>}, {transform_indices = @transform_3, window_bounds = array<i64: 1000, 16>}, {transform_indices = @transform_4, window_bounds = array<i64: 1000, 16>}, {transform_indices = @transform_5, window_bounds = array<i64: 1000, 16>}, {pipeline_mode = #tpu.pipeline_mode<synchronous>, transform_indices = @transform_6, window_bounds = array<i64: 128, 128>}, {pipeline_mode = #tpu.pipeline_mode<synchronous>, transform_indices = @transform_7, window_bounds = array<i64: 1, 128>}, {transform_indices = @transform_8, window_bounds = array<i64: 1000, 128>}]} {
    %get3A = arith.constant 0 : index
    %get3A_0 = arith.constant 0 : index
    %get3A_1 = vector.load %arg1[%get3A, %get3A_0] : memref<1000x128xf32, #tpu.memory_space<vmem>>, vector<1000x128xf32>
    %get3A_2 = arith.constant 0 : index
    %get3A_3 = arith.constant 0 : index
    %get3A_4 = vector.load %arg2[%get3A_2, %get3A_3] : memref<1000x128xf32, #tpu.memory_space<vmem>>, vector<1000x128xf32>
    %add3A = arith.addf %get3A_1, %get3A_4 : vector<1000x128xf32>
    %get3A_5 = arith.constant 0 : index
    %get3A_6 = arith.constant 0 : index
    %get3A_7 = vector.load %arg3[%get3A_5, %get3A_6] : memref<1000x16xf32, #tpu.memory_space<vmem>>, vector<1000x1xf32>
    %get3A_8 = arith.constant 0 : index
    %get3A_9 = arith.constant 0 : index
    %get3A_10 = vector.load %arg4[%get3A_8, %get3A_9] : memref<1000x16xf32, #tpu.memory_space<vmem>>, vector<1000x1xf32>
    %add3A_11 = arith.addf %get3A_7, %get3A_10 : vector<1000x1xf32>
    %gt3A = arith.constant 0.000000e+00 : f32
    %gt3A_12 = vector.broadcast %gt3A : f32 to vector<1000x1xf32>
    %gt3A_13 = arith.cmpf ogt, %add3A_11, %gt3A_12 : vector<1000x1xf32>
    %sqrt3A = math.sqrt %add3A_11 : vector<1000x1xf32>
    %div3A = arith.constant 1.000000e+00 : f32
    %div3A_14 = vector.broadcast %div3A : f32 to vector<1000x1xf32>
    %div3A_15 = arith.divf %div3A_14, %sqrt3A : vector<1000x1xf32>
    %jit3A = arith.constant 0.000000e+00 : f32
    %broadcast_in_dim3A = vector.broadcast %jit3A : f32 to vector<1000x1xf32>
    %select_n3A = arith.select %gt3A_13, %div3A_15, %broadcast_in_dim3A : vector<1000x1xi1>, vector<1000x1xf32>
    %mul3A = vector.broadcast %select_n3A : vector<1000x1xf32> to vector<1000x128xf32>
    %mul3A_16 = arith.mulf %add3A, %mul3A : vector<1000x128xf32>
    %get3A_17 = arith.constant 0 : index
    %get3A_18 = arith.constant 0 : index
    %get3A_19 = vector.load %arg7[%get3A_17, %get3A_18] : memref<128x128xf32, #tpu.memory_space<vmem>>, vector<128x128xf32>
    %dot_general3A = arith.constant dense<0.000000e+00> : vector<1000x128xf32>
    %dot_general3A_20 = tpu.matmul %mul3A_16, %get3A_19, %dot_general3A {dimension_numbers = #tpu.dot_dimension_numbers<[1], [0], [0], [1], [0, 0, 1, 1], [], []>, transpose_lhs_hint = false} : vector<1000x128xf32>, vector<128x128xf32>, vector<1000x128xf32> -> vector<1000x128xf32>
    %get3A_21 = arith.constant 0 : index
    %get3A_22 = arith.constant 0 : index
    %get3A_23 = vector.load %arg8[%get3A_21, %get3A_22] : memref<1x128xf32, #tpu.memory_space<vmem>>, vector<1x128xf32>
    %add3A_24 = vector.broadcast %get3A_23 : vector<1x128xf32> to vector<1000x128xf32>
    %add3A_25 = arith.addf %dot_general3A_20, %add3A_24 : vector<1000x128xf32>
    %max3A = arith.constant 0.000000e+00 : f32
    %max3A_26 = vector.broadcast %max3A : f32 to vector<1000x128xf32>
    %max3A_27 = arith.maximumf %add3A_25, %max3A_26 : vector<1000x128xf32>
    %get3A_28 = arith.constant 0 : index
    %get3A_29 = arith.constant 0 : index
    %get3A_30 = vector.load %arg5[%get3A_28, %get3A_29] : memref<1000x16xf32, #tpu.memory_space<vmem>>, vector<1000x1xf32>
    %get3A_31 = arith.constant 0 : index
    %get3A_32 = arith.constant 0 : index
    %get3A_33 = vector.load %arg6[%get3A_31, %get3A_32] : memref<1000x16xf32, #tpu.memory_space<vmem>>, vector<1000x1xf32>
    %add3A_34 = arith.addf %get3A_30, %get3A_33 : vector<1000x1xf32>
    %gt3A_35 = arith.constant 0.000000e+00 : f32
    %gt3A_36 = vector.broadcast %gt3A_35 : f32 to vector<1000x1xf32>
    %gt3A_37 = arith.cmpf ogt, %add3A_34, %gt3A_36 : vector<1000x1xf32>
    %sqrt3A_38 = math.sqrt %add3A_34 : vector<1000x1xf32>
    %div3A_39 = arith.constant 1.000000e+00 : f32
    %div3A_40 = vector.broadcast %div3A_39 : f32 to vector<1000x1xf32>
    %div3A_41 = arith.divf %div3A_40, %sqrt3A_38 : vector<1000x1xf32>
    %jit3A_42 = arith.constant 0.000000e+00 : f32
    %broadcast_in_dim3A_43 = vector.broadcast %jit3A_42 : f32 to vector<1000x1xf32>
    %select_n3A_44 = arith.select %gt3A_37, %div3A_41, %broadcast_in_dim3A_43 : vector<1000x1xi1>, vector<1000x1xf32>
    %mul3A_45 = vector.broadcast %select_n3A_44 : vector<1000x1xf32> to vector<1000x128xf32>
    %mul3A_46 = arith.mulf %max3A_27, %mul3A_45 : vector<1000x128xf32>
    %swap3A = arith.constant 0 : index
    %swap3A_47 = arith.constant 0 : index
    %swap3A_48 = vector.load %arg9[%swap3A, %swap3A_47] : memref<1000x128xf32, #tpu.memory_space<vmem>>, vector<1000x128xf32>
    tpu.vector_store %arg9[%swap3A, %swap3A_47], %mul3A_46 {strides = array<i32>} : memref<1000x128xf32, #tpu.memory_space<vmem>>, vector<1000x128xf32>,
    return
  }
  func.func @transform_0(%arg0: i32) -> (i32, i32) {
    %c0_i32 = arith.constant 0 : i32
    %c0_i32_0 = arith.constant 0 : i32
    return %arg0, %c0_i32 : i32, i32
  }
  func.func @transform_1(%arg0: i32) -> (i32, i32) {
    %add3A = arith.constant 10 : i32
    %add3A_0 = arith.addi %add3A, %arg0 : i32
    %c0_i32 = arith.constant 0 : i32
    %c0_i32_1 = arith.constant 0 : i32
    return %add3A_0, %c0_i32 : i32, i32
  }
  func.func @transform_2(%arg0: i32) -> (i32, i32) {
    %c0_i32 = arith.constant 0 : i32
    %c0_i32_0 = arith.constant 0 : i32
    return %arg0, %c0_i32 : i32, i32
  }
  func.func @transform_3(%arg0: i32) -> (i32, i32) {
    %add3A = arith.constant 10 : i32
    %add3A_0 = arith.addi %add3A, %arg0 : i32
    %c0_i32 = arith.constant 0 : i32
    %c0_i32_1 = arith.constant 0 : i32
    return %add3A_0, %c0_i32 : i32, i32
  }
  func.func @transform_4(%arg0: i32) -> (i32, i32) {
    %c0_i32 = arith.constant 0 : i32
    %c0_i32_0 = arith.constant 0 : i32
    return %arg0, %c0_i32 : i32, i32
  }
  func.func @transform_5(%arg0: i32) -> (i32, i32) {
    %add3A = arith.constant 10 : i32
    %add3A_0 = arith.addi %add3A, %arg0 : i32
    %c0_i32 = arith.constant 0 : i32
    %c0_i32_1 = arith.constant 0 : i32
    return %add3A_0, %c0_i32 : i32, i32
  }
  func.func @transform_6(%arg0: i32) -> (i32, i32) {
    %c0_i32 = arith.constant 0 : i32
    %c0_i32_0 = arith.constant 0 : i32
    %c0_i32_1 = arith.constant 0 : i32
    return %c0_i32, %c0_i32_0 : i32, i32
  }
  func.func @transform_7(%arg0: i32) -> (i32, i32) {
    %c0_i32 = arith.constant 0 : i32
    %c0_i32_0 = arith.constant 0 : i32
    %c0_i32_1 = arith.constant 0 : i32
    return %c0_i32, %c0_i32_0 : i32, i32
  }
  func.func @transform_8(%arg0: i32) -> (i32, i32) {
    %c0_i32 = arith.constant 0 : i32
    %c0_i32_0 = arith.constant 0 : i32
    return %arg0, %c0_i32 : i32, i32
  }
}

module attributes {stable_mosaic.version = 14 : i64} {
  func.func @_tc_layer_body(%arg0: i32, %arg1: memref<1000x128xf32, #tpu.memory_space<vmem>>, %arg2: memref<1000x128xf32, #tpu.memory_space<vmem>>, %arg3: memref<1000x16xf32, #tpu.memory_space<vmem>>, %arg4: memref<1000x16xf32, #tpu.memory_space<vmem>>, %arg5: memref<1000x16xf32, #tpu.memory_space<vmem>>, %arg6: memref<1000x16xf32, #tpu.memory_space<vmem>>, %arg7: memref<128x128xf32, #tpu.memory_space<vmem>>, %arg8: memref<1x128xf32, #tpu.memory_space<vmem>>, %arg9: memref<1000x128xf32, #tpu.memory_space<vmem>>) attributes {dimension_semantics = [#tpu.dimension_semantics<arbitrary>], iteration_bounds = array<i64: 10>, scalar_prefetch = 0 : i64, scratch_operands = 0 : i64, tpu.core_type = #tpu.core_type<tc>, window_params = [{transform_indices = @transform_0, window_bounds = array<i64: 1000, 128>}, {transform_indices = @transform_1, window_bounds = array<i64: 1000, 128>}, {transform_indices = @transform_2, window_bounds = array<i64: 1000, 16>}, {transform_indices = @transform_3, window_bounds = array<i64: 1000, 16>}, {transform_indices = @transform_4, window_bounds = array<i64: 1000, 16>}, {transform_indices = @transform_5, window_bounds = array<i64: 1000, 16>}, {pipeline_mode = #tpu.pipeline_mode<synchronous>, transform_indices = @transform_6, window_bounds = array<i64: 128, 128>}, {pipeline_mode = #tpu.pipeline_mode<synchronous>, transform_indices = @transform_7, window_bounds = array<i64: 1, 128>}, {transform_indices = @transform_8, window_bounds = array<i64: 1000, 128>}]} {
    %get3A = arith.constant 0 : index
    %get3A_0 = arith.constant 0 : index
    %get3A_1 = vector.load %arg1[%get3A, %get3A_0] : memref<1000x128xf32, #tpu.memory_space<vmem>>, vector<1000x128xf32>
    %get3A_2 = arith.constant 0 : index
    %get3A_3 = arith.constant 0 : index
    %get3A_4 = vector.load %arg2[%get3A_2, %get3A_3] : memref<1000x128xf32, #tpu.memory_space<vmem>>, vector<1000x128xf32>
    %add3A = arith.addf %get3A_1, %get3A_4 : vector<1000x128xf32>
    %get3A_5 = arith.constant 0 : index
    %get3A_6 = arith.constant 0 : index
    %get3A_7 = vector.load %arg3[%get3A_5, %get3A_6] : memref<1000x16xf32, #tpu.memory_space<vmem>>, vector<1000x1xf32>
    %get3A_8 = arith.constant 0 : index
    %get3A_9 = arith.constant 0 : index
    %get3A_10 = vector.load %arg4[%get3A_8, %get3A_9] : memref<1000x16xf32, #tpu.memory_space<vmem>>, vector<1000x1xf32>
    %add3A_11 = arith.addf %get3A_7, %get3A_10 : vector<1000x1xf32>
    %gt3A = arith.constant 0.000000e+00 : f32
    %gt3A_12 = vector.broadcast %gt3A : f32 to vector<1000x1xf32>
    %gt3A_13 = arith.cmpf ogt, %add3A_11, %gt3A_12 : vector<1000x1xf32>
    %sqrt3A = math.sqrt %add3A_11 : vector<1000x1xf32>
    %div3A = arith.constant 1.000000e+00 : f32
    %div3A_14 = vector.broadcast %div3A : f32 to vector<1000x1xf32>
    %div3A_15 = arith.divf %div3A_14, %sqrt3A : vector<1000x1xf32>
    %jit3A = arith.constant 0.000000e+00 : f32
    %broadcast_in_dim3A = vector.broadcast %jit3A : f32 to vector<1000x1xf32>
    %select_n3A = arith.select %gt3A_13, %div3A_15, %broadcast_in_dim3A : vector<1000x1xi1>, vector<1000x1xf32>
    %mul3A = vector.broadcast %select_n3A : vector<1000x1xf32> to vector<1000x128xf32>
    %mul3A_16 = arith.mulf %add3A, %mul3A : vector<1000x128xf32>
    %get3A_17 = arith.constant 0 : index
    %get3A_18 = arith.constant 0 : index
    %get3A_19 = vector.load %arg7[%get3A_17, %get3A_18] : memref<128x128xf32, #tpu.memory_space<vmem>>, vector<128x128xf32>
    %dot_general3A = arith.constant dense<0.000000e+00> : vector<1000x128xf32>
    %dot_general3A_20 = tpu.matmul %mul3A_16, %get3A_19, %dot_general3A {dimension_numbers = #tpu.dot_dimension_numbers<[1], [0], [0], [1], [0, 0, 1, 1], [], []>, transpose_lhs_hint = false} : vector<1000x128xf32>, vector<128x128xf32>, vector<1000x128xf32> -> vector<1000x128xf32>
    %get3A_21 = arith.constant 0 : index
    %get3A_22 = arith.constant 0 : index
    %get3A_23 = vector.load %arg8[%get3A_21, %get3A_22] : memref<1x128xf32, #tpu.memory_space<vmem>>, vector<1x128xf32>
    %add3A_24 = vector.broadcast %get3A_23 : vector<1x128xf32> to vector<1000x128xf32>
    %add3A_25 = arith.addf %dot_general3A_20, %add3A_24 : vector<1000x128xf32>
    %swap3A = arith.constant 0 : index
    %swap3A_26 = arith.constant 0 : index
    %swap3A_27 = vector.load %arg9[%swap3A, %swap3A_26] : memref<1000x128xf32, #tpu.memory_space<vmem>>, vector<1000x128xf32>
    tpu.vector_store %arg9[%swap3A, %swap3A_26], %add3A_25 {strides = array<i32>} : memref<1000x128xf32, #tpu.memory_space<vmem>>, vector<1000x128xf32>,
    return
  }
  func.func @transform_0(%arg0: i32) -> (i32, i32) {
    %c0_i32 = arith.constant 0 : i32
    %c0_i32_0 = arith.constant 0 : i32
    return %arg0, %c0_i32 : i32, i32
  }
  func.func @transform_1(%arg0: i32) -> (i32, i32) {
    %add3A = arith.constant 10 : i32
    %add3A_0 = arith.addi %add3A, %arg0 : i32
    %c0_i32 = arith.constant 0 : i32
    %c0_i32_1 = arith.constant 0 : i32
    return %add3A_0, %c0_i32 : i32, i32
  }
  func.func @transform_2(%arg0: i32) -> (i32, i32) {
    %c0_i32 = arith.constant 0 : i32
    %c0_i32_0 = arith.constant 0 : i32
    return %arg0, %c0_i32 : i32, i32
  }
  func.func @transform_3(%arg0: i32) -> (i32, i32) {
    %add3A = arith.constant 10 : i32
    %add3A_0 = arith.addi %add3A, %arg0 : i32
    %c0_i32 = arith.constant 0 : i32
    %c0_i32_1 = arith.constant 0 : i32
    return %add3A_0, %c0_i32 : i32, i32
  }
  func.func @transform_4(%arg0: i32) -> (i32, i32) {
    %c0_i32 = arith.constant 0 : i32
    %c0_i32_0 = arith.constant 0 : i32
    return %arg0, %c0_i32 : i32, i32
  }
  func.func @transform_5(%arg0: i32) -> (i32, i32) {
    %add3A = arith.constant 10 : i32
    %add3A_0 = arith.addi %add3A, %arg0 : i32
    %c0_i32 = arith.constant 0 : i32
    %c0_i32_1 = arith.constant 0 : i32
    return %add3A_0, %c0_i32 : i32, i32
  }
  func.func @transform_6(%arg0: i32) -> (i32, i32) {
    %c0_i32 = arith.constant 0 : i32
    %c0_i32_0 = arith.constant 0 : i32
    %c0_i32_1 = arith.constant 0 : i32
    return %c0_i32, %c0_i32_0 : i32, i32
  }
  func.func @transform_7(%arg0: i32) -> (i32, i32) {
    %c0_i32 = arith.constant 0 : i32
    %c0_i32_0 = arith.constant 0 : i32
    %c0_i32_1 = arith.constant 0 : i32
    return %c0_i32, %c0_i32_0 : i32, i32
  }
  func.func @transform_8(%arg0: i32) -> (i32, i32) {
    %c0_i32 = arith.constant 0 : i32
    %c0_i32_0 = arith.constant 0 : i32
    return %arg0, %c0_i32 : i32, i32
  }
}

</mosaic_0001>

<sc_bundles>
// kernel: kernel.10.cloned.1.call-start
scs
__scs_entry_jumppad:
0x0: {  	(pc) =	sbr.rel $0x88, $3  }
0x1: {  	(tag) =	ssettag $0x0;
	lr =	simm.s32 $0x1  }
0x2: {  	[smem:$0x3F99] =	sst lr;
	_ =	strace $0xD0000000  }
0x3: {  	_ = 	snop  }
0x4: {  	_ = 	snop  }
0x5: {  	_ = 	snop  }
0x6: {  	_ = 	snop  }
0x7: {  	_ = 	snop  }
__scs_overlays_trampoline_lowered:
0x8: {  	[smem:$0x3FA8] =	sst s0  }
0x9: {  	[smem:$0x3FA9] =	sst s1  }
0xa: {  	[smem:$0x3FAA] =	sst s2  }
0xb: {  	[smem:$0x3FAB] =	sst s3  }
0xc: {  	[smem:$0x3FAC] =	sst s4  }
0xd: {  	[smem:$0x3FAD] =	sst s5  }
0xe: {  	[smem:$0x3FAE] =	sst s6  }
0xf: {  	[smem:$0x3FAF] =	sst s7  }
0x10: {  	[smem:$0x3FB0] =	sst s8  }
0x11: {  	[smem:$0x3FB1] =	sst s9;
	s0 =	simm.s32 @!p0 $0x0  }
0x12: {  	s1 =	sld [smem:$0x3F97];
	s0 =	simm.s32 @p0 $0x1  }
0x13: {  	[smem:$0x3FB2] =	sst s0;
	s0 =	simm.s32 @!p1 $0x0  }
0x14: {  	s2 =	sld [smem:$0x3F96];
	s0 =	simm.s32 @p1 $0x1  }
0x15: {  	[smem:$0x3FB3] =	sst s0;
	s0 =	simm.s32 @!p2 $0x0  }
0x16: {  	s3 =	sld [smem:$0x3FDB];
	s0 =	simm.s32 @p2 $0x1  }
0x17: {  	s4 =	simm.s32 $0x1BF5;
	[smem:$0x3FB5] =	sst s0  }
0x18: {  	s0 =	sld [smem:$0x3F98];
	_ =	swait.ge [sflag:s4], $0x0  }
0x19: {  	s7 =	sld [smem:$0x3F99]  }
0x1a: {  	s8 =	sadd.s32 $0xFFFFE003, lr  }
0x1b: {  	s9 =	sadd.s32 $0xFFFFFEF7, lr;
	s5 =	simm.s32 $0xFFFFFFFF;
	p2 =	slt.u32 s8, $0xFFFFF086  }
0x1c: {  	p1 =	slt.u32 s9, $0xF7A;
	s5 =	simm.s32 @!p2 $0x0  }
0x1d: {  	s5 =	simm.s32 @p1 $0x1;
	p0 =	seq.s32 s7, s2  }
0x1e: {  	s7 =	smul.u32 @!p0 $0xF7A, s2;
	p2 =	seq.s32 @!p0 s5, $0x0  }
0x1f: {  	s9 =	smul.u32 $0xF7A, s1;
	s8 =	simm.s32 @!p0 $0x1BF5;
	p2 =	por !p2, p0  }
0x20: {  	[sflag:s8] =	ssyncset.s32 @!p0 $0xFFFFF086;
	s6 =	sadd.s32 @!p0 s3, s7;
	s7 =	simm.s32 @!p0 $0x108  }
0x21: {  	s3 =	sadd.s32 s3, s9;
	s6 =	sadd.s32 @!p0 $0x88, s6;
	s7 =	simm.s32 @p2 $0x1082  }
0x22: {  	[simem:s7], [sflag:s8] =	dma.local @!p0 [hbm:s6], $0xF7A  }
0x23: {  	s9 =	sor.u32 $0xD0000000, s2;
	s6 =	simm.s32 $0x108;
	_ =	swait.ge @!p0 [sflag:s8], $0x0  }
0x24: {  	s3 =	sadd.s32 $0x88, s3;
	s6 =	simm.s32 @!p1 $0x1082;
	[sflag:s4] =	ssyncset.s32 $0xFFFFF086  }
0x25: {  	[simem:s6], [sflag:s4] =	dma.local [hbm:s3], $0xF7A  }
0x26: {  	[smem:$0x3F99] =	sst s1;
	(tag) =	ssettag s2;
	_ =	strace s9  }
0x27: {  	s1 =	sld [smem:$0x3FA9]  }
0x28: {  	s2 =	sld [smem:$0x3FAA]  }
0x29: {  	s4 =	sld [smem:$0x3FAC]  }
0x2a: {  	p0 =	seq.s32 s5, $0x0;
	s5 =	sld [smem:$0x3FAD]  }
0x2b: {  	s6 =	sld [smem:$0x3FAE]  }
0x2c: {  	s7 =	sld [smem:$0x3FAF]  }
0x2d: {  	s3 =	simm.s32 $0x108;
	s8 =	sld [smem:$0x3FB0]  }
0x2e: {  	s3 =	simm.s32 @!p0 $0x1082;
	s9 =	sld [smem:$0x3FB1]  }
0x2f: {  	lr =	sadd.s32 s0, s3;
	s0 =	sld [smem:$0x3FA8]  }
0x30: {  	s3 =	sld [smem:$0x3FAB]  }
0x31: {  	[smem:$0x3FB4] =	sst s10  }
0x32: {  	s10 =	sld [smem:$0x3FB2];
	_ =	sdelay $0x3  }
0x33: {  	p0 =	seq.s32 s10, $0x1;
	s10 =	sld [smem:$0x3FB4];
	_ =	sdelay $0x3  }
0x34: {  	[smem:$0x3FB4] =	sst s10  }
0x35: {  	s10 =	sld [smem:$0x3FB3];
	_ =	sdelay $0x3  }
0x36: {  	p1 =	seq.s32 s10, $0x1;
	s10 =	sld [smem:$0x3FB4];
	_ =	sdelay $0x3  }
0x37: {  	[smem:$0x3FB4] =	sst s10  }
0x38: {  	s10 =	sld [smem:$0x3FB5]  }
0x39: {  	_ = 	snop;
	(pc) =	sbr.ind lr, $3  }
0x3a: {  	_ = 	snop  }
0x3b: {  	_ = 	snop  }
0x3c: {  	p2 =	seq.s32 s10, $0x1;
	s10 =	sld [smem:$0x3FB4]  }
0x3d: {  	_ =	shalt  }
0x3e: {  	_ =	shalt  }
0x3f: {  	_ =	shalt  }
0x40: {  	_ =	shalt  }
0x41: {  	_ =	shalt  }
0x42: {  	_ =	shalt  }
0x43: {  	_ =	shalt  }
0x44: {  	_ =	shalt  }
0x45: {  	_ =	shalt  }
0x46: {  	_ =	shalt  }
0x47: {  	_ =	shalt  }
0x48: {  	_ =	shalt  }
0x49: {  	_ =	shalt  }
0x4a: {  	_ =	shalt  }
0x4b: {  	_ =	shalt  }
0x4c: {  	_ =	shalt  }
0x4d: {  	_ =	shalt  }
0x4e: {  	_ =	shalt  }
0x4f: {  	_ =	shalt  }
0x50: {  	_ =	shalt  }
0x51: {  	_ =	shalt  }
0x52: {  	_ =	shalt  }
0x53: {  	_ =	shalt  }
0x54: {  	_ =	shalt  }
0x55: {  	_ =	shalt  }
0x56: {  	_ =	shalt  }
0x57: {  	_ =	shalt  }
0x58: {  	_ =	shalt  }
0x59: {  	_ =	shalt  }
0x5a: {  	_ =	shalt  }
0x5b: {  	_ =	shalt  }
0x5c: {  	_ =	shalt  }
0x5d: {  	_ =	shalt  }
0x5e: {  	_ =	shalt  }
0x5f: {  	_ =	shalt  }
0x60: {  	_ =	shalt  }
0x61: {  	_ =	shalt  }
0x62: {  	_ =	shalt  }
0x63: {  	_ =	shalt  }
0x64: {  	_ =	shalt  }
0x65: {  	_ =	shalt  }
0x66: {  	_ =	shalt  }
0x67: {  	_ =	shalt  }
0x68: {  	_ =	shalt  }
0x69: {  	_ =	shalt  }
0x6a: {  	_ =	shalt  }
0x6b: {  	_ =	shalt  }
0x6c: {  	_ =	shalt  }
0x6d: {  	_ =	shalt  }
0x6e: {  	_ =	shalt  }
0x6f: {  	_ =	shalt  }
0x70: {  	_ =	shalt  }
0x71: {  	_ =	shalt  }
0x72: {  	_ =	shalt  }
0x73: {  	_ =	shalt  }
0x74: {  	_ =	shalt  }
0x75: {  	_ =	shalt  }
0x76: {  	_ =	shalt  }
0x77: {  	_ =	shalt  }
0x78: {  	_ =	shalt  }
0x79: {  	_ =	shalt  }
0x7a: {  	_ =	shalt  }
0x7b: {  	_ =	shalt  }
0x7c: {  	_ =	shalt  }
0x7d: {  	_ =	shalt  }
0x7e: {  	_ =	shalt  }
0x7f: {  	_ =	shalt  }
0x80: {  	_ =	shalt  }
0x81: {  	_ =	shalt  }
0x82: {  	_ =	shalt  }
0x83: {  	_ =	shalt  }
0x84: {  	_ =	shalt  }
0x85: {  	_ =	shalt  }
0x86: {  	_ =	shalt  }
0x87: {  	_ =	shalt  }
.Lfunc_end0:
.L_simem_size_0:
called_computation_lowered:
.L_overlay_start_0:
0x88: {  	s2 =	sld [smem:$0x3FD9]  }
0x89: {  	s3 =	sld [smem:$0x3FFE];
	_ =	sdelay $0x1  }
0x8a: {  	s1 =	srdreg.scid  }
0x8b: {  	s0 =	sand.u32 $0x1, s1  }
0x8c: {  	s17 =	sshll.u32 s0, $0xA;
	s2 =	sadd.s32 s3, s2  }
0x8d: {  	s2 =	sadd.s32 s2, s17  }
0x8e: {  	[smem:$0x3FC0] =	sst s2  }
0x8f: {  	_ = 	snop  }
0x90: {  	s2 =	sld [smem:$0x3FD0];
	(tm) =	ssettm $0x1  }
0x91: {  	s18 =	sld [smem:$0x3FFB];
	_ =	sdelay $0x3  }
0x92: {  	_ =	strace s18  }
0x93: {  	s3 =	sld [smem:$0x3FFC];
	_ =	sdelay $0x3  }
0x94: {  	_ =	strace s3  }
0x95: {  	s3 =	sld [smem:$0x3FFD];
	_ =	sdelay $0x3  }
0x96: {  	_ =	strace s3  }
0x97: {  	_ =	strace $0x8FFFFFFF  }
0x98: {  	s19 =	sld [smem:$0x3FDB];
	_ =	sdelay $0x1  }
0x99: {  	s4 =	simm.s32 $_scs_section_size  }
0x9a: {  	s5 =	simm.s32 $_size__tile_overlayer_lowered;
	s6 =	simm.s32 $_tile_overlayer_lowered  }
0x9b: {  	s22 =	simm.s32 $0x1BFF;
	s21 =	sshll.u32 s6, $0x1;
	s3 =	sadd.s32 s4, s19  }
0x9c: {  	s7 =	simm.s32 $0x0;
	s20 =	sshll.u32 s5, $0x1;
	s5 =	sadd.s32 s21, s3  }
0x9d: {  	[timem:s7], [sflag:s22] =	dma.local [hbm:s5], s20  }
0x9e: {  	_ =	swait.ge [sflag:s22], s20  }
0x9f: {  	s4 =	ssub.s32 $0x0, s20;
	[sflag:s22] =	ssyncset.done $0x0  }
0xa0: {  	[sflag:s22] =	ssyncadd.s32 s4;
	_ =	sdelay $0x1  }
0xa1: {  	s23 =	simm.s32 $0x1B8B  }
0xa2: {  	_ =	swait.ge [sflag:s23], $0x1  }
0xa3: {  	[sflag:s23] =	ssyncset.done $0x0  }
0xa4: {  	s25 =	simm.s32 $0x1B8E;
	s24 =	sld [smem:$0x3FFE];
	[sflag:s23] =	ssyncadd.s32 $0xFFFFFFFF  }
0xa5: {  	s26 =	simm.s32 $execute0_lowered;
	[smem:$0x3FD2] =	sst s25  }
0xa6: {  	s5 =	sshll.u32 s26, $0x1;
	_ =	strace $0x80000046;
	[dreg:$0x1] =	wrdreg $0xFFFFFFFF  }
0xa7: {  	s28 =	simm.s32 $_size_execute0_lowered;
	s3 =	sadd.s32 s3, s5;
	[dreg:$0x0] =	wrdreg $0x0  }
0xa8: {  	s5 =	sshll.u32 s28, $0x1;
	[dreg:$0x2] =	wrdreg s3  }
0xa9: {  	[dreg:$0x3] =	wrdreg s5  }
0xaa: {  	[dreg:$0x4] =	wrdreg $0xC0  }
0xab: {  	_ =	task [dreg:s7], $0x5FFFF  }
0xac: {  	[dreg:$0x1] =	wrdreg $0xFFFFFFFF  }
0xad: {  	[dreg:$0x0] =	wrdreg $0x60  }
0xae: {  	[dreg:$0x2] =	wrdreg s24  }
0xaf: {  	[dreg:$0x3] =	wrdreg s2  }
0xb0: {  	[dreg:$0x4] =	wrdreg $0x0  }
0xb1: {  	[dreg:$0x5] =	wrdreg $0x27100  }
0xb2: {  	[dreg:$0x6] =	wrdreg $0x9  }
0xb3: {  	_ =	task.clear_ibuf [dreg:s7], $0x7FFFF;
	_ =	strace $0x90000046  }
0xb4: {  	s29 =	simm.s32 $0x9;
	_ =	strace $0x80000048  }
0xb5: {  	_ =	swait.ge [sflag:s29], $0x1  }
0xb6: {  	[sflag:s29] =	ssyncadd.s32 $0xFFFFFFFF  }
0xb7: {  	_ =	strace $0x90000048  }
0xb8: {  	_ =	sfence  }
0xb9: {  	s30 =	sld [smem:$0x0];
	_ =	sdelay $0x2  }
0xba: {  	s31 =	sshll.u32 s1, $0xD;
	s1 =	sshrl.u32 s1, $0x2  }
0xbb: {  	s3 =	sand.u32 $0x4000, s31;
	s1 =	sadd.s32 s1, s30  }
0xbc: {  	s0 =	sor.u32 s3, s0;
	s1 =	sshll.u32 s1, $0x11  }
0xbd: {  	s0 =	sor.u32 s1, s0  }
0xbe: {  	s0 =	sadd.s32 $0x8F2B, s0  }
0xbf: {  	[sflag:s0] =	ssyncadd.remote.s32 $0x1  }
0xc0: {  	_ =	sfence.sel $0xFFFF  }
0xc1: {  	[dreg:$0x0] =	wrdreg $0xFFFFFFFF;
	(pc) =	sbr.abs _section_cstart, $3  }
0xc2: {  	[dreg:$0x1] =	wrdreg $0xFFFFFFFF  }
0xc3: {  	_ =	task.clear_ibuf [dreg:s7], $0x2FFFF;
	_ =	strace $0x9FFFFFFF  }
0xc4: {  	(tm) =	ssettm $0x7FFFFFFF  }
0xc5: {  	_ =	shalt  }
tec
execute0_lowered:
.L_overlay_start_1:
0x0: {  	(tag) =	ssettag $0x1  }
0x1: {  	s0 =	rddreg [dreg:$0x0]  }
0x2: {  	s3 =	rddreg [dreg:$0x1]  }
0x3: {  	s1 =	rddreg [dreg:$0x2]  }
0x4: {  	s2 =	rddreg [dreg:$0x3];
	s4 =	simm.s32 $0x0;
	s25 =	srdreg.scid  }
0x5: {  	s13 =	stileid.u32;
	[smem:$0x7FF] =	sst s4;
	s5 =	sadd.s32 $0xDA00, s0  }
0x6: {  	s4 =	sand.u32 $0x1, s25;
	s6 =	sadd.s32 $0x3C00, s0;
	s0 =	sadd.s32 $0x17800, s0  }
0x7: {  	s11 =	sshll.u32 s13, $0x4;
	s16 =	smul.u32 $0x270, s13;
	p1 =	sne.s32 s13, $0xF  }
0x8: {  	_ =	strace $0x80000047;
	s7 =	sshll.u32 s4, $0x4;
	s21 =	smul.u32 $0x2710, s4  }
0x9: {  	s8 =	ssub.s32 $0x2, s4;
	s4 =	smul.u32 $0x27100, s4;
	s7 =	sor.u32 s13, s7  }
0xa: {  	s26 =	sor.u32 $0x9C00, s11;
	s9 =	sshrl.u32 s8, $0x1;
	s10 =	smul.u32 $0x4E0, s7  }
0xb: {  	s15 =	sadd.s32 s6, s26;
	s12 =	ssub.s32 s8, s9;
	s9 =	smul.u32 $0x2700, s13  }
0xc: {  	[dreg:$0x8] =	wrdreg s15;
	s4 =	sshrl.u32 s4, $0x3;
	p0 =	sgt.u32 s7, $0x3  }
0xd: {  	s13 =	simm.s32 $0x2;
	s4 =	sadd.s32 $0x4E00, s4;
	s14 =	sadd.s32 s5, s10  }
0xe: {  	s10 =	sadd.s32 s6, s10;
	s5 =	sadd.s32 s5, s26;
	[dreg:$0x5] =	wrdreg s14  }
0xf: {  	s17 =	sadd.s32 $0x300, s9;
	s19 =	sadd.s32 $0x600, s9;
	[dreg:$0x6] =	wrdreg s10  }
0x10: {  	s22 =	sadd.s32 $0x900, s9;
	[dreg:$0x7] =	wrdreg s5;
	s18 =	sadd.s32 s17, s1  }
0x11: {  	s23 =	sadd.s32 $0xC00, s9;
	s6 =	sadd.s32 s17, s2;
	[dreg:$0x9] =	wrdreg s18  }
0x12: {  	s15 =	sadd.s32 $0x1200, s9;
	s20 =	sadd.s32 s19, s1;
	[dreg:$0xa] =	wrdreg s6  }
0x13: {  	s24 =	sadd.s32 s22, s1;
	s8 =	sadd.s32 s22, s2;
	[dreg:$0xb] =	wrdreg s20  }
0x14: {  	s25 =	sadd.s32 s23, s1;
	s26 =	sadd.s32 s23, s2;
	[dreg:$0xd] =	wrdreg s24  }
0x15: {  	s5 =	sadd.s32 s16, s21;
	s10 =	sadd.s32 $0xF00, s9;
	[dreg:$0xe] =	wrdreg s8  }
0x16: {  	s14 =	sadd.s32 s3, s4;
	s21 =	sadd.s32 $0x1B00, s9;
	[dreg:$0xf] =	wrdreg s25  }
0x17: {  	s22 =	sadd.s32 $0x1E00, s9;
	s23 =	sadd.s32 $0x2100, s9;
	[dreg:$0x10] =	wrdreg s26  }
0x18: {  	s6 =	sadd.s32 s19, s2;
	s5 =	sshll.u32 s5, $0x1;
	[dreg:$0x14] =	wrdreg s14  }
0x19: {  	s16 =	sadd.s32 s10, s1;
	s17 =	sadd.s32 s10, s2;
	s18 =	sadd.s32 s15, s1  }
0x1a: {  	s24 =	sadd.s32 s15, s2;
	s19 =	sadd.s32 $0x1500, s9;
	s20 =	sadd.s32 $0x1800, s9  }
0x1b: {  	s30 =	sadd.s32 s21, s1;
	s31 =	sadd.s32 s21, s2;
	s7 =	sadd.s32 s23, s2  }
0x1c: {  	s10 =	smax.u32 s12, $0x1;
	s12 =	sadd.s32 $0x27000, s2;
	[dreg:$0xc] =	wrdreg s6  }
0x1d: {  	s14 =	simm.s32 $0xA520;
	s15 =	simm.s32 $0x80;
	[dreg:$0x15] =	wrdreg s16  }
0x1e: {  	s11 =	sadd.s32 s0, s5;
	s5 =	sadd.s32 s3, s5;
	[dreg:$0x16] =	wrdreg s17  }
0x1f: {  	s0 =	sadd.s32 s0, s4;
	[dreg:$0x17] =	wrdreg s18;
	s25 =	sadd.s32 s19, s1  }
0x20: {  	s26 =	sadd.s32 s19, s2;
	s28 =	sadd.s32 s20, s1;
	s29 =	sadd.s32 s20, s2  }
0x21: {  	s4 =	sadd.s32 s22, s2;
	s3 =	sadd.s32 s9, s1;
	[dreg:$0x11] =	wrdreg s11  }
0x22: {  	s6 =	sadd.s32 s23, s1;
	s16 =	simm.s32 $0x9D20;
	[dreg:$0x12] =	wrdreg s5  }
0x23: {  	s17 =	simm.s32 $0x1;
	s18 =	simm.s32 $0x0;
	[dreg:$0x13] =	wrdreg s0  }
0x24: {  	s0 =	sadd.s32 s22, s1;
	s5 =	sadd.s32 s9, s2;
	s9 =	sadd.s32 $0x2400, s9  }
0x25: {  	v0 =	vimm.f32 $1.000000000e+00;
	v1 =	vimm.f32 $0.0e+00;
	s11 =	sadd.s32 $0x27000, s1;
	s8 =	sadd.s32 s9, s1;
	s9 =	sadd.s32 s9, s2  }
.LBB2_1:
0x26: {  	s19 =	simm.s32 $0x0;
	s20 =	rddreg [dreg:$0x5];
	s21 =	simm.s32 $0x4E20  }
0x27: {  	[tilespmem:s21], [sflag:$0x2] =	stream.linear.gather [hbm4b:s20+s19], $0x2700, $0x38;
	[tilespmem:$0xA820] =	vst v63  }
0x28: {  	_ =	swait.ge [sflag:s13], $0x2700  }
0x29: {  	[sflag:s13] =	ssyncset.done $0x0  }
0x2a: {  	s23 =	simm.s32 $0x75A0;
	s22 =	rddreg [dreg:$0x6];
	[sflag:s13] =	ssyncadd.s32 $0xFFFFD900  }
0x2b: {  	[tilespmem:s23], [sflag:$0x2] =	stream.linear.gather [hbm4b:s22+s19], $0x2700, $0x38;
	[tilespmem:$0xA820] =	vst v63  }
0x2c: {  	_ =	swait.ge [sflag:s13], $0x2700  }
0x2d: {  	s20 =	simm.s32 @!p0 $0x7520;
	[sflag:s13] =	ssyncset.done $0x0  }
0x2e: {  	s19 =	simm.s32 @!p0 $0x0;
	s21 =	rddreg [dreg:$0x7];
	[sflag:s13] =	ssyncadd.s32 $0xFFFFD900  }
0x2f: {  	[tilespmem:s20], [sflag:$0x2] =	stream.linear.gather @!p0 [hbm4b:s21+s19], $0x80, $0x38;
	[tilespmem:$0xA820] =	vst v63  }
0x30: {  	s20 =	simm.s32 @!p0 $0x2  }
0x31: {  	_ =	swait.ge @!p0 [sflag:s20], $0x80  }
0x32: {  	[sflag:s20] =	ssyncset.done @!p0 $0x0  }
0x33: {  	s21 =	simm.s32 @!p0 $0x9CA0;
	s22 =	rddreg [dreg:$0x8];
	[sflag:s20] =	ssyncadd.s32 @!p0 $0xFFFFFF80  }
0x34: {  	[tilespmem:s21], [sflag:$0x2] =	stream.linear.gather @!p0 [hbm4b:s22+s19], $0x80, $0x38;
	[tilespmem:$0xA820] =	vst v63  }
0x35: {  	_ =	swait.ge @!p0 [sflag:s20], $0x80  }
0x36: {  	[sflag:s20] =	ssyncset.done @!p0 $0x0  }
0x37: {  	s19 =	simm.s32 $0x40;
	[sflag:s20] =	ssyncadd.s32 @!p0 $0xFFFFFF80;
	s20 =	simm.s32 $0x0  }
.LBB2_2:
0x38: {  	p2 =	sne.s32 s19, $0x1FC0;
	[tilespmem:s20+$0x9D20] =	vst v0;
	s20 =	smov.u32 s19;
	s19 =	sadd.s32 $0x40, s19  }
.Ltmp0:
0x39: {  	(pc) =	sbr.rel @p2 .LBB2_2-.Ltmp0, $2  }
0x3a: {  	_ =	sdelay $0x2  }
0x3b: {  	s20 =	sshra.s32 s20, $0x2  }
0x3c: {  	[tilespmem:s20+$0x9D20] =	vst v0  }
0x3d: {  	[tilespmem:$0xA520] =	vst v1  }
0x3e: {  	[tilespmem:$0xA530] =	vst v1  }
0x3f: {  	[tilespmem:$0xA540] =	vst v1  }
0x40: {  	[tilespmem:$0xA550] =	vst v1  }
0x41: {  	[tilespmem:$0xA560] =	vst v1  }
0x42: {  	[tilespmem:$0xA570] =	vst v1  }
0x43: {  	[tilespmem:$0xA580] =	vst v1  }
0x44: {  	[tilespmem:$0xA590] =	vst v1  }
0x45: {  	[tilespmem:$0xA5A0] =	vst v1  }
0x46: {  	[tilespmem:$0xA5B0] =	vst v1  }
0x47: {  	[tilespmem:$0xA5C0] =	vst v1  }
0x48: {  	[tilespmem:$0xA5D0] =	vst v1  }
0x49: {  	[tilespmem:$0xA5E0] =	vst v1  }
0x4a: {  	[tilespmem:$0xA5F0] =	vst v1  }
0x4b: {  	[tilespmem:$0xA600] =	vst v1  }
0x4c: {  	[tilespmem:$0xA610] =	vst v1  }
0x4d: {  	[tilespmem:$0xA620] =	vst v1  }
0x4e: {  	[tilespmem:$0xA630] =	vst v1  }
0x4f: {  	[tilespmem:$0xA640] =	vst v1  }
0x50: {  	[tilespmem:$0xA650] =	vst v1  }
0x51: {  	[tilespmem:$0xA660] =	vst v1  }
0x52: {  	[tilespmem:$0xA670] =	vst v1  }
0x53: {  	[tilespmem:$0xA680] =	vst v1  }
0x54: {  	[tilespmem:$0xA690] =	vst v1  }
0x55: {  	[tilespmem:$0xA6A0] =	vst v1  }
0x56: {  	[tilespmem:$0xA6B0] =	vst v1  }
0x57: {  	[tilespmem:$0xA6C0] =	vst v1  }
0x58: {  	[tilespmem:$0xA6D0] =	vst v1  }
0x59: {  	[tilespmem:$0xA6E0] =	vst v1  }
0x5a: {  	[tilespmem:$0xA6F0] =	vst v1  }
0x5b: {  	[tilespmem:$0xA700] =	vst v1  }
0x5c: {  	[tilespmem:$0xA710] =	vst v1  }
0x5d: {  	[tilespmem:$0xA720] =	vst v1  }
0x5e: {  	[tilespmem:$0xA730] =	vst v1  }
0x5f: {  	[tilespmem:$0xA740] =	vst v1  }
0x60: {  	[tilespmem:$0xA750] =	vst v1  }
0x61: {  	[tilespmem:$0xA760] =	vst v1  }
0x62: {  	[tilespmem:$0xA770] =	vst v1  }
0x63: {  	[tilespmem:$0xA780] =	vst v1  }
0x64: {  	[tilespmem:$0xA790] =	vst v1  }
0x65: {  	[tilespmem:$0xA7A0] =	vst v1  }
0x66: {  	[tilespmem:$0xA7B0] =	vst v1  }
0x67: {  	[tilespmem:$0xA7C0] =	vst v1  }
0x68: {  	[tilespmem:$0xA7D0] =	vst v1  }
0x69: {  	[tilespmem:$0xA7E0] =	vst v1  }
0x6a: {  	[tilespmem:$0xA7F0] =	vst v1  }
0x6b: {  	[tilespmem:$0xA800] =	vst v1  }
0x6c: {  	[tilespmem:$0xA810] =	vst v1  }
0x6d: {  	[spmem:s3] =	stream.linear.scatter [tilespmem:s14], [sflag:$0x2], $0x300, $0x38;
	[tilespmem:$0xA820] =	vst v63  }
0x6e: {  	_ =	swait.ge [sflag:s13], $0x300  }
0x6f: {  	[sflag:s13] =	ssyncset.done $0x0  }
0x70: {  	[sflag:s13] =	ssyncadd.s32 $0xFFFFFD00  }
0x71: {  	[spmem:s5] =	stream.linear.scatter [tilespmem:s14], [sflag:$0x2], $0x300, $0x38;
	[tilespmem:$0xA820] =	vst v63  }
0x72: {  	_ =	swait.ge [sflag:s13], $0x300  }
0x73: {  	[sflag:s13] =	ssyncset.done $0x0  }
0x74: {  	s19 =	rddreg [dreg:$0x9];
	[sflag:s13] =	ssyncadd.s32 $0xFFFFFD00  }
0x75: {  	[spmem:s19] =	stream.linear.scatter [tilespmem:s14], [sflag:$0x2], $0x300, $0x38;
	[tilespmem:$0xA820] =	vst v63  }
0x76: {  	_ =	swait.ge [sflag:s13], $0x300  }
0x77: {  	[sflag:s13] =	ssyncset.done $0x0  }
0x78: {  	s22 =	rddreg [dreg:$0xa];
	[sflag:s13] =	ssyncadd.s32 $0xFFFFFD00  }
0x79: {  	[spmem:s22] =	stream.linear.scatter [tilespmem:s14], [sflag:$0x2], $0x300, $0x38;
	[tilespmem:$0xA820] =	vst v63  }
0x7a: {  	_ =	swait.ge [sflag:s13], $0x300  }
0x7b: {  	[sflag:s13] =	ssyncset.done $0x0  }
0x7c: {  	s23 =	rddreg [dreg:$0xb];
	[sflag:s13] =	ssyncadd.s32 $0xFFFFFD00  }
0x7d: {  	[spmem:s23] =	stream.linear.scatter [tilespmem:s14], [sflag:$0x2], $0x300, $0x38;
	[tilespmem:$0xA820] =	vst v63  }
0x7e: {  	_ =	swait.ge [sflag:s13], $0x300  }
0x7f: {  	[sflag:s13] =	ssyncset.done $0x0  }
0x80: {  	s20 =	rddreg [dreg:$0xc];
	[sflag:s13] =	ssyncadd.s32 $0xFFFFFD00  }
0x81: {  	[spmem:s20] =	stream.linear.scatter [tilespmem:s14], [sflag:$0x2], $0x300, $0x38;
	[tilespmem:$0xA820] =	vst v63  }
0x82: {  	_ =	swait.ge [sflag:s13], $0x300  }
0x83: {  	[sflag:s13] =	ssyncset.done $0x0  }
0x84: {  	s21 =	rddreg [dreg:$0xd];
	[sflag:s13] =	ssyncadd.s32 $0xFFFFFD00  }
0x85: {  	[spmem:s21] =	stream.linear.scatter [tilespmem:s14], [sflag:$0x2], $0x300, $0x38;
	[tilespmem:$0xA820] =	vst v63  }
0x86: {  	_ =	swait.ge [sflag:s13], $0x300  }
0x87: {  	[sflag:s13] =	ssyncset.done $0x0  }
0x88: {  	s22 =	rddreg [dreg:$0xe];
	[sflag:s13] =	ssyncadd.s32 $0xFFFFFD00  }
0x89: {  	[spmem:s22] =	stream.linear.scatter [tilespmem:s14], [sflag:$0x2], $0x300, $0x38;
	[tilespmem:$0xA820] =	vst v63  }
0x8a: {  	_ =	swait.ge [sflag:s13], $0x300  }
0x8b: {  	[sflag:s13] =	ssyncset.done $0x0  }
0x8c: {  	s23 =	rddreg [dreg:$0xf];
	[sflag:s13] =	ssyncadd.s32 $0xFFFFFD00  }
0x8d: {  	[spmem:s23] =	stream.linear.scatter [tilespmem:s14], [sflag:$0x2], $0x300, $0x38;
	[tilespmem:$0xA820] =	vst v63  }
0x8e: {  	_ =	swait.ge [sflag:s13], $0x300  }
0x8f: {  	[sflag:s13] =	ssyncset.done $0x0  }
0x90: {  	s20 =	rddreg [dreg:$0x10];
	[sflag:s13] =	ssyncadd.s32 $0xFFFFFD00  }
0x91: {  	[spmem:s20] =	stream.linear.scatter [tilespmem:s14], [sflag:$0x2], $0x300, $0x38;
	[tilespmem:$0xA820] =	vst v63  }
0x92: {  	_ =	swait.ge [sflag:s13], $0x300  }
0x93: {  	[sflag:s13] =	ssyncset.done $0x0  }
0x94: {  	s21 =	rddreg [dreg:$0x15];
	[sflag:s13] =	ssyncadd.s32 $0xFFFFFD00  }
0x95: {  	[spmem:s21] =	stream.linear.scatter [tilespmem:s14], [sflag:$0x2], $0x300, $0x38;
	[tilespmem:$0xA820] =	vst v63  }
0x96: {  	_ =	swait.ge [sflag:s13], $0x300  }
0x97: {  	[sflag:s13] =	ssyncset.done $0x0  }
0x98: {  	s22 =	rddreg [dreg:$0x16];
	[sflag:s13] =	ssyncadd.s32 $0xFFFFFD00  }
0x99: {  	[spmem:s22] =	stream.linear.scatter [tilespmem:s14], [sflag:$0x2], $0x300, $0x38;
	[tilespmem:$0xA820] =	vst v63  }
0x9a: {  	_ =	swait.ge [sflag:s13], $0x300  }
0x9b: {  	[sflag:s13] =	ssyncset.done $0x0  }
0x9c: {  	s23 =	rddreg [dreg:$0x17];
	[sflag:s13] =	ssyncadd.s32 $0xFFFFFD00  }
0x9d: {  	[spmem:s23] =	stream.linear.scatter [tilespmem:s14], [sflag:$0x2], $0x300, $0x38;
	[tilespmem:$0xA820] =	vst v63  }
0x9e: {  	_ =	swait.ge [sflag:s13], $0x300  }
0x9f: {  	[sflag:s13] =	ssyncset.done $0x0  }
0xa0: {  	[sflag:s13] =	ssyncadd.s32 $0xFFFFFD00  }
0xa1: {  	[spmem:s24] =	stream.linear.scatter [tilespmem:s14], [sflag:$0x2], $0x300, $0x38;
	[tilespmem:$0xA820] =	vst v63  }
0xa2: {  	_ =	swait.ge [sflag:s13], $0x300  }
0xa3: {  	[sflag:s13] =	ssyncset.done $0x0  }
0xa4: {  	[sflag:s13] =	ssyncadd.s32 $0xFFFFFD00  }
0xa5: {  	[spmem:s25] =	stream.linear.scatter [tilespmem:s14], [sflag:$0x2], $0x300, $0x38;
	[tilespmem:$0xA820] =	vst v63  }
0xa6: {  	_ =	swait.ge [sflag:s13], $0x300  }
0xa7: {  	[sflag:s13] =	ssyncset.done $0x0  }
0xa8: {  	[sflag:s13] =	ssyncadd.s32 $0xFFFFFD00  }
0xa9: {  	[spmem:s26] =	stream.linear.scatter [tilespmem:s14], [sflag:$0x2], $0x300, $0x38;
	[tilespmem:$0xA820] =	vst v63  }
0xaa: {  	_ =	swait.ge [sflag:s13], $0x300  }
0xab: {  	[sflag:s13] =	ssyncset.done $0x0  }
0xac: {  	[sflag:s13] =	ssyncadd.s32 $0xFFFFFD00  }
0xad: {  	[spmem:s28] =	stream.linear.scatter [tilespmem:s14], [sflag:$0x2], $0x300, $0x38;
	[tilespmem:$0xA820] =	vst v63  }
0xae: {  	_ =	swait.ge [sflag:s13], $0x300  }
0xaf: {  	[sflag:s13] =	ssyncset.done $0x0  }
0xb0: {  	[sflag:s13] =	ssyncadd.s32 $0xFFFFFD00  }
0xb1: {  	[spmem:s29] =	stream.linear.scatter [tilespmem:s14], [sflag:$0x2], $0x300, $0x38;
	[tilespmem:$0xA820] =	vst v63  }
0xb2: {  	_ =	swait.ge [sflag:s13], $0x300  }
0xb3: {  	[sflag:s13] =	ssyncset.done $0x0  }
0xb4: {  	[sflag:s13] =	ssyncadd.s32 $0xFFFFFD00  }
0xb5: {  	[spmem:s30] =	stream.linear.scatter [tilespmem:s14], [sflag:$0x2], $0x300, $0x38;
	[tilespmem:$0xA820] =	vst v63  }
0xb6: {  	_ =	swait.ge [sflag:s13], $0x300  }
0xb7: {  	[sflag:s13] =	ssyncset.done $0x0  }
0xb8: {  	[sflag:s13] =	ssyncadd.s32 $0xFFFFFD00  }
0xb9: {  	[spmem:s31] =	stream.linear.scatter [tilespmem:s14], [sflag:$0x2], $0x300, $0x38;
	[tilespmem:$0xA820] =	vst v63  }
0xba: {  	_ =	swait.ge [sflag:s13], $0x300  }
0xbb: {  	[sflag:s13] =	ssyncset.done $0x0  }
0xbc: {  	[sflag:s13] =	ssyncadd.s32 $0xFFFFFD00  }
0xbd: {  	[spmem:s0] =	stream.linear.scatter [tilespmem:s14], [sflag:$0x2], $0x300, $0x38;
	[tilespmem:$0xA820] =	vst v63  }
0xbe: {  	_ =	swait.ge [sflag:s13], $0x300  }
0xbf: {  	[sflag:s13] =	ssyncset.done $0x0  }
0xc0: {  	[sflag:s13] =	ssyncadd.s32 $0xFFFFFD00  }
0xc1: {  	[spmem:s4] =	stream.linear.scatter [tilespmem:s14], [sflag:$0x2], $0x300, $0x38;
	[tilespmem:$0xA820] =	vst v63  }
0xc2: {  	_ =	swait.ge [sflag:s13], $0x300  }
0xc3: {  	[sflag:s13] =	ssyncset.done $0x0  }
0xc4: {  	[sflag:s13] =	ssyncadd.s32 $0xFFFFFD00  }
0xc5: {  	[spmem:s6] =	stream.linear.scatter [tilespmem:s14], [sflag:$0x2], $0x300, $0x38;
	[tilespmem:$0xA820] =	vst v63  }
0xc6: {  	_ =	swait.ge [sflag:s13], $0x300  }
0xc7: {  	[sflag:s13] =	ssyncset.done $0x0  }
0xc8: {  	[sflag:s13] =	ssyncadd.s32 $0xFFFFFD00  }
0xc9: {  	[spmem:s7] =	stream.linear.scatter [tilespmem:s14], [sflag:$0x2], $0x300, $0x38;
	[tilespmem:$0xA820] =	vst v63  }
0xca: {  	_ =	swait.ge [sflag:s13], $0x300  }
0xcb: {  	[sflag:s13] =	ssyncset.done $0x0  }
0xcc: {  	[sflag:s13] =	ssyncadd.s32 $0xFFFFFD00  }
0xcd: {  	[spmem:s8] =	stream.linear.scatter [tilespmem:s14], [sflag:$0x2], $0x300, $0x38;
	[tilespmem:$0xA820] =	vst v63  }
0xce: {  	_ =	swait.ge [sflag:s13], $0x300  }
0xcf: {  	[sflag:s13] =	ssyncset.done $0x0  }
0xd0: {  	[sflag:s13] =	ssyncadd.s32 $0xFFFFFD00  }
0xd1: {  	[spmem:s9] =	stream.linear.scatter [tilespmem:s14], [sflag:$0x2], $0x300, $0x38;
	[tilespmem:$0xA820] =	vst v63  }
0xd2: {  	_ =	swait.ge [sflag:s13], $0x300  }
0xd3: {  	[sflag:s13] =	ssyncset.done $0x0  }
0xd4: {  	s19 =	simm.s32 @!p1 $0xA520;
	s20 =	simm.s32 @!p1 $0x2;
	[sflag:s13] =	ssyncadd.s32 $0xFFFFFD00  }
0xd5: {  	[spmem:s11] =	stream.linear.scatter @!p1 [tilespmem:s19], [sflag:$0x2], $0x100, $0x38;
	[tilespmem:$0xA820] =	vst v63  }
0xd6: {  	_ =	swait.ge @!p1 [sflag:s20], $0x100  }
0xd7: {  	[sflag:s20] =	ssyncset.done @!p1 $0x0  }
0xd8: {  	[sflag:s20] =	ssyncadd.s32 @!p1 $0xFFFFFF00  }
0xd9: {  	[spmem:s12] =	stream.linear.scatter @!p1 [tilespmem:s19], [sflag:$0x2], $0x100, $0x38;
	[tilespmem:$0xA820] =	vst v63  }
0xda: {  	_ =	swait.ge @!p1 [sflag:s20], $0x100  }
0xdb: {  	[sflag:s20] =	ssyncset.done @!p1 $0x0  }
0xdc: {  	[sflag:s20] =	ssyncadd.s32 @!p1 $0xFFFFFF00  }
0xdd: {  	s20 =	simm.s32 $0x4E20;
	[bflag:$0x0] =	sbarrier.arrive $0xFFFF  }
0xde: {  	[spmem:s2] =	stream.indirect.scatter.add.f32 [tilespmem:s16], [sflag:$0x1], $0x10, s20, s15, $0xb8;
	[tilespmem:$0xA820] =	vst v63  }
0xdf: {  	s21 =	simm.s32 $0x75A0  }
0xe0: {  	[spmem:s1] =	stream.indirect.scatter.add.f32 [tilespmem:s16], [sflag:$0x1], $0x10, s21, s15, $0xb8;
	[tilespmem:$0xA820] =	vst v63  }
0xe1: {  	s22 =	simm.s32 $0x4EA0  }
0xe2: {  	[spmem:s2] =	stream.indirect.scatter.add.f32 [tilespmem:s16], [sflag:$0x1], $0x10, s22, s15, $0xb8;
	[tilespmem:$0xA820] =	vst v63  }
0xe3: {  	s23 =	simm.s32 $0x7620  }
0xe4: {  	[spmem:s1] =	stream.indirect.scatter.add.f32 [tilespmem:s16], [sflag:$0x1], $0x10, s23, s15, $0xb8;
	[tilespmem:$0xA820] =	vst v63  }
0xe5: {  	s20 =	simm.s32 $0x4F20  }
0xe6: {  	[spmem:s2] =	stream.indirect.scatter.add.f32 [tilespmem:s16], [sflag:$0x1], $0x10, s20, s15, $0xb8;
	[tilespmem:$0xA820] =	vst v63  }
0xe7: {  	s21 =	simm.s32 $0x76A0  }
0xe8: {  	[spmem:s1] =	stream.indirect.scatter.add.f32 [tilespmem:s16], [sflag:$0x1], $0x10, s21, s15, $0xb8;
	[tilespmem:$0xA820] =	vst v63  }
0xe9: {  	s22 =	simm.s32 $0x4FA0  }
0xea: {  	[spmem:s2] =	stream.indirect.scatter.add.f32 [tilespmem:s16], [sflag:$0x1], $0x10, s22, s15, $0xb8;
	[tilespmem:$0xA820] =	vst v63  }
0xeb: {  	s23 =	simm.s32 $0x7720  }
0xec: {  	[spmem:s1] =	stream.indirect.scatter.add.f32 [tilespmem:s16], [sflag:$0x1], $0x10, s23, s15, $0xb8;
	[tilespmem:$0xA820] =	vst v63  }
0xed: {  	s20 =	simm.s32 $0x5020  }
0xee: {  	[spmem:s2] =	stream.indirect.scatter.add.f32 [tilespmem:s16], [sflag:$0x1], $0x10, s20, s15, $0xb8;
	[tilespmem:$0xA820] =	vst v63  }
0xef: {  	s21 =	simm.s32 $0x77A0  }
0xf0: {  	[spmem:s1] =	stream.indirect.scatter.add.f32 [tilespmem:s16], [sflag:$0x1], $0x10, s21, s15, $0xb8;
	[tilespmem:$0xA820] =	vst v63  }
0xf1: {  	s22 =	simm.s32 $0x50A0  }
0xf2: {  	[spmem:s2] =	stream.indirect.scatter.add.f32 [tilespmem:s16], [sflag:$0x1], $0x10, s22, s15, $0xb8;
	[tilespmem:$0xA820] =	vst v63  }
0xf3: {  	s23 =	simm.s32 $0x7820  }
0xf4: {  	[spmem:s1] =	stream.indirect.scatter.add.f32 [tilespmem:s16], [sflag:$0x1], $0x10, s23, s15, $0xb8;
	[tilespmem:$0xA820] =	vst v63  }
0xf5: {  	_ =	swait.ge [sflag:s17], $0x800  }
0xf6: {  	[sflag:s17] =	ssyncset.done $0x0  }
0xf7: {  	[sflag:s17] =	ssyncadd.s32 $0xFFFFF800  }
0xf8: {  	_ =	swait.ge [sflag:s17], $0x800  }
0xf9: {  	[sflag:s17] =	ssyncset.done $0x0  }
0xfa: {  	[sflag:s17] =	ssyncadd.s32 $0xFFFFF800  }
0xfb: {  	_ =	swait.ge [sflag:s17], $0x800  }
0xfc: {  	[sflag:s17] =	ssyncset.done $0x0  }
0xfd: {  	[sflag:s17] =	ssyncadd.s32 $0xFFFFF800  }
0xfe: {  	_ =	swait.ge [sflag:s17], $0x800  }
0xff: {  	[sflag:s17] =	ssyncset.done $0x0  }
0x100: {  	[sflag:s17] =	ssyncadd.s32 $0xFFFFF800  }
0x101: {  	_ =	swait.ge [sflag:s17], $0x800  }
0x102: {  	[sflag:s17] =	ssyncset.done $0x0  }
0x103: {  	[sflag:s17] =	ssyncadd.s32 $0xFFFFF800  }
0x104: {  	_ =	swait.ge [sflag:s17], $0x800  }
0x105: {  	[sflag:s17] =	ssyncset.done $0x0  }
0x106: {  	[sflag:s17] =	ssyncadd.s32 $0xFFFFF800  }
0x107: {  	_ =	swait.ge [sflag:s17], $0x800  }
0x108: {  	[sflag:s17] =	ssyncset.done $0x0  }
0x109: {  	[sflag:s17] =	ssyncadd.s32 $0xFFFFF800  }
0x10a: {  	_ =	swait.ge [sflag:s17], $0x800  }
0x10b: {  	[sflag:s17] =	ssyncset.done $0x0  }
0x10c: {  	[sflag:s17] =	ssyncadd.s32 $0xFFFFF800  }
0x10d: {  	_ =	swait.ge [sflag:s17], $0x800  }
0x10e: {  	[sflag:s17] =	ssyncset.done $0x0  }
0x10f: {  	[sflag:s17] =	ssyncadd.s32 $0xFFFFF800  }
0x110: {  	_ =	swait.ge [sflag:s17], $0x800  }
0x111: {  	[sflag:s17] =	ssyncset.done $0x0  }
0x112: {  	[sflag:s17] =	ssyncadd.s32 $0xFFFFF800  }
0x113: {  	_ =	swait.ge [sflag:s17], $0x800  }
0x114: {  	[sflag:s17] =	ssyncset.done $0x0  }
0x115: {  	[sflag:s17] =	ssyncadd.s32 $0xFFFFF800  }
0x116: {  	_ =	swait.ge [sflag:s17], $0x800  }
0x117: {  	s19 =	simm.s32 $0x1800;
	s21 =	simm.s32 $0x300;
	[sflag:s17] =	ssyncset.done $0x0  }
.LBB2_4:
0x118: {  	s23 =	sadd.s32 $0x4E20, s21  }
0x119: {  	[sflag:s17] =	ssyncadd.s32 $0xFFFFF800;
	s20 =	smov.u32 s19;
	s22 =	sadd.s32 $0xC00, s19  }
0x11a: {  	[spmem:s2] =	stream.indirect.scatter.add.f32 [tilespmem:s16], [sflag:$0x1], $0x10, s23, s15, $0xb8;
	[tilespmem:$0xA820] =	vst v63  }
0x11b: {  	p2 =	sne.s32 s19, $0x9000;
	s19 =	sadd.s32 $0x75A0, s21  }
0x11c: {  	[spmem:s1] =	stream.indirect.scatter.add.f32 [tilespmem:s16], [sflag:$0x1], $0x10, s19, s15, $0xb8;
	[tilespmem:$0xA820] =	vst v63  }
0x11d: {  	s19 =	sadd.s32 $0x4EA0, s21  }
0x11e: {  	[spmem:s2] =	stream.indirect.scatter.add.f32 [tilespmem:s16], [sflag:$0x1], $0x10, s19, s15, $0xb8;
	[tilespmem:$0xA820] =	vst v63  }
0x11f: {  	s19 =	sadd.s32 $0x7620, s21  }
0x120: {  	[spmem:s1] =	stream.indirect.scatter.add.f32 [tilespmem:s16], [sflag:$0x1], $0x10, s19, s15, $0xb8;
	[tilespmem:$0xA820] =	vst v63  }
0x121: {  	s19 =	sadd.s32 $0x4F20, s21  }
0x122: {  	[spmem:s2] =	stream.indirect.scatter.add.f32 [tilespmem:s16], [sflag:$0x1], $0x10, s19, s15, $0xb8;
	[tilespmem:$0xA820] =	vst v63  }
0x123: {  	s19 =	sadd.s32 $0x76A0, s21  }
0x124: {  	[spmem:s1] =	stream.indirect.scatter.add.f32 [tilespmem:s16], [sflag:$0x1], $0x10, s19, s15, $0xb8;
	[tilespmem:$0xA820] =	vst v63  }
0x125: {  	s19 =	sadd.s32 $0x4FA0, s21  }
0x126: {  	[spmem:s2] =	stream.indirect.scatter.add.f32 [tilespmem:s16], [sflag:$0x1], $0x10, s19, s15, $0xb8;
	[tilespmem:$0xA820] =	vst v63  }
0x127: {  	s19 =	sadd.s32 $0x7720, s21  }
0x128: {  	[spmem:s1] =	stream.indirect.scatter.add.f32 [tilespmem:s16], [sflag:$0x1], $0x10, s19, s15, $0xb8;
	[tilespmem:$0xA820] =	vst v63  }
0x129: {  	s19 =	sadd.s32 $0x5020, s21  }
0x12a: {  	[spmem:s2] =	stream.indirect.scatter.add.f32 [tilespmem:s16], [sflag:$0x1], $0x10, s19, s15, $0xb8;
	[tilespmem:$0xA820] =	vst v63  }
0x12b: {  	s19 =	sadd.s32 $0x77A0, s21  }
0x12c: {  	[spmem:s1] =	stream.indirect.scatter.add.f32 [tilespmem:s16], [sflag:$0x1], $0x10, s19, s15, $0xb8;
	[tilespmem:$0xA820] =	vst v63  }
0x12d: {  	s19 =	sadd.s32 $0x50A0, s21  }
0x12e: {  	[spmem:s2] =	stream.indirect.scatter.add.f32 [tilespmem:s16], [sflag:$0x1], $0x10, s19, s15, $0xb8;
	[tilespmem:$0xA820] =	vst v63  }
0x12f: {  	s19 =	sadd.s32 $0x7820, s21  }
0x130: {  	[spmem:s1] =	stream.indirect.scatter.add.f32 [tilespmem:s16], [sflag:$0x1], $0x10, s19, s15, $0xb8;
	[tilespmem:$0xA820] =	vst v63  }
0x131: {  	_ =	swait.ge [sflag:s17], $0x800  }
0x132: {  	[sflag:s17] =	ssyncset.done $0x0  }
0x133: {  	[sflag:s17] =	ssyncadd.s32 $0xFFFFF800  }
0x134: {  	_ =	swait.ge [sflag:s17], $0x800  }
0x135: {  	[sflag:s17] =	ssyncset.done $0x0  }
0x136: {  	[sflag:s17] =	ssyncadd.s32 $0xFFFFF800  }
0x137: {  	_ =	swait.ge [sflag:s17], $0x800  }
0x138: {  	[sflag:s17] =	ssyncset.done $0x0  }
0x139: {  	[sflag:s17] =	ssyncadd.s32 $0xFFFFF800  }
0x13a: {  	_ =	swait.ge [sflag:s17], $0x800  }
0x13b: {  	[sflag:s17] =	ssyncset.done $0x0  }
0x13c: {  	[sflag:s17] =	ssyncadd.s32 $0xFFFFF800  }
0x13d: {  	_ =	swait.ge [sflag:s17], $0x800  }
0x13e: {  	[sflag:s17] =	ssyncset.done $0x0  }
0x13f: {  	[sflag:s17] =	ssyncadd.s32 $0xFFFFF800  }
0x140: {  	_ =	swait.ge [sflag:s17], $0x800  }
0x141: {  	[sflag:s17] =	ssyncset.done $0x0  }
0x142: {  	[sflag:s17] =	ssyncadd.s32 $0xFFFFF800  }
0x143: {  	_ =	swait.ge [sflag:s17], $0x800  }
0x144: {  	[sflag:s17] =	ssyncset.done $0x0  }
0x145: {  	[sflag:s17] =	ssyncadd.s32 $0xFFFFF800  }
0x146: {  	_ =	swait.ge [sflag:s17], $0x800  }
0x147: {  	[sflag:s17] =	ssyncset.done $0x0  }
0x148: {  	[sflag:s17] =	ssyncadd.s32 $0xFFFFF800  }
0x149: {  	_ =	swait.ge [sflag:s17], $0x800  }
0x14a: {  	[sflag:s17] =	ssyncset.done $0x0  }
0x14b: {  	[sflag:s17] =	ssyncadd.s32 $0xFFFFF800  }
0x14c: {  	_ =	swait.ge [sflag:s17], $0x800  }
0x14d: {  	[sflag:s17] =	ssyncset.done $0x0  }
0x14e: {  	[sflag:s17] =	ssyncadd.s32 $0xFFFFF800  }
.Ltmp1:
0x14f: {  	_ =	swait.ge [sflag:s17], $0x800;
	(pc) =	sbr.rel @p2 .LBB2_4-.Ltmp1, $4  }
0x150: {  	[sflag:s17] =	ssyncset.done $0x0  }
0x151: {  	[sflag:s17] =	ssyncadd.s32 $0xFFFFF800  }
0x152: {  	_ =	swait.ge [sflag:s17], $0x800  }
0x153: {  	s21 =	sshra.s32 s20, $0x2;
	s19 =	smov.u32 s22;
	[sflag:s17] =	ssyncset.done $0x0  }
0x154: {  	s19 =	sadd.s32 $0x4E20, s21;
	[sflag:s17] =	ssyncadd.s32 $0xFFFFF800  }
0x155: {  	[spmem:s2] =	stream.indirect.scatter.add.f32 [tilespmem:s16], [sflag:$0x1], $0x10, s19, s15, $0xb8;
	[tilespmem:$0xA820] =	vst v63  }
0x156: {  	s23 =	sadd.s32 $0x75A0, s21  }
0x157: {  	[spmem:s1] =	stream.indirect.scatter.add.f32 [tilespmem:s16], [sflag:$0x1], $0x10, s23, s15, $0xb8;
	[tilespmem:$0xA820] =	vst v63  }
0x158: {  	s20 =	sadd.s32 $0x4EA0, s21  }
0x159: {  	[spmem:s2] =	stream.indirect.scatter.add.f32 [tilespmem:s16], [sflag:$0x1], $0x10, s20, s15, $0xb8;
	[tilespmem:$0xA820] =	vst v63  }
0x15a: {  	s22 =	sadd.s32 $0x7620, s21  }
0x15b: {  	[spmem:s1] =	stream.indirect.scatter.add.f32 [tilespmem:s16], [sflag:$0x1], $0x10, s22, s15, $0xb8;
	[tilespmem:$0xA820] =	vst v63  }
0x15c: {  	s23 =	sadd.s32 $0x4F20, s21  }
0x15d: {  	[spmem:s2] =	stream.indirect.scatter.add.f32 [tilespmem:s16], [sflag:$0x1], $0x10, s23, s15, $0xb8;
	[tilespmem:$0xA820] =	vst v63  }
0x15e: {  	s20 =	sadd.s32 $0x76A0, s21  }
0x15f: {  	[spmem:s1] =	stream.indirect.scatter.add.f32 [tilespmem:s16], [sflag:$0x1], $0x10, s20, s15, $0xb8;
	[tilespmem:$0xA820] =	vst v63  }
0x160: {  	s22 =	sadd.s32 $0x4FA0, s21  }
0x161: {  	[spmem:s2] =	stream.indirect.scatter.add.f32 [tilespmem:s16], [sflag:$0x1], $0x10, s22, s15, $0xb8;
	[tilespmem:$0xA820] =	vst v63  }
0x162: {  	s23 =	sadd.s32 $0x7720, s21  }
0x163: {  	[spmem:s1] =	stream.indirect.scatter.add.f32 [tilespmem:s16], [sflag:$0x1], $0x10, s23, s15, $0xb8;
	[tilespmem:$0xA820] =	vst v63  }
0x164: {  	s20 =	sadd.s32 $0x5020, s21  }
0x165: {  	[spmem:s2] =	stream.indirect.scatter.add.f32 [tilespmem:s16], [sflag:$0x1], $0x10, s20, s15, $0xb8;
	[tilespmem:$0xA820] =	vst v63  }
0x166: {  	s22 =	sadd.s32 $0x77A0, s21  }
0x167: {  	[spmem:s1] =	stream.indirect.scatter.add.f32 [tilespmem:s16], [sflag:$0x1], $0x10, s22, s15, $0xb8;
	[tilespmem:$0xA820] =	vst v63  }
0x168: {  	s23 =	sadd.s32 $0x50A0, s21  }
0x169: {  	[spmem:s2] =	stream.indirect.scatter.add.f32 [tilespmem:s16], [sflag:$0x1], $0x10, s23, s15, $0xb8;
	[tilespmem:$0xA820] =	vst v63  }
0x16a: {  	s20 =	sadd.s32 $0x7820, s21  }
0x16b: {  	[spmem:s1] =	stream.indirect.scatter.add.f32 [tilespmem:s16], [sflag:$0x1], $0x10, s20, s15, $0xb8;
	[tilespmem:$0xA820] =	vst v63  }
0x16c: {  	_ =	swait.ge [sflag:s17], $0x800  }
0x16d: {  	[sflag:s17] =	ssyncset.done $0x0  }
0x16e: {  	[sflag:s17] =	ssyncadd.s32 $0xFFFFF800  }
0x16f: {  	_ =	swait.ge [sflag:s17], $0x800  }
0x170: {  	[sflag:s17] =	ssyncset.done $0x0  }
0x171: {  	[sflag:s17] =	ssyncadd.s32 $0xFFFFF800  }
0x172: {  	_ =	swait.ge [sflag:s17], $0x800  }
0x173: {  	[sflag:s17] =	ssyncset.done $0x0  }
0x174: {  	[sflag:s17] =	ssyncadd.s32 $0xFFFFF800  }
0x175: {  	_ =	swait.ge [sflag:s17], $0x800  }
0x176: {  	[sflag:s17] =	ssyncset.done $0x0  }
0x177: {  	[sflag:s17] =	ssyncadd.s32 $0xFFFFF800  }
0x178: {  	_ =	swait.ge [sflag:s17], $0x800  }
0x179: {  	[sflag:s17] =	ssyncset.done $0x0  }
0x17a: {  	[sflag:s17] =	ssyncadd.s32 $0xFFFFF800  }
0x17b: {  	_ =	swait.ge [sflag:s17], $0x800  }
0x17c: {  	[sflag:s17] =	ssyncset.done $0x0  }
0x17d: {  	[sflag:s17] =	ssyncadd.s32 $0xFFFFF800  }
0x17e: {  	_ =	swait.ge [sflag:s17], $0x800  }
0x17f: {  	[sflag:s17] =	ssyncset.done $0x0  }
0x180: {  	[sflag:s17] =	ssyncadd.s32 $0xFFFFF800  }
0x181: {  	_ =	swait.ge [sflag:s17], $0x800  }
0x182: {  	[sflag:s17] =	ssyncset.done $0x0  }
0x183: {  	[sflag:s17] =	ssyncadd.s32 $0xFFFFF800  }
0x184: {  	_ =	swait.ge [sflag:s17], $0x800  }
0x185: {  	[sflag:s17] =	ssyncset.done $0x0  }
0x186: {  	[sflag:s17] =	ssyncadd.s32 $0xFFFFF800  }
0x187: {  	_ =	swait.ge [sflag:s17], $0x800  }
0x188: {  	[sflag:s17] =	ssyncset.done $0x0  }
0x189: {  	[sflag:s17] =	ssyncadd.s32 $0xFFFFF800  }
0x18a: {  	_ =	swait.ge [sflag:s17], $0x800  }
0x18b: {  	[sflag:s17] =	ssyncset.done $0x0  }
0x18c: {  	[sflag:s17] =	ssyncadd.s32 $0xFFFFF800  }
0x18d: {  	_ =	swait.ge [sflag:s17], $0x800  }
0x18e: {  	s19 =	simm.s32 @!p0 $0x80;
	[sflag:s17] =	ssyncset.done $0x0  }
0x18f: {  	s21 =	simm.s32 @!p0 $0x9D20;
	s20 =	simm.s32 @!p0 $0x7520;
	[sflag:s17] =	ssyncadd.s32 $0xFFFFF800  }
0x190: {  	[spmem:s2] =	stream.indirect.scatter.add.f32 @!p0 [tilespmem:s21], [sflag:$0x2], $0x10, s20, s19, $0xb8;
	[tilespmem:$0xA820] =	vst v63  }
0x191: {  	s20 =	simm.s32 @!p0 $0x2  }
0x192: {  	_ =	swait.ge @!p0 [sflag:s20], $0x800  }
0x193: {  	[sflag:s20] =	ssyncset.done @!p0 $0x0  }
0x194: {  	s22 =	simm.s32 @!p0 $0x9CA0;
	[sflag:s20] =	ssyncadd.s32 @!p0 $0xFFFFF800  }
0x195: {  	[spmem:s1] =	stream.indirect.scatter.add.f32 @!p0 [tilespmem:s21], [sflag:$0x2], $0x10, s22, s19, $0xb8;
	[tilespmem:$0xA820] =	vst v63  }
0x196: {  	_ =	swait.ge @!p0 [sflag:s20], $0x800  }
0x197: {  	[sflag:s20] =	ssyncset.done @!p0 $0x0  }
0x198: {  	s21 =	stileid.u32;
	[sflag:s20] =	ssyncadd.s32 @!p0 $0xFFFFF800  }
0x199: {  	s19 =	sshll.u32 s21, $0x6;
	[bflag:$0x0] =	sbarrier.arrive $0xFFFF  }
0x19a: {  	s22 =	sshrl.u32 s3, $0x3;
	s19 =	sor.u32 $0x1C02, s19;
	s23 =	rddreg [dreg:$0x11]  }
0x19b: {  	[hbm:s23], [sflag:s19] =	dma.local [spmem:s22], $0x4E0  }
0x19c: {  	_ =	swait.ge [sflag:s13], $0x4E0  }
0x19d: {  	[sflag:s13] =	ssyncset.done $0x0  }
0x19e: {  	s22 =	sshrl.u32 s5, $0x3;
	s23 =	rddreg [dreg:$0x12];
	[sflag:s13] =	ssyncadd.s32 $0xFFFFFB20  }
0x19f: {  	[hbm:s23], [sflag:s19] =	dma.local [spmem:s22], $0x4E0  }
0x1a0: {  	_ =	swait.ge [sflag:s13], $0x4E0  }
0x1a1: {  	[sflag:s13] =	ssyncset.done $0x0  }
0x1a2: {  	s20 =	sshrl.u32 @!p1 s11, $0x3;
	s21 =	rddreg [dreg:$0x13];
	[sflag:s13] =	ssyncadd.s32 $0xFFFFFB20  }
0x1a3: {  	[hbm:s21], [sflag:s19] =	dma.local @!p1 [spmem:s20], $0x20  }
0x1a4: {  	s20 =	simm.s32 @!p1 $0x2  }
0x1a5: {  	s18 =	sadd.s32 $0x1, s18;
	_ =	swait.ge @!p1 [sflag:s20], $0x20  }
0x1a6: {  	p2 =	sne.s32 s18, s10;
	s21 =	sshrl.u32 @!p1 s12, $0x3;
	[sflag:s20] =	ssyncset.done @!p1 $0x0  }
.Ltmp2:
0x1a7: {  	s22 =	rddreg [dreg:$0x14];
	[sflag:s20] =	ssyncadd.s32 @!p1 $0xFFFFFFE0;
	(pc) =	sbr.rel @p2 .LBB2_1-.Ltmp2, $4  }
0x1a8: {  	[hbm:s22], [sflag:s19] =	dma.local @!p1 [spmem:s21], $0x20  }
0x1a9: {  	_ =	swait.ge @!p1 [sflag:s20], $0x20  }
0x1aa: {  	[sflag:s20] =	ssyncset.done @!p1 $0x0  }
0x1ab: {  	[sflag:s20] =	ssyncadd.s32 @!p1 $0xFFFFFFE0  }
0x1ac: {  	_ =	sfence.sel $0x180000  }
0x1ad: {  	[bflag:$0x0] =	sbarrier.arrive $0xFFFF  }
0x1ae: {  	_ =	strace $0x90000047  }
0x1af: {  	s0 =	stileid.u32;
	[bflag:$0x2] =	sbarrier.arrive $0xFFFF  }
0x1b0: {  	p0 =	sne.s32 s0, $0x0;
	s0 =	rddreg [dreg:$0x4]  }
0x1b1: {  	s0 =	sadd.s32 @!p0 $0x100000, s0  }
0x1b2: {  	[sflag:s0] =	ssyncadd.tile.s32 @!p0 $0x1;
	_ =	shalt  }
.Lfunc_end2:
_tile_overlayer_lowered:
.L_overlay_start_2:
0x1b3: {  	(tag) =	ssettag $0x2  }
0x1b4: {  	s0 =	rddreg [dreg:$0x0];
	s2 =	stileid.u32  }
0x1b5: {  	s1 =	rddreg [dreg:$0x1];
	p0 =	sne.s32 s2, $0x0  }
0x1b6: {  	s3 =	rddreg [dreg:$0x2];
	[bflag:$0x3] =	sbarrier.arrive $0xFFFF;
	s2 =	simm.s32 @!p0 $0x1C02  }
0x1b7: {  	[timem:s3], [sflag:s2] =	dma.local @!p0 [hbm:s0], s1  }
0x1b8: {  	s0 =	simm.s32 @!p0 $0x2  }
0x1b9: {  	_ =	swait.ge @!p0 [sflag:s0], s1  }
0x1ba: {  	s1 =	ssub.s32 @!p0 $0x0, s1;
	[sflag:s0] =	ssyncset.done @!p0 $0x0  }
0x1bb: {  	[sflag:s0] =	ssyncadd.s32 @!p0 s1  }
0x1bc: {  	[bflag:$0x3] =	sbarrier.arrive $0xFFFF  }
0x1bd: {  	_ =	shalt  }

// kernel: kernel.13.cloned.1.call-start
scs
__scs_entry_jumppad:
0x0: {  	(pc) =	sbr.rel $0x88, $3  }
0x1: {  	(tag) =	ssettag $0x0;
	lr =	simm.s32 $0x1  }
0x2: {  	[smem:$0x3F99] =	sst lr;
	_ =	strace $0xD0000000  }
0x3: {  	_ = 	snop  }
0x4: {  	_ = 	snop  }
0x5: {  	_ = 	snop  }
0x6: {  	_ = 	snop  }
0x7: {  	_ = 	snop  }
__scs_overlays_trampoline_lowered:
0x8: {  	[smem:$0x3FA8] =	sst s0  }
0x9: {  	[smem:$0x3FA9] =	sst s1  }
0xa: {  	[smem:$0x3FAA] =	sst s2  }
0xb: {  	[smem:$0x3FAB] =	sst s3  }
0xc: {  	[smem:$0x3FAC] =	sst s4  }
0xd: {  	[smem:$0x3FAD] =	sst s5  }
0xe: {  	[smem:$0x3FAE] =	sst s6  }
0xf: {  	[smem:$0x3FAF] =	sst s7  }
0x10: {  	[smem:$0x3FB0] =	sst s8  }
0x11: {  	[smem:$0x3FB1] =	sst s9;
	s0 =	simm.s32 @!p0 $0x0  }
0x12: {  	s1 =	sld [smem:$0x3F97];
	s0 =	simm.s32 @p0 $0x1  }
0x13: {  	[smem:$0x3FB2] =	sst s0;
	s0 =	simm.s32 @!p1 $0x0  }
0x14: {  	s2 =	sld [smem:$0x3F96];
	s0 =	simm.s32 @p1 $0x1  }
0x15: {  	[smem:$0x3FB3] =	sst s0;
	s0 =	simm.s32 @!p2 $0x0  }
0x16: {  	s3 =	sld [smem:$0x3FDB];
	s0 =	simm.s32 @p2 $0x1  }
0x17: {  	s4 =	simm.s32 $0x1BF5;
	[smem:$0x3FB5] =	sst s0  }
0x18: {  	s0 =	sld [smem:$0x3F98];
	_ =	swait.ge [sflag:s4], $0x0  }
0x19: {  	s7 =	sld [smem:$0x3F99]  }
0x1a: {  	s8 =	sadd.s32 $0xFFFFE003, lr  }
0x1b: {  	s9 =	sadd.s32 $0xFFFFFEF7, lr;
	s5 =	simm.s32 $0xFFFFFFFF;
	p2 =	slt.u32 s8, $0xFFFFF086  }
0x1c: {  	p1 =	slt.u32 s9, $0xF7A;
	s5 =	simm.s32 @!p2 $0x0  }
0x1d: {  	s5 =	simm.s32 @p1 $0x1;
	p0 =	seq.s32 s7, s2  }
0x1e: {  	s7 =	smul.u32 @!p0 $0xF7A, s2;
	p2 =	seq.s32 @!p0 s5, $0x0  }
0x1f: {  	s9 =	smul.u32 $0xF7A, s1;
	s8 =	simm.s32 @!p0 $0x1BF5;
	p2 =	por !p2, p0  }
0x20: {  	[sflag:s8] =	ssyncset.s32 @!p0 $0xFFFFF086;
	s6 =	sadd.s32 @!p0 s3, s7;
	s7 =	simm.s32 @!p0 $0x108  }
0x21: {  	s3 =	sadd.s32 s3, s9;
	s6 =	sadd.s32 @!p0 $0x88, s6;
	s7 =	simm.s32 @p2 $0x1082  }
0x22: {  	[simem:s7], [sflag:s8] =	dma.local @!p0 [hbm:s6], $0xF7A  }
0x23: {  	s9 =	sor.u32 $0xD0000000, s2;
	s6 =	simm.s32 $0x108;
	_ =	swait.ge @!p0 [sflag:s8], $0x0  }
0x24: {  	s3 =	sadd.s32 $0x88, s3;
	s6 =	simm.s32 @!p1 $0x1082;
	[sflag:s4] =	ssyncset.s32 $0xFFFFF086  }
0x25: {  	[simem:s6], [sflag:s4] =	dma.local [hbm:s3], $0xF7A  }
0x26: {  	[smem:$0x3F99] =	sst s1;
	(tag) =	ssettag s2;
	_ =	strace s9  }
0x27: {  	s1 =	sld [smem:$0x3FA9]  }
0x28: {  	s2 =	sld [smem:$0x3FAA]  }
0x29: {  	s4 =	sld [smem:$0x3FAC]  }
0x2a: {  	p0 =	seq.s32 s5, $0x0;
	s5 =	sld [smem:$0x3FAD]  }
0x2b: {  	s6 =	sld [smem:$0x3FAE]  }
0x2c: {  	s7 =	sld [smem:$0x3FAF]  }
0x2d: {  	s3 =	simm.s32 $0x108;
	s8 =	sld [smem:$0x3FB0]  }
0x2e: {  	s3 =	simm.s32 @!p0 $0x1082;
	s9 =	sld [smem:$0x3FB1]  }
0x2f: {  	lr =	sadd.s32 s0, s3;
	s0 =	sld [smem:$0x3FA8]  }
0x30: {  	s3 =	sld [smem:$0x3FAB]  }
0x31: {  	[smem:$0x3FB4] =	sst s10  }
0x32: {  	s10 =	sld [smem:$0x3FB2];
	_ =	sdelay $0x3  }
0x33: {  	p0 =	seq.s32 s10, $0x1;
	s10 =	sld [smem:$0x3FB4];
	_ =	sdelay $0x3  }
0x34: {  	[smem:$0x3FB4] =	sst s10  }
0x35: {  	s10 =	sld [smem:$0x3FB3];
	_ =	sdelay $0x3  }
0x36: {  	p1 =	seq.s32 s10, $0x1;
	s10 =	sld [smem:$0x3FB4];
	_ =	sdelay $0x3  }
0x37: {  	[smem:$0x3FB4] =	sst s10  }
0x38: {  	s10 =	sld [smem:$0x3FB5]  }
0x39: {  	_ = 	snop;
	(pc) =	sbr.ind lr, $3  }
0x3a: {  	_ = 	snop  }
0x3b: {  	_ = 	snop  }
0x3c: {  	p2 =	seq.s32 s10, $0x1;
	s10 =	sld [smem:$0x3FB4]  }
0x3d: {  	_ =	shalt  }
0x3e: {  	_ =	shalt  }
0x3f: {  	_ =	shalt  }
0x40: {  	_ =	shalt  }
0x41: {  	_ =	shalt  }
0x42: {  	_ =	shalt  }
0x43: {  	_ =	shalt  }
0x44: {  	_ =	shalt  }
0x45: {  	_ =	shalt  }
0x46: {  	_ =	shalt  }
0x47: {  	_ =	shalt  }
0x48: {  	_ =	shalt  }
0x49: {  	_ =	shalt  }
0x4a: {  	_ =	shalt  }
0x4b: {  	_ =	shalt  }
0x4c: {  	_ =	shalt  }
0x4d: {  	_ =	shalt  }
0x4e: {  	_ =	shalt  }
0x4f: {  	_ =	shalt  }
0x50: {  	_ =	shalt  }
0x51: {  	_ =	shalt  }
0x52: {  	_ =	shalt  }
0x53: {  	_ =	shalt  }
0x54: {  	_ =	shalt  }
0x55: {  	_ =	shalt  }
0x56: {  	_ =	shalt  }
0x57: {  	_ =	shalt  }
0x58: {  	_ =	shalt  }
0x59: {  	_ =	shalt  }
0x5a: {  	_ =	shalt  }
0x5b: {  	_ =	shalt  }
0x5c: {  	_ =	shalt  }
0x5d: {  	_ =	shalt  }
0x5e: {  	_ =	shalt  }
0x5f: {  	_ =	shalt  }
0x60: {  	_ =	shalt  }
0x61: {  	_ =	shalt  }
0x62: {  	_ =	shalt  }
0x63: {  	_ =	shalt  }
0x64: {  	_ =	shalt  }
0x65: {  	_ =	shalt  }
0x66: {  	_ =	shalt  }
0x67: {  	_ =	shalt  }
0x68: {  	_ =	shalt  }
0x69: {  	_ =	shalt  }
0x6a: {  	_ =	shalt  }
0x6b: {  	_ =	shalt  }
0x6c: {  	_ =	shalt  }
0x6d: {  	_ =	shalt  }
0x6e: {  	_ =	shalt  }
0x6f: {  	_ =	shalt  }
0x70: {  	_ =	shalt  }
0x71: {  	_ =	shalt  }
0x72: {  	_ =	shalt  }
0x73: {  	_ =	shalt  }
0x74: {  	_ =	shalt  }
0x75: {  	_ =	shalt  }
0x76: {  	_ =	shalt  }
0x77: {  	_ =	shalt  }
0x78: {  	_ =	shalt  }
0x79: {  	_ =	shalt  }
0x7a: {  	_ =	shalt  }
0x7b: {  	_ =	shalt  }
0x7c: {  	_ =	shalt  }
0x7d: {  	_ =	shalt  }
0x7e: {  	_ =	shalt  }
0x7f: {  	_ =	shalt  }
0x80: {  	_ =	shalt  }
0x81: {  	_ =	shalt  }
0x82: {  	_ =	shalt  }
0x83: {  	_ =	shalt  }
0x84: {  	_ =	shalt  }
0x85: {  	_ =	shalt  }
0x86: {  	_ =	shalt  }
0x87: {  	_ =	shalt  }
.Lfunc_end0:
.L_simem_size_0:
called_computation.1_lowered:
.L_overlay_start_0:
0x88: {  	s2 =	sld [smem:$0x3FD9]  }
0x89: {  	s3 =	sld [smem:$0x3FFE];
	_ =	sdelay $0x1  }
0x8a: {  	s1 =	srdreg.scid  }
0x8b: {  	s0 =	sand.u32 $0x1, s1  }
0x8c: {  	s17 =	sshll.u32 s0, $0xA;
	s2 =	sadd.s32 s3, s2  }
0x8d: {  	s2 =	sadd.s32 s2, s17  }
0x8e: {  	[smem:$0x3FC0] =	sst s2  }
0x8f: {  	_ = 	snop  }
0x90: {  	s2 =	sld [smem:$0x3FD0];
	(tm) =	ssettm $0x1  }
0x91: {  	s18 =	sld [smem:$0x3FFB];
	_ =	sdelay $0x3  }
0x92: {  	_ =	strace s18  }
0x93: {  	s3 =	sld [smem:$0x3FFC];
	_ =	sdelay $0x3  }
0x94: {  	_ =	strace s3  }
0x95: {  	s3 =	sld [smem:$0x3FFD];
	_ =	sdelay $0x3  }
0x96: {  	_ =	strace s3  }
0x97: {  	_ =	strace $0x8FFFFFFF  }
0x98: {  	s19 =	sld [smem:$0x3FDB];
	_ =	sdelay $0x1  }
0x99: {  	s4 =	simm.s32 $_scs_section_size  }
0x9a: {  	s5 =	simm.s32 $_size__tile_overlayer_lowered;
	s6 =	simm.s32 $_tile_overlayer_lowered  }
0x9b: {  	s22 =	simm.s32 $0x1BFF;
	s21 =	sshll.u32 s6, $0x1;
	s3 =	sadd.s32 s4, s19  }
0x9c: {  	s7 =	simm.s32 $0x0;
	s20 =	sshll.u32 s5, $0x1;
	s5 =	sadd.s32 s21, s3  }
0x9d: {  	[timem:s7], [sflag:s22] =	dma.local [hbm:s5], s20  }
0x9e: {  	_ =	swait.ge [sflag:s22], s20  }
0x9f: {  	s4 =	ssub.s32 $0x0, s20;
	[sflag:s22] =	ssyncset.done $0x0  }
0xa0: {  	[sflag:s22] =	ssyncadd.s32 s4;
	_ =	sdelay $0x1  }
0xa1: {  	s23 =	simm.s32 $0x1B8B  }
0xa2: {  	_ =	swait.ge [sflag:s23], $0x1  }
0xa3: {  	[sflag:s23] =	ssyncset.done $0x0  }
0xa4: {  	s25 =	simm.s32 $0x1B8E;
	s24 =	sld [smem:$0x3FFE];
	[sflag:s23] =	ssyncadd.s32 $0xFFFFFFFF  }
0xa5: {  	s26 =	simm.s32 $execute0_lowered;
	[smem:$0x3FD2] =	sst s25  }
0xa6: {  	s5 =	sshll.u32 s26, $0x1;
	_ =	strace $0x80000049;
	[dreg:$0x1] =	wrdreg $0xFFFFFFFF  }
0xa7: {  	s28 =	simm.s32 $_size_execute0_lowered;
	s3 =	sadd.s32 s3, s5;
	[dreg:$0x0] =	wrdreg $0x0  }
0xa8: {  	s5 =	sshll.u32 s28, $0x1;
	[dreg:$0x2] =	wrdreg s3  }
0xa9: {  	[dreg:$0x3] =	wrdreg s5  }
0xaa: {  	[dreg:$0x4] =	wrdreg $0xC0  }
0xab: {  	_ =	task [dreg:s7], $0x5FFFF  }
0xac: {  	[dreg:$0x1] =	wrdreg $0xFFFFFFFF  }
0xad: {  	[dreg:$0x0] =	wrdreg $0x60  }
0xae: {  	[dreg:$0x2] =	wrdreg s2  }
0xaf: {  	[dreg:$0x3] =	wrdreg s24  }
0xb0: {  	[dreg:$0x4] =	wrdreg $0x0  }
0xb1: {  	[dreg:$0x5] =	wrdreg $0x9  }
0xb2: {  	_ =	task.clear_ibuf [dreg:s7], $0x6FFFF;
	_ =	strace $0x90000049  }
0xb3: {  	s29 =	simm.s32 $0x9;
	_ =	strace $0x8000004B  }
0xb4: {  	_ =	swait.ge [sflag:s29], $0x1  }
0xb5: {  	[sflag:s29] =	ssyncadd.s32 $0xFFFFFFFF  }
0xb6: {  	_ =	strace $0x9000004B  }
0xb7: {  	_ =	sfence  }
0xb8: {  	s30 =	sld [smem:$0x0];
	_ =	sdelay $0x2  }
0xb9: {  	s31 =	sshll.u32 s1, $0xD;
	s1 =	sshrl.u32 s1, $0x2  }
0xba: {  	s3 =	sand.u32 $0x4000, s31;
	s1 =	sadd.s32 s1, s30  }
0xbb: {  	s0 =	sor.u32 s3, s0;
	s1 =	sshll.u32 s1, $0x11  }
0xbc: {  	s0 =	sor.u32 s1, s0  }
0xbd: {  	s0 =	sadd.s32 $0x8F2B, s0  }
0xbe: {  	[sflag:s0] =	ssyncadd.remote.s32 $0x1  }
0xbf: {  	_ =	sfence.sel $0xFFFF  }
0xc0: {  	[dreg:$0x0] =	wrdreg $0xFFFFFFFF;
	(pc) =	sbr.abs _section_cstart, $3  }
0xc1: {  	[dreg:$0x1] =	wrdreg $0xFFFFFFFF  }
0xc2: {  	_ =	task.clear_ibuf [dreg:s7], $0x2FFFF;
	_ =	strace $0x9FFFFFFF  }
0xc3: {  	(tm) =	ssettm $0x7FFFFFFF  }
tec
execute0_lowered:
.L_overlay_start_1:
0x0: {  	(tag) =	ssettag $0x1  }
0x1: {  	s1 =	rddreg [dreg:$0x0]  }
0x2: {  	s0 =	rddreg [dreg:$0x1]  }
0x3: {  	s2 =	rddreg [dreg:$0x2];
	s3 =	srdreg.scid  }
0x4: {  	s4 =	simm.s32 $0x0;
	s14 =	stileid.u32;
	s31 =	simm.s32 $0x13880  }
0x5: {  	s3 =	sand.u32 $0x1, s3;
	[smem:$0x7FF] =	sst s4;
	s11 =	smul.u32 $0x4E000, s14  }
0x6: {  	s6 =	sadd.s32 $0xDA00, s0;
	s7 =	sadd.s32 $0x3C00, s0;
	s25 =	smul.u32 $0x2700, s14  }
0x7: {  	s0 =	sadd.s32 $0x6F800, s0;
	s18 =	sshll.u32 s14, $0x4;
	s23 =	smul.u32 $0x4E0, s14  }
0x8: {  	p1 =	sne.s32 s14, $0xF;
	s30 =	sadd.s32 $0x138000, s2;
	s5 =	sshll.u32 s3, $0x4  }
0x9: {  	_ =	strace $0x8000004A;
	s8 =	ssub.s32 $0x2, s3;
	s19 =	smul.u32 $0x27100, s3  }
0xa: {  	s20 =	smul.u32 $0x138800, s3;
	s5 =	sor.u32 s14, s5;
	s10 =	sshrl.u32 s8, $0x1  }
0xb: {  	s9 =	smul.u32 $0x4E0, s5;
	s8 =	ssub.s32 s8, s10;
	s10 =	sadd.s32 s25, s19  }
0xc: {  	s3 =	smul.u32 $0x4E00, s3;
	s11 =	sshrl.u32 s11, $0x2;
	s10 =	sadd.s32 s0, s10  }
0xd: {  	s14 =	simm.s32 $0x1;
	s12 =	sadd.s32 s6, s9;
	[dreg:$0x10] =	wrdreg s10  }
0xe: {  	s26 =	sadd.s32 s7, s9;
	s9 =	sor.u32 $0x10, s9;
	[dreg:$0x4] =	wrdreg s12  }
0xf: {  	[dreg:$0x5] =	wrdreg s26;
	s13 =	sadd.s32 s6, s9;
	s9 =	sadd.s32 s7, s9  }
0x10: {  	s22 =	sshrl.u32 s20, $0x3;
	[dreg:$0x7] =	wrdreg s9;
	s9 =	sadd.s32 s11, s2  }
0x11: {  	p0 =	sgt.u32 s5, $0x3;
	[dreg:$0x6] =	wrdreg s13;
	s11 =	sadd.s32 $0x1800, s9  }
0x12: {  	s5 =	simm.s32 $0x13A00;
	s15 =	sadd.s32 $0x3000, s9;
	[dreg:$0x8] =	wrdreg s11  }
0x13: {  	s0 =	sadd.s32 s0, s22;
	s16 =	sadd.s32 $0x4800, s9;
	[dreg:$0x9] =	wrdreg s15  }
0x14: {  	s10 =	simm.s32 $0x80;
	s17 =	sadd.s32 $0x6000, s9;
	[dreg:$0xa] =	wrdreg s16  }
0x15: {  	s12 =	simm.s32 $0x4;
	s13 =	sadd.s32 $0x7800, s9;
	[dreg:$0xb] =	wrdreg s17  }
0x16: {  	s24 =	sadd.s32 $0xA800, s9;
	s25 =	sadd.s32 $0xC000, s9;
	[dreg:$0xc] =	wrdreg s13  }
0x17: {  	s26 =	sadd.s32 $0xD800, s9;
	s28 =	sadd.s32 $0x10800, s9;
	[dreg:$0x11] =	wrdreg s24  }
0x18: {  	s29 =	sadd.s32 $0x12000, s9;
	s11 =	sor.u32 $0x9C00, s18;
	[dreg:$0x12] =	wrdreg s25  }
0x19: {  	s15 =	sadd.s32 $0x9000, s9;
	[dreg:$0x13] =	wrdreg s26;
	s24 =	sadd.s32 $0x27000, s0  }
0x1a: {  	s25 =	smax.u32 s8, $0x1;
	s26 =	sadd.s32 $0xF000, s9;
	s0 =	simm.s32 $0x13980  }
0x1b: {  	s8 =	simm.s32 $0x3;
	s13 =	simm.s32 $0x17A80;
	s16 =	simm.s32 $0x2  }
0x1c: {  	s17 =	simm.s32 $0x0;
	[dreg:$0xd] =	wrdreg s15;
	s21 =	sadd.s32 s6, s11  }
0x1d: {  	s11 =	sadd.s32 s7, s11;
	s6 =	sadd.s32 s3, s6;
	s3 =	sadd.s32 s3, s7  }
0x1e: {  	s7 =	simm.s32 $0x5;
	s15 =	simm.s32 $0x6;
	[dreg:$0xe] =	wrdreg s21  }
0x1f: {  	[dreg:$0xf] =	wrdreg s11;
	s20 =	sadd.s32 s23, s6;
	s21 =	sadd.s32 s23, s3  }
0x20: {  	v0 =	vimm.f32 $0.0e+00;
	s3 =	simm.s32 $0x13900;
	s6 =	simm.s32 $0x1BA80;
	s11 =	simm.s32 $0x13A80  }
.LBB2_1:
0x21: {  	s18 =	rddreg [dreg:$0x4]  }
0x22: {  	[tilespmem:s31], [sflag:$0x3] =	stream.linear.gather [hbm4b:s18+s4], $0x80, $0x38;
	[tilespmem:$0x1D280] =	vst v63  }
0x23: {  	s19 =	rddreg [dreg:$0x5]  }
0x24: {  	[tilespmem:s0], [sflag:$0x3] =	stream.linear.gather [hbm4b:s19+s4], $0x80, $0x38;
	[tilespmem:$0x1D280] =	vst v63  }
0x25: {  	s22 =	rddreg [dreg:$0x6]  }
0x26: {  	[tilespmem:s3], [sflag:$0x4] =	stream.linear.gather [hbm4b:s22+s4], $0x80, $0x38;
	[tilespmem:$0x1D280] =	vst v63  }
0x27: {  	s23 =	rddreg [dreg:$0x7];
	s18 =	simm.s32 $0x70;
	s19 =	simm.s32 $0x3C0  }
0x28: {  	[tilespmem:s5], [sflag:$0x4] =	stream.linear.gather [hbm4b:s23+s4], $0x80, $0x38;
	[tilespmem:$0x1D280] =	vst v63  }
.LBB2_2:
0x29: {  	p2 =	sne.s32 s19, $0x5FC0;
	[tilespmem:s18+$0x1BA80] =	vst v0  }
0x2a: {  	[tilespmem:s18+$0x1BA10] =	vst v0  }
0x2b: {  	[tilespmem:s18+$0x1BA20] =	vst v0  }
.Ltmp0:
0x2c: {  	[tilespmem:s18+$0x1BA30] =	vst v0;
	(pc) =	sbr.rel @p2 .LBB2_2-.Ltmp0, $4  }
0x2d: {  	[tilespmem:s18+$0x1BA40] =	vst v0  }
0x2e: {  	[tilespmem:s18+$0x1BA50] =	vst v0  }
0x2f: {  	[tilespmem:s18+$0x1BA60] =	vst v0  }
0x30: {  	[tilespmem:s18+$0x1BA70] =	vst v0;
	s18 =	sshra.s32 s19, $0x2;
	s19 =	sadd.s32 $0x200, s19  }
0x31: {  	[tilespmem:s18+$0x1BA80] =	vst v0  }
0x32: {  	[tilespmem:s18+$0x1BA10] =	vst v0  }
0x33: {  	[tilespmem:s18+$0x1BA20] =	vst v0  }
0x34: {  	[tilespmem:s18+$0x1BA30] =	vst v0  }
0x35: {  	[tilespmem:s18+$0x1BA40] =	vst v0  }
0x36: {  	[tilespmem:s18+$0x1BA50] =	vst v0  }
0x37: {  	[tilespmem:s18+$0x1BA60] =	vst v0  }
0x38: {  	[tilespmem:s18+$0x1BA70] =	vst v0  }
0x39: {  	[spmem:s9] =	stream.linear.scatter [tilespmem:s6], [sflag:$0x5], $0x1800, $0x38;
	[tilespmem:$0x1D280] =	vst v63  }
0x3a: {  	s23 =	rddreg [dreg:$0x8]  }
0x3b: {  	[spmem:s23] =	stream.linear.scatter [tilespmem:s6], [sflag:$0x5], $0x1800, $0x38;
	[tilespmem:$0x1D280] =	vst v63  }
0x3c: {  	s19 =	rddreg [dreg:$0x9]  }
0x3d: {  	[spmem:s19] =	stream.linear.scatter [tilespmem:s6], [sflag:$0x5], $0x1800, $0x38;
	[tilespmem:$0x1D280] =	vst v63  }
0x3e: {  	s22 =	rddreg [dreg:$0xa]  }
0x3f: {  	[spmem:s22] =	stream.linear.scatter [tilespmem:s6], [sflag:$0x5], $0x1800, $0x38;
	[tilespmem:$0x1D280] =	vst v63  }
0x40: {  	s23 =	rddreg [dreg:$0xb]  }
0x41: {  	[spmem:s23] =	stream.linear.scatter [tilespmem:s6], [sflag:$0x5], $0x1800, $0x38;
	[tilespmem:$0x1D280] =	vst v63  }
0x42: {  	s19 =	rddreg [dreg:$0xc]  }
0x43: {  	[spmem:s19] =	stream.linear.scatter [tilespmem:s6], [sflag:$0x5], $0x1800, $0x38;
	[tilespmem:$0x1D280] =	vst v63  }
0x44: {  	s22 =	rddreg [dreg:$0xd]  }
0x45: {  	[spmem:s22] =	stream.linear.scatter [tilespmem:s6], [sflag:$0x5], $0x1800, $0x38;
	[tilespmem:$0x1D280] =	vst v63  }
0x46: {  	s23 =	rddreg [dreg:$0x11]  }
0x47: {  	[spmem:s23] =	stream.linear.scatter [tilespmem:s6], [sflag:$0x5], $0x1800, $0x38;
	[tilespmem:$0x1D280] =	vst v63  }
0x48: {  	s19 =	rddreg [dreg:$0x12]  }
0x49: {  	[spmem:s19] =	stream.linear.scatter [tilespmem:s6], [sflag:$0x5], $0x1800, $0x38;
	[tilespmem:$0x1D280] =	vst v63  }
0x4a: {  	s22 =	rddreg [dreg:$0x13]  }
0x4b: {  	[spmem:s22] =	stream.linear.scatter [tilespmem:s6], [sflag:$0x5], $0x1800, $0x38;
	[tilespmem:$0x1D280] =	vst v63  }
0x4c: {  	_ = 	snop  }
0x4d: {  	[spmem:s26] =	stream.linear.scatter [tilespmem:s6], [sflag:$0x5], $0x1800, $0x38;
	[tilespmem:$0x1D280] =	vst v63  }
0x4e: {  	_ = 	snop  }
0x4f: {  	[spmem:s28] =	stream.linear.scatter [tilespmem:s6], [sflag:$0x5], $0x1800, $0x38;
	[tilespmem:$0x1D280] =	vst v63  }
0x50: {  	_ = 	snop  }
0x51: {  	[spmem:s29] =	stream.linear.scatter [tilespmem:s6], [sflag:$0x5], $0x1800, $0x38;
	[tilespmem:$0x1D280] =	vst v63  }
0x52: {  	s18 =	simm.s32 @!p1 $0x1BA80  }
0x53: {  	[spmem:s30] =	stream.linear.scatter @!p1 [tilespmem:s18], [sflag:$0x5], $0x800, $0x38;
	[tilespmem:$0x1D280] =	vst v63  }
0x54: {  	_ =	swait.ge [sflag:s7], $0x1800  }
0x55: {  	[sflag:s7] =	ssyncset.done $0x0  }
0x56: {  	[sflag:s7] =	ssyncadd.s32 $0xFFFFE800  }
0x57: {  	_ =	swait.ge [sflag:s7], $0x1800  }
0x58: {  	[sflag:s7] =	ssyncset.done $0x0  }
0x59: {  	[sflag:s7] =	ssyncadd.s32 $0xFFFFE800  }
0x5a: {  	_ =	swait.ge [sflag:s7], $0x1800  }
0x5b: {  	[sflag:s7] =	ssyncset.done $0x0  }
0x5c: {  	[sflag:s7] =	ssyncadd.s32 $0xFFFFE800  }
0x5d: {  	_ =	swait.ge [sflag:s7], $0x1800  }
0x5e: {  	[sflag:s7] =	ssyncset.done $0x0  }
0x5f: {  	[sflag:s7] =	ssyncadd.s32 $0xFFFFE800  }
0x60: {  	_ =	swait.ge [sflag:s7], $0x1800  }
0x61: {  	[sflag:s7] =	ssyncset.done $0x0  }
0x62: {  	[sflag:s7] =	ssyncadd.s32 $0xFFFFE800  }
0x63: {  	_ =	swait.ge [sflag:s7], $0x1800  }
0x64: {  	[sflag:s7] =	ssyncset.done $0x0  }
0x65: {  	[sflag:s7] =	ssyncadd.s32 $0xFFFFE800  }
0x66: {  	_ =	swait.ge [sflag:s7], $0x1800  }
0x67: {  	[sflag:s7] =	ssyncset.done $0x0  }
0x68: {  	[sflag:s7] =	ssyncadd.s32 $0xFFFFE800  }
0x69: {  	_ =	swait.ge [sflag:s7], $0x1800  }
0x6a: {  	[sflag:s7] =	ssyncset.done $0x0  }
0x6b: {  	[sflag:s7] =	ssyncadd.s32 $0xFFFFE800  }
0x6c: {  	_ =	swait.ge [sflag:s7], $0x1800  }
0x6d: {  	[sflag:s7] =	ssyncset.done $0x0  }
0x6e: {  	[sflag:s7] =	ssyncadd.s32 $0xFFFFE800  }
0x6f: {  	_ =	swait.ge [sflag:s7], $0x1800  }
0x70: {  	[sflag:s7] =	ssyncset.done $0x0  }
0x71: {  	[sflag:s7] =	ssyncadd.s32 $0xFFFFE800  }
0x72: {  	_ =	swait.ge [sflag:s7], $0x1800  }
0x73: {  	[sflag:s7] =	ssyncset.done $0x0  }
0x74: {  	[sflag:s7] =	ssyncadd.s32 $0xFFFFE800  }
0x75: {  	_ =	swait.ge [sflag:s7], $0x1800  }
0x76: {  	[sflag:s7] =	ssyncset.done $0x0  }
0x77: {  	[sflag:s7] =	ssyncadd.s32 $0xFFFFE800  }
0x78: {  	_ =	swait.ge [sflag:s7], $0x1800  }
0x79: {  	[sflag:s7] =	ssyncset.done $0x0  }
0x7a: {  	s18 =	simm.s32 @!p1 $0x5;
	[sflag:s7] =	ssyncadd.s32 $0xFFFFE800  }
0x7b: {  	_ =	swait.ge @!p1 [sflag:s18], $0x800  }
0x7c: {  	[sflag:s18] =	ssyncset.done @!p1 $0x0  }
0x7d: {  	[sflag:s18] =	ssyncadd.s32 @!p1 $0xFFFFF800  }
0x7e: {  	_ =	swait.ge [sflag:s8], $0x80  }
0x7f: {  	[sflag:s8] =	ssyncset.done $0x0  }
0x80: {  	[sflag:s8] =	ssyncadd.s32 $0xFFFFFF80  }
0x81: {  	_ =	swait.ge [sflag:s8], $0x80  }
0x82: {  	[sflag:s8] =	ssyncset.done $0x0  }
0x83: {  	[sflag:s8] =	ssyncadd.s32 $0xFFFFFF80  }
0x84: {  	[tilespmem:s11], [sflag:$0x1] =	stream.indirect.gather [hbm4b:s1+s10], $0x80, s31, s10, $0xb8;
	[tilespmem:$0x1D280] =	vst v63  }
0x85: {  	[bflag:$0x0] =	sbarrier.arrive $0xFFFF  }
0x86: {  	_ =	swait.ge [sflag:s12], $0x80  }
0x87: {  	[sflag:s12] =	ssyncset.done $0x0  }
0x88: {  	[sflag:s12] =	ssyncadd.s32 $0xFFFFFF80  }
0x89: {  	_ =	swait.ge [sflag:s12], $0x80  }
0x8a: {  	[sflag:s12] =	ssyncset.done $0x0  }
0x8b: {  	[sflag:s12] =	ssyncadd.s32 $0xFFFFFF80  }
0x8c: {  	[tilespmem:s13], [sflag:$0x2] =	stream.indirect.gather [hbm4b:s1+s10], $0x80, s3, s10, $0xb8;
	[tilespmem:$0x1D280] =	vst v63  }
0x8d: {  	_ =	swait.ge [sflag:s14], $0x4000  }
0x8e: {  	[sflag:s14] =	ssyncset.done $0x0  }
0x8f: {  	[sflag:s14] =	ssyncadd.s32 $0xFFFFC000  }
0x90: {  	[spmem:s2] =	stream.indirect.scatter.add.f32 [tilespmem:s11], [sflag:$0x6], $0x80, s0, s10, $0xb8;
	[tilespmem:$0x1D280] =	vst v63  }
0x91: {  	_ =	swait.ge [sflag:s15], $0x4000  }
0x92: {  	s18 =	sadd.s32 $0x0, s20;
	[sflag:s15] =	ssyncset.done $0x0  }
0x93: {  	s22 =	sadd.s32 $0x0, s21;
	s19 =	sadd.s32 $0x20, s18;
	[sflag:s15] =	ssyncadd.s32 $0xFFFFC000  }
0x94: {  	[tilespmem:s31], [sflag:$0x3] =	stream.linear.gather [hbm4b:s19+s4], $0x80, $0x38;
	[tilespmem:$0x1D280] =	vst v63  }
0x95: {  	s23 =	sadd.s32 $0x20, s22  }
0x96: {  	[tilespmem:s0], [sflag:$0x3] =	stream.linear.gather [hbm4b:s23+s4], $0x80, $0x38;
	[tilespmem:$0x1D280] =	vst v63  }
0x97: {  	_ =	swait.ge [sflag:s8], $0x80  }
0x98: {  	[sflag:s8] =	ssyncset.done $0x0  }
0x99: {  	[sflag:s8] =	ssyncadd.s32 $0xFFFFFF80  }
0x9a: {  	_ =	swait.ge [sflag:s8], $0x80  }
0x9b: {  	[sflag:s8] =	ssyncset.done $0x0  }
0x9c: {  	[sflag:s8] =	ssyncadd.s32 $0xFFFFFF80  }
0x9d: {  	[tilespmem:s11], [sflag:$0x1] =	stream.indirect.gather [hbm4b:s1+s10], $0x80, s31, s10, $0xb8;
	[tilespmem:$0x1D280] =	vst v63  }
0x9e: {  	_ =	swait.ge [sflag:s16], $0x4000  }
0x9f: {  	[sflag:s16] =	ssyncset.done $0x0  }
0xa0: {  	[sflag:s16] =	ssyncadd.s32 $0xFFFFC000  }
0xa1: {  	[spmem:s2] =	stream.indirect.scatter.add.f32 [tilespmem:s13], [sflag:$0x6], $0x80, s5, s10, $0xb8;
	[tilespmem:$0x1D280] =	vst v63  }
0xa2: {  	_ =	swait.ge [sflag:s15], $0x4000  }
0xa3: {  	[sflag:s15] =	ssyncset.done $0x0  }
0xa4: {  	s18 =	sadd.s32 $0x30, s18;
	[sflag:s15] =	ssyncadd.s32 $0xFFFFC000  }
0xa5: {  	[tilespmem:s3], [sflag:$0x4] =	stream.linear.gather [hbm4b:s18+s4], $0x80, $0x38;
	[tilespmem:$0x1D280] =	vst v63  }
0xa6: {  	s19 =	sadd.s32 $0x30, s22;
	s18 =	simm.s32 $0x20  }
.LBB2_4:
0xa7: {  	[tilespmem:s5], [sflag:$0x4] =	stream.linear.gather [hbm4b:s19+s4], $0x80, $0x38;
	[tilespmem:$0x1D280] =	vst v63  }
0xa8: {  	s19 =	smov.u32 s18  }
0xa9: {  	p2 =	sne.s32 s18, $0x4A0;
	s18 =	sadd.s32 $0x20, s18;
	_ =	swait.ge [sflag:s12], $0x80  }
0xaa: {  	[sflag:s12] =	ssyncset.done $0x0  }
0xab: {  	[sflag:s12] =	ssyncadd.s32 $0xFFFFFF80  }
0xac: {  	_ =	swait.ge [sflag:s12], $0x80  }
0xad: {  	[sflag:s12] =	ssyncset.done $0x0  }
0xae: {  	[sflag:s12] =	ssyncadd.s32 $0xFFFFFF80  }
0xaf: {  	[tilespmem:s13], [sflag:$0x2] =	stream.indirect.gather [hbm4b:s1+s10], $0x80, s3, s10, $0xb8;
	[tilespmem:$0x1D280] =	vst v63  }
0xb0: {  	_ =	swait.ge [sflag:s14], $0x4000  }
0xb1: {  	[sflag:s14] =	ssyncset.done $0x0  }
0xb2: {  	[sflag:s14] =	ssyncadd.s32 $0xFFFFC000  }
0xb3: {  	[spmem:s2] =	stream.indirect.scatter.add.f32 [tilespmem:s11], [sflag:$0x6], $0x80, s0, s10, $0xb8;
	[tilespmem:$0x1D280] =	vst v63  }
0xb4: {  	_ =	swait.ge [sflag:s15], $0x4000  }
0xb5: {  	s22 =	sadd.s32 s19, s20;
	[sflag:s15] =	ssyncset.done $0x0  }
0xb6: {  	s19 =	sadd.s32 s19, s21;
	s23 =	sadd.s32 $0x20, s22;
	[sflag:s15] =	ssyncadd.s32 $0xFFFFC000  }
0xb7: {  	[tilespmem:s31], [sflag:$0x3] =	stream.linear.gather [hbm4b:s23+s4], $0x80, $0x38;
	[tilespmem:$0x1D280] =	vst v63  }
0xb8: {  	s23 =	sadd.s32 $0x20, s19  }
0xb9: {  	[tilespmem:s0], [sflag:$0x3] =	stream.linear.gather [hbm4b:s23+s4], $0x80, $0x38;
	[tilespmem:$0x1D280] =	vst v63  }
0xba: {  	_ =	swait.ge [sflag:s8], $0x80  }
0xbb: {  	[sflag:s8] =	ssyncset.done $0x0  }
0xbc: {  	[sflag:s8] =	ssyncadd.s32 $0xFFFFFF80  }
0xbd: {  	_ =	swait.ge [sflag:s8], $0x80  }
0xbe: {  	[sflag:s8] =	ssyncset.done $0x0  }
0xbf: {  	[sflag:s8] =	ssyncadd.s32 $0xFFFFFF80  }
0xc0: {  	[tilespmem:s11], [sflag:$0x1] =	stream.indirect.gather [hbm4b:s1+s10], $0x80, s31, s10, $0xb8;
	[tilespmem:$0x1D280] =	vst v63  }
0xc1: {  	_ =	swait.ge [sflag:s16], $0x4000  }
0xc2: {  	[sflag:s16] =	ssyncset.done $0x0  }
0xc3: {  	[sflag:s16] =	ssyncadd.s32 $0xFFFFC000  }
0xc4: {  	[spmem:s2] =	stream.indirect.scatter.add.f32 [tilespmem:s13], [sflag:$0x6], $0x80, s5, s10, $0xb8;
	[tilespmem:$0x1D280] =	vst v63  }
.Ltmp1:
0xc5: {  	_ =	swait.ge [sflag:s15], $0x4000;
	(pc) =	sbr.rel @p2 .LBB2_4-.Ltmp1, $4  }
0xc6: {  	[sflag:s15] =	ssyncset.done $0x0  }
0xc7: {  	s22 =	sadd.s32 $0x30, s22;
	[sflag:s15] =	ssyncadd.s32 $0xFFFFC000  }
0xc8: {  	[tilespmem:s3], [sflag:$0x4] =	stream.linear.gather [hbm4b:s22+s4], $0x80, $0x38;
	[tilespmem:$0x1D280] =	vst v63  }
0xc9: {  	s19 =	sadd.s32 $0x30, s19  }
0xca: {  	[tilespmem:s5], [sflag:$0x4] =	stream.linear.gather [hbm4b:s19+s4], $0x80, $0x38;
	[tilespmem:$0x1D280] =	vst v63  }
0xcb: {  	_ =	swait.ge [sflag:s12], $0x80  }
0xcc: {  	[sflag:s12] =	ssyncset.done $0x0  }
0xcd: {  	[sflag:s12] =	ssyncadd.s32 $0xFFFFFF80  }
0xce: {  	_ =	swait.ge [sflag:s12], $0x80  }
0xcf: {  	[sflag:s12] =	ssyncset.done $0x0  }
0xd0: {  	[sflag:s12] =	ssyncadd.s32 $0xFFFFFF80  }
0xd1: {  	[tilespmem:s13], [sflag:$0x2] =	stream.indirect.gather [hbm4b:s1+s10], $0x80, s3, s10, $0xb8;
	[tilespmem:$0x1D280] =	vst v63  }
0xd2: {  	_ =	swait.ge [sflag:s14], $0x4000  }
0xd3: {  	[sflag:s14] =	ssyncset.done $0x0  }
0xd4: {  	[sflag:s14] =	ssyncadd.s32 $0xFFFFC000  }
0xd5: {  	[spmem:s2] =	stream.indirect.scatter.add.f32 [tilespmem:s11], [sflag:$0x6], $0x80, s0, s10, $0xb8;
	[tilespmem:$0x1D280] =	vst v63  }
0xd6: {  	_ =	swait.ge [sflag:s15], $0x4000  }
0xd7: {  	[sflag:s15] =	ssyncset.done $0x0  }
0xd8: {  	[sflag:s15] =	ssyncadd.s32 $0xFFFFC000  }
0xd9: {  	_ =	swait.ge [sflag:s16], $0x4000  }
0xda: {  	[sflag:s16] =	ssyncset.done $0x0  }
0xdb: {  	[sflag:s16] =	ssyncadd.s32 $0xFFFFC000  }
0xdc: {  	[spmem:s2] =	stream.indirect.scatter.add.f32 [tilespmem:s13], [sflag:$0x6], $0x80, s5, s10, $0xb8;
	[tilespmem:$0x1D280] =	vst v63  }
0xdd: {  	_ =	swait.ge [sflag:s15], $0x4000  }
0xde: {  	s18 =	simm.s32 @!p0 $0x0;
	[sflag:s15] =	ssyncset.done $0x0  }
0xdf: {  	s19 =	simm.s32 @!p0 $0x13880;
	s22 =	rddreg [dreg:$0xe];
	[sflag:s15] =	ssyncadd.s32 $0xFFFFC000  }
0xe0: {  	[tilespmem:s19], [sflag:$0x3] =	stream.linear.gather @!p0 [hbm4b:s22+s18], $0x80, $0x38;
	[tilespmem:$0x1D280] =	vst v63  }
0xe1: {  	s23 =	rddreg [dreg:$0xf];
	s22 =	simm.s32 @!p0 $0x13980  }
0xe2: {  	[tilespmem:s22], [sflag:$0x3] =	stream.linear.gather @!p0 [hbm4b:s23+s18], $0x80, $0x38;
	[tilespmem:$0x1D280] =	vst v63  }
0xe3: {  	s18 =	simm.s32 @!p0 $0x3  }
0xe4: {  	_ =	swait.ge @!p0 [sflag:s18], $0x80  }
0xe5: {  	[sflag:s18] =	ssyncset.done @!p0 $0x0  }
0xe6: {  	[sflag:s18] =	ssyncadd.s32 @!p0 $0xFFFFFF80  }
0xe7: {  	_ =	swait.ge @!p0 [sflag:s18], $0x80  }
0xe8: {  	[sflag:s18] =	ssyncset.done @!p0 $0x0  }
0xe9: {  	s23 =	simm.s32 @!p0 $0x13A80;
	[sflag:s18] =	ssyncadd.s32 @!p0 $0xFFFFFF80;
	s18 =	simm.s32 @!p0 $0x80  }
0xea: {  	[tilespmem:s23], [sflag:$0x1] =	stream.indirect.gather @!p0 [hbm4b:s1+s18], $0x80, s19, s18, $0xb8;
	[tilespmem:$0x1D280] =	vst v63  }
0xeb: {  	s19 =	simm.s32 @!p0 $0x1  }
0xec: {  	_ =	swait.ge @!p0 [sflag:s19], $0x4000  }
0xed: {  	[sflag:s19] =	ssyncset.done @!p0 $0x0  }
0xee: {  	[sflag:s19] =	ssyncadd.s32 @!p0 $0xFFFFC000  }
0xef: {  	[spmem:s2] =	stream.indirect.scatter.add.f32 @!p0 [tilespmem:s23], [sflag:$0x6], $0x80, s22, s18, $0xb8;
	[tilespmem:$0x1D280] =	vst v63  }
0xf0: {  	s18 =	simm.s32 @!p0 $0x6  }
0xf1: {  	_ =	swait.ge @!p0 [sflag:s18], $0x4000  }
0xf2: {  	[sflag:s18] =	ssyncset.done @!p0 $0x0  }
0xf3: {  	s19 =	stileid.u32;
	[sflag:s18] =	ssyncadd.s32 @!p0 $0xFFFFC000  }
0xf4: {  	s18 =	sshll.u32 s19, $0x6;
	[bflag:$0x0] =	sbarrier.arrive $0xFFFF  }
0xf5: {  	s22 =	sshrl.u32 s9, $0x3;
	s18 =	sor.u32 $0x1C06, s18;
	s23 =	rddreg [dreg:$0x10]  }
0xf6: {  	[hbm:s23], [sflag:s18] =	dma.local [spmem:s22], $0x2700  }
0xf7: {  	_ =	swait.ge [sflag:s15], $0x2700  }
0xf8: {  	s17 =	sadd.s32 $0x1, s17;
	[sflag:s15] =	ssyncset.done $0x0  }
0xf9: {  	p2 =	sne.s32 s17, s25;
	s19 =	sshrl.u32 @!p1 s30, $0x3;
	[sflag:s15] =	ssyncadd.s32 $0xFFFFD900  }
0xfa: {  	[hbm:s24], [sflag:s18] =	dma.local @!p1 [spmem:s19], $0x100  }
.Ltmp2:
0xfb: {  	_ = 	snop;
	(pc) =	sbr.rel @p2 .LBB2_1-.Ltmp2, $4  }
0xfc: {  	s18 =	simm.s32 @!p1 $0x6  }
0xfd: {  	_ =	swait.ge @!p1 [sflag:s18], $0x100  }
0xfe: {  	[sflag:s18] =	ssyncset.done @!p1 $0x0  }
0xff: {  	[sflag:s18] =	ssyncadd.s32 @!p1 $0xFFFFFF00  }
0x100: {  	_ =	sfence.sel $0x180000  }
0x101: {  	[bflag:$0x0] =	sbarrier.arrive $0xFFFF  }
0x102: {  	_ =	strace $0x9000004A  }
0x103: {  	s0 =	stileid.u32;
	[bflag:$0x2] =	sbarrier.arrive $0xFFFF  }
0x104: {  	p0 =	sne.s32 s0, $0x0;
	s0 =	rddreg [dreg:$0x3]  }
0x105: {  	s0 =	sadd.s32 @!p0 $0x100000, s0  }
0x106: {  	[sflag:s0] =	ssyncadd.tile.s32 @!p0 $0x1;
	_ =	shalt  }
.Lfunc_end2:
_tile_overlayer_lowered:
.L_overlay_start_2:
0x107: {  	(tag) =	ssettag $0x2  }
0x108: {  	s0 =	rddreg [dreg:$0x0];
	s2 =	stileid.u32  }
0x109: {  	s1 =	rddreg [dreg:$0x1];
	p0 =	sne.s32 s2, $0x0  }
0x10a: {  	s3 =	rddreg [dreg:$0x2];
	[bflag:$0x3] =	sbarrier.arrive $0xFFFF;
	s2 =	simm.s32 @!p0 $0x1C06  }
0x10b: {  	[timem:s3], [sflag:s2] =	dma.local @!p0 [hbm:s0], s1  }
0x10c: {  	s0 =	simm.s32 @!p0 $0x6  }
0x10d: {  	_ =	swait.ge @!p0 [sflag:s0], s1  }
0x10e: {  	s1 =	ssub.s32 @!p0 $0x0, s1;
	[sflag:s0] =	ssyncset.done @!p0 $0x0  }
0x10f: {  	[sflag:s0] =	ssyncadd.s32 @!p0 s1  }
0x110: {  	[bflag:$0x3] =	sbarrier.arrive $0xFFFF  }
0x111: {  	_ =	shalt  }

// kernel: kernel.16.cloned.1.call-start
scs
__scs_entry_jumppad:
0x0: {  	(pc) =	sbr.rel $0x88, $3  }
0x1: {  	(tag) =	ssettag $0x0;
	lr =	simm.s32 $0x1  }
0x2: {  	[smem:$0x3F99] =	sst lr;
	_ =	strace $0xD0000000  }
0x3: {  	_ = 	snop  }
0x4: {  	_ = 	snop  }
0x5: {  	_ = 	snop  }
0x6: {  	_ = 	snop  }
0x7: {  	_ = 	snop  }
__scs_overlays_trampoline_lowered:
0x8: {  	[smem:$0x3FA8] =	sst s0  }
0x9: {  	[smem:$0x3FA9] =	sst s1  }
0xa: {  	[smem:$0x3FAA] =	sst s2  }
0xb: {  	[smem:$0x3FAB] =	sst s3  }
0xc: {  	[smem:$0x3FAC] =	sst s4  }
0xd: {  	[smem:$0x3FAD] =	sst s5  }
0xe: {  	[smem:$0x3FAE] =	sst s6  }
0xf: {  	[smem:$0x3FAF] =	sst s7  }
0x10: {  	[smem:$0x3FB0] =	sst s8  }
0x11: {  	[smem:$0x3FB1] =	sst s9;
	s0 =	simm.s32 @!p0 $0x0  }
0x12: {  	s1 =	sld [smem:$0x3F97];
	s0 =	simm.s32 @p0 $0x1  }
0x13: {  	[smem:$0x3FB2] =	sst s0;
	s0 =	simm.s32 @!p1 $0x0  }
0x14: {  	s2 =	sld [smem:$0x3F96];
	s0 =	simm.s32 @p1 $0x1  }
0x15: {  	[smem:$0x3FB3] =	sst s0;
	s0 =	simm.s32 @!p2 $0x0  }
0x16: {  	s3 =	sld [smem:$0x3FDB];
	s0 =	simm.s32 @p2 $0x1  }
0x17: {  	s4 =	simm.s32 $0x1BF5;
	[smem:$0x3FB5] =	sst s0  }
0x18: {  	s0 =	sld [smem:$0x3F98];
	_ =	swait.ge [sflag:s4], $0x0  }
0x19: {  	s7 =	sld [smem:$0x3F99]  }
0x1a: {  	s8 =	sadd.s32 $0xFFFFE003, lr  }
0x1b: {  	s9 =	sadd.s32 $0xFFFFFEF7, lr;
	s5 =	simm.s32 $0xFFFFFFFF;
	p2 =	slt.u32 s8, $0xFFFFF086  }
0x1c: {  	p1 =	slt.u32 s9, $0xF7A;
	s5 =	simm.s32 @!p2 $0x0  }
0x1d: {  	s5 =	simm.s32 @p1 $0x1;
	p0 =	seq.s32 s7, s2  }
0x1e: {  	s7 =	smul.u32 @!p0 $0xF7A, s2;
	p2 =	seq.s32 @!p0 s5, $0x0  }
0x1f: {  	s9 =	smul.u32 $0xF7A, s1;
	s8 =	simm.s32 @!p0 $0x1BF5;
	p2 =	por !p2, p0  }
0x20: {  	[sflag:s8] =	ssyncset.s32 @!p0 $0xFFFFF086;
	s6 =	sadd.s32 @!p0 s3, s7;
	s7 =	simm.s32 @!p0 $0x108  }
0x21: {  	s3 =	sadd.s32 s3, s9;
	s6 =	sadd.s32 @!p0 $0x88, s6;
	s7 =	simm.s32 @p2 $0x1082  }
0x22: {  	[simem:s7], [sflag:s8] =	dma.local @!p0 [hbm:s6], $0xF7A  }
0x23: {  	s9 =	sor.u32 $0xD0000000, s2;
	s6 =	simm.s32 $0x108;
	_ =	swait.ge @!p0 [sflag:s8], $0x0  }
0x24: {  	s3 =	sadd.s32 $0x88, s3;
	s6 =	simm.s32 @!p1 $0x1082;
	[sflag:s4] =	ssyncset.s32 $0xFFFFF086  }
0x25: {  	[simem:s6], [sflag:s4] =	dma.local [hbm:s3], $0xF7A  }
0x26: {  	[smem:$0x3F99] =	sst s1;
	(tag) =	ssettag s2;
	_ =	strace s9  }
0x27: {  	s1 =	sld [smem:$0x3FA9]  }
0x28: {  	s2 =	sld [smem:$0x3FAA]  }
0x29: {  	s4 =	sld [smem:$0x3FAC]  }
0x2a: {  	p0 =	seq.s32 s5, $0x0;
	s5 =	sld [smem:$0x3FAD]  }
0x2b: {  	s6 =	sld [smem:$0x3FAE]  }
0x2c: {  	s7 =	sld [smem:$0x3FAF]  }
0x2d: {  	s3 =	simm.s32 $0x108;
	s8 =	sld [smem:$0x3FB0]  }
0x2e: {  	s3 =	simm.s32 @!p0 $0x1082;
	s9 =	sld [smem:$0x3FB1]  }
0x2f: {  	lr =	sadd.s32 s0, s3;
	s0 =	sld [smem:$0x3FA8]  }
0x30: {  	s3 =	sld [smem:$0x3FAB]  }
0x31: {  	[smem:$0x3FB4] =	sst s10  }
0x32: {  	s10 =	sld [smem:$0x3FB2];
	_ =	sdelay $0x3  }
0x33: {  	p0 =	seq.s32 s10, $0x1;
	s10 =	sld [smem:$0x3FB4];
	_ =	sdelay $0x3  }
0x34: {  	[smem:$0x3FB4] =	sst s10  }
0x35: {  	s10 =	sld [smem:$0x3FB3];
	_ =	sdelay $0x3  }
0x36: {  	p1 =	seq.s32 s10, $0x1;
	s10 =	sld [smem:$0x3FB4];
	_ =	sdelay $0x3  }
0x37: {  	[smem:$0x3FB4] =	sst s10  }
0x38: {  	s10 =	sld [smem:$0x3FB5]  }
0x39: {  	_ = 	snop;
	(pc) =	sbr.ind lr, $3  }
0x3a: {  	_ = 	snop  }
0x3b: {  	_ = 	snop  }
0x3c: {  	p2 =	seq.s32 s10, $0x1;
	s10 =	sld [smem:$0x3FB4]  }
0x3d: {  	_ =	shalt  }
0x3e: {  	_ =	shalt  }
0x3f: {  	_ =	shalt  }
0x40: {  	_ =	shalt  }
0x41: {  	_ =	shalt  }
0x42: {  	_ =	shalt  }
0x43: {  	_ =	shalt  }
0x44: {  	_ =	shalt  }
0x45: {  	_ =	shalt  }
0x46: {  	_ =	shalt  }
0x47: {  	_ =	shalt  }
0x48: {  	_ =	shalt  }
0x49: {  	_ =	shalt  }
0x4a: {  	_ =	shalt  }
0x4b: {  	_ =	shalt  }
0x4c: {  	_ =	shalt  }
0x4d: {  	_ =	shalt  }
0x4e: {  	_ =	shalt  }
0x4f: {  	_ =	shalt  }
0x50: {  	_ =	shalt  }
0x51: {  	_ =	shalt  }
0x52: {  	_ =	shalt  }
0x53: {  	_ =	shalt  }
0x54: {  	_ =	shalt  }
0x55: {  	_ =	shalt  }
0x56: {  	_ =	shalt  }
0x57: {  	_ =	shalt  }
0x58: {  	_ =	shalt  }
0x59: {  	_ =	shalt  }
0x5a: {  	_ =	shalt  }
0x5b: {  	_ =	shalt  }
0x5c: {  	_ =	shalt  }
0x5d: {  	_ =	shalt  }
0x5e: {  	_ =	shalt  }
0x5f: {  	_ =	shalt  }
0x60: {  	_ =	shalt  }
0x61: {  	_ =	shalt  }
0x62: {  	_ =	shalt  }
0x63: {  	_ =	shalt  }
0x64: {  	_ =	shalt  }
0x65: {  	_ =	shalt  }
0x66: {  	_ =	shalt  }
0x67: {  	_ =	shalt  }
0x68: {  	_ =	shalt  }
0x69: {  	_ =	shalt  }
0x6a: {  	_ =	shalt  }
0x6b: {  	_ =	shalt  }
0x6c: {  	_ =	shalt  }
0x6d: {  	_ =	shalt  }
0x6e: {  	_ =	shalt  }
0x6f: {  	_ =	shalt  }
0x70: {  	_ =	shalt  }
0x71: {  	_ =	shalt  }
0x72: {  	_ =	shalt  }
0x73: {  	_ =	shalt  }
0x74: {  	_ =	shalt  }
0x75: {  	_ =	shalt  }
0x76: {  	_ =	shalt  }
0x77: {  	_ =	shalt  }
0x78: {  	_ =	shalt  }
0x79: {  	_ =	shalt  }
0x7a: {  	_ =	shalt  }
0x7b: {  	_ =	shalt  }
0x7c: {  	_ =	shalt  }
0x7d: {  	_ =	shalt  }
0x7e: {  	_ =	shalt  }
0x7f: {  	_ =	shalt  }
0x80: {  	_ =	shalt  }
0x81: {  	_ =	shalt  }
0x82: {  	_ =	shalt  }
0x83: {  	_ =	shalt  }
0x84: {  	_ =	shalt  }
0x85: {  	_ =	shalt  }
0x86: {  	_ =	shalt  }
0x87: {  	_ =	shalt  }
.Lfunc_end0:
.L_simem_size_0:
called_computation.2_lowered:
.L_overlay_start_0:
0x88: {  	s2 =	sld [smem:$0x3FD9]  }
0x89: {  	s3 =	sld [smem:$0x3FFE];
	_ =	sdelay $0x1  }
0x8a: {  	s1 =	srdreg.scid  }
0x8b: {  	s0 =	sand.u32 $0x1, s1  }
0x8c: {  	s17 =	sshll.u32 s0, $0xA;
	s2 =	sadd.s32 s3, s2  }
0x8d: {  	s2 =	sadd.s32 s2, s17  }
0x8e: {  	[smem:$0x3FC0] =	sst s2  }
0x8f: {  	_ = 	snop  }
0x90: {  	s2 =	sld [smem:$0x3FD0];
	(tm) =	ssettm $0x1  }
0x91: {  	s18 =	sld [smem:$0x3FFB];
	_ =	sdelay $0x3  }
0x92: {  	_ =	strace s18  }
0x93: {  	s3 =	sld [smem:$0x3FFC];
	_ =	sdelay $0x3  }
0x94: {  	_ =	strace s3  }
0x95: {  	s3 =	sld [smem:$0x3FFD];
	_ =	sdelay $0x3  }
0x96: {  	_ =	strace s3  }
0x97: {  	_ =	strace $0x8FFFFFFF  }
0x98: {  	s19 =	sld [smem:$0x3FDB];
	_ =	sdelay $0x1  }
0x99: {  	s4 =	simm.s32 $_scs_section_size  }
0x9a: {  	s5 =	simm.s32 $_size__tile_overlayer_lowered;
	s6 =	simm.s32 $_tile_overlayer_lowered  }
0x9b: {  	s22 =	simm.s32 $0x1BFF;
	s21 =	sshll.u32 s6, $0x1;
	s3 =	sadd.s32 s4, s19  }
0x9c: {  	s7 =	simm.s32 $0x0;
	s20 =	sshll.u32 s5, $0x1;
	s5 =	sadd.s32 s21, s3  }
0x9d: {  	[timem:s7], [sflag:s22] =	dma.local [hbm:s5], s20  }
0x9e: {  	_ =	swait.ge [sflag:s22], s20  }
0x9f: {  	s4 =	ssub.s32 $0x0, s20;
	[sflag:s22] =	ssyncset.done $0x0  }
0xa0: {  	[sflag:s22] =	ssyncadd.s32 s4;
	_ =	sdelay $0x1  }
0xa1: {  	s23 =	simm.s32 $0x1B8B  }
0xa2: {  	_ =	swait.ge [sflag:s23], $0x1  }
0xa3: {  	[sflag:s23] =	ssyncset.done $0x0  }
0xa4: {  	s25 =	simm.s32 $0x1B8E;
	s24 =	sld [smem:$0x3FFE];
	[sflag:s23] =	ssyncadd.s32 $0xFFFFFFFF  }
0xa5: {  	s26 =	simm.s32 $execute0_lowered;
	[smem:$0x3FD2] =	sst s25  }
0xa6: {  	s5 =	sshll.u32 s26, $0x1;
	_ =	strace $0x8000004C;
	[dreg:$0x1] =	wrdreg $0xFFFFFFFF  }
0xa7: {  	s28 =	simm.s32 $_size_execute0_lowered;
	s3 =	sadd.s32 s3, s5;
	[dreg:$0x0] =	wrdreg $0x0  }
0xa8: {  	s5 =	sshll.u32 s28, $0x1;
	[dreg:$0x2] =	wrdreg s3  }
0xa9: {  	[dreg:$0x3] =	wrdreg s5  }
0xaa: {  	[dreg:$0x4] =	wrdreg $0xC0  }
0xab: {  	_ =	task [dreg:s7], $0x5FFFF  }
0xac: {  	[dreg:$0x1] =	wrdreg $0xFFFFFFFF  }
0xad: {  	[dreg:$0x0] =	wrdreg $0x60  }
0xae: {  	[dreg:$0x2] =	wrdreg s2  }
0xaf: {  	[dreg:$0x3] =	wrdreg s24  }
0xb0: {  	[dreg:$0x4] =	wrdreg $0x0  }
0xb1: {  	[dreg:$0x5] =	wrdreg $0x9  }
0xb2: {  	_ =	task.clear_ibuf [dreg:s7], $0x6FFFF;
	_ =	strace $0x9000004C  }
0xb3: {  	s29 =	simm.s32 $0x9;
	_ =	strace $0x8000004E  }
0xb4: {  	_ =	swait.ge [sflag:s29], $0x1  }
0xb5: {  	[sflag:s29] =	ssyncadd.s32 $0xFFFFFFFF  }
0xb6: {  	_ =	strace $0x9000004E  }
0xb7: {  	_ =	sfence  }
0xb8: {  	s30 =	sld [smem:$0x0];
	_ =	sdelay $0x2  }
0xb9: {  	s31 =	sshll.u32 s1, $0xD;
	s1 =	sshrl.u32 s1, $0x2  }
0xba: {  	s3 =	sand.u32 $0x4000, s31;
	s1 =	sadd.s32 s1, s30  }
0xbb: {  	s0 =	sor.u32 s3, s0;
	s1 =	sshll.u32 s1, $0x11  }
0xbc: {  	s0 =	sor.u32 s1, s0  }
0xbd: {  	s0 =	sadd.s32 $0x8F2B, s0  }
0xbe: {  	[sflag:s0] =	ssyncadd.remote.s32 $0x1  }
0xbf: {  	_ =	sfence.sel $0xFFFF  }
0xc0: {  	[dreg:$0x0] =	wrdreg $0xFFFFFFFF;
	(pc) =	sbr.abs _section_cstart, $3  }
0xc1: {  	[dreg:$0x1] =	wrdreg $0xFFFFFFFF  }
0xc2: {  	_ =	task.clear_ibuf [dreg:s7], $0x2FFFF;
	_ =	strace $0x9FFFFFFF  }
0xc3: {  	(tm) =	ssettm $0x7FFFFFFF  }
tec
execute0_lowered:
.L_overlay_start_1:
0x0: {  	(tag) =	ssettag $0x1  }
0x1: {  	s1 =	rddreg [dreg:$0x0]  }
0x2: {  	s0 =	rddreg [dreg:$0x1]  }
0x3: {  	s2 =	rddreg [dreg:$0x2];
	s3 =	srdreg.scid  }
0x4: {  	s4 =	simm.s32 $0x0;
	s14 =	stileid.u32;
	s31 =	simm.s32 $0x13880  }
0x5: {  	s3 =	sand.u32 $0x1, s3;
	[smem:$0x7FF] =	sst s4;
	s11 =	smul.u32 $0x4E000, s14  }
0x6: {  	s6 =	sadd.s32 $0xDA00, s0;
	s7 =	sadd.s32 $0x3C00, s0;
	s25 =	smul.u32 $0x2700, s14  }
0x7: {  	s0 =	sadd.s32 $0x6F800, s0;
	s18 =	sshll.u32 s14, $0x4;
	s23 =	smul.u32 $0x4E0, s14  }
0x8: {  	p1 =	sne.s32 s14, $0xF;
	s30 =	sadd.s32 $0x138000, s2;
	s5 =	sshll.u32 s3, $0x4  }
0x9: {  	_ =	strace $0x8000004D;
	s8 =	ssub.s32 $0x2, s3;
	s19 =	smul.u32 $0x27100, s3  }
0xa: {  	s20 =	smul.u32 $0x138800, s3;
	s5 =	sor.u32 s14, s5;
	s10 =	sshrl.u32 s8, $0x1  }
0xb: {  	s9 =	smul.u32 $0x4E0, s5;
	s8 =	ssub.s32 s8, s10;
	s10 =	sadd.s32 s25, s19  }
0xc: {  	s3 =	smul.u32 $0x4E00, s3;
	s11 =	sshrl.u32 s11, $0x2;
	s10 =	sadd.s32 s0, s10  }
0xd: {  	s14 =	simm.s32 $0x1;
	s12 =	sadd.s32 s6, s9;
	[dreg:$0x10] =	wrdreg s10  }
0xe: {  	s26 =	sadd.s32 s7, s9;
	s9 =	sor.u32 $0x10, s9;
	[dreg:$0x4] =	wrdreg s12  }
0xf: {  	[dreg:$0x5] =	wrdreg s26;
	s13 =	sadd.s32 s6, s9;
	s9 =	sadd.s32 s7, s9  }
0x10: {  	s22 =	sshrl.u32 s20, $0x3;
	[dreg:$0x7] =	wrdreg s9;
	s9 =	sadd.s32 s11, s2  }
0x11: {  	p0 =	sgt.u32 s5, $0x3;
	[dreg:$0x6] =	wrdreg s13;
	s11 =	sadd.s32 $0x1800, s9  }
0x12: {  	s5 =	simm.s32 $0x13A00;
	s15 =	sadd.s32 $0x3000, s9;
	[dreg:$0x8] =	wrdreg s11  }
0x13: {  	s0 =	sadd.s32 s0, s22;
	s16 =	sadd.s32 $0x4800, s9;
	[dreg:$0x9] =	wrdreg s15  }
0x14: {  	s10 =	simm.s32 $0x80;
	s17 =	sadd.s32 $0x6000, s9;
	[dreg:$0xa] =	wrdreg s16  }
0x15: {  	s12 =	simm.s32 $0x4;
	s13 =	sadd.s32 $0x7800, s9;
	[dreg:$0xb] =	wrdreg s17  }
0x16: {  	s24 =	sadd.s32 $0xA800, s9;
	s25 =	sadd.s32 $0xC000, s9;
	[dreg:$0xc] =	wrdreg s13  }
0x17: {  	s26 =	sadd.s32 $0xD800, s9;
	s28 =	sadd.s32 $0x10800, s9;
	[dreg:$0x11] =	wrdreg s24  }
0x18: {  	s29 =	sadd.s32 $0x12000, s9;
	s11 =	sor.u32 $0x9C00, s18;
	[dreg:$0x12] =	wrdreg s25  }
0x19: {  	s15 =	sadd.s32 $0x9000, s9;
	[dreg:$0x13] =	wrdreg s26;
	s24 =	sadd.s32 $0x27000, s0  }
0x1a: {  	s25 =	smax.u32 s8, $0x1;
	s26 =	sadd.s32 $0xF000, s9;
	s0 =	simm.s32 $0x13980  }
0x1b: {  	s8 =	simm.s32 $0x3;
	s13 =	simm.s32 $0x17A80;
	s16 =	simm.s32 $0x2  }
0x1c: {  	s17 =	simm.s32 $0x0;
	[dreg:$0xd] =	wrdreg s15;
	s21 =	sadd.s32 s6, s11  }
0x1d: {  	s11 =	sadd.s32 s7, s11;
	s6 =	sadd.s32 s3, s6;
	s3 =	sadd.s32 s3, s7  }
0x1e: {  	s7 =	simm.s32 $0x5;
	s15 =	simm.s32 $0x6;
	[dreg:$0xe] =	wrdreg s21  }
0x1f: {  	[dreg:$0xf] =	wrdreg s11;
	s20 =	sadd.s32 s23, s6;
	s21 =	sadd.s32 s23, s3  }
0x20: {  	v0 =	vimm.f32 $0.0e+00;
	s3 =	simm.s32 $0x13900;
	s6 =	simm.s32 $0x1BA80;
	s11 =	simm.s32 $0x13A80  }
.LBB2_1:
0x21: {  	s18 =	rddreg [dreg:$0x4]  }
0x22: {  	[tilespmem:s31], [sflag:$0x3] =	stream.linear.gather [hbm4b:s18+s4], $0x80, $0x38;
	[tilespmem:$0x1D280] =	vst v63  }
0x23: {  	s19 =	rddreg [dreg:$0x5]  }
0x24: {  	[tilespmem:s0], [sflag:$0x3] =	stream.linear.gather [hbm4b:s19+s4], $0x80, $0x38;
	[tilespmem:$0x1D280] =	vst v63  }
0x25: {  	s22 =	rddreg [dreg:$0x6]  }
0x26: {  	[tilespmem:s3], [sflag:$0x4] =	stream.linear.gather [hbm4b:s22+s4], $0x80, $0x38;
	[tilespmem:$0x1D280] =	vst v63  }
0x27: {  	s23 =	rddreg [dreg:$0x7];
	s18 =	simm.s32 $0x70;
	s19 =	simm.s32 $0x3C0  }
0x28: {  	[tilespmem:s5], [sflag:$0x4] =	stream.linear.gather [hbm4b:s23+s4], $0x80, $0x38;
	[tilespmem:$0x1D280] =	vst v63  }
.LBB2_2:
0x29: {  	p2 =	sne.s32 s19, $0x5FC0;
	[tilespmem:s18+$0x1BA80] =	vst v0  }
0x2a: {  	[tilespmem:s18+$0x1BA10] =	vst v0  }
0x2b: {  	[tilespmem:s18+$0x1BA20] =	vst v0  }
.Ltmp0:
0x2c: {  	[tilespmem:s18+$0x1BA30] =	vst v0;
	(pc) =	sbr.rel @p2 .LBB2_2-.Ltmp0, $4  }
0x2d: {  	[tilespmem:s18+$0x1BA40] =	vst v0  }
0x2e: {  	[tilespmem:s18+$0x1BA50] =	vst v0  }
0x2f: {  	[tilespmem:s18+$0x1BA60] =	vst v0  }
0x30: {  	[tilespmem:s18+$0x1BA70] =	vst v0;
	s18 =	sshra.s32 s19, $0x2;
	s19 =	sadd.s32 $0x200, s19  }
0x31: {  	[tilespmem:s18+$0x1BA80] =	vst v0  }
0x32: {  	[tilespmem:s18+$0x1BA10] =	vst v0  }
0x33: {  	[tilespmem:s18+$0x1BA20] =	vst v0  }
0x34: {  	[tilespmem:s18+$0x1BA30] =	vst v0  }
0x35: {  	[tilespmem:s18+$0x1BA40] =	vst v0  }
0x36: {  	[tilespmem:s18+$0x1BA50] =	vst v0  }
0x37: {  	[tilespmem:s18+$0x1BA60] =	vst v0  }
0x38: {  	[tilespmem:s18+$0x1BA70] =	vst v0  }
0x39: {  	[spmem:s9] =	stream.linear.scatter [tilespmem:s6], [sflag:$0x5], $0x1800, $0x38;
	[tilespmem:$0x1D280] =	vst v63  }
0x3a: {  	s23 =	rddreg [dreg:$0x8]  }
0x3b: {  	[spmem:s23] =	stream.linear.scatter [tilespmem:s6], [sflag:$0x5], $0x1800, $0x38;
	[tilespmem:$0x1D280] =	vst v63  }
0x3c: {  	s19 =	rddreg [dreg:$0x9]  }
0x3d: {  	[spmem:s19] =	stream.linear.scatter [tilespmem:s6], [sflag:$0x5], $0x1800, $0x38;
	[tilespmem:$0x1D280] =	vst v63  }
0x3e: {  	s22 =	rddreg [dreg:$0xa]  }
0x3f: {  	[spmem:s22] =	stream.linear.scatter [tilespmem:s6], [sflag:$0x5], $0x1800, $0x38;
	[tilespmem:$0x1D280] =	vst v63  }
0x40: {  	s23 =	rddreg [dreg:$0xb]  }
0x41: {  	[spmem:s23] =	stream.linear.scatter [tilespmem:s6], [sflag:$0x5], $0x1800, $0x38;
	[tilespmem:$0x1D280] =	vst v63  }
0x42: {  	s19 =	rddreg [dreg:$0xc]  }
0x43: {  	[spmem:s19] =	stream.linear.scatter [tilespmem:s6], [sflag:$0x5], $0x1800, $0x38;
	[tilespmem:$0x1D280] =	vst v63  }
0x44: {  	s22 =	rddreg [dreg:$0xd]  }
0x45: {  	[spmem:s22] =	stream.linear.scatter [tilespmem:s6], [sflag:$0x5], $0x1800, $0x38;
	[tilespmem:$0x1D280] =	vst v63  }
0x46: {  	s23 =	rddreg [dreg:$0x11]  }
0x47: {  	[spmem:s23] =	stream.linear.scatter [tilespmem:s6], [sflag:$0x5], $0x1800, $0x38;
	[tilespmem:$0x1D280] =	vst v63  }
0x48: {  	s19 =	rddreg [dreg:$0x12]  }
0x49: {  	[spmem:s19] =	stream.linear.scatter [tilespmem:s6], [sflag:$0x5], $0x1800, $0x38;
	[tilespmem:$0x1D280] =	vst v63  }
0x4a: {  	s22 =	rddreg [dreg:$0x13]  }
0x4b: {  	[spmem:s22] =	stream.linear.scatter [tilespmem:s6], [sflag:$0x5], $0x1800, $0x38;
	[tilespmem:$0x1D280] =	vst v63  }
0x4c: {  	_ = 	snop  }
0x4d: {  	[spmem:s26] =	stream.linear.scatter [tilespmem:s6], [sflag:$0x5], $0x1800, $0x38;
	[tilespmem:$0x1D280] =	vst v63  }
0x4e: {  	_ = 	snop  }
0x4f: {  	[spmem:s28] =	stream.linear.scatter [tilespmem:s6], [sflag:$0x5], $0x1800, $0x38;
	[tilespmem:$0x1D280] =	vst v63  }
0x50: {  	_ = 	snop  }
0x51: {  	[spmem:s29] =	stream.linear.scatter [tilespmem:s6], [sflag:$0x5], $0x1800, $0x38;
	[tilespmem:$0x1D280] =	vst v63  }
0x52: {  	s18 =	simm.s32 @!p1 $0x1BA80  }
0x53: {  	[spmem:s30] =	stream.linear.scatter @!p1 [tilespmem:s18], [sflag:$0x5], $0x800, $0x38;
	[tilespmem:$0x1D280] =	vst v63  }
0x54: {  	_ =	swait.ge [sflag:s7], $0x1800  }
0x55: {  	[sflag:s7] =	ssyncset.done $0x0  }
0x56: {  	[sflag:s7] =	ssyncadd.s32 $0xFFFFE800  }
0x57: {  	_ =	swait.ge [sflag:s7], $0x1800  }
0x58: {  	[sflag:s7] =	ssyncset.done $0x0  }
0x59: {  	[sflag:s7] =	ssyncadd.s32 $0xFFFFE800  }
0x5a: {  	_ =	swait.ge [sflag:s7], $0x1800  }
0x5b: {  	[sflag:s7] =	ssyncset.done $0x0  }
0x5c: {  	[sflag:s7] =	ssyncadd.s32 $0xFFFFE800  }
0x5d: {  	_ =	swait.ge [sflag:s7], $0x1800  }
0x5e: {  	[sflag:s7] =	ssyncset.done $0x0  }
0x5f: {  	[sflag:s7] =	ssyncadd.s32 $0xFFFFE800  }
0x60: {  	_ =	swait.ge [sflag:s7], $0x1800  }
0x61: {  	[sflag:s7] =	ssyncset.done $0x0  }
0x62: {  	[sflag:s7] =	ssyncadd.s32 $0xFFFFE800  }
0x63: {  	_ =	swait.ge [sflag:s7], $0x1800  }
0x64: {  	[sflag:s7] =	ssyncset.done $0x0  }
0x65: {  	[sflag:s7] =	ssyncadd.s32 $0xFFFFE800  }
0x66: {  	_ =	swait.ge [sflag:s7], $0x1800  }
0x67: {  	[sflag:s7] =	ssyncset.done $0x0  }
0x68: {  	[sflag:s7] =	ssyncadd.s32 $0xFFFFE800  }
0x69: {  	_ =	swait.ge [sflag:s7], $0x1800  }
0x6a: {  	[sflag:s7] =	ssyncset.done $0x0  }
0x6b: {  	[sflag:s7] =	ssyncadd.s32 $0xFFFFE800  }
0x6c: {  	_ =	swait.ge [sflag:s7], $0x1800  }
0x6d: {  	[sflag:s7] =	ssyncset.done $0x0  }
0x6e: {  	[sflag:s7] =	ssyncadd.s32 $0xFFFFE800  }
0x6f: {  	_ =	swait.ge [sflag:s7], $0x1800  }
0x70: {  	[sflag:s7] =	ssyncset.done $0x0  }
0x71: {  	[sflag:s7] =	ssyncadd.s32 $0xFFFFE800  }
0x72: {  	_ =	swait.ge [sflag:s7], $0x1800  }
0x73: {  	[sflag:s7] =	ssyncset.done $0x0  }
0x74: {  	[sflag:s7] =	ssyncadd.s32 $0xFFFFE800  }
0x75: {  	_ =	swait.ge [sflag:s7], $0x1800  }
0x76: {  	[sflag:s7] =	ssyncset.done $0x0  }
0x77: {  	[sflag:s7] =	ssyncadd.s32 $0xFFFFE800  }
0x78: {  	_ =	swait.ge [sflag:s7], $0x1800  }
0x79: {  	[sflag:s7] =	ssyncset.done $0x0  }
0x7a: {  	s18 =	simm.s32 @!p1 $0x5;
	[sflag:s7] =	ssyncadd.s32 $0xFFFFE800  }
0x7b: {  	_ =	swait.ge @!p1 [sflag:s18], $0x800  }
0x7c: {  	[sflag:s18] =	ssyncset.done @!p1 $0x0  }
0x7d: {  	[sflag:s18] =	ssyncadd.s32 @!p1 $0xFFFFF800  }
0x7e: {  	_ =	swait.ge [sflag:s8], $0x80  }
0x7f: {  	[sflag:s8] =	ssyncset.done $0x0  }
0x80: {  	[sflag:s8] =	ssyncadd.s32 $0xFFFFFF80  }
0x81: {  	_ =	swait.ge [sflag:s8], $0x80  }
0x82: {  	[sflag:s8] =	ssyncset.done $0x0  }
0x83: {  	[sflag:s8] =	ssyncadd.s32 $0xFFFFFF80  }
0x84: {  	[tilespmem:s11], [sflag:$0x1] =	stream.indirect.gather [hbm4b:s1+s10], $0x80, s31, s10, $0xb8;
	[tilespmem:$0x1D280] =	vst v63  }
0x85: {  	[bflag:$0x0] =	sbarrier.arrive $0xFFFF  }
0x86: {  	_ =	swait.ge [sflag:s12], $0x80  }
0x87: {  	[sflag:s12] =	ssyncset.done $0x0  }
0x88: {  	[sflag:s12] =	ssyncadd.s32 $0xFFFFFF80  }
0x89: {  	_ =	swait.ge [sflag:s12], $0x80  }
0x8a: {  	[sflag:s12] =	ssyncset.done $0x0  }
0x8b: {  	[sflag:s12] =	ssyncadd.s32 $0xFFFFFF80  }
0x8c: {  	[tilespmem:s13], [sflag:$0x2] =	stream.indirect.gather [hbm4b:s1+s10], $0x80, s3, s10, $0xb8;
	[tilespmem:$0x1D280] =	vst v63  }
0x8d: {  	_ =	swait.ge [sflag:s14], $0x4000  }
0x8e: {  	[sflag:s14] =	ssyncset.done $0x0  }
0x8f: {  	[sflag:s14] =	ssyncadd.s32 $0xFFFFC000  }
0x90: {  	[spmem:s2] =	stream.indirect.scatter.add.f32 [tilespmem:s11], [sflag:$0x6], $0x80, s0, s10, $0xb8;
	[tilespmem:$0x1D280] =	vst v63  }
0x91: {  	_ =	swait.ge [sflag:s15], $0x4000  }
0x92: {  	s18 =	sadd.s32 $0x0, s20;
	[sflag:s15] =	ssyncset.done $0x0  }
0x93: {  	s22 =	sadd.s32 $0x0, s21;
	s19 =	sadd.s32 $0x20, s18;
	[sflag:s15] =	ssyncadd.s32 $0xFFFFC000  }
0x94: {  	[tilespmem:s31], [sflag:$0x3] =	stream.linear.gather [hbm4b:s19+s4], $0x80, $0x38;
	[tilespmem:$0x1D280] =	vst v63  }
0x95: {  	s23 =	sadd.s32 $0x20, s22  }
0x96: {  	[tilespmem:s0], [sflag:$0x3] =	stream.linear.gather [hbm4b:s23+s4], $0x80, $0x38;
	[tilespmem:$0x1D280] =	vst v63  }
0x97: {  	_ =	swait.ge [sflag:s8], $0x80  }
0x98: {  	[sflag:s8] =	ssyncset.done $0x0  }
0x99: {  	[sflag:s8] =	ssyncadd.s32 $0xFFFFFF80  }
0x9a: {  	_ =	swait.ge [sflag:s8], $0x80  }
0x9b: {  	[sflag:s8] =	ssyncset.done $0x0  }
0x9c: {  	[sflag:s8] =	ssyncadd.s32 $0xFFFFFF80  }
0x9d: {  	[tilespmem:s11], [sflag:$0x1] =	stream.indirect.gather [hbm4b:s1+s10], $0x80, s31, s10, $0xb8;
	[tilespmem:$0x1D280] =	vst v63  }
0x9e: {  	_ =	swait.ge [sflag:s16], $0x4000  }
0x9f: {  	[sflag:s16] =	ssyncset.done $0x0  }
0xa0: {  	[sflag:s16] =	ssyncadd.s32 $0xFFFFC000  }
0xa1: {  	[spmem:s2] =	stream.indirect.scatter.add.f32 [tilespmem:s13], [sflag:$0x6], $0x80, s5, s10, $0xb8;
	[tilespmem:$0x1D280] =	vst v63  }
0xa2: {  	_ =	swait.ge [sflag:s15], $0x4000  }
0xa3: {  	[sflag:s15] =	ssyncset.done $0x0  }
0xa4: {  	s18 =	sadd.s32 $0x30, s18;
	[sflag:s15] =	ssyncadd.s32 $0xFFFFC000  }
0xa5: {  	[tilespmem:s3], [sflag:$0x4] =	stream.linear.gather [hbm4b:s18+s4], $0x80, $0x38;
	[tilespmem:$0x1D280] =	vst v63  }
0xa6: {  	s19 =	sadd.s32 $0x30, s22;
	s18 =	simm.s32 $0x20  }
.LBB2_4:
0xa7: {  	[tilespmem:s5], [sflag:$0x4] =	stream.linear.gather [hbm4b:s19+s4], $0x80, $0x38;
	[tilespmem:$0x1D280] =	vst v63  }
0xa8: {  	s19 =	smov.u32 s18  }
0xa9: {  	p2 =	sne.s32 s18, $0x4A0;
	s18 =	sadd.s32 $0x20, s18;
	_ =	swait.ge [sflag:s12], $0x80  }
0xaa: {  	[sflag:s12] =	ssyncset.done $0x0  }
0xab: {  	[sflag:s12] =	ssyncadd.s32 $0xFFFFFF80  }
0xac: {  	_ =	swait.ge [sflag:s12], $0x80  }
0xad: {  	[sflag:s12] =	ssyncset.done $0x0  }
0xae: {  	[sflag:s12] =	ssyncadd.s32 $0xFFFFFF80  }
0xaf: {  	[tilespmem:s13], [sflag:$0x2] =	stream.indirect.gather [hbm4b:s1+s10], $0x80, s3, s10, $0xb8;
	[tilespmem:$0x1D280] =	vst v63  }
0xb0: {  	_ =	swait.ge [sflag:s14], $0x4000  }
0xb1: {  	[sflag:s14] =	ssyncset.done $0x0  }
0xb2: {  	[sflag:s14] =	ssyncadd.s32 $0xFFFFC000  }
0xb3: {  	[spmem:s2] =	stream.indirect.scatter.add.f32 [tilespmem:s11], [sflag:$0x6], $0x80, s0, s10, $0xb8;
	[tilespmem:$0x1D280] =	vst v63  }
0xb4: {  	_ =	swait.ge [sflag:s15], $0x4000  }
0xb5: {  	s22 =	sadd.s32 s19, s20;
	[sflag:s15] =	ssyncset.done $0x0  }
0xb6: {  	s19 =	sadd.s32 s19, s21;
	s23 =	sadd.s32 $0x20, s22;
	[sflag:s15] =	ssyncadd.s32 $0xFFFFC000  }
0xb7: {  	[tilespmem:s31], [sflag:$0x3] =	stream.linear.gather [hbm4b:s23+s4], $0x80, $0x38;
	[tilespmem:$0x1D280] =	vst v63  }
0xb8: {  	s23 =	sadd.s32 $0x20, s19  }
0xb9: {  	[tilespmem:s0], [sflag:$0x3] =	stream.linear.gather [hbm4b:s23+s4], $0x80, $0x38;
	[tilespmem:$0x1D280] =	vst v63  }
0xba: {  	_ =	swait.ge [sflag:s8], $0x80  }
0xbb: {  	[sflag:s8] =	ssyncset.done $0x0  }
0xbc: {  	[sflag:s8] =	ssyncadd.s32 $0xFFFFFF80  }
0xbd: {  	_ =	swait.ge [sflag:s8], $0x80  }
0xbe: {  	[sflag:s8] =	ssyncset.done $0x0  }
0xbf: {  	[sflag:s8] =	ssyncadd.s32 $0xFFFFFF80  }
0xc0: {  	[tilespmem:s11], [sflag:$0x1] =	stream.indirect.gather [hbm4b:s1+s10], $0x80, s31, s10, $0xb8;
	[tilespmem:$0x1D280] =	vst v63  }
0xc1: {  	_ =	swait.ge [sflag:s16], $0x4000  }
0xc2: {  	[sflag:s16] =	ssyncset.done $0x0  }
0xc3: {  	[sflag:s16] =	ssyncadd.s32 $0xFFFFC000  }
0xc4: {  	[spmem:s2] =	stream.indirect.scatter.add.f32 [tilespmem:s13], [sflag:$0x6], $0x80, s5, s10, $0xb8;
	[tilespmem:$0x1D280] =	vst v63  }
.Ltmp1:
0xc5: {  	_ =	swait.ge [sflag:s15], $0x4000;
	(pc) =	sbr.rel @p2 .LBB2_4-.Ltmp1, $4  }
0xc6: {  	[sflag:s15] =	ssyncset.done $0x0  }
0xc7: {  	s22 =	sadd.s32 $0x30, s22;
	[sflag:s15] =	ssyncadd.s32 $0xFFFFC000  }
0xc8: {  	[tilespmem:s3], [sflag:$0x4] =	stream.linear.gather [hbm4b:s22+s4], $0x80, $0x38;
	[tilespmem:$0x1D280] =	vst v63  }
0xc9: {  	s19 =	sadd.s32 $0x30, s19  }
0xca: {  	[tilespmem:s5], [sflag:$0x4] =	stream.linear.gather [hbm4b:s19+s4], $0x80, $0x38;
	[tilespmem:$0x1D280] =	vst v63  }
0xcb: {  	_ =	swait.ge [sflag:s12], $0x80  }
0xcc: {  	[sflag:s12] =	ssyncset.done $0x0  }
0xcd: {  	[sflag:s12] =	ssyncadd.s32 $0xFFFFFF80  }
0xce: {  	_ =	swait.ge [sflag:s12], $0x80  }
0xcf: {  	[sflag:s12] =	ssyncset.done $0x0  }
0xd0: {  	[sflag:s12] =	ssyncadd.s32 $0xFFFFFF80  }
0xd1: {  	[tilespmem:s13], [sflag:$0x2] =	stream.indirect.gather [hbm4b:s1+s10], $0x80, s3, s10, $0xb8;
	[tilespmem:$0x1D280] =	vst v63  }
0xd2: {  	_ =	swait.ge [sflag:s14], $0x4000  }
0xd3: {  	[sflag:s14] =	ssyncset.done $0x0  }
0xd4: {  	[sflag:s14] =	ssyncadd.s32 $0xFFFFC000  }
0xd5: {  	[spmem:s2] =	stream.indirect.scatter.add.f32 [tilespmem:s11], [sflag:$0x6], $0x80, s0, s10, $0xb8;
	[tilespmem:$0x1D280] =	vst v63  }
0xd6: {  	_ =	swait.ge [sflag:s15], $0x4000  }
0xd7: {  	[sflag:s15] =	ssyncset.done $0x0  }
0xd8: {  	[sflag:s15] =	ssyncadd.s32 $0xFFFFC000  }
0xd9: {  	_ =	swait.ge [sflag:s16], $0x4000  }
0xda: {  	[sflag:s16] =	ssyncset.done $0x0  }
0xdb: {  	[sflag:s16] =	ssyncadd.s32 $0xFFFFC000  }
0xdc: {  	[spmem:s2] =	stream.indirect.scatter.add.f32 [tilespmem:s13], [sflag:$0x6], $0x80, s5, s10, $0xb8;
	[tilespmem:$0x1D280] =	vst v63  }
0xdd: {  	_ =	swait.ge [sflag:s15], $0x4000  }
0xde: {  	s18 =	simm.s32 @!p0 $0x0;
	[sflag:s15] =	ssyncset.done $0x0  }
0xdf: {  	s19 =	simm.s32 @!p0 $0x13880;
	s22 =	rddreg [dreg:$0xe];
	[sflag:s15] =	ssyncadd.s32 $0xFFFFC000  }
0xe0: {  	[tilespmem:s19], [sflag:$0x3] =	stream.linear.gather @!p0 [hbm4b:s22+s18], $0x80, $0x38;
	[tilespmem:$0x1D280] =	vst v63  }
0xe1: {  	s23 =	rddreg [dreg:$0xf];
	s22 =	simm.s32 @!p0 $0x13980  }
0xe2: {  	[tilespmem:s22], [sflag:$0x3] =	stream.linear.gather @!p0 [hbm4b:s23+s18], $0x80, $0x38;
	[tilespmem:$0x1D280] =	vst v63  }
0xe3: {  	s18 =	simm.s32 @!p0 $0x3  }
0xe4: {  	_ =	swait.ge @!p0 [sflag:s18], $0x80  }
0xe5: {  	[sflag:s18] =	ssyncset.done @!p0 $0x0  }
0xe6: {  	[sflag:s18] =	ssyncadd.s32 @!p0 $0xFFFFFF80  }
0xe7: {  	_ =	swait.ge @!p0 [sflag:s18], $0x80  }
0xe8: {  	[sflag:s18] =	ssyncset.done @!p0 $0x0  }
0xe9: {  	s23 =	simm.s32 @!p0 $0x13A80;
	[sflag:s18] =	ssyncadd.s32 @!p0 $0xFFFFFF80;
	s18 =	simm.s32 @!p0 $0x80  }
0xea: {  	[tilespmem:s23], [sflag:$0x1] =	stream.indirect.gather @!p0 [hbm4b:s1+s18], $0x80, s19, s18, $0xb8;
	[tilespmem:$0x1D280] =	vst v63  }
0xeb: {  	s19 =	simm.s32 @!p0 $0x1  }
0xec: {  	_ =	swait.ge @!p0 [sflag:s19], $0x4000  }
0xed: {  	[sflag:s19] =	ssyncset.done @!p0 $0x0  }
0xee: {  	[sflag:s19] =	ssyncadd.s32 @!p0 $0xFFFFC000  }
0xef: {  	[spmem:s2] =	stream.indirect.scatter.add.f32 @!p0 [tilespmem:s23], [sflag:$0x6], $0x80, s22, s18, $0xb8;
	[tilespmem:$0x1D280] =	vst v63  }
0xf0: {  	s18 =	simm.s32 @!p0 $0x6  }
0xf1: {  	_ =	swait.ge @!p0 [sflag:s18], $0x4000  }
0xf2: {  	[sflag:s18] =	ssyncset.done @!p0 $0x0  }
0xf3: {  	s19 =	stileid.u32;
	[sflag:s18] =	ssyncadd.s32 @!p0 $0xFFFFC000  }
0xf4: {  	s18 =	sshll.u32 s19, $0x6;
	[bflag:$0x0] =	sbarrier.arrive $0xFFFF  }
0xf5: {  	s22 =	sshrl.u32 s9, $0x3;
	s18 =	sor.u32 $0x1C06, s18;
	s23 =	rddreg [dreg:$0x10]  }
0xf6: {  	[hbm:s23], [sflag:s18] =	dma.local [spmem:s22], $0x2700  }
0xf7: {  	_ =	swait.ge [sflag:s15], $0x2700  }
0xf8: {  	s17 =	sadd.s32 $0x1, s17;
	[sflag:s15] =	ssyncset.done $0x0  }
0xf9: {  	p2 =	sne.s32 s17, s25;
	s19 =	sshrl.u32 @!p1 s30, $0x3;
	[sflag:s15] =	ssyncadd.s32 $0xFFFFD900  }
0xfa: {  	[hbm:s24], [sflag:s18] =	dma.local @!p1 [spmem:s19], $0x100  }
.Ltmp2:
0xfb: {  	_ = 	snop;
	(pc) =	sbr.rel @p2 .LBB2_1-.Ltmp2, $4  }
0xfc: {  	s18 =	simm.s32 @!p1 $0x6  }
0xfd: {  	_ =	swait.ge @!p1 [sflag:s18], $0x100  }
0xfe: {  	[sflag:s18] =	ssyncset.done @!p1 $0x0  }
0xff: {  	[sflag:s18] =	ssyncadd.s32 @!p1 $0xFFFFFF00  }
0x100: {  	_ =	sfence.sel $0x180000  }
0x101: {  	[bflag:$0x0] =	sbarrier.arrive $0xFFFF  }
0x102: {  	_ =	strace $0x9000004D  }
0x103: {  	s0 =	stileid.u32;
	[bflag:$0x2] =	sbarrier.arrive $0xFFFF  }
0x104: {  	p0 =	sne.s32 s0, $0x0;
	s0 =	rddreg [dreg:$0x3]  }
0x105: {  	s0 =	sadd.s32 @!p0 $0x100000, s0  }
0x106: {  	[sflag:s0] =	ssyncadd.tile.s32 @!p0 $0x1;
	_ =	shalt  }
.Lfunc_end2:
_tile_overlayer_lowered:
.L_overlay_start_2:
0x107: {  	(tag) =	ssettag $0x2  }
0x108: {  	s0 =	rddreg [dreg:$0x0];
	s2 =	stileid.u32  }
0x109: {  	s1 =	rddreg [dreg:$0x1];
	p0 =	sne.s32 s2, $0x0  }
0x10a: {  	s3 =	rddreg [dreg:$0x2];
	[bflag:$0x3] =	sbarrier.arrive $0xFFFF;
	s2 =	simm.s32 @!p0 $0x1C06  }
0x10b: {  	[timem:s3], [sflag:s2] =	dma.local @!p0 [hbm:s0], s1  }
0x10c: {  	s0 =	simm.s32 @!p0 $0x6  }
0x10d: {  	_ =	swait.ge @!p0 [sflag:s0], s1  }
0x10e: {  	s1 =	ssub.s32 @!p0 $0x0, s1;
	[sflag:s0] =	ssyncset.done @!p0 $0x0  }
0x10f: {  	[sflag:s0] =	ssyncadd.s32 @!p0 s1  }
0x110: {  	[bflag:$0x3] =	sbarrier.arrive $0xFFFF  }
0x111: {  	_ =	shalt  }

// kernel: kernel.19.cloned.1.call-start
scs
__scs_entry_jumppad:
0x0: {  	(pc) =	sbr.rel $0x88, $3  }
0x1: {  	(tag) =	ssettag $0x0;
	lr =	simm.s32 $0x1  }
0x2: {  	[smem:$0x3F99] =	sst lr;
	_ =	strace $0xD0000000  }
0x3: {  	_ = 	snop  }
0x4: {  	_ = 	snop  }
0x5: {  	_ = 	snop  }
0x6: {  	_ = 	snop  }
0x7: {  	_ = 	snop  }
__scs_overlays_trampoline_lowered:
0x8: {  	[smem:$0x3FA8] =	sst s0  }
0x9: {  	[smem:$0x3FA9] =	sst s1  }
0xa: {  	[smem:$0x3FAA] =	sst s2  }
0xb: {  	[smem:$0x3FAB] =	sst s3  }
0xc: {  	[smem:$0x3FAC] =	sst s4  }
0xd: {  	[smem:$0x3FAD] =	sst s5  }
0xe: {  	[smem:$0x3FAE] =	sst s6  }
0xf: {  	[smem:$0x3FAF] =	sst s7  }
0x10: {  	[smem:$0x3FB0] =	sst s8  }
0x11: {  	[smem:$0x3FB1] =	sst s9;
	s0 =	simm.s32 @!p0 $0x0  }
0x12: {  	s1 =	sld [smem:$0x3F97];
	s0 =	simm.s32 @p0 $0x1  }
0x13: {  	[smem:$0x3FB2] =	sst s0;
	s0 =	simm.s32 @!p1 $0x0  }
0x14: {  	s2 =	sld [smem:$0x3F96];
	s0 =	simm.s32 @p1 $0x1  }
0x15: {  	[smem:$0x3FB3] =	sst s0;
	s0 =	simm.s32 @!p2 $0x0  }
0x16: {  	s3 =	sld [smem:$0x3FDB];
	s0 =	simm.s32 @p2 $0x1  }
0x17: {  	s4 =	simm.s32 $0x1BF5;
	[smem:$0x3FB5] =	sst s0  }
0x18: {  	s0 =	sld [smem:$0x3F98];
	_ =	swait.ge [sflag:s4], $0x0  }
0x19: {  	s7 =	sld [smem:$0x3F99]  }
0x1a: {  	s8 =	sadd.s32 $0xFFFFE003, lr  }
0x1b: {  	s9 =	sadd.s32 $0xFFFFFEF7, lr;
	s5 =	simm.s32 $0xFFFFFFFF;
	p2 =	slt.u32 s8, $0xFFFFF086  }
0x1c: {  	p1 =	slt.u32 s9, $0xF7A;
	s5 =	simm.s32 @!p2 $0x0  }
0x1d: {  	s5 =	simm.s32 @p1 $0x1;
	p0 =	seq.s32 s7, s2  }
0x1e: {  	s7 =	smul.u32 @!p0 $0xF7A, s2;
	p2 =	seq.s32 @!p0 s5, $0x0  }
0x1f: {  	s9 =	smul.u32 $0xF7A, s1;
	s8 =	simm.s32 @!p0 $0x1BF5;
	p2 =	por !p2, p0  }
0x20: {  	[sflag:s8] =	ssyncset.s32 @!p0 $0xFFFFF086;
	s6 =	sadd.s32 @!p0 s3, s7;
	s7 =	simm.s32 @!p0 $0x108  }
0x21: {  	s3 =	sadd.s32 s3, s9;
	s6 =	sadd.s32 @!p0 $0x88, s6;
	s7 =	simm.s32 @p2 $0x1082  }
0x22: {  	[simem:s7], [sflag:s8] =	dma.local @!p0 [hbm:s6], $0xF7A  }
0x23: {  	s9 =	sor.u32 $0xD0000000, s2;
	s6 =	simm.s32 $0x108;
	_ =	swait.ge @!p0 [sflag:s8], $0x0  }
0x24: {  	s3 =	sadd.s32 $0x88, s3;
	s6 =	simm.s32 @!p1 $0x1082;
	[sflag:s4] =	ssyncset.s32 $0xFFFFF086  }
0x25: {  	[simem:s6], [sflag:s4] =	dma.local [hbm:s3], $0xF7A  }
0x26: {  	[smem:$0x3F99] =	sst s1;
	(tag) =	ssettag s2;
	_ =	strace s9  }
0x27: {  	s1 =	sld [smem:$0x3FA9]  }
0x28: {  	s2 =	sld [smem:$0x3FAA]  }
0x29: {  	s4 =	sld [smem:$0x3FAC]  }
0x2a: {  	p0 =	seq.s32 s5, $0x0;
	s5 =	sld [smem:$0x3FAD]  }
0x2b: {  	s6 =	sld [smem:$0x3FAE]  }
0x2c: {  	s7 =	sld [smem:$0x3FAF]  }
0x2d: {  	s3 =	simm.s32 $0x108;
	s8 =	sld [smem:$0x3FB0]  }
0x2e: {  	s3 =	simm.s32 @!p0 $0x1082;
	s9 =	sld [smem:$0x3FB1]  }
0x2f: {  	lr =	sadd.s32 s0, s3;
	s0 =	sld [smem:$0x3FA8]  }
0x30: {  	s3 =	sld [smem:$0x3FAB]  }
0x31: {  	[smem:$0x3FB4] =	sst s10  }
0x32: {  	s10 =	sld [smem:$0x3FB2];
	_ =	sdelay $0x3  }
0x33: {  	p0 =	seq.s32 s10, $0x1;
	s10 =	sld [smem:$0x3FB4];
	_ =	sdelay $0x3  }
0x34: {  	[smem:$0x3FB4] =	sst s10  }
0x35: {  	s10 =	sld [smem:$0x3FB3];
	_ =	sdelay $0x3  }
0x36: {  	p1 =	seq.s32 s10, $0x1;
	s10 =	sld [smem:$0x3FB4];
	_ =	sdelay $0x3  }
0x37: {  	[smem:$0x3FB4] =	sst s10  }
0x38: {  	s10 =	sld [smem:$0x3FB5]  }
0x39: {  	_ = 	snop;
	(pc) =	sbr.ind lr, $3  }
0x3a: {  	_ = 	snop  }
0x3b: {  	_ = 	snop  }
0x3c: {  	p2 =	seq.s32 s10, $0x1;
	s10 =	sld [smem:$0x3FB4]  }
0x3d: {  	_ =	shalt  }
0x3e: {  	_ =	shalt  }
0x3f: {  	_ =	shalt  }
0x40: {  	_ =	shalt  }
0x41: {  	_ =	shalt  }
0x42: {  	_ =	shalt  }
0x43: {  	_ =	shalt  }
0x44: {  	_ =	shalt  }
0x45: {  	_ =	shalt  }
0x46: {  	_ =	shalt  }
0x47: {  	_ =	shalt  }
0x48: {  	_ =	shalt  }
0x49: {  	_ =	shalt  }
0x4a: {  	_ =	shalt  }
0x4b: {  	_ =	shalt  }
0x4c: {  	_ =	shalt  }
0x4d: {  	_ =	shalt  }
0x4e: {  	_ =	shalt  }
0x4f: {  	_ =	shalt  }
0x50: {  	_ =	shalt  }
0x51: {  	_ =	shalt  }
0x52: {  	_ =	shalt  }
0x53: {  	_ =	shalt  }
0x54: {  	_ =	shalt  }
0x55: {  	_ =	shalt  }
0x56: {  	_ =	shalt  }
0x57: {  	_ =	shalt  }
0x58: {  	_ =	shalt  }
0x59: {  	_ =	shalt  }
0x5a: {  	_ =	shalt  }
0x5b: {  	_ =	shalt  }
0x5c: {  	_ =	shalt  }
0x5d: {  	_ =	shalt  }
0x5e: {  	_ =	shalt  }
0x5f: {  	_ =	shalt  }
0x60: {  	_ =	shalt  }
0x61: {  	_ =	shalt  }
0x62: {  	_ =	shalt  }
0x63: {  	_ =	shalt  }
0x64: {  	_ =	shalt  }
0x65: {  	_ =	shalt  }
0x66: {  	_ =	shalt  }
0x67: {  	_ =	shalt  }
0x68: {  	_ =	shalt  }
0x69: {  	_ =	shalt  }
0x6a: {  	_ =	shalt  }
0x6b: {  	_ =	shalt  }
0x6c: {  	_ =	shalt  }
0x6d: {  	_ =	shalt  }
0x6e: {  	_ =	shalt  }
0x6f: {  	_ =	shalt  }
0x70: {  	_ =	shalt  }
0x71: {  	_ =	shalt  }
0x72: {  	_ =	shalt  }
0x73: {  	_ =	shalt  }
0x74: {  	_ =	shalt  }
0x75: {  	_ =	shalt  }
0x76: {  	_ =	shalt  }
0x77: {  	_ =	shalt  }
0x78: {  	_ =	shalt  }
0x79: {  	_ =	shalt  }
0x7a: {  	_ =	shalt  }
0x7b: {  	_ =	shalt  }
0x7c: {  	_ =	shalt  }
0x7d: {  	_ =	shalt  }
0x7e: {  	_ =	shalt  }
0x7f: {  	_ =	shalt  }
0x80: {  	_ =	shalt  }
0x81: {  	_ =	shalt  }
0x82: {  	_ =	shalt  }
0x83: {  	_ =	shalt  }
0x84: {  	_ =	shalt  }
0x85: {  	_ =	shalt  }
0x86: {  	_ =	shalt  }
0x87: {  	_ =	shalt  }
.Lfunc_end0:
.L_simem_size_0:
called_computation.3_lowered:
.L_overlay_start_0:
0x88: {  	s2 =	sld [smem:$0x3FD9]  }
0x89: {  	s3 =	sld [smem:$0x3FFE];
	_ =	sdelay $0x1  }
0x8a: {  	s1 =	srdreg.scid  }
0x8b: {  	s0 =	sand.u32 $0x1, s1  }
0x8c: {  	s17 =	sshll.u32 s0, $0xA;
	s2 =	sadd.s32 s3, s2  }
0x8d: {  	s2 =	sadd.s32 s2, s17  }
0x8e: {  	[smem:$0x3FC0] =	sst s2  }
0x8f: {  	_ = 	snop  }
0x90: {  	s2 =	sld [smem:$0x3FD0];
	(tm) =	ssettm $0x1  }
0x91: {  	s18 =	sld [smem:$0x3FFB];
	_ =	sdelay $0x3  }
0x92: {  	_ =	strace s18  }
0x93: {  	s3 =	sld [smem:$0x3FFC];
	_ =	sdelay $0x3  }
0x94: {  	_ =	strace s3  }
0x95: {  	s3 =	sld [smem:$0x3FFD];
	_ =	sdelay $0x3  }
0x96: {  	_ =	strace s3  }
0x97: {  	_ =	strace $0x8FFFFFFF  }
0x98: {  	s19 =	sld [smem:$0x3FDB];
	_ =	sdelay $0x1  }
0x99: {  	s4 =	simm.s32 $_scs_section_size  }
0x9a: {  	s5 =	simm.s32 $_size__tile_overlayer_lowered;
	s6 =	simm.s32 $_tile_overlayer_lowered  }
0x9b: {  	s22 =	simm.s32 $0x1BFF;
	s21 =	sshll.u32 s6, $0x1;
	s3 =	sadd.s32 s4, s19  }
0x9c: {  	s7 =	simm.s32 $0x0;
	s20 =	sshll.u32 s5, $0x1;
	s5 =	sadd.s32 s21, s3  }
0x9d: {  	[timem:s7], [sflag:s22] =	dma.local [hbm:s5], s20  }
0x9e: {  	_ =	swait.ge [sflag:s22], s20  }
0x9f: {  	s4 =	ssub.s32 $0x0, s20;
	[sflag:s22] =	ssyncset.done $0x0  }
0xa0: {  	[sflag:s22] =	ssyncadd.s32 s4;
	_ =	sdelay $0x1  }
0xa1: {  	s23 =	simm.s32 $0x1B8B  }
0xa2: {  	_ =	swait.ge [sflag:s23], $0x1  }
0xa3: {  	[sflag:s23] =	ssyncset.done $0x0  }
0xa4: {  	s25 =	simm.s32 $0x1B8E;
	s24 =	sld [smem:$0x3FFE];
	[sflag:s23] =	ssyncadd.s32 $0xFFFFFFFF  }
0xa5: {  	s26 =	simm.s32 $execute0_lowered;
	[smem:$0x3FD2] =	sst s25  }
0xa6: {  	s5 =	sshll.u32 s26, $0x1;
	_ =	strace $0x8000004F;
	[dreg:$0x1] =	wrdreg $0xFFFFFFFF  }
0xa7: {  	s28 =	simm.s32 $_size_execute0_lowered;
	s3 =	sadd.s32 s3, s5;
	[dreg:$0x0] =	wrdreg $0x0  }
0xa8: {  	s5 =	sshll.u32 s28, $0x1;
	[dreg:$0x2] =	wrdreg s3  }
0xa9: {  	[dreg:$0x3] =	wrdreg s5  }
0xaa: {  	[dreg:$0x4] =	wrdreg $0xC0  }
0xab: {  	_ =	task [dreg:s7], $0x5FFFF  }
0xac: {  	[dreg:$0x1] =	wrdreg $0xFFFFFFFF  }
0xad: {  	[dreg:$0x0] =	wrdreg $0x60  }
0xae: {  	[dreg:$0x2] =	wrdreg s2  }
0xaf: {  	[dreg:$0x3] =	wrdreg s24  }
0xb0: {  	[dreg:$0x4] =	wrdreg $0x0  }
0xb1: {  	[dreg:$0x5] =	wrdreg $0x9  }
0xb2: {  	_ =	task.clear_ibuf [dreg:s7], $0x6FFFF;
	_ =	strace $0x9000004F  }
0xb3: {  	s29 =	simm.s32 $0x9;
	_ =	strace $0x80000051  }
0xb4: {  	_ =	swait.ge [sflag:s29], $0x1  }
0xb5: {  	[sflag:s29] =	ssyncadd.s32 $0xFFFFFFFF  }
0xb6: {  	_ =	strace $0x90000051  }
0xb7: {  	_ =	sfence  }
0xb8: {  	s30 =	sld [smem:$0x0];
	_ =	sdelay $0x2  }
0xb9: {  	s31 =	sshll.u32 s1, $0xD;
	s1 =	sshrl.u32 s1, $0x2  }
0xba: {  	s3 =	sand.u32 $0x4000, s31;
	s1 =	sadd.s32 s1, s30  }
0xbb: {  	s0 =	sor.u32 s3, s0;
	s1 =	sshll.u32 s1, $0x11  }
0xbc: {  	s0 =	sor.u32 s1, s0  }
0xbd: {  	s0 =	sadd.s32 $0x8F2B, s0  }
0xbe: {  	[sflag:s0] =	ssyncadd.remote.s32 $0x1  }
0xbf: {  	_ =	sfence.sel $0xFFFF  }
0xc0: {  	[dreg:$0x0] =	wrdreg $0xFFFFFFFF;
	(pc) =	sbr.abs _section_cstart, $3  }
0xc1: {  	[dreg:$0x1] =	wrdreg $0xFFFFFFFF  }
0xc2: {  	_ =	task.clear_ibuf [dreg:s7], $0x2FFFF;
	_ =	strace $0x9FFFFFFF  }
0xc3: {  	(tm) =	ssettm $0x7FFFFFFF  }
tec
execute0_lowered:
.L_overlay_start_1:
0x0: {  	(tag) =	ssettag $0x1  }
0x1: {  	s1 =	rddreg [dreg:$0x0]  }
0x2: {  	s0 =	rddreg [dreg:$0x1]  }
0x3: {  	s2 =	rddreg [dreg:$0x2];
	s3 =	srdreg.scid  }
0x4: {  	s4 =	simm.s32 $0x0;
	s14 =	stileid.u32;
	s31 =	simm.s32 $0x13880  }
0x5: {  	s3 =	sand.u32 $0x1, s3;
	[smem:$0x7FF] =	sst s4;
	s11 =	smul.u32 $0x4E000, s14  }
0x6: {  	s6 =	sadd.s32 $0xDA00, s0;
	s7 =	sadd.s32 $0x3C00, s0;
	s25 =	smul.u32 $0x2700, s14  }
0x7: {  	s0 =	sadd.s32 $0x6F800, s0;
	s18 =	sshll.u32 s14, $0x4;
	s23 =	smul.u32 $0x4E0, s14  }
0x8: {  	p1 =	sne.s32 s14, $0xF;
	s30 =	sadd.s32 $0x138000, s2;
	s5 =	sshll.u32 s3, $0x4  }
0x9: {  	_ =	strace $0x80000050;
	s8 =	ssub.s32 $0x2, s3;
	s19 =	smul.u32 $0x27100, s3  }
0xa: {  	s20 =	smul.u32 $0x138800, s3;
	s5 =	sor.u32 s14, s5;
	s10 =	sshrl.u32 s8, $0x1  }
0xb: {  	s9 =	smul.u32 $0x4E0, s5;
	s8 =	ssub.s32 s8, s10;
	s10 =	sadd.s32 s25, s19  }
0xc: {  	s3 =	smul.u32 $0x4E00, s3;
	s11 =	sshrl.u32 s11, $0x2;
	s10 =	sadd.s32 s0, s10  }
0xd: {  	s14 =	simm.s32 $0x1;
	s12 =	sadd.s32 s6, s9;
	[dreg:$0x10] =	wrdreg s10  }
0xe: {  	s26 =	sadd.s32 s7, s9;
	s9 =	sor.u32 $0x10, s9;
	[dreg:$0x4] =	wrdreg s12  }
0xf: {  	[dreg:$0x5] =	wrdreg s26;
	s13 =	sadd.s32 s6, s9;
	s9 =	sadd.s32 s7, s9  }
0x10: {  	s22 =	sshrl.u32 s20, $0x3;
	[dreg:$0x7] =	wrdreg s9;
	s9 =	sadd.s32 s11, s2  }
0x11: {  	p0 =	sgt.u32 s5, $0x3;
	[dreg:$0x6] =	wrdreg s13;
	s11 =	sadd.s32 $0x1800, s9  }
0x12: {  	s5 =	simm.s32 $0x13A00;
	s15 =	sadd.s32 $0x3000, s9;
	[dreg:$0x8] =	wrdreg s11  }
0x13: {  	s0 =	sadd.s32 s0, s22;
	s16 =	sadd.s32 $0x4800, s9;
	[dreg:$0x9] =	wrdreg s15  }
0x14: {  	s10 =	simm.s32 $0x80;
	s17 =	sadd.s32 $0x6000, s9;
	[dreg:$0xa] =	wrdreg s16  }
0x15: {  	s12 =	simm.s32 $0x4;
	s13 =	sadd.s32 $0x7800, s9;
	[dreg:$0xb] =	wrdreg s17  }
0x16: {  	s24 =	sadd.s32 $0xA800, s9;
	s25 =	sadd.s32 $0xC000, s9;
	[dreg:$0xc] =	wrdreg s13  }
0x17: {  	s26 =	sadd.s32 $0xD800, s9;
	s28 =	sadd.s32 $0x10800, s9;
	[dreg:$0x11] =	wrdreg s24  }
0x18: {  	s29 =	sadd.s32 $0x12000, s9;
	s11 =	sor.u32 $0x9C00, s18;
	[dreg:$0x12] =	wrdreg s25  }
0x19: {  	s15 =	sadd.s32 $0x9000, s9;
	[dreg:$0x13] =	wrdreg s26;
	s24 =	sadd.s32 $0x27000, s0  }
0x1a: {  	s25 =	smax.u32 s8, $0x1;
	s26 =	sadd.s32 $0xF000, s9;
	s0 =	simm.s32 $0x13980  }
0x1b: {  	s8 =	simm.s32 $0x3;
	s13 =	simm.s32 $0x17A80;
	s16 =	simm.s32 $0x2  }
0x1c: {  	s17 =	simm.s32 $0x0;
	[dreg:$0xd] =	wrdreg s15;
	s21 =	sadd.s32 s6, s11  }
0x1d: {  	s11 =	sadd.s32 s7, s11;
	s6 =	sadd.s32 s3, s6;
	s3 =	sadd.s32 s3, s7  }
0x1e: {  	s7 =	simm.s32 $0x5;
	s15 =	simm.s32 $0x6;
	[dreg:$0xe] =	wrdreg s21  }
0x1f: {  	[dreg:$0xf] =	wrdreg s11;
	s20 =	sadd.s32 s23, s6;
	s21 =	sadd.s32 s23, s3  }
0x20: {  	v0 =	vimm.f32 $0.0e+00;
	s3 =	simm.s32 $0x13900;
	s6 =	simm.s32 $0x1BA80;
	s11 =	simm.s32 $0x13A80  }
.LBB2_1:
0x21: {  	s18 =	rddreg [dreg:$0x4]  }
0x22: {  	[tilespmem:s31], [sflag:$0x3] =	stream.linear.gather [hbm4b:s18+s4], $0x80, $0x38;
	[tilespmem:$0x1D280] =	vst v63  }
0x23: {  	s19 =	rddreg [dreg:$0x5]  }
0x24: {  	[tilespmem:s0], [sflag:$0x3] =	stream.linear.gather [hbm4b:s19+s4], $0x80, $0x38;
	[tilespmem:$0x1D280] =	vst v63  }
0x25: {  	s22 =	rddreg [dreg:$0x6]  }
0x26: {  	[tilespmem:s3], [sflag:$0x4] =	stream.linear.gather [hbm4b:s22+s4], $0x80, $0x38;
	[tilespmem:$0x1D280] =	vst v63  }
0x27: {  	s23 =	rddreg [dreg:$0x7];
	s18 =	simm.s32 $0x70;
	s19 =	simm.s32 $0x3C0  }
0x28: {  	[tilespmem:s5], [sflag:$0x4] =	stream.linear.gather [hbm4b:s23+s4], $0x80, $0x38;
	[tilespmem:$0x1D280] =	vst v63  }
.LBB2_2:
0x29: {  	p2 =	sne.s32 s19, $0x5FC0;
	[tilespmem:s18+$0x1BA80] =	vst v0  }
0x2a: {  	[tilespmem:s18+$0x1BA10] =	vst v0  }
0x2b: {  	[tilespmem:s18+$0x1BA20] =	vst v0  }
.Ltmp0:
0x2c: {  	[tilespmem:s18+$0x1BA30] =	vst v0;
	(pc) =	sbr.rel @p2 .LBB2_2-.Ltmp0, $4  }
0x2d: {  	[tilespmem:s18+$0x1BA40] =	vst v0  }
0x2e: {  	[tilespmem:s18+$0x1BA50] =	vst v0  }
0x2f: {  	[tilespmem:s18+$0x1BA60] =	vst v0  }
0x30: {  	[tilespmem:s18+$0x1BA70] =	vst v0;
	s18 =	sshra.s32 s19, $0x2;
	s19 =	sadd.s32 $0x200, s19  }
0x31: {  	[tilespmem:s18+$0x1BA80] =	vst v0  }
0x32: {  	[tilespmem:s18+$0x1BA10] =	vst v0  }
0x33: {  	[tilespmem:s18+$0x1BA20] =	vst v0  }
0x34: {  	[tilespmem:s18+$0x1BA30] =	vst v0  }
0x35: {  	[tilespmem:s18+$0x1BA40] =	vst v0  }
0x36: {  	[tilespmem:s18+$0x1BA50] =	vst v0  }
0x37: {  	[tilespmem:s18+$0x1BA60] =	vst v0  }
0x38: {  	[tilespmem:s18+$0x1BA70] =	vst v0  }
0x39: {  	[spmem:s9] =	stream.linear.scatter [tilespmem:s6], [sflag:$0x5], $0x1800, $0x38;
	[tilespmem:$0x1D280] =	vst v63  }
0x3a: {  	s23 =	rddreg [dreg:$0x8]  }
0x3b: {  	[spmem:s23] =	stream.linear.scatter [tilespmem:s6], [sflag:$0x5], $0x1800, $0x38;
	[tilespmem:$0x1D280] =	vst v63  }
0x3c: {  	s19 =	rddreg [dreg:$0x9]  }
0x3d: {  	[spmem:s19] =	stream.linear.scatter [tilespmem:s6], [sflag:$0x5], $0x1800, $0x38;
	[tilespmem:$0x1D280] =	vst v63  }
0x3e: {  	s22 =	rddreg [dreg:$0xa]  }
0x3f: {  	[spmem:s22] =	stream.linear.scatter [tilespmem:s6], [sflag:$0x5], $0x1800, $0x38;
	[tilespmem:$0x1D280] =	vst v63  }
0x40: {  	s23 =	rddreg [dreg:$0xb]  }
0x41: {  	[spmem:s23] =	stream.linear.scatter [tilespmem:s6], [sflag:$0x5], $0x1800, $0x38;
	[tilespmem:$0x1D280] =	vst v63  }
0x42: {  	s19 =	rddreg [dreg:$0xc]  }
0x43: {  	[spmem:s19] =	stream.linear.scatter [tilespmem:s6], [sflag:$0x5], $0x1800, $0x38;
	[tilespmem:$0x1D280] =	vst v63  }
0x44: {  	s22 =	rddreg [dreg:$0xd]  }
0x45: {  	[spmem:s22] =	stream.linear.scatter [tilespmem:s6], [sflag:$0x5], $0x1800, $0x38;
	[tilespmem:$0x1D280] =	vst v63  }
0x46: {  	s23 =	rddreg [dreg:$0x11]  }
0x47: {  	[spmem:s23] =	stream.linear.scatter [tilespmem:s6], [sflag:$0x5], $0x1800, $0x38;
	[tilespmem:$0x1D280] =	vst v63  }
0x48: {  	s19 =	rddreg [dreg:$0x12]  }
0x49: {  	[spmem:s19] =	stream.linear.scatter [tilespmem:s6], [sflag:$0x5], $0x1800, $0x38;
	[tilespmem:$0x1D280] =	vst v63  }
0x4a: {  	s22 =	rddreg [dreg:$0x13]  }
0x4b: {  	[spmem:s22] =	stream.linear.scatter [tilespmem:s6], [sflag:$0x5], $0x1800, $0x38;
	[tilespmem:$0x1D280] =	vst v63  }
0x4c: {  	_ = 	snop  }
0x4d: {  	[spmem:s26] =	stream.linear.scatter [tilespmem:s6], [sflag:$0x5], $0x1800, $0x38;
	[tilespmem:$0x1D280] =	vst v63  }
0x4e: {  	_ = 	snop  }
0x4f: {  	[spmem:s28] =	stream.linear.scatter [tilespmem:s6], [sflag:$0x5], $0x1800, $0x38;
	[tilespmem:$0x1D280] =	vst v63  }
0x50: {  	_ = 	snop  }
0x51: {  	[spmem:s29] =	stream.linear.scatter [tilespmem:s6], [sflag:$0x5], $0x1800, $0x38;
	[tilespmem:$0x1D280] =	vst v63  }
0x52: {  	s18 =	simm.s32 @!p1 $0x1BA80  }
0x53: {  	[spmem:s30] =	stream.linear.scatter @!p1 [tilespmem:s18], [sflag:$0x5], $0x800, $0x38;
	[tilespmem:$0x1D280] =	vst v63  }
0x54: {  	_ =	swait.ge [sflag:s7], $0x1800  }
0x55: {  	[sflag:s7] =	ssyncset.done $0x0  }
0x56: {  	[sflag:s7] =	ssyncadd.s32 $0xFFFFE800  }
0x57: {  	_ =	swait.ge [sflag:s7], $0x1800  }
0x58: {  	[sflag:s7] =	ssyncset.done $0x0  }
0x59: {  	[sflag:s7] =	ssyncadd.s32 $0xFFFFE800  }
0x5a: {  	_ =	swait.ge [sflag:s7], $0x1800  }
0x5b: {  	[sflag:s7] =	ssyncset.done $0x0  }
0x5c: {  	[sflag:s7] =	ssyncadd.s32 $0xFFFFE800  }
0x5d: {  	_ =	swait.ge [sflag:s7], $0x1800  }
0x5e: {  	[sflag:s7] =	ssyncset.done $0x0  }
0x5f: {  	[sflag:s7] =	ssyncadd.s32 $0xFFFFE800  }
0x60: {  	_ =	swait.ge [sflag:s7], $0x1800  }
0x61: {  	[sflag:s7] =	ssyncset.done $0x0  }
0x62: {  	[sflag:s7] =	ssyncadd.s32 $0xFFFFE800  }
0x63: {  	_ =	swait.ge [sflag:s7], $0x1800  }
0x64: {  	[sflag:s7] =	ssyncset.done $0x0  }
0x65: {  	[sflag:s7] =	ssyncadd.s32 $0xFFFFE800  }
0x66: {  	_ =	swait.ge [sflag:s7], $0x1800  }
0x67: {  	[sflag:s7] =	ssyncset.done $0x0  }
0x68: {  	[sflag:s7] =	ssyncadd.s32 $0xFFFFE800  }
0x69: {  	_ =	swait.ge [sflag:s7], $0x1800  }
0x6a: {  	[sflag:s7] =	ssyncset.done $0x0  }
0x6b: {  	[sflag:s7] =	ssyncadd.s32 $0xFFFFE800  }
0x6c: {  	_ =	swait.ge [sflag:s7], $0x1800  }
0x6d: {  	[sflag:s7] =	ssyncset.done $0x0  }
0x6e: {  	[sflag:s7] =	ssyncadd.s32 $0xFFFFE800  }
0x6f: {  	_ =	swait.ge [sflag:s7], $0x1800  }
0x70: {  	[sflag:s7] =	ssyncset.done $0x0  }
0x71: {  	[sflag:s7] =	ssyncadd.s32 $0xFFFFE800  }
0x72: {  	_ =	swait.ge [sflag:s7], $0x1800  }
0x73: {  	[sflag:s7] =	ssyncset.done $0x0  }
0x74: {  	[sflag:s7] =	ssyncadd.s32 $0xFFFFE800  }
0x75: {  	_ =	swait.ge [sflag:s7], $0x1800  }
0x76: {  	[sflag:s7] =	ssyncset.done $0x0  }
0x77: {  	[sflag:s7] =	ssyncadd.s32 $0xFFFFE800  }
0x78: {  	_ =	swait.ge [sflag:s7], $0x1800  }
0x79: {  	[sflag:s7] =	ssyncset.done $0x0  }
0x7a: {  	s18 =	simm.s32 @!p1 $0x5;
	[sflag:s7] =	ssyncadd.s32 $0xFFFFE800  }
0x7b: {  	_ =	swait.ge @!p1 [sflag:s18], $0x800  }
0x7c: {  	[sflag:s18] =	ssyncset.done @!p1 $0x0  }
0x7d: {  	[sflag:s18] =	ssyncadd.s32 @!p1 $0xFFFFF800  }
0x7e: {  	_ =	swait.ge [sflag:s8], $0x80  }
0x7f: {  	[sflag:s8] =	ssyncset.done $0x0  }
0x80: {  	[sflag:s8] =	ssyncadd.s32 $0xFFFFFF80  }
0x81: {  	_ =	swait.ge [sflag:s8], $0x80  }
0x82: {  	[sflag:s8] =	ssyncset.done $0x0  }
0x83: {  	[sflag:s8] =	ssyncadd.s32 $0xFFFFFF80  }
0x84: {  	[tilespmem:s11], [sflag:$0x1] =	stream.indirect.gather [hbm4b:s1+s10], $0x80, s31, s10, $0xb8;
	[tilespmem:$0x1D280] =	vst v63  }
0x85: {  	[bflag:$0x0] =	sbarrier.arrive $0xFFFF  }
0x86: {  	_ =	swait.ge [sflag:s12], $0x80  }
0x87: {  	[sflag:s12] =	ssyncset.done $0x0  }
0x88: {  	[sflag:s12] =	ssyncadd.s32 $0xFFFFFF80  }
0x89: {  	_ =	swait.ge [sflag:s12], $0x80  }
0x8a: {  	[sflag:s12] =	ssyncset.done $0x0  }
0x8b: {  	[sflag:s12] =	ssyncadd.s32 $0xFFFFFF80  }
0x8c: {  	[tilespmem:s13], [sflag:$0x2] =	stream.indirect.gather [hbm4b:s1+s10], $0x80, s3, s10, $0xb8;
	[tilespmem:$0x1D280] =	vst v63  }
0x8d: {  	_ =	swait.ge [sflag:s14], $0x4000  }
0x8e: {  	[sflag:s14] =	ssyncset.done $0x0  }
0x8f: {  	[sflag:s14] =	ssyncadd.s32 $0xFFFFC000  }
0x90: {  	[spmem:s2] =	stream.indirect.scatter.add.f32 [tilespmem:s11], [sflag:$0x6], $0x80, s0, s10, $0xb8;
	[tilespmem:$0x1D280] =	vst v63  }
0x91: {  	_ =	swait.ge [sflag:s15], $0x4000  }
0x92: {  	s18 =	sadd.s32 $0x0, s20;
	[sflag:s15] =	ssyncset.done $0x0  }
0x93: {  	s22 =	sadd.s32 $0x0, s21;
	s19 =	sadd.s32 $0x20, s18;
	[sflag:s15] =	ssyncadd.s32 $0xFFFFC000  }
0x94: {  	[tilespmem:s31], [sflag:$0x3] =	stream.linear.gather [hbm4b:s19+s4], $0x80, $0x38;
	[tilespmem:$0x1D280] =	vst v63  }
0x95: {  	s23 =	sadd.s32 $0x20, s22  }
0x96: {  	[tilespmem:s0], [sflag:$0x3] =	stream.linear.gather [hbm4b:s23+s4], $0x80, $0x38;
	[tilespmem:$0x1D280] =	vst v63  }
0x97: {  	_ =	swait.ge [sflag:s8], $0x80  }
0x98: {  	[sflag:s8] =	ssyncset.done $0x0  }
0x99: {  	[sflag:s8] =	ssyncadd.s32 $0xFFFFFF80  }
0x9a: {  	_ =	swait.ge [sflag:s8], $0x80  }
0x9b: {  	[sflag:s8] =	ssyncset.done $0x0  }
0x9c: {  	[sflag:s8] =	ssyncadd.s32 $0xFFFFFF80  }
0x9d: {  	[tilespmem:s11], [sflag:$0x1] =	stream.indirect.gather [hbm4b:s1+s10], $0x80, s31, s10, $0xb8;
	[tilespmem:$0x1D280] =	vst v63  }
0x9e: {  	_ =	swait.ge [sflag:s16], $0x4000  }
0x9f: {  	[sflag:s16] =	ssyncset.done $0x0  }
0xa0: {  	[sflag:s16] =	ssyncadd.s32 $0xFFFFC000  }
0xa1: {  	[spmem:s2] =	stream.indirect.scatter.add.f32 [tilespmem:s13], [sflag:$0x6], $0x80, s5, s10, $0xb8;
	[tilespmem:$0x1D280] =	vst v63  }
0xa2: {  	_ =	swait.ge [sflag:s15], $0x4000  }
0xa3: {  	[sflag:s15] =	ssyncset.done $0x0  }
0xa4: {  	s18 =	sadd.s32 $0x30, s18;
	[sflag:s15] =	ssyncadd.s32 $0xFFFFC000  }
0xa5: {  	[tilespmem:s3], [sflag:$0x4] =	stream.linear.gather [hbm4b:s18+s4], $0x80, $0x38;
	[tilespmem:$0x1D280] =	vst v63  }
0xa6: {  	s19 =	sadd.s32 $0x30, s22;
	s18 =	simm.s32 $0x20  }
.LBB2_4:
0xa7: {  	[tilespmem:s5], [sflag:$0x4] =	stream.linear.gather [hbm4b:s19+s4], $0x80, $0x38;
	[tilespmem:$0x1D280] =	vst v63  }
0xa8: {  	s19 =	smov.u32 s18  }
0xa9: {  	p2 =	sne.s32 s18, $0x4A0;
	s18 =	sadd.s32 $0x20, s18;
	_ =	swait.ge [sflag:s12], $0x80  }
0xaa: {  	[sflag:s12] =	ssyncset.done $0x0  }
0xab: {  	[sflag:s12] =	ssyncadd.s32 $0xFFFFFF80  }
0xac: {  	_ =	swait.ge [sflag:s12], $0x80  }
0xad: {  	[sflag:s12] =	ssyncset.done $0x0  }
0xae: {  	[sflag:s12] =	ssyncadd.s32 $0xFFFFFF80  }
0xaf: {  	[tilespmem:s13], [sflag:$0x2] =	stream.indirect.gather [hbm4b:s1+s10], $0x80, s3, s10, $0xb8;
	[tilespmem:$0x1D280] =	vst v63  }
0xb0: {  	_ =	swait.ge [sflag:s14], $0x4000  }
0xb1: {  	[sflag:s14] =	ssyncset.done $0x0  }
0xb2: {  	[sflag:s14] =	ssyncadd.s32 $0xFFFFC000  }
0xb3: {  	[spmem:s2] =	stream.indirect.scatter.add.f32 [tilespmem:s11], [sflag:$0x6], $0x80, s0, s10, $0xb8;
	[tilespmem:$0x1D280] =	vst v63  }
0xb4: {  	_ =	swait.ge [sflag:s15], $0x4000  }
0xb5: {  	s22 =	sadd.s32 s19, s20;
	[sflag:s15] =	ssyncset.done $0x0  }
0xb6: {  	s19 =	sadd.s32 s19, s21;
	s23 =	sadd.s32 $0x20, s22;
	[sflag:s15] =	ssyncadd.s32 $0xFFFFC000  }
0xb7: {  	[tilespmem:s31], [sflag:$0x3] =	stream.linear.gather [hbm4b:s23+s4], $0x80, $0x38;
	[tilespmem:$0x1D280] =	vst v63  }
0xb8: {  	s23 =	sadd.s32 $0x20, s19  }
0xb9: {  	[tilespmem:s0], [sflag:$0x3] =	stream.linear.gather [hbm4b:s23+s4], $0x80, $0x38;
	[tilespmem:$0x1D280] =	vst v63  }
0xba: {  	_ =	swait.ge [sflag:s8], $0x80  }
0xbb: {  	[sflag:s8] =	ssyncset.done $0x0  }
0xbc: {  	[sflag:s8] =	ssyncadd.s32 $0xFFFFFF80  }
0xbd: {  	_ =	swait.ge [sflag:s8], $0x80  }
0xbe: {  	[sflag:s8] =	ssyncset.done $0x0  }
0xbf: {  	[sflag:s8] =	ssyncadd.s32 $0xFFFFFF80  }
0xc0: {  	[tilespmem:s11], [sflag:$0x1] =	stream.indirect.gather [hbm4b:s1+s10], $0x80, s31, s10, $0xb8;
	[tilespmem:$0x1D280] =	vst v63  }
0xc1: {  	_ =	swait.ge [sflag:s16], $0x4000  }
0xc2: {  	[sflag:s16] =	ssyncset.done $0x0  }
0xc3: {  	[sflag:s16] =	ssyncadd.s32 $0xFFFFC000  }
0xc4: {  	[spmem:s2] =	stream.indirect.scatter.add.f32 [tilespmem:s13], [sflag:$0x6], $0x80, s5, s10, $0xb8;
	[tilespmem:$0x1D280] =	vst v63  }
.Ltmp1:
0xc5: {  	_ =	swait.ge [sflag:s15], $0x4000;
	(pc) =	sbr.rel @p2 .LBB2_4-.Ltmp1, $4  }
0xc6: {  	[sflag:s15] =	ssyncset.done $0x0  }
0xc7: {  	s22 =	sadd.s32 $0x30, s22;
	[sflag:s15] =	ssyncadd.s32 $0xFFFFC000  }
0xc8: {  	[tilespmem:s3], [sflag:$0x4] =	stream.linear.gather [hbm4b:s22+s4], $0x80, $0x38;
	[tilespmem:$0x1D280] =	vst v63  }
0xc9: {  	s19 =	sadd.s32 $0x30, s19  }
0xca: {  	[tilespmem:s5], [sflag:$0x4] =	stream.linear.gather [hbm4b:s19+s4], $0x80, $0x38;
	[tilespmem:$0x1D280] =	vst v63  }
0xcb: {  	_ =	swait.ge [sflag:s12], $0x80  }
0xcc: {  	[sflag:s12] =	ssyncset.done $0x0  }
0xcd: {  	[sflag:s12] =	ssyncadd.s32 $0xFFFFFF80  }
0xce: {  	_ =	swait.ge [sflag:s12], $0x80  }
0xcf: {  	[sflag:s12] =	ssyncset.done $0x0  }
0xd0: {  	[sflag:s12] =	ssyncadd.s32 $0xFFFFFF80  }
0xd1: {  	[tilespmem:s13], [sflag:$0x2] =	stream.indirect.gather [hbm4b:s1+s10], $0x80, s3, s10, $0xb8;
	[tilespmem:$0x1D280] =	vst v63  }
0xd2: {  	_ =	swait.ge [sflag:s14], $0x4000  }
0xd3: {  	[sflag:s14] =	ssyncset.done $0x0  }
0xd4: {  	[sflag:s14] =	ssyncadd.s32 $0xFFFFC000  }
0xd5: {  	[spmem:s2] =	stream.indirect.scatter.add.f32 [tilespmem:s11], [sflag:$0x6], $0x80, s0, s10, $0xb8;
	[tilespmem:$0x1D280] =	vst v63  }
0xd6: {  	_ =	swait.ge [sflag:s15], $0x4000  }
0xd7: {  	[sflag:s15] =	ssyncset.done $0x0  }
0xd8: {  	[sflag:s15] =	ssyncadd.s32 $0xFFFFC000  }
0xd9: {  	_ =	swait.ge [sflag:s16], $0x4000  }
0xda: {  	[sflag:s16] =	ssyncset.done $0x0  }
0xdb: {  	[sflag:s16] =	ssyncadd.s32 $0xFFFFC000  }
0xdc: {  	[spmem:s2] =	stream.indirect.scatter.add.f32 [tilespmem:s13], [sflag:$0x6], $0x80, s5, s10, $0xb8;
	[tilespmem:$0x1D280] =	vst v63  }
0xdd: {  	_ =	swait.ge [sflag:s15], $0x4000  }
0xde: {  	s18 =	simm.s32 @!p0 $0x0;
	[sflag:s15] =	ssyncset.done $0x0  }
0xdf: {  	s19 =	simm.s32 @!p0 $0x13880;
	s22 =	rddreg [dreg:$0xe];
	[sflag:s15] =	ssyncadd.s32 $0xFFFFC000  }
0xe0: {  	[tilespmem:s19], [sflag:$0x3] =	stream.linear.gather @!p0 [hbm4b:s22+s18], $0x80, $0x38;
	[tilespmem:$0x1D280] =	vst v63  }
0xe1: {  	s23 =	rddreg [dreg:$0xf];
	s22 =	simm.s32 @!p0 $0x13980  }
0xe2: {  	[tilespmem:s22], [sflag:$0x3] =	stream.linear.gather @!p0 [hbm4b:s23+s18], $0x80, $0x38;
	[tilespmem:$0x1D280] =	vst v63  }
0xe3: {  	s18 =	simm.s32 @!p0 $0x3  }
0xe4: {  	_ =	swait.ge @!p0 [sflag:s18], $0x80  }
0xe5: {  	[sflag:s18] =	ssyncset.done @!p0 $0x0  }
0xe6: {  	[sflag:s18] =	ssyncadd.s32 @!p0 $0xFFFFFF80  }
0xe7: {  	_ =	swait.ge @!p0 [sflag:s18], $0x80  }
0xe8: {  	[sflag:s18] =	ssyncset.done @!p0 $0x0  }
0xe9: {  	s23 =	simm.s32 @!p0 $0x13A80;
	[sflag:s18] =	ssyncadd.s32 @!p0 $0xFFFFFF80;
	s18 =	simm.s32 @!p0 $0x80  }
0xea: {  	[tilespmem:s23], [sflag:$0x1] =	stream.indirect.gather @!p0 [hbm4b:s1+s18], $0x80, s19, s18, $0xb8;
	[tilespmem:$0x1D280] =	vst v63  }
0xeb: {  	s19 =	simm.s32 @!p0 $0x1  }
0xec: {  	_ =	swait.ge @!p0 [sflag:s19], $0x4000  }
0xed: {  	[sflag:s19] =	ssyncset.done @!p0 $0x0  }
0xee: {  	[sflag:s19] =	ssyncadd.s32 @!p0 $0xFFFFC000  }
0xef: {  	[spmem:s2] =	stream.indirect.scatter.add.f32 @!p0 [tilespmem:s23], [sflag:$0x6], $0x80, s22, s18, $0xb8;
	[tilespmem:$0x1D280] =	vst v63  }
0xf0: {  	s18 =	simm.s32 @!p0 $0x6  }
0xf1: {  	_ =	swait.ge @!p0 [sflag:s18], $0x4000  }
0xf2: {  	[sflag:s18] =	ssyncset.done @!p0 $0x0  }
0xf3: {  	s19 =	stileid.u32;
	[sflag:s18] =	ssyncadd.s32 @!p0 $0xFFFFC000  }
0xf4: {  	s18 =	sshll.u32 s19, $0x6;
	[bflag:$0x0] =	sbarrier.arrive $0xFFFF  }
0xf5: {  	s22 =	sshrl.u32 s9, $0x3;
	s18 =	sor.u32 $0x1C06, s18;
	s23 =	rddreg [dreg:$0x10]  }
0xf6: {  	[hbm:s23], [sflag:s18] =	dma.local [spmem:s22], $0x2700  }
0xf7: {  	_ =	swait.ge [sflag:s15], $0x2700  }
0xf8: {  	s17 =	sadd.s32 $0x1, s17;
	[sflag:s15] =	ssyncset.done $0x0  }
0xf9: {  	p2 =	sne.s32 s17, s25;
	s19 =	sshrl.u32 @!p1 s30, $0x3;
	[sflag:s15] =	ssyncadd.s32 $0xFFFFD900  }
0xfa: {  	[hbm:s24], [sflag:s18] =	dma.local @!p1 [spmem:s19], $0x100  }
.Ltmp2:
0xfb: {  	_ = 	snop;
	(pc) =	sbr.rel @p2 .LBB2_1-.Ltmp2, $4  }
0xfc: {  	s18 =	simm.s32 @!p1 $0x6  }
0xfd: {  	_ =	swait.ge @!p1 [sflag:s18], $0x100  }
0xfe: {  	[sflag:s18] =	ssyncset.done @!p1 $0x0  }
0xff: {  	[sflag:s18] =	ssyncadd.s32 @!p1 $0xFFFFFF00  }
0x100: {  	_ =	sfence.sel $0x180000  }
0x101: {  	[bflag:$0x0] =	sbarrier.arrive $0xFFFF  }
0x102: {  	_ =	strace $0x90000050  }
0x103: {  	s0 =	stileid.u32;
	[bflag:$0x2] =	sbarrier.arrive $0xFFFF  }
0x104: {  	p0 =	sne.s32 s0, $0x0;
	s0 =	rddreg [dreg:$0x3]  }
0x105: {  	s0 =	sadd.s32 @!p0 $0x100000, s0  }
0x106: {  	[sflag:s0] =	ssyncadd.tile.s32 @!p0 $0x1;
	_ =	shalt  }
.Lfunc_end2:
_tile_overlayer_lowered:
.L_overlay_start_2:
0x107: {  	(tag) =	ssettag $0x2  }
0x108: {  	s0 =	rddreg [dreg:$0x0];
	s2 =	stileid.u32  }
0x109: {  	s1 =	rddreg [dreg:$0x1];
	p0 =	sne.s32 s2, $0x0  }
0x10a: {  	s3 =	rddreg [dreg:$0x2];
	[bflag:$0x3] =	sbarrier.arrive $0xFFFF;
	s2 =	simm.s32 @!p0 $0x1C06  }
0x10b: {  	[timem:s3], [sflag:s2] =	dma.local @!p0 [hbm:s0], s1  }
0x10c: {  	s0 =	simm.s32 @!p0 $0x6  }
0x10d: {  	_ =	swait.ge @!p0 [sflag:s0], s1  }
0x10e: {  	s1 =	ssub.s32 @!p0 $0x0, s1;
	[sflag:s0] =	ssyncset.done @!p0 $0x0  }
0x10f: {  	[sflag:s0] =	ssyncadd.s32 @!p0 s1  }
0x110: {  	[bflag:$0x3] =	sbarrier.arrive $0xFFFF  }
0x111: {  	_ =	shalt  }

</sc_bundles>
